<compile_context>
chip_gen: v7x
topology: tpu7x:2x2x1
jax: 0.10.2.dev20260603
libtpu: 0.0.44.dev20260713+nightly
codegen_flags: <defaults>
</compile_context>

<pallas_src>
import functools

import jax
import jax.numpy as jnp
from jax import lax
from jax.experimental import pallas as pl
from jax.experimental.pallas import tpu as pltpu
from jax.experimental.pallas import tpu_sc as plsc

N = 10000
E = 320000
D = 128
G = 128
NUM_CLASSES = 7

NC, NS = 2, 16
NTILES = NC * NS
CHUNK = 112
NSLOT = 3
NISLOT = 6
NCH0 = 174
NCH1 = 6
NCH = max(NCH0, NCH1)
E_PAD = NS * (NCH0 + NCH1) * CHUNK
NPAD = 10240
NACC = 10112
SLAB = NACC // NS

BLK = 256
NBLK = NPAD // BLK


@functools.cache
def _make_sc_agg():
    @functools.partial(
        pl.kernel,
        out_type=jax.ShapeDtypeStruct((NC, NPAD, D), jnp.float32),
        mesh=plsc.VectorSubcoreMesh(
            core_axis_name="c", subcore_axis_name="s",
            num_cores=NC, num_subcores=NS),
        scratch_types=[
            [pltpu.VMEM((8, CHUNK), jnp.int32) for _ in range(NISLOT)],
            [pltpu.VMEM((CHUNK, D), jnp.float32) for _ in range(NSLOT)],
            pltpu.VMEM_SHARED((NACC, D), jnp.float32),
            [pltpu.SemaphoreType.DMA for _ in range(NISLOT)],
            [pltpu.SemaphoreType.DMA for _ in range(NSLOT)],
            [pltpu.SemaphoreType.DMA for _ in range(NSLOT)],
        ],
    )
    def _sc_agg(x_hbm, idx_hbm, out_hbm,
                islots, bufs, acc, isems, gsems, ssems):
        c = lax.axis_index("c")
        s = lax.axis_index("s")
        wid = c * NS + s
        nch = jnp.where(c == 0, NCH0, NCH1)

        def idx_start(j, i):
            pltpu.async_copy(idx_hbm.at[wid, j], islots[i], isems[i])

        def idx_wait(i):
            pltpu.make_async_copy(
                idx_hbm.at[wid, 0], islots[i], isems[i]).wait()

        def gather_start(i, b):
            pltpu.async_copy(x_hbm.at[islots[i].at[0]], bufs[b], gsems[b])

        def gather_wait(i, b):
            pltpu.make_async_copy(
                x_hbm.at[islots[i].at[0]], bufs[b], gsems[b]).wait()

        def scatter_start(i, b):
            pltpu.async_copy(bufs[b], acc.at[islots[i].at[1]], ssems[b],
                             add=True)

        def scatter_wait(i, b):
            pltpu.make_async_copy(
                bufs[b], acc.at[islots[i].at[1]], ssems[b]).wait()

        for i in range(NISLOT - 1):
            idx_start(i, i)

        z16 = jnp.zeros((16,), jnp.float32)

        def zrow(r, carry):
            for k in range(D // 16):
                bufs[0][r, pl.ds(k * 16, 16)] = z16
            return carry

        lax.fori_loop(0, CHUNK, zrow, 0)
        for p in range(SLAB // CHUNK):
            pltpu.sync_copy(bufs[0],
                            acc.at[pl.ds(s * SLAB + p * CHUNK, CHUNK)])
        rem = SLAB - (SLAB // CHUNK) * CHUNK
        if rem:
            pltpu.sync_copy(
                bufs[0].at[pl.ds(0, rem)],
                acc.at[pl.ds(s * SLAB + (SLAB // CHUNK) * CHUNK, rem)])
        plsc.subcore_barrier()
        idx_wait(0)
        gather_start(0, 0)
        idx_wait(1)
        gather_start(1, 1)

        def body(t, carry):
            for b in range(NISLOT):
                j = t * NISLOT + b
                bb = b % NSLOT
                gather_wait(b, bb)
                scatter_start(b, bb)

                @pl.when(j >= 1)
                def _():
                    scatter_wait((b + 5) % NISLOT, (bb + 2) % NSLOT)

                @pl.when(j + 2 < nch)
                def _():
                    idx_wait((b + 2) % NISLOT)
                    gather_start((b + 2) % NISLOT, (bb + 2) % NSLOT)

                @pl.when(j + 5 < nch)
                def _():
                    idx_start(j + 5, (b + 5) % NISLOT)
            return carry

        lax.fori_loop(0, nch // NISLOT, body, 0)
        scatter_wait(NISLOT - 1, NSLOT - 1)
        plsc.subcore_barrier()
        pltpu.sync_copy(acc.at[pl.ds(s * SLAB, SLAB)],
                        out_hbm.at[c, pl.ds(s * SLAB, SLAB)])

    return _sc_agg


def _mlp_body(x_ref, a_ref, wa_ref, ba_ref, wb_ref, bb_ref, o_ref):
    i = pl.program_id(0)
    t = x_ref[...] + a_ref[0] + a_ref[1]
    u = jnp.maximum(
        jnp.dot(t, wa_ref[...], preferred_element_type=jnp.float32)
        + ba_ref[...], 0.0)
    v = jnp.maximum(
        jnp.dot(u, wb_ref[...], preferred_element_type=jnp.float32)
        + bb_ref[...], 0.0)
    rows = i * BLK + lax.broadcasted_iota(jnp.int32, (BLK, D), 0)
    o_ref[...] = jnp.where(rows < N, v, 0.0)


def _mlp(x, a, wa, ba, wb, bb):
    row_spec = pl.BlockSpec((BLK, D), lambda i: (i, 0))
    agg_spec = pl.BlockSpec((NC, BLK, D), lambda i: (0, i, 0))
    full = pl.BlockSpec((D, D), lambda i: (0, 0))
    bias = pl.BlockSpec((1, D), lambda i: (0, 0))
    return pl.pallas_call(
        _mlp_body,
        grid=(NBLK,),
        in_specs=[row_spec, agg_spec, full, bias, full, bias],
        out_specs=row_spec,
        out_shape=jax.ShapeDtypeStruct((NPAD, D), jnp.float32),
    )(x, a, wa, ba.reshape(1, D), wb, bb.reshape(1, D))


def _mlp_head_body(x_ref, a_ref, wa_ref, ba_ref, wb_ref, bb_ref, b_ref,
                   l1w_ref, l1b_ref, bng_ref, bnb_ref, bnm_ref, bnv_ref,
                   l2w_ref, l2b_ref, o_ref, sums, cnts):
    i = pl.program_id(0)

    @pl.when(i == 0)
    def _():
        sums[...] = jnp.zeros_like(sums)
        cnts[...] = jnp.zeros_like(cnts)

    t = x_ref[...] + a_ref[0] + a_ref[1]
    u = jnp.maximum(
        jnp.dot(t, wa_ref[...], preferred_element_type=jnp.float32)
        + ba_ref[...], 0.0)
    v = jnp.maximum(
        jnp.dot(u, wb_ref[...], preferred_element_type=jnp.float32)
        + bb_ref[...], 0.0)
    rows = i * BLK + lax.broadcasted_iota(jnp.int32, (BLK, D), 0)
    v = jnp.where(rows < N, v, 0.0)

    b = b_ref[0, 0, :]
    gids = lax.broadcasted_iota(jnp.int32, (G, BLK), 0)
    mask = (b[None, :] == gids).astype(jnp.float32)
    sums[...] += jnp.dot(mask, v, preferred_element_type=jnp.float32)
    cnts[...] += jnp.broadcast_to(
        jnp.sum(mask, axis=1, keepdims=True), (G, D))

    @pl.when(i == NBLK - 1)
    def _():
        pooled = sums[...] / jnp.maximum(cnts[...], 1.0)
        g = jnp.dot(pooled, l1w_ref[...],
                    preferred_element_type=jnp.float32) + l1b_ref[...]
        g = (g - bnm_ref[...]) * jax.lax.rsqrt(bnv_ref[...] + 1e-5)
        g = g * bng_ref[...] + bnb_ref[...]
        g = jnp.maximum(g, 0.0)
        o_ref[...] = jnp.dot(g, l2w_ref[...],
                             preferred_element_type=jnp.float32) + l2b_ref[...]


def _mlp_head(h, agg, wa, ba, wb, bb, batch3,
              l1w, l1b, bng, bnb, bnm, bnv, l2w, l2b):
    H2 = 2 * D
    full = pl.BlockSpec((D, D), lambda i: (0, 0))
    bias = pl.BlockSpec((1, D), lambda i: (0, 0))
    vec2 = pl.BlockSpec((1, H2), lambda i: (0, 0))
    return pl.pallas_call(
        _mlp_head_body,
        grid=(NBLK,),
        in_specs=[
            pl.BlockSpec((BLK, D), lambda i: (i, 0)),
            pl.BlockSpec((NC, BLK, D), lambda i: (0, i, 0)),
            full, bias, full, bias,
            pl.BlockSpec((1, 1, BLK), lambda i: (i, 0, 0)),
            pl.BlockSpec((D, H2), lambda i: (0, 0)),
            vec2, vec2, vec2, vec2, vec2,
            pl.BlockSpec((H2, D), lambda i: (0, 0)),
            bias,
        ],
        out_specs=pl.BlockSpec((G, D), lambda i: (0, 0)),
        out_shape=jax.ShapeDtypeStruct((G, D), jnp.float32),
        scratch_shapes=[
            pltpu.VMEM((G, D), jnp.float32),
            pltpu.VMEM((G, D), jnp.float32),
        ],
    )(h, agg, wa, ba.reshape(1, D), wb, bb.reshape(1, D), batch3,
      l1w, l1b, bng, bnb, bnm, bnv, l2w, l2b)


def kernel(x, edge_index, batch, w1a, b1a, w1b, b1b, w2a, b2a, w2b, b2b,
           w3a, b3a, w3b, b3b, lin1_w, lin1_b, bn_g, bn_b, bn_rm, bn_rv,
           lin2_w, lin2_b):
    x = x.astype(jnp.float32)
    src = edge_index[0].astype(jnp.int32)
    dst = edge_index[1].astype(jnp.int32)
    cap0 = NS * NCH0 * CHUNK
    src_p = jnp.concatenate([src, jnp.full((E_PAD - E,), N, jnp.int32)])
    dst_p = jnp.concatenate([dst, jnp.zeros((E_PAD - E,), jnp.int32)])

    def tile_layout(v):
        v0 = v[:cap0].reshape(NS, NCH0, 1, CHUNK)
        v1 = v[cap0:].reshape(NS, NCH1, 1, CHUNK)
        v0 = jnp.pad(v0, ((0, 0), (0, NCH - NCH0), (0, 0), (0, 0)),
                     constant_values=N)
        v1 = jnp.pad(v1, ((0, 0), (0, NCH - NCH1), (0, 0), (0, 0)),
                     constant_values=N)
        return jnp.concatenate([v0, v1], axis=0)

    idx4 = jnp.concatenate([tile_layout(src_p),
                            jnp.where(tile_layout(dst_p) == N, 0,
                                      tile_layout(dst_p)),
                            jnp.zeros((NTILES, NCH, 6, CHUNK), jnp.int32)],
                           axis=2)

    x_pad = jnp.zeros((NPAD, D), jnp.float32).at[:N].set(x)
    batch3 = jnp.concatenate([
        batch.astype(jnp.int32), jnp.full((NPAD - N,), G, jnp.int32)
    ]).reshape(NBLK, 1, BLK)

    h = x_pad
    for wa, ba, wb, bb in ((w1a, b1a, w1b, b1b),
                           (w2a, b2a, w2b, b2b)):
        agg = _make_sc_agg()(h, idx4)
        h = _mlp(h, agg, wa, ba, wb, bb)

    H2 = 2 * D
    l2w_pad = jnp.zeros((H2, D), jnp.float32).at[:, :NUM_CLASSES].set(lin2_w)
    l2b_pad = jnp.zeros((1, D), jnp.float32).at[0, :NUM_CLASSES].set(lin2_b)
    agg = _make_sc_agg()(h, idx4)
    out = _mlp_head(h, agg, w3a, b3a, w3b, b3b, batch3,
                    lin1_w, lin1_b.reshape(1, H2),
                    bn_g.reshape(1, H2), bn_b.reshape(1, H2),
                    bn_rm.reshape(1, H2), bn_rv.reshape(1, H2),
                    l2w_pad, l2b_pad)
    return out[:, :NUM_CLASSES]

# --- scband reference (transcript-rebuilt; emitter-appended) ---
"""Pipeline reference for scband-ginexclusive-5634997093118 (READ-ONLY COPY).

The authoritative reference and input builder live on the scoring server;
editing this copy changes nothing except your own understanding.
"""

import jax, jax.numpy as jnp
import numpy as np

N_NODES = 10000
N_EDGES = 320000
D_FEAT = 128
HIDDEN = 128
NUM_CLASSES = 7
NUM_GRAPHS = 128


def _lin_init(key, fan_in, fan_out):
    k1, k2 = jax.random.split(key)
    bound = 1.0 / np.sqrt(fan_in)
    W = jax.random.uniform(k1, (fan_in, fan_out), minval=-bound, maxval=bound, dtype=jnp.float32)
    b = jax.random.uniform(k2, (fan_out,), minval=-bound, maxval=bound, dtype=jnp.float32)
    return W, b


def setup_inputs(seed: int = 0) -> dict:
    key = jax.random.key(seed)
    ks = jax.random.split(key, 16)
    x = jax.random.normal(ks[0], (N_NODES, D_FEAT), dtype=jnp.float32)
    edge_index = jax.random.randint(ks[1], (2, N_EDGES), 0, N_NODES, dtype=jnp.int64)
    batch = jnp.sort(jax.random.randint(ks[2], (N_NODES,), 0, NUM_GRAPHS, dtype=jnp.int64))
    w1a, b1a = _lin_init(ks[3], D_FEAT, HIDDEN)
    w1b, b1b = _lin_init(ks[4], HIDDEN, HIDDEN)
    w2a, b2a = _lin_init(ks[5], HIDDEN, HIDDEN)
    w2b, b2b = _lin_init(ks[6], HIDDEN, HIDDEN)
    w3a, b3a = _lin_init(ks[7], HIDDEN, HIDDEN)
    w3b, b3b = _lin_init(ks[8], HIDDEN, HIDDEN)
    lin1_w, lin1_b = _lin_init(ks[9], HIDDEN, 2 * HIDDEN)
    bn_g = jnp.ones((2 * HIDDEN,), dtype=jnp.float32)
    bn_b = jnp.zeros((2 * HIDDEN,), dtype=jnp.float32)
    bn_rm = jnp.zeros((2 * HIDDEN,), dtype=jnp.float32)
    bn_rv = jnp.ones((2 * HIDDEN,), dtype=jnp.float32)
    lin2_w, lin2_b = _lin_init(ks[10], 2 * HIDDEN, NUM_CLASSES)
    return {
        'x': x, 'edge_index': edge_index, 'batch': batch,
        'w1a': w1a, 'b1a': b1a, 'w1b': w1b, 'b1b': b1b,
        'w2a': w2a, 'b2a': b2a, 'w2b': w2b, 'b2b': b2b,
        'w3a': w3a, 'b3a': b3a, 'w3b': w3b, 'b3b': b3b,
        'lin1_w': lin1_w, 'lin1_b': lin1_b,
        'bn_g': bn_g, 'bn_b': bn_b, 'bn_rm': bn_rm, 'bn_rv': bn_rv,
        'lin2_w': lin2_w, 'lin2_b': lin2_b,
    }


def _gin_conv(x, edge_index, Wa, ba, Wb, bb):
    # GINConv with eps=0: mlp((1+eps)*x + sum_{j in N(i)} x_j)
    src = edge_index[0]
    dst = edge_index[1]
    agg = jax.ops.segment_sum(x[src], dst, num_segments=x.shape[0])
    h = x + agg
    h = jnp.maximum(h @ Wa + ba, 0.0)
    h = h @ Wb + bb
    return h


def reference(x, edge_index, batch, w1a, b1a, w1b, b1b, w2a, b2a, w2b, b2b,
              w3a, b3a, w3b, b3b, lin1_w, lin1_b, bn_g, bn_b, bn_rm, bn_rv,
              lin2_w, lin2_b):
    # eval mode: dropout is identity, batchnorm uses running stats
    h = _gin_conv(x, edge_index, w1a, b1a, w1b, b1b)
    h = jnp.maximum(h, 0.0)
    h = _gin_conv(h, edge_index, w2a, b2a, w2b, b2b)
    h = jnp.maximum(h, 0.0)
    h = _gin_conv(h, edge_index, w3a, b3a, w3b, b3b)
    h = jnp.maximum(h, 0.0)
    # global mean pool over graphs
    sums = jax.ops.segment_sum(h, batch, num_segments=NUM_GRAPHS)
    counts = jax.ops.segment_sum(jnp.ones((h.shape[0],), dtype=jnp.float32), batch, num_segments=NUM_GRAPHS)
    pooled = sums / jnp.maximum(counts, 1.0)[:, None]
    g = pooled @ lin1_w + lin1_b
    g = (g - bn_rm) / jnp.sqrt(bn_rv + 1e-5) * bn_g + bn_b
    g = jnp.maximum(g, 0.0)
    out = g @ lin2_w + lin2_b
    return out

if __name__ == "__main__":
    import jax
    _d = setup_inputs()
    print(jax.jit(kernel)(*tuple(_d.values())))

</pallas_src>

<mosaic_0001>
#map = affine_map<(d0, d1) -> (0, 0)>
#map1 = affine_map<(d0, d1) -> (0, 0, 0, 0)>
#map2 = affine_map<(d0, d1) -> (0, 0, 0)>
module attributes {stable_mosaic.version = 14 : i64} {
  func.func @_sc_agg(%arg0: i32, %arg1: i32, %arg2: memref<10240x128xf32, #tpu.memory_space<hbm>>, %arg3: memref<32x174x8x112xi32, #tpu.memory_space<hbm>>, %arg4: memref<2x10240x128xf32, #tpu.memory_space<hbm>>, %arg5: memref<8x112xi32, #tpu.memory_space<vmem>>, %arg6: memref<8x112xi32, #tpu.memory_space<vmem>>, %arg7: memref<8x112xi32, #tpu.memory_space<vmem>>, %arg8: memref<8x112xi32, #tpu.memory_space<vmem>>, %arg9: memref<8x112xi32, #tpu.memory_space<vmem>>, %arg10: memref<8x112xi32, #tpu.memory_space<vmem>>, %arg11: memref<112x128xf32, #tpu.memory_space<vmem>>, %arg12: memref<112x128xf32, #tpu.memory_space<vmem>>, %arg13: memref<112x128xf32, #tpu.memory_space<vmem>>, %arg14: memref<10112x128xf32, #tpu.memory_space<vmem_shared>>, %arg15: memref<!tpu.dma_semaphore, #tpu.memory_space<semaphore_mem>>, %arg16: memref<!tpu.dma_semaphore, #tpu.memory_space<semaphore_mem>>, %arg17: memref<!tpu.dma_semaphore, #tpu.memory_space<semaphore_mem>>, %arg18: memref<!tpu.dma_semaphore, #tpu.memory_space<semaphore_mem>>, %arg19: memref<!tpu.dma_semaphore, #tpu.memory_space<semaphore_mem>>, %arg20: memref<!tpu.dma_semaphore, #tpu.memory_space<semaphore_mem>>, %arg21: memref<!tpu.dma_semaphore, #tpu.memory_space<semaphore_mem>>, %arg22: memref<!tpu.dma_semaphore, #tpu.memory_space<semaphore_mem>>, %arg23: memref<!tpu.dma_semaphore, #tpu.memory_space<semaphore_mem>>, %arg24: memref<!tpu.dma_semaphore, #tpu.memory_space<semaphore_mem>>, %arg25: memref<!tpu.dma_semaphore, #tpu.memory_space<semaphore_mem>>, %arg26: memref<!tpu.dma_semaphore, #tpu.memory_space<semaphore_mem>>) attributes {dimension_semantics = [#tpu.dimension_semantics<core_parallel>, #tpu.dimension_semantics<subcore_parallel>], iteration_bounds = array<i64: 2, 16>, scalar_prefetch = 0 : i64, scratch_operands = 22 : i64, tpu.core_type = #tpu.core_type<sc_vector_subcore>, window_params = [{transform_indices = #map}, {transform_indices = #map1}, {transform_indices = #map2}]} {
    %mul3A = arith.constant 16 : i32
    %mul3A_0 = arith.muli %arg0, %mul3A : i32
    %add3A = arith.addi %mul3A_0, %arg1 : i32
    %eq3A = arith.constant 0 : i32
    %eq3A_1 = arith.cmpi eq, %arg0, %eq3A : i32
    %jit3A = arith.constant 174 : i32
    %jit3A_2 = arith.constant 6 : i32
    %select_n3A = arith.select %eq3A_1, %jit3A, %jit3A_2 : i32
    %dma_start3A = arith.constant 0 : i32
    %dma_start3A_3 = arith.constant 0 : i32
    %dma_start3A_4 = arith.constant 0 : i32
    %dma_start3A_5 = tpu.memref_slice %arg3[%add3A, %dma_start3A, %dma_start3A_3, %dma_start3A_4] : memref<32x174x8x112xi32, #tpu.memory_space<hbm>> -> memref<1x1x8x112xi32, #tpu.memory_space<hbm>>
    %dma_start3A_6 = tpu.memref_squeeze %dma_start3A_5 : memref<1x1x8x112xi32, #tpu.memory_space<hbm>> -> memref<8x112xi32, #tpu.memory_space<hbm>>
    %dma_start3A_7 = arith.constant 0 : i32
    %dma_start3A_8 = arith.constant 0 : i32
    %dma_start3A_9 = tpu.memref_slice %arg3[%add3A, %dma_start3A, %dma_start3A_7, %dma_start3A_8] : memref<32x174x8x112xi32, #tpu.memory_space<hbm>> -> memref<1x1x8x112xi32, #tpu.memory_space<hbm>>
    %dma_start3A_10 = tpu.memref_squeeze %dma_start3A_9 : memref<1x1x8x112xi32, #tpu.memory_space<hbm>> -> memref<8x112xi32, #tpu.memory_space<hbm>>
    tpu.enqueue_dma source(%dma_start3A_10 : memref<8x112xi32, #tpu.memory_space<hbm>>) target(%arg5 : memref<8x112xi32, #tpu.memory_space<vmem>>) target_semaphore(%arg15 : memref<!tpu.dma_semaphore, #tpu.memory_space<semaphore_mem>>)
    %dma_start3A_11 = arith.constant 1 : i32
    %dma_start3A_12 = arith.constant 0 : i32
    %dma_start3A_13 = arith.constant 0 : i32
    %dma_start3A_14 = tpu.memref_slice %arg3[%add3A, %dma_start3A_11, %dma_start3A_12, %dma_start3A_13] : memref<32x174x8x112xi32, #tpu.memory_space<hbm>> -> memref<1x1x8x112xi32, #tpu.memory_space<hbm>>
    %dma_start3A_15 = tpu.memref_squeeze %dma_start3A_14 : memref<1x1x8x112xi32, #tpu.memory_space<hbm>> -> memref<8x112xi32, #tpu.memory_space<hbm>>
    %dma_start3A_16 = arith.constant 0 : i32
    %dma_start3A_17 = arith.constant 0 : i32
    %dma_start3A_18 = tpu.memref_slice %arg3[%add3A, %dma_start3A_11, %dma_start3A_16, %dma_start3A_17] : memref<32x174x8x112xi32, #tpu.memory_space<hbm>> -> memref<1x1x8x112xi32, #tpu.memory_space<hbm>>
    %dma_start3A_19 = tpu.memref_squeeze %dma_start3A_18 : memref<1x1x8x112xi32, #tpu.memory_space<hbm>> -> memref<8x112xi32, #tpu.memory_space<hbm>>
    tpu.enqueue_dma source(%dma_start3A_19 : memref<8x112xi32, #tpu.memory_space<hbm>>) target(%arg6 : memref<8x112xi32, #tpu.memory_space<vmem>>) target_semaphore(%arg16 : memref<!tpu.dma_semaphore, #tpu.memory_space<semaphore_mem>>)
    %dma_start3A_20 = arith.constant 2 : i32
    %dma_start3A_21 = arith.constant 0 : i32
    %dma_start3A_22 = arith.constant 0 : i32
    %dma_start3A_23 = tpu.memref_slice %arg3[%add3A, %dma_start3A_20, %dma_start3A_21, %dma_start3A_22] : memref<32x174x8x112xi32, #tpu.memory_space<hbm>> -> memref<1x1x8x112xi32, #tpu.memory_space<hbm>>
    %dma_start3A_24 = tpu.memref_squeeze %dma_start3A_23 : memref<1x1x8x112xi32, #tpu.memory_space<hbm>> -> memref<8x112xi32, #tpu.memory_space<hbm>>
    %dma_start3A_25 = arith.constant 0 : i32
    %dma_start3A_26 = arith.constant 0 : i32
    %dma_start3A_27 = tpu.memref_slice %arg3[%add3A, %dma_start3A_20, %dma_start3A_25, %dma_start3A_26] : memref<32x174x8x112xi32, #tpu.memory_space<hbm>> -> memref<1x1x8x112xi32, #tpu.memory_space<hbm>>
    %dma_start3A_28 = tpu.memref_squeeze %dma_start3A_27 : memref<1x1x8x112xi32, #tpu.memory_space<hbm>> -> memref<8x112xi32, #tpu.memory_space<hbm>>
    tpu.enqueue_dma source(%dma_start3A_28 : memref<8x112xi32, #tpu.memory_space<hbm>>) target(%arg7 : memref<8x112xi32, #tpu.memory_space<vmem>>) target_semaphore(%arg17 : memref<!tpu.dma_semaphore, #tpu.memory_space<semaphore_mem>>)
    %dma_start3A_29 = arith.constant 3 : i32
    %dma_start3A_30 = arith.constant 0 : i32
    %dma_start3A_31 = arith.constant 0 : i32
    %dma_start3A_32 = tpu.memref_slice %arg3[%add3A, %dma_start3A_29, %dma_start3A_30, %dma_start3A_31] : memref<32x174x8x112xi32, #tpu.memory_space<hbm>> -> memref<1x1x8x112xi32, #tpu.memory_space<hbm>>
    %dma_start3A_33 = tpu.memref_squeeze %dma_start3A_32 : memref<1x1x8x112xi32, #tpu.memory_space<hbm>> -> memref<8x112xi32, #tpu.memory_space<hbm>>
    %dma_start3A_34 = arith.constant 0 : i32
    %dma_start3A_35 = arith.constant 0 : i32
    %dma_start3A_36 = tpu.memref_slice %arg3[%add3A, %dma_start3A_29, %dma_start3A_34, %dma_start3A_35] : memref<32x174x8x112xi32, #tpu.memory_space<hbm>> -> memref<1x1x8x112xi32, #tpu.memory_space<hbm>>
    %dma_start3A_37 = tpu.memref_squeeze %dma_start3A_36 : memref<1x1x8x112xi32, #tpu.memory_space<hbm>> -> memref<8x112xi32, #tpu.memory_space<hbm>>
    tpu.enqueue_dma source(%dma_start3A_37 : memref<8x112xi32, #tpu.memory_space<hbm>>) target(%arg8 : memref<8x112xi32, #tpu.memory_space<vmem>>) target_semaphore(%arg18 : memref<!tpu.dma_semaphore, #tpu.memory_space<semaphore_mem>>)
    %dma_start3A_38 = arith.constant 4 : i32
    %dma_start3A_39 = arith.constant 0 : i32
    %dma_start3A_40 = arith.constant 0 : i32
    %dma_start3A_41 = tpu.memref_slice %arg3[%add3A, %dma_start3A_38, %dma_start3A_39, %dma_start3A_40] : memref<32x174x8x112xi32, #tpu.memory_space<hbm>> -> memref<1x1x8x112xi32, #tpu.memory_space<hbm>>
    %dma_start3A_42 = tpu.memref_squeeze %dma_start3A_41 : memref<1x1x8x112xi32, #tpu.memory_space<hbm>> -> memref<8x112xi32, #tpu.memory_space<hbm>>
    %dma_start3A_43 = arith.constant 0 : i32
    %dma_start3A_44 = arith.constant 0 : i32
    %dma_start3A_45 = tpu.memref_slice %arg3[%add3A, %dma_start3A_38, %dma_start3A_43, %dma_start3A_44] : memref<32x174x8x112xi32, #tpu.memory_space<hbm>> -> memref<1x1x8x112xi32, #tpu.memory_space<hbm>>
    %dma_start3A_46 = tpu.memref_squeeze %dma_start3A_45 : memref<1x1x8x112xi32, #tpu.memory_space<hbm>> -> memref<8x112xi32, #tpu.memory_space<hbm>>
    tpu.enqueue_dma source(%dma_start3A_46 : memref<8x112xi32, #tpu.memory_space<hbm>>) target(%arg9 : memref<8x112xi32, #tpu.memory_space<vmem>>) target_semaphore(%arg19 : memref<!tpu.dma_semaphore, #tpu.memory_space<semaphore_mem>>)
    %broadcast_in_dim3A = arith.constant 0.000000e+00 : f32
    %broadcast_in_dim3A_47 = vector.broadcast %broadcast_in_dim3A : f32 to vector<16xf32>
    %scan3A = arith.constant 0 : i32
    %scan3A_48 = arith.constant 0 : i32
    %scan3A_49 = arith.constant 112 : i32
    %scan3A_50 = arith.addi %scan3A_48, %scan3A_49 : i32
    %scan3A_51 = arith.constant 1 : i32
    scf.for %scan3A_147 = %scan3A_48 to %scan3A_50 step %scan3A_51  : i32 {
      %swap3A = arith.index_cast %scan3A_147 : i32 to index
      %swap3A_148 = arith.constant 0 : index
      %swap3A_149 = tpu.vector_load %arg11[%swap3A, %swap3A_148] {strides = array<i32>} : memref<112x128xf32, #tpu.memory_space<vmem>>, vector<1x16xf32>,
      %swap3A_150 = vector.shape_cast %swap3A_149 : vector<1x16xf32> to vector<16xf32>
      %swap3A_151 = vector.shape_cast %broadcast_in_dim3A_47 : vector<16xf32> to vector<1x16xf32>
      tpu.vector_store %arg11[%swap3A, %swap3A_148], %swap3A_151 {strides = array<i32>} : memref<112x128xf32, #tpu.memory_space<vmem>>, vector<1x16xf32>,
      %swap3A_152 = arith.index_cast %scan3A_147 : i32 to index
      %swap3A_153 = arith.constant 16 : index
      %swap3A_154 = tpu.vector_load %arg11[%swap3A_152, %swap3A_153] {strides = array<i32>} : memref<112x128xf32, #tpu.memory_space<vmem>>, vector<1x16xf32>,
      %swap3A_155 = vector.shape_cast %swap3A_154 : vector<1x16xf32> to vector<16xf32>
      %swap3A_156 = vector.shape_cast %broadcast_in_dim3A_47 : vector<16xf32> to vector<1x16xf32>
      tpu.vector_store %arg11[%swap3A_152, %swap3A_153], %swap3A_156 {strides = array<i32>} : memref<112x128xf32, #tpu.memory_space<vmem>>, vector<1x16xf32>,
      %swap3A_157 = arith.index_cast %scan3A_147 : i32 to index
      %swap3A_158 = arith.constant 32 : index
      %swap3A_159 = tpu.vector_load %arg11[%swap3A_157, %swap3A_158] {strides = array<i32>} : memref<112x128xf32, #tpu.memory_space<vmem>>, vector<1x16xf32>,
      %swap3A_160 = vector.shape_cast %swap3A_159 : vector<1x16xf32> to vector<16xf32>
      %swap3A_161 = vector.shape_cast %broadcast_in_dim3A_47 : vector<16xf32> to vector<1x16xf32>
      tpu.vector_store %arg11[%swap3A_157, %swap3A_158], %swap3A_161 {strides = array<i32>} : memref<112x128xf32, #tpu.memory_space<vmem>>, vector<1x16xf32>,
      %swap3A_162 = arith.index_cast %scan3A_147 : i32 to index
      %swap3A_163 = arith.constant 48 : index
      %swap3A_164 = tpu.vector_load %arg11[%swap3A_162, %swap3A_163] {strides = array<i32>} : memref<112x128xf32, #tpu.memory_space<vmem>>, vector<1x16xf32>,
      %swap3A_165 = vector.shape_cast %swap3A_164 : vector<1x16xf32> to vector<16xf32>
      %swap3A_166 = vector.shape_cast %broadcast_in_dim3A_47 : vector<16xf32> to vector<1x16xf32>
      tpu.vector_store %arg11[%swap3A_162, %swap3A_163], %swap3A_166 {strides = array<i32>} : memref<112x128xf32, #tpu.memory_space<vmem>>, vector<1x16xf32>,
      %swap3A_167 = arith.index_cast %scan3A_147 : i32 to index
      %swap3A_168 = arith.constant 64 : index
      %swap3A_169 = tpu.vector_load %arg11[%swap3A_167, %swap3A_168] {strides = array<i32>} : memref<112x128xf32, #tpu.memory_space<vmem>>, vector<1x16xf32>,
      %swap3A_170 = vector.shape_cast %swap3A_169 : vector<1x16xf32> to vector<16xf32>
      %swap3A_171 = vector.shape_cast %broadcast_in_dim3A_47 : vector<16xf32> to vector<1x16xf32>
      tpu.vector_store %arg11[%swap3A_167, %swap3A_168], %swap3A_171 {strides = array<i32>} : memref<112x128xf32, #tpu.memory_space<vmem>>, vector<1x16xf32>,
      %swap3A_172 = arith.index_cast %scan3A_147 : i32 to index
      %swap3A_173 = arith.constant 80 : index
      %swap3A_174 = tpu.vector_load %arg11[%swap3A_172, %swap3A_173] {strides = array<i32>} : memref<112x128xf32, #tpu.memory_space<vmem>>, vector<1x16xf32>,
      %swap3A_175 = vector.shape_cast %swap3A_174 : vector<1x16xf32> to vector<16xf32>
      %swap3A_176 = vector.shape_cast %broadcast_in_dim3A_47 : vector<16xf32> to vector<1x16xf32>
      tpu.vector_store %arg11[%swap3A_172, %swap3A_173], %swap3A_176 {strides = array<i32>} : memref<112x128xf32, #tpu.memory_space<vmem>>, vector<1x16xf32>,
      %swap3A_177 = arith.index_cast %scan3A_147 : i32 to index
      %swap3A_178 = arith.constant 96 : index
      %swap3A_179 = tpu.vector_load %arg11[%swap3A_177, %swap3A_178] {strides = array<i32>} : memref<112x128xf32, #tpu.memory_space<vmem>>, vector<1x16xf32>,
      %swap3A_180 = vector.shape_cast %swap3A_179 : vector<1x16xf32> to vector<16xf32>
      %swap3A_181 = vector.shape_cast %broadcast_in_dim3A_47 : vector<16xf32> to vector<1x16xf32>
      tpu.vector_store %arg11[%swap3A_177, %swap3A_178], %swap3A_181 {strides = array<i32>} : memref<112x128xf32, #tpu.memory_space<vmem>>, vector<1x16xf32>,
      %swap3A_182 = arith.index_cast %scan3A_147 : i32 to index
      %swap3A_183 = arith.constant 112 : index
      %swap3A_184 = tpu.vector_load %arg11[%swap3A_182, %swap3A_183] {strides = array<i32>} : memref<112x128xf32, #tpu.memory_space<vmem>>, vector<1x16xf32>,
      %swap3A_185 = vector.shape_cast %swap3A_184 : vector<1x16xf32> to vector<16xf32>
      %swap3A_186 = vector.shape_cast %broadcast_in_dim3A_47 : vector<16xf32> to vector<1x16xf32>
      tpu.vector_store %arg11[%swap3A_182, %swap3A_183], %swap3A_186 {strides = array<i32>} : memref<112x128xf32, #tpu.memory_space<vmem>>, vector<1x16xf32>,
    }
    %scan3A_52 = arith.constant 112 : i32
    %mul3A_53 = arith.constant 632 : i32
    %mul3A_54 = arith.muli %arg1, %mul3A_53 : i32
    %add3A_55 = arith.constant 0 : i32
    %add3A_56 = arith.addi %mul3A_54, %add3A_55 : i32
    "tpu.region"() ({
      %run_scoped3A = tpu.sem_alloc : memref<!tpu.dma_semaphore, #tpu.memory_space<semaphore_mem>>
      %dma_start3A_147 = arith.constant 0 : i32
      %dma_start3A_148 = tpu.memref_slice %arg14[%add3A_56, %dma_start3A_147] : memref<10112x128xf32, #tpu.memory_space<vmem_shared>> -> memref<112x128xf32, #tpu.memory_space<vmem_shared>>
      %dma_start3A_149 = arith.constant 0 : i32
      %dma_start3A_150 = tpu.memref_slice %arg14[%add3A_56, %dma_start3A_149] : memref<10112x128xf32, #tpu.memory_space<vmem_shared>> -> memref<112x128xf32, #tpu.memory_space<vmem_shared>>
      tpu.enqueue_dma source(%arg11 : memref<112x128xf32, #tpu.memory_space<vmem>>) target(%dma_start3A_150 : memref<112x128xf32, #tpu.memory_space<vmem_shared>>) target_semaphore(%run_scoped3A : memref<!tpu.dma_semaphore, #tpu.memory_space<semaphore_mem>>)
      %dma_wait3A_151 = arith.constant 0 : i32
      %dma_wait3A_152 = tpu.memref_slice %arg14[%add3A_56, %dma_wait3A_151] : memref<10112x128xf32, #tpu.memory_space<vmem_shared>> -> memref<112x128xf32, #tpu.memory_space<vmem_shared>>
      %dma_wait3A_153 = arith.constant 0 : i32
      %dma_wait3A_154 = tpu.memref_slice %arg14[%add3A_56, %dma_wait3A_153] : memref<10112x128xf32, #tpu.memory_space<vmem_shared>> -> memref<112x128xf32, #tpu.memory_space<vmem_shared>>
      tpu.wait_dma2 semaphore(%run_scoped3A : memref<!tpu.dma_semaphore, #tpu.memory_space<semaphore_mem>>) src(%arg11 : memref<112x128xf32, #tpu.memory_space<vmem>>) dst(%dma_wait3A_154 : memref<112x128xf32, #tpu.memory_space<vmem_shared>>)
      tpu.yield
    }) : () -> ()
    %mul3A_57 = arith.constant 632 : i32
    %mul3A_58 = arith.muli %arg1, %mul3A_57 : i32
    %add3A_59 = arith.constant 112 : i32
    %add3A_60 = arith.addi %mul3A_58, %add3A_59 : i32
    "tpu.region"() ({
      %run_scoped3A = tpu.sem_alloc : memref<!tpu.dma_semaphore, #tpu.memory_space<semaphore_mem>>
      %dma_start3A_147 = arith.constant 0 : i32
      %dma_start3A_148 = tpu.memref_slice %arg14[%add3A_60, %dma_start3A_147] : memref<10112x128xf32, #tpu.memory_space<vmem_shared>> -> memref<112x128xf32, #tpu.memory_space<vmem_shared>>
      %dma_start3A_149 = arith.constant 0 : i32
      %dma_start3A_150 = tpu.memref_slice %arg14[%add3A_60, %dma_start3A_149] : memref<10112x128xf32, #tpu.memory_space<vmem_shared>> -> memref<112x128xf32, #tpu.memory_space<vmem_shared>>
      tpu.enqueue_dma source(%arg11 : memref<112x128xf32, #tpu.memory_space<vmem>>) target(%dma_start3A_150 : memref<112x128xf32, #tpu.memory_space<vmem_shared>>) target_semaphore(%run_scoped3A : memref<!tpu.dma_semaphore, #tpu.memory_space<semaphore_mem>>)
      %dma_wait3A_151 = arith.constant 0 : i32
      %dma_wait3A_152 = tpu.memref_slice %arg14[%add3A_60, %dma_wait3A_151] : memref<10112x128xf32, #tpu.memory_space<vmem_shared>> -> memref<112x128xf32, #tpu.memory_space<vmem_shared>>
      %dma_wait3A_153 = arith.constant 0 : i32
      %dma_wait3A_154 = tpu.memref_slice %arg14[%add3A_60, %dma_wait3A_153] : memref<10112x128xf32, #tpu.memory_space<vmem_shared>> -> memref<112x128xf32, #tpu.memory_space<vmem_shared>>
      tpu.wait_dma2 semaphore(%run_scoped3A : memref<!tpu.dma_semaphore, #tpu.memory_space<semaphore_mem>>) src(%arg11 : memref<112x128xf32, #tpu.memory_space<vmem>>) dst(%dma_wait3A_154 : memref<112x128xf32, #tpu.memory_space<vmem_shared>>)
      tpu.yield
    }) : () -> ()
    %mul3A_61 = arith.constant 632 : i32
    %mul3A_62 = arith.muli %arg1, %mul3A_61 : i32
    %add3A_63 = arith.constant 224 : i32
    %add3A_64 = arith.addi %mul3A_62, %add3A_63 : i32
    "tpu.region"() ({
      %run_scoped3A = tpu.sem_alloc : memref<!tpu.dma_semaphore, #tpu.memory_space<semaphore_mem>>
      %dma_start3A_147 = arith.constant 0 : i32
      %dma_start3A_148 = tpu.memref_slice %arg14[%add3A_64, %dma_start3A_147] : memref<10112x128xf32, #tpu.memory_space<vmem_shared>> -> memref<112x128xf32, #tpu.memory_space<vmem_shared>>
      %dma_start3A_149 = arith.constant 0 : i32
      %dma_start3A_150 = tpu.memref_slice %arg14[%add3A_64, %dma_start3A_149] : memref<10112x128xf32, #tpu.memory_space<vmem_shared>> -> memref<112x128xf32, #tpu.memory_space<vmem_shared>>
      tpu.enqueue_dma source(%arg11 : memref<112x128xf32, #tpu.memory_space<vmem>>) target(%dma_start3A_150 : memref<112x128xf32, #tpu.memory_space<vmem_shared>>) target_semaphore(%run_scoped3A : memref<!tpu.dma_semaphore, #tpu.memory_space<semaphore_mem>>)
      %dma_wait3A_151 = arith.constant 0 : i32
      %dma_wait3A_152 = tpu.memref_slice %arg14[%add3A_64, %dma_wait3A_151] : memref<10112x128xf32, #tpu.memory_space<vmem_shared>> -> memref<112x128xf32, #tpu.memory_space<vmem_shared>>
      %dma_wait3A_153 = arith.constant 0 : i32
      %dma_wait3A_154 = tpu.memref_slice %arg14[%add3A_64, %dma_wait3A_153] : memref<10112x128xf32, #tpu.memory_space<vmem_shared>> -> memref<112x128xf32, #tpu.memory_space<vmem_shared>>
      tpu.wait_dma2 semaphore(%run_scoped3A : memref<!tpu.dma_semaphore, #tpu.memory_space<semaphore_mem>>) src(%arg11 : memref<112x128xf32, #tpu.memory_space<vmem>>) dst(%dma_wait3A_154 : memref<112x128xf32, #tpu.memory_space<vmem_shared>>)
      tpu.yield
    }) : () -> ()
    %mul3A_65 = arith.constant 632 : i32
    %mul3A_66 = arith.muli %arg1, %mul3A_65 : i32
    %add3A_67 = arith.constant 336 : i32
    %add3A_68 = arith.addi %mul3A_66, %add3A_67 : i32
    "tpu.region"() ({
      %run_scoped3A = tpu.sem_alloc : memref<!tpu.dma_semaphore, #tpu.memory_space<semaphore_mem>>
      %dma_start3A_147 = arith.constant 0 : i32
      %dma_start3A_148 = tpu.memref_slice %arg14[%add3A_68, %dma_start3A_147] : memref<10112x128xf32, #tpu.memory_space<vmem_shared>> -> memref<112x128xf32, #tpu.memory_space<vmem_shared>>
      %dma_start3A_149 = arith.constant 0 : i32
      %dma_start3A_150 = tpu.memref_slice %arg14[%add3A_68, %dma_start3A_149] : memref<10112x128xf32, #tpu.memory_space<vmem_shared>> -> memref<112x128xf32, #tpu.memory_space<vmem_shared>>
      tpu.enqueue_dma source(%arg11 : memref<112x128xf32, #tpu.memory_space<vmem>>) target(%dma_start3A_150 : memref<112x128xf32, #tpu.memory_space<vmem_shared>>) target_semaphore(%run_scoped3A : memref<!tpu.dma_semaphore, #tpu.memory_space<semaphore_mem>>)
      %dma_wait3A_151 = arith.constant 0 : i32
      %dma_wait3A_152 = tpu.memref_slice %arg14[%add3A_68, %dma_wait3A_151] : memref<10112x128xf32, #tpu.memory_space<vmem_shared>> -> memref<112x128xf32, #tpu.memory_space<vmem_shared>>
      %dma_wait3A_153 = arith.constant 0 : i32
      %dma_wait3A_154 = tpu.memref_slice %arg14[%add3A_68, %dma_wait3A_153] : memref<10112x128xf32, #tpu.memory_space<vmem_shared>> -> memref<112x128xf32, #tpu.memory_space<vmem_shared>>
      tpu.wait_dma2 semaphore(%run_scoped3A : memref<!tpu.dma_semaphore, #tpu.memory_space<semaphore_mem>>) src(%arg11 : memref<112x128xf32, #tpu.memory_space<vmem>>) dst(%dma_wait3A_154 : memref<112x128xf32, #tpu.memory_space<vmem_shared>>)
      tpu.yield
    }) : () -> ()
    %mul3A_69 = arith.constant 632 : i32
    %mul3A_70 = arith.muli %arg1, %mul3A_69 : i32
    %add3A_71 = arith.constant 448 : i32
    %add3A_72 = arith.addi %mul3A_70, %add3A_71 : i32
    "tpu.region"() ({
      %run_scoped3A = tpu.sem_alloc : memref<!tpu.dma_semaphore, #tpu.memory_space<semaphore_mem>>
      %dma_start3A_147 = arith.constant 0 : i32
      %dma_start3A_148 = tpu.memref_slice %arg14[%add3A_72, %dma_start3A_147] : memref<10112x128xf32, #tpu.memory_space<vmem_shared>> -> memref<112x128xf32, #tpu.memory_space<vmem_shared>>
      %dma_start3A_149 = arith.constant 0 : i32
      %dma_start3A_150 = tpu.memref_slice %arg14[%add3A_72, %dma_start3A_149] : memref<10112x128xf32, #tpu.memory_space<vmem_shared>> -> memref<112x128xf32, #tpu.memory_space<vmem_shared>>
      tpu.enqueue_dma source(%arg11 : memref<112x128xf32, #tpu.memory_space<vmem>>) target(%dma_start3A_150 : memref<112x128xf32, #tpu.memory_space<vmem_shared>>) target_semaphore(%run_scoped3A : memref<!tpu.dma_semaphore, #tpu.memory_space<semaphore_mem>>)
      %dma_wait3A_151 = arith.constant 0 : i32
      %dma_wait3A_152 = tpu.memref_slice %arg14[%add3A_72, %dma_wait3A_151] : memref<10112x128xf32, #tpu.memory_space<vmem_shared>> -> memref<112x128xf32, #tpu.memory_space<vmem_shared>>
      %dma_wait3A_153 = arith.constant 0 : i32
      %dma_wait3A_154 = tpu.memref_slice %arg14[%add3A_72, %dma_wait3A_153] : memref<10112x128xf32, #tpu.memory_space<vmem_shared>> -> memref<112x128xf32, #tpu.memory_space<vmem_shared>>
      tpu.wait_dma2 semaphore(%run_scoped3A : memref<!tpu.dma_semaphore, #tpu.memory_space<semaphore_mem>>) src(%arg11 : memref<112x128xf32, #tpu.memory_space<vmem>>) dst(%dma_wait3A_154 : memref<112x128xf32, #tpu.memory_space<vmem_shared>>)
      tpu.yield
    }) : () -> ()
    %mul3A_73 = arith.constant 632 : i32
    %mul3A_74 = arith.muli %arg1, %mul3A_73 : i32
    %add3A_75 = arith.constant 560 : i32
    %add3A_76 = arith.addi %mul3A_74, %add3A_75 : i32
    "tpu.region"() ({
      %run_scoped3A = tpu.sem_alloc : memref<!tpu.dma_semaphore, #tpu.memory_space<semaphore_mem>>
      %dma_start3A_147 = arith.constant 0 : i32
      %dma_start3A_148 = arith.constant 0 : i32
      %dma_start3A_149 = tpu.memref_slice %arg11[%dma_start3A_147, %dma_start3A_148] : memref<112x128xf32, #tpu.memory_space<vmem>> -> memref<72x128xf32, #tpu.memory_space<vmem>>
      %dma_start3A_150 = arith.constant 0 : i32
      %dma_start3A_151 = tpu.memref_slice %arg14[%add3A_76, %dma_start3A_150] : memref<10112x128xf32, #tpu.memory_space<vmem_shared>> -> memref<72x128xf32, #tpu.memory_space<vmem_shared>>
      %dma_start3A_152 = arith.constant 0 : i32
      %dma_start3A_153 = tpu.memref_slice %arg14[%add3A_76, %dma_start3A_152] : memref<10112x128xf32, #tpu.memory_space<vmem_shared>> -> memref<72x128xf32, #tpu.memory_space<vmem_shared>>
      %dma_start3A_154 = arith.constant 0 : i32
      %dma_start3A_155 = arith.constant 0 : i32
      %dma_start3A_156 = tpu.memref_slice %arg11[%dma_start3A_154, %dma_start3A_155] : memref<112x128xf32, #tpu.memory_space<vmem>> -> memref<72x128xf32, #tpu.memory_space<vmem>>
      tpu.enqueue_dma source(%dma_start3A_156 : memref<72x128xf32, #tpu.memory_space<vmem>>) target(%dma_start3A_153 : memref<72x128xf32, #tpu.memory_space<vmem_shared>>) target_semaphore(%run_scoped3A : memref<!tpu.dma_semaphore, #tpu.memory_space<semaphore_mem>>)
      %dma_wait3A_157 = arith.constant 0 : i32
      %dma_wait3A_158 = arith.constant 0 : i32
      %dma_wait3A_159 = tpu.memref_slice %arg11[%dma_wait3A_157, %dma_wait3A_158] : memref<112x128xf32, #tpu.memory_space<vmem>> -> memref<72x128xf32, #tpu.memory_space<vmem>>
      %dma_wait3A_160 = arith.constant 0 : i32
      %dma_wait3A_161 = tpu.memref_slice %arg14[%add3A_76, %dma_wait3A_160] : memref<10112x128xf32, #tpu.memory_space<vmem_shared>> -> memref<72x128xf32, #tpu.memory_space<vmem_shared>>
      %dma_wait3A_162 = arith.constant 0 : i32
      %dma_wait3A_163 = tpu.memref_slice %arg14[%add3A_76, %dma_wait3A_162] : memref<10112x128xf32, #tpu.memory_space<vmem_shared>> -> memref<72x128xf32, #tpu.memory_space<vmem_shared>>
      %dma_wait3A_164 = arith.constant 0 : i32
      %dma_wait3A_165 = arith.constant 0 : i32
      %dma_wait3A_166 = tpu.memref_slice %arg11[%dma_wait3A_164, %dma_wait3A_165] : memref<112x128xf32, #tpu.memory_space<vmem>> -> memref<72x128xf32, #tpu.memory_space<vmem>>
      tpu.wait_dma2 semaphore(%run_scoped3A : memref<!tpu.dma_semaphore, #tpu.memory_space<semaphore_mem>>) src(%dma_wait3A_166 : memref<72x128xf32, #tpu.memory_space<vmem>>) dst(%dma_wait3A_163 : memref<72x128xf32, #tpu.memory_space<vmem_shared>>)
      tpu.yield
    }) : () -> ()
    %barrier3A = arith.constant 0 : index
    tpu.barrier barrier_id(%barrier3A)
    %dma_wait3A = arith.constant 0 : i32
    %dma_wait3A_77 = arith.constant 0 : i32
    %dma_wait3A_78 = arith.constant 0 : i32
    %dma_wait3A_79 = tpu.memref_slice %arg3[%add3A, %dma_wait3A, %dma_wait3A_77, %dma_wait3A_78] : memref<32x174x8x112xi32, #tpu.memory_space<hbm>> -> memref<1x1x8x112xi32, #tpu.memory_space<hbm>>
    %dma_wait3A_80 = tpu.memref_squeeze %dma_wait3A_79 : memref<1x1x8x112xi32, #tpu.memory_space<hbm>> -> memref<8x112xi32, #tpu.memory_space<hbm>>
    %dma_wait3A_81 = arith.constant 0 : i32
    %dma_wait3A_82 = arith.constant 0 : i32
    %dma_wait3A_83 = tpu.memref_slice %arg3[%add3A, %dma_wait3A, %dma_wait3A_81, %dma_wait3A_82] : memref<32x174x8x112xi32, #tpu.memory_space<hbm>> -> memref<1x1x8x112xi32, #tpu.memory_space<hbm>>
    %dma_wait3A_84 = tpu.memref_squeeze %dma_wait3A_83 : memref<1x1x8x112xi32, #tpu.memory_space<hbm>> -> memref<8x112xi32, #tpu.memory_space<hbm>>
    tpu.wait_dma2 semaphore(%arg15 : memref<!tpu.dma_semaphore, #tpu.memory_space<semaphore_mem>>) src(%dma_wait3A_84 : memref<8x112xi32, #tpu.memory_space<hbm>>) dst(%arg5 : memref<8x112xi32, #tpu.memory_space<vmem>>)
    %dma_start3A_85 = arith.constant 0 : i32
    %dma_start3A_86 = arith.constant 0 : i32
    %dma_start3A_87 = tpu.memref_slice %arg5[%dma_start3A_85, %dma_start3A_86] : memref<8x112xi32, #tpu.memory_space<vmem>> -> memref<1x112xi32, #tpu.memory_space<vmem>>
    %dma_start3A_88 = tpu.memref_squeeze %dma_start3A_87 : memref<1x112xi32, #tpu.memory_space<vmem>> -> memref<112xi32, #tpu.memory_space<vmem>>
    %dma_start3A_89 = arith.constant 0 : i32
    %dma_start3A_90 = arith.constant 0 : i32
    %dma_start3A_91 = tpu.memref_slice %arg2[%dma_start3A_89, %dma_start3A_90] : memref<10240x128xf32, #tpu.memory_space<hbm>> -> memref<10240x128xf32, #tpu.memory_space<hbm>>
    tpu.enqueue_indirect_dma source(%dma_start3A_91 : memref<10240x128xf32, #tpu.memory_space<hbm>>) target(%arg11 : memref<112x128xf32, #tpu.memory_space<vmem>>) offsets(%dma_start3A_88 : memref<112xi32, #tpu.memory_space<vmem>>) semaphore(%arg21 : memref<!tpu.dma_semaphore, #tpu.memory_space<semaphore_mem>>)
    %dma_wait3A_92 = arith.constant 0 : i32
    %dma_wait3A_93 = arith.constant 0 : i32
    %dma_wait3A_94 = arith.constant 0 : i32
    %dma_wait3A_95 = tpu.memref_slice %arg3[%add3A, %dma_wait3A_92, %dma_wait3A_93, %dma_wait3A_94] : memref<32x174x8x112xi32, #tpu.memory_space<hbm>> -> memref<1x1x8x112xi32, #tpu.memory_space<hbm>>
    %dma_wait3A_96 = tpu.memref_squeeze %dma_wait3A_95 : memref<1x1x8x112xi32, #tpu.memory_space<hbm>> -> memref<8x112xi32, #tpu.memory_space<hbm>>
    %dma_wait3A_97 = arith.constant 0 : i32
    %dma_wait3A_98 = arith.constant 0 : i32
    %dma_wait3A_99 = tpu.memref_slice %arg3[%add3A, %dma_wait3A_92, %dma_wait3A_97, %dma_wait3A_98] : memref<32x174x8x112xi32, #tpu.memory_space<hbm>> -> memref<1x1x8x112xi32, #tpu.memory_space<hbm>>
    %dma_wait3A_100 = tpu.memref_squeeze %dma_wait3A_99 : memref<1x1x8x112xi32, #tpu.memory_space<hbm>> -> memref<8x112xi32, #tpu.memory_space<hbm>>
    tpu.wait_dma2 semaphore(%arg16 : memref<!tpu.dma_semaphore, #tpu.memory_space<semaphore_mem>>) src(%dma_wait3A_100 : memref<8x112xi32, #tpu.memory_space<hbm>>) dst(%arg6 : memref<8x112xi32, #tpu.memory_space<vmem>>)
    %dma_start3A_101 = arith.constant 0 : i32
    %dma_start3A_102 = arith.constant 0 : i32
    %dma_start3A_103 = tpu.memref_slice %arg6[%dma_start3A_101, %dma_start3A_102] : memref<8x112xi32, #tpu.memory_space<vmem>> -> memref<1x112xi32, #tpu.memory_space<vmem>>
    %dma_start3A_104 = tpu.memref_squeeze %dma_start3A_103 : memref<1x112xi32, #tpu.memory_space<vmem>> -> memref<112xi32, #tpu.memory_space<vmem>>
    %dma_start3A_105 = arith.constant 0 : i32
    %dma_start3A_106 = arith.constant 0 : i32
    %dma_start3A_107 = tpu.memref_slice %arg2[%dma_start3A_105, %dma_start3A_106] : memref<10240x128xf32, #tpu.memory_space<hbm>> -> memref<10240x128xf32, #tpu.memory_space<hbm>>
    tpu.enqueue_indirect_dma source(%dma_start3A_107 : memref<10240x128xf32, #tpu.memory_space<hbm>>) target(%arg12 : memref<112x128xf32, #tpu.memory_space<vmem>>) offsets(%dma_start3A_104 : memref<112xi32, #tpu.memory_space<vmem>>) semaphore(%arg22 : memref<!tpu.dma_semaphore, #tpu.memory_space<semaphore_mem>>)
    %jit3A_108 = arith.constant 6 : i32
    %div3A = arith.divsi %select_n3A, %jit3A_108 : i32
    %sign3A = arith.constant 0 : i32
    %sign3A_109 = arith.cmpi sgt, %select_n3A, %sign3A : i32
    %sign3A_110 = arith.extui %sign3A_109 : i1 to i32
    %sign3A_111 = arith.constant 0 : i32
    %sign3A_112 = arith.cmpi slt, %select_n3A, %sign3A_111 : i32
    %sign3A_113 = arith.extui %sign3A_112 : i1 to i32
    %sign3A_114 = arith.subi %sign3A_110, %sign3A_113 : i32
    %sign3A_115 = arith.constant 0 : i32
    %sign3A_116 = arith.cmpi sgt, %jit3A_108, %sign3A_115 : i32
    %sign3A_117 = arith.extui %sign3A_116 : i1 to i32
    %sign3A_118 = arith.constant 0 : i32
    %sign3A_119 = arith.cmpi slt, %jit3A_108, %sign3A_118 : i32
    %sign3A_120 = arith.extui %sign3A_119 : i1 to i32
    %sign3A_121 = arith.subi %sign3A_117, %sign3A_120 : i32
    %ne3A = arith.cmpi ne, %sign3A_114, %sign3A_121 : i32
    %rem3A = arith.remsi %select_n3A, %jit3A_108 : i32
    %ne3A_122 = arith.constant 0 : i32
    %ne3A_123 = arith.cmpi ne, %rem3A, %ne3A_122 : i32
    %and3A = arith.andi %ne3A, %ne3A_123 : i1
    %sub3A = arith.constant 1 : i32
    %sub3A_124 = arith.subi %div3A, %sub3A : i32
    %select_n3A_125 = arith.select %and3A, %sub3A_124, %div3A : i32
    %while3A = arith.constant 0 : i32
    %while3A_126 = arith.constant 0 : i32
    %while3A_127 = arith.subi %select_n3A_125, %while3A_126 : i32
    %while3A_128 = arith.addi %while3A_126, %while3A_127 : i32
    %while3A_129 = arith.constant 1 : i32
    %while3A_130 = arith.divsi %while3A_127, %while3A_129 : i32
    %while3A_131 = arith.muli %while3A_130, %while3A_129 : i32
    %while3A_132 = arith.addi %while3A_126, %while3A_131 : i32
    %while3A_133 = arith.constant 1 : i32
    scf.for %while3A_147 = %while3A_126 to %while3A_132 step %while3A_133  : i32 {
      %mul3A_148 = arith.constant 6 : i32
      %mul3A_149 = arith.muli %while3A_147, %mul3A_148 : i32
      %add3A_150 = arith.constant 0 : i32
      %add3A_151 = arith.addi %mul3A_149, %add3A_150 : i32
      %dma_wait3A_152 = arith.constant 0 : i32
      %dma_wait3A_153 = arith.constant 0 : i32
      %dma_wait3A_154 = tpu.memref_slice %arg5[%dma_wait3A_152, %dma_wait3A_153] : memref<8x112xi32, #tpu.memory_space<vmem>> -> memref<1x112xi32, #tpu.memory_space<vmem>>
      %dma_wait3A_155 = tpu.memref_squeeze %dma_wait3A_154 : memref<1x112xi32, #tpu.memory_space<vmem>> -> memref<112xi32, #tpu.memory_space<vmem>>
      %dma_wait3A_156 = arith.constant 0 : i32
      %dma_wait3A_157 = arith.constant 0 : i32
      %dma_wait3A_158 = tpu.memref_slice %arg2[%dma_wait3A_156, %dma_wait3A_157] : memref<10240x128xf32, #tpu.memory_space<hbm>> -> memref<10240x128xf32, #tpu.memory_space<hbm>>
      tpu.wait_indirect_dma semaphore(%arg21 : memref<!tpu.dma_semaphore, #tpu.memory_space<semaphore_mem>>) src(%dma_wait3A_158 : memref<10240x128xf32, #tpu.memory_space<hbm>>) dst(%arg11 : memref<112x128xf32, #tpu.memory_space<vmem>>)
      %dma_start3A_159 = arith.constant 1 : i32
      %dma_start3A_160 = arith.constant 0 : i32
      %dma_start3A_161 = tpu.memref_slice %arg5[%dma_start3A_159, %dma_start3A_160] : memref<8x112xi32, #tpu.memory_space<vmem>> -> memref<1x112xi32, #tpu.memory_space<vmem>>
      %dma_start3A_162 = tpu.memref_squeeze %dma_start3A_161 : memref<1x112xi32, #tpu.memory_space<vmem>> -> memref<112xi32, #tpu.memory_space<vmem>>
      %dma_start3A_163 = arith.constant 0 : i32
      %dma_start3A_164 = arith.constant 0 : i32
      %dma_start3A_165 = tpu.memref_slice %arg14[%dma_start3A_163, %dma_start3A_164] : memref<10112x128xf32, #tpu.memory_space<vmem_shared>> -> memref<10112x128xf32, #tpu.memory_space<vmem_shared>>
      tpu.enqueue_indirect_dma source(%arg11 : memref<112x128xf32, #tpu.memory_space<vmem>>) target(%dma_start3A_165 : memref<10112x128xf32, #tpu.memory_space<vmem_shared>>) offsets(%dma_start3A_162 : memref<112xi32, #tpu.memory_space<vmem>>) semaphore(%arg24 : memref<!tpu.dma_semaphore, #tpu.memory_space<semaphore_mem>>) {add = true}
      %ge3A = arith.constant 1 : i32
      %ge3A_166 = arith.cmpi sge, %add3A_151, %ge3A : i32
      %convert_element_type3A = arith.extui %ge3A_166 : i1 to i32
      %cond3A = arith.constant 0 : i32
      %cond3A_167 = arith.cmpi ne, %convert_element_type3A, %cond3A : i32
      scf.if %cond3A_167 {
        %dma_wait3A_354 = arith.constant 1 : i32
        %dma_wait3A_355 = arith.constant 0 : i32
        %dma_wait3A_356 = tpu.memref_slice %arg10[%dma_wait3A_354, %dma_wait3A_355] : memref<8x112xi32, #tpu.memory_space<vmem>> -> memref<1x112xi32, #tpu.memory_space<vmem>>
        %dma_wait3A_357 = tpu.memref_squeeze %dma_wait3A_356 : memref<1x112xi32, #tpu.memory_space<vmem>> -> memref<112xi32, #tpu.memory_space<vmem>>
        %dma_wait3A_358 = arith.constant 0 : i32
        %dma_wait3A_359 = arith.constant 0 : i32
        %dma_wait3A_360 = tpu.memref_slice %arg14[%dma_wait3A_358, %dma_wait3A_359] : memref<10112x128xf32, #tpu.memory_space<vmem_shared>> -> memref<10112x128xf32, #tpu.memory_space<vmem_shared>>
        tpu.wait_indirect_dma semaphore(%arg26 : memref<!tpu.dma_semaphore, #tpu.memory_space<semaphore_mem>>) src(%arg13 : memref<112x128xf32, #tpu.memory_space<vmem>>) dst(%dma_wait3A_360 : memref<10112x128xf32, #tpu.memory_space<vmem_shared>>)
      } else {
      }
      %add3A_168 = arith.constant 2 : i32
      %add3A_169 = arith.addi %add3A_151, %add3A_168 : i32
      %lt3A = arith.cmpi slt, %add3A_169, %select_n3A : i32
      %convert_element_type3A_170 = arith.extui %lt3A : i1 to i32
      %cond3A_171 = arith.constant 0 : i32
      %cond3A_172 = arith.cmpi ne, %convert_element_type3A_170, %cond3A_171 : i32
      scf.if %cond3A_172 {
        %dma_wait3A_354 = arith.constant 0 : i32
        %dma_wait3A_355 = arith.constant 0 : i32
        %dma_wait3A_356 = arith.constant 0 : i32
        %dma_wait3A_357 = tpu.memref_slice %arg3[%add3A, %dma_wait3A_354, %dma_wait3A_355, %dma_wait3A_356] : memref<32x174x8x112xi32, #tpu.memory_space<hbm>> -> memref<1x1x8x112xi32, #tpu.memory_space<hbm>>
        %dma_wait3A_358 = tpu.memref_squeeze %dma_wait3A_357 : memref<1x1x8x112xi32, #tpu.memory_space<hbm>> -> memref<8x112xi32, #tpu.memory_space<hbm>>
        %dma_wait3A_359 = arith.constant 0 : i32
        %dma_wait3A_360 = arith.constant 0 : i32
        %dma_wait3A_361 = tpu.memref_slice %arg3[%add3A, %dma_wait3A_354, %dma_wait3A_359, %dma_wait3A_360] : memref<32x174x8x112xi32, #tpu.memory_space<hbm>> -> memref<1x1x8x112xi32, #tpu.memory_space<hbm>>
        %dma_wait3A_362 = tpu.memref_squeeze %dma_wait3A_361 : memref<1x1x8x112xi32, #tpu.memory_space<hbm>> -> memref<8x112xi32, #tpu.memory_space<hbm>>
        tpu.wait_dma2 semaphore(%arg17 : memref<!tpu.dma_semaphore, #tpu.memory_space<semaphore_mem>>) src(%dma_wait3A_362 : memref<8x112xi32, #tpu.memory_space<hbm>>) dst(%arg7 : memref<8x112xi32, #tpu.memory_space<vmem>>)
        %dma_start3A_363 = arith.constant 0 : i32
        %dma_start3A_364 = arith.constant 0 : i32
        %dma_start3A_365 = tpu.memref_slice %arg7[%dma_start3A_363, %dma_start3A_364] : memref<8x112xi32, #tpu.memory_space<vmem>> -> memref<1x112xi32, #tpu.memory_space<vmem>>
        %dma_start3A_366 = tpu.memref_squeeze %dma_start3A_365 : memref<1x112xi32, #tpu.memory_space<vmem>> -> memref<112xi32, #tpu.memory_space<vmem>>
        %dma_start3A_367 = arith.constant 0 : i32
        %dma_start3A_368 = arith.constant 0 : i32
        %dma_start3A_369 = tpu.memref_slice %arg2[%dma_start3A_367, %dma_start3A_368] : memref<10240x128xf32, #tpu.memory_space<hbm>> -> memref<10240x128xf32, #tpu.memory_space<hbm>>
        tpu.enqueue_indirect_dma source(%dma_start3A_369 : memref<10240x128xf32, #tpu.memory_space<hbm>>) target(%arg13 : memref<112x128xf32, #tpu.memory_space<vmem>>) offsets(%dma_start3A_366 : memref<112xi32, #tpu.memory_space<vmem>>) semaphore(%arg23 : memref<!tpu.dma_semaphore, #tpu.memory_space<semaphore_mem>>)
      } else {
      }
      %add3A_173 = arith.constant 5 : i32
      %add3A_174 = arith.addi %add3A_151, %add3A_173 : i32
      %lt3A_175 = arith.cmpi slt, %add3A_174, %select_n3A : i32
      %convert_element_type3A_176 = arith.extui %lt3A_175 : i1 to i32
      %cond3A_177 = arith.constant 0 : i32
      %cond3A_178 = arith.cmpi ne, %convert_element_type3A_176, %cond3A_177 : i32
      scf.if %cond3A_178 {
        %add3A_354 = arith.constant 5 : i32
        %add3A_355 = arith.addi %add3A_151, %add3A_354 : i32
        %dma_start3A_356 = arith.constant 0 : i32
        %dma_start3A_357 = arith.constant 0 : i32
        %dma_start3A_358 = tpu.memref_slice %arg3[%add3A, %add3A_355, %dma_start3A_356, %dma_start3A_357] : memref<32x174x8x112xi32, #tpu.memory_space<hbm>> -> memref<1x1x8x112xi32, #tpu.memory_space<hbm>>
        %dma_start3A_359 = tpu.memref_squeeze %dma_start3A_358 : memref<1x1x8x112xi32, #tpu.memory_space<hbm>> -> memref<8x112xi32, #tpu.memory_space<hbm>>
        %dma_start3A_360 = arith.constant 0 : i32
        %dma_start3A_361 = arith.constant 0 : i32
        %dma_start3A_362 = tpu.memref_slice %arg3[%add3A, %add3A_355, %dma_start3A_360, %dma_start3A_361] : memref<32x174x8x112xi32, #tpu.memory_space<hbm>> -> memref<1x1x8x112xi32, #tpu.memory_space<hbm>>
        %dma_start3A_363 = tpu.memref_squeeze %dma_start3A_362 : memref<1x1x8x112xi32, #tpu.memory_space<hbm>> -> memref<8x112xi32, #tpu.memory_space<hbm>>
        tpu.enqueue_dma source(%dma_start3A_363 : memref<8x112xi32, #tpu.memory_space<hbm>>) target(%arg10 : memref<8x112xi32, #tpu.memory_space<vmem>>) target_semaphore(%arg20 : memref<!tpu.dma_semaphore, #tpu.memory_space<semaphore_mem>>)
      } else {
      }
      %mul3A_179 = arith.constant 6 : i32
      %mul3A_180 = arith.muli %while3A_147, %mul3A_179 : i32
      %add3A_181 = arith.constant 1 : i32
      %add3A_182 = arith.addi %mul3A_180, %add3A_181 : i32
      %dma_wait3A_183 = arith.constant 0 : i32
      %dma_wait3A_184 = arith.constant 0 : i32
      %dma_wait3A_185 = tpu.memref_slice %arg6[%dma_wait3A_183, %dma_wait3A_184] : memref<8x112xi32, #tpu.memory_space<vmem>> -> memref<1x112xi32, #tpu.memory_space<vmem>>
      %dma_wait3A_186 = tpu.memref_squeeze %dma_wait3A_185 : memref<1x112xi32, #tpu.memory_space<vmem>> -> memref<112xi32, #tpu.memory_space<vmem>>
      %dma_wait3A_187 = arith.constant 0 : i32
      %dma_wait3A_188 = arith.constant 0 : i32
      %dma_wait3A_189 = tpu.memref_slice %arg2[%dma_wait3A_187, %dma_wait3A_188] : memref<10240x128xf32, #tpu.memory_space<hbm>> -> memref<10240x128xf32, #tpu.memory_space<hbm>>
      tpu.wait_indirect_dma semaphore(%arg22 : memref<!tpu.dma_semaphore, #tpu.memory_space<semaphore_mem>>) src(%dma_wait3A_189 : memref<10240x128xf32, #tpu.memory_space<hbm>>) dst(%arg12 : memref<112x128xf32, #tpu.memory_space<vmem>>)
      %dma_start3A_190 = arith.constant 1 : i32
      %dma_start3A_191 = arith.constant 0 : i32
      %dma_start3A_192 = tpu.memref_slice %arg6[%dma_start3A_190, %dma_start3A_191] : memref<8x112xi32, #tpu.memory_space<vmem>> -> memref<1x112xi32, #tpu.memory_space<vmem>>
      %dma_start3A_193 = tpu.memref_squeeze %dma_start3A_192 : memref<1x112xi32, #tpu.memory_space<vmem>> -> memref<112xi32, #tpu.memory_space<vmem>>
      %dma_start3A_194 = arith.constant 0 : i32
      %dma_start3A_195 = arith.constant 0 : i32
      %dma_start3A_196 = tpu.memref_slice %arg14[%dma_start3A_194, %dma_start3A_195] : memref<10112x128xf32, #tpu.memory_space<vmem_shared>> -> memref<10112x128xf32, #tpu.memory_space<vmem_shared>>
      tpu.enqueue_indirect_dma source(%arg12 : memref<112x128xf32, #tpu.memory_space<vmem>>) target(%dma_start3A_196 : memref<10112x128xf32, #tpu.memory_space<vmem_shared>>) offsets(%dma_start3A_193 : memref<112xi32, #tpu.memory_space<vmem>>) semaphore(%arg25 : memref<!tpu.dma_semaphore, #tpu.memory_space<semaphore_mem>>) {add = true}
      %ge3A_197 = arith.constant 1 : i32
      %ge3A_198 = arith.cmpi sge, %add3A_182, %ge3A_197 : i32
      %convert_element_type3A_199 = arith.extui %ge3A_198 : i1 to i32
      %cond3A_200 = arith.constant 0 : i32
      %cond3A_201 = arith.cmpi ne, %convert_element_type3A_199, %cond3A_200 : i32
      scf.if %cond3A_201 {
        %dma_wait3A_354 = arith.constant 1 : i32
        %dma_wait3A_355 = arith.constant 0 : i32
        %dma_wait3A_356 = tpu.memref_slice %arg5[%dma_wait3A_354, %dma_wait3A_355] : memref<8x112xi32, #tpu.memory_space<vmem>> -> memref<1x112xi32, #tpu.memory_space<vmem>>
        %dma_wait3A_357 = tpu.memref_squeeze %dma_wait3A_356 : memref<1x112xi32, #tpu.memory_space<vmem>> -> memref<112xi32, #tpu.memory_space<vmem>>
        %dma_wait3A_358 = arith.constant 0 : i32
        %dma_wait3A_359 = arith.constant 0 : i32
        %dma_wait3A_360 = tpu.memref_slice %arg14[%dma_wait3A_358, %dma_wait3A_359] : memref<10112x128xf32, #tpu.memory_space<vmem_shared>> -> memref<10112x128xf32, #tpu.memory_space<vmem_shared>>
        tpu.wait_indirect_dma semaphore(%arg24 : memref<!tpu.dma_semaphore, #tpu.memory_space<semaphore_mem>>) src(%arg11 : memref<112x128xf32, #tpu.memory_space<vmem>>) dst(%dma_wait3A_360 : memref<10112x128xf32, #tpu.memory_space<vmem_shared>>)
      } else {
      }
      %add3A_202 = arith.constant 2 : i32
      %add3A_203 = arith.addi %add3A_182, %add3A_202 : i32
      %lt3A_204 = arith.cmpi slt, %add3A_203, %select_n3A : i32
      %convert_element_type3A_205 = arith.extui %lt3A_204 : i1 to i32
      %cond3A_206 = arith.constant 0 : i32
      %cond3A_207 = arith.cmpi ne, %convert_element_type3A_205, %cond3A_206 : i32
      scf.if %cond3A_207 {
        %dma_wait3A_354 = arith.constant 0 : i32
        %dma_wait3A_355 = arith.constant 0 : i32
        %dma_wait3A_356 = arith.constant 0 : i32
        %dma_wait3A_357 = tpu.memref_slice %arg3[%add3A, %dma_wait3A_354, %dma_wait3A_355, %dma_wait3A_356] : memref<32x174x8x112xi32, #tpu.memory_space<hbm>> -> memref<1x1x8x112xi32, #tpu.memory_space<hbm>>
        %dma_wait3A_358 = tpu.memref_squeeze %dma_wait3A_357 : memref<1x1x8x112xi32, #tpu.memory_space<hbm>> -> memref<8x112xi32, #tpu.memory_space<hbm>>
        %dma_wait3A_359 = arith.constant 0 : i32
        %dma_wait3A_360 = arith.constant 0 : i32
        %dma_wait3A_361 = tpu.memref_slice %arg3[%add3A, %dma_wait3A_354, %dma_wait3A_359, %dma_wait3A_360] : memref<32x174x8x112xi32, #tpu.memory_space<hbm>> -> memref<1x1x8x112xi32, #tpu.memory_space<hbm>>
        %dma_wait3A_362 = tpu.memref_squeeze %dma_wait3A_361 : memref<1x1x8x112xi32, #tpu.memory_space<hbm>> -> memref<8x112xi32, #tpu.memory_space<hbm>>
        tpu.wait_dma2 semaphore(%arg18 : memref<!tpu.dma_semaphore, #tpu.memory_space<semaphore_mem>>) src(%dma_wait3A_362 : memref<8x112xi32, #tpu.memory_space<hbm>>) dst(%arg8 : memref<8x112xi32, #tpu.memory_space<vmem>>)
        %dma_start3A_363 = arith.constant 0 : i32
        %dma_start3A_364 = arith.constant 0 : i32
        %dma_start3A_365 = tpu.memref_slice %arg8[%dma_start3A_363, %dma_start3A_364] : memref<8x112xi32, #tpu.memory_space<vmem>> -> memref<1x112xi32, #tpu.memory_space<vmem>>
        %dma_start3A_366 = tpu.memref_squeeze %dma_start3A_365 : memref<1x112xi32, #tpu.memory_space<vmem>> -> memref<112xi32, #tpu.memory_space<vmem>>
        %dma_start3A_367 = arith.constant 0 : i32
        %dma_start3A_368 = arith.constant 0 : i32
        %dma_start3A_369 = tpu.memref_slice %arg2[%dma_start3A_367, %dma_start3A_368] : memref<10240x128xf32, #tpu.memory_space<hbm>> -> memref<10240x128xf32, #tpu.memory_space<hbm>>
        tpu.enqueue_indirect_dma source(%dma_start3A_369 : memref<10240x128xf32, #tpu.memory_space<hbm>>) target(%arg11 : memref<112x128xf32, #tpu.memory_space<vmem>>) offsets(%dma_start3A_366 : memref<112xi32, #tpu.memory_space<vmem>>) semaphore(%arg21 : memref<!tpu.dma_semaphore, #tpu.memory_space<semaphore_mem>>)
      } else {
      }
      %add3A_208 = arith.constant 5 : i32
      %add3A_209 = arith.addi %add3A_182, %add3A_208 : i32
      %lt3A_210 = arith.cmpi slt, %add3A_209, %select_n3A : i32
      %convert_element_type3A_211 = arith.extui %lt3A_210 : i1 to i32
      %cond3A_212 = arith.constant 0 : i32
      %cond3A_213 = arith.cmpi ne, %convert_element_type3A_211, %cond3A_212 : i32
      scf.if %cond3A_213 {
        %add3A_354 = arith.constant 5 : i32
        %add3A_355 = arith.addi %add3A_182, %add3A_354 : i32
        %dma_start3A_356 = arith.constant 0 : i32
        %dma_start3A_357 = arith.constant 0 : i32
        %dma_start3A_358 = tpu.memref_slice %arg3[%add3A, %add3A_355, %dma_start3A_356, %dma_start3A_357] : memref<32x174x8x112xi32, #tpu.memory_space<hbm>> -> memref<1x1x8x112xi32, #tpu.memory_space<hbm>>
        %dma_start3A_359 = tpu.memref_squeeze %dma_start3A_358 : memref<1x1x8x112xi32, #tpu.memory_space<hbm>> -> memref<8x112xi32, #tpu.memory_space<hbm>>
        %dma_start3A_360 = arith.constant 0 : i32
        %dma_start3A_361 = arith.constant 0 : i32
        %dma_start3A_362 = tpu.memref_slice %arg3[%add3A, %add3A_355, %dma_start3A_360, %dma_start3A_361] : memref<32x174x8x112xi32, #tpu.memory_space<hbm>> -> memref<1x1x8x112xi32, #tpu.memory_space<hbm>>
        %dma_start3A_363 = tpu.memref_squeeze %dma_start3A_362 : memref<1x1x8x112xi32, #tpu.memory_space<hbm>> -> memref<8x112xi32, #tpu.memory_space<hbm>>
        tpu.enqueue_dma source(%dma_start3A_363 : memref<8x112xi32, #tpu.memory_space<hbm>>) target(%arg5 : memref<8x112xi32, #tpu.memory_space<vmem>>) target_semaphore(%arg15 : memref<!tpu.dma_semaphore, #tpu.memory_space<semaphore_mem>>)
      } else {
      }
      %mul3A_214 = arith.constant 6 : i32
      %mul3A_215 = arith.muli %while3A_147, %mul3A_214 : i32
      %add3A_216 = arith.constant 2 : i32
      %add3A_217 = arith.addi %mul3A_215, %add3A_216 : i32
      %dma_wait3A_218 = arith.constant 0 : i32
      %dma_wait3A_219 = arith.constant 0 : i32
      %dma_wait3A_220 = tpu.memref_slice %arg7[%dma_wait3A_218, %dma_wait3A_219] : memref<8x112xi32, #tpu.memory_space<vmem>> -> memref<1x112xi32, #tpu.memory_space<vmem>>
      %dma_wait3A_221 = tpu.memref_squeeze %dma_wait3A_220 : memref<1x112xi32, #tpu.memory_space<vmem>> -> memref<112xi32, #tpu.memory_space<vmem>>
      %dma_wait3A_222 = arith.constant 0 : i32
      %dma_wait3A_223 = arith.constant 0 : i32
      %dma_wait3A_224 = tpu.memref_slice %arg2[%dma_wait3A_222, %dma_wait3A_223] : memref<10240x128xf32, #tpu.memory_space<hbm>> -> memref<10240x128xf32, #tpu.memory_space<hbm>>
      tpu.wait_indirect_dma semaphore(%arg23 : memref<!tpu.dma_semaphore, #tpu.memory_space<semaphore_mem>>) src(%dma_wait3A_224 : memref<10240x128xf32, #tpu.memory_space<hbm>>) dst(%arg13 : memref<112x128xf32, #tpu.memory_space<vmem>>)
      %dma_start3A_225 = arith.constant 1 : i32
      %dma_start3A_226 = arith.constant 0 : i32
      %dma_start3A_227 = tpu.memref_slice %arg7[%dma_start3A_225, %dma_start3A_226] : memref<8x112xi32, #tpu.memory_space<vmem>> -> memref<1x112xi32, #tpu.memory_space<vmem>>
      %dma_start3A_228 = tpu.memref_squeeze %dma_start3A_227 : memref<1x112xi32, #tpu.memory_space<vmem>> -> memref<112xi32, #tpu.memory_space<vmem>>
      %dma_start3A_229 = arith.constant 0 : i32
      %dma_start3A_230 = arith.constant 0 : i32
      %dma_start3A_231 = tpu.memref_slice %arg14[%dma_start3A_229, %dma_start3A_230] : memref<10112x128xf32, #tpu.memory_space<vmem_shared>> -> memref<10112x128xf32, #tpu.memory_space<vmem_shared>>
      tpu.enqueue_indirect_dma source(%arg13 : memref<112x128xf32, #tpu.memory_space<vmem>>) target(%dma_start3A_231 : memref<10112x128xf32, #tpu.memory_space<vmem_shared>>) offsets(%dma_start3A_228 : memref<112xi32, #tpu.memory_space<vmem>>) semaphore(%arg26 : memref<!tpu.dma_semaphore, #tpu.memory_space<semaphore_mem>>) {add = true}
      %ge3A_232 = arith.constant 1 : i32
      %ge3A_233 = arith.cmpi sge, %add3A_217, %ge3A_232 : i32
      %convert_element_type3A_234 = arith.extui %ge3A_233 : i1 to i32
      %cond3A_235 = arith.constant 0 : i32
      %cond3A_236 = arith.cmpi ne, %convert_element_type3A_234, %cond3A_235 : i32
      scf.if %cond3A_236 {
        %dma_wait3A_354 = arith.constant 1 : i32
        %dma_wait3A_355 = arith.constant 0 : i32
        %dma_wait3A_356 = tpu.memref_slice %arg6[%dma_wait3A_354, %dma_wait3A_355] : memref<8x112xi32, #tpu.memory_space<vmem>> -> memref<1x112xi32, #tpu.memory_space<vmem>>
        %dma_wait3A_357 = tpu.memref_squeeze %dma_wait3A_356 : memref<1x112xi32, #tpu.memory_space<vmem>> -> memref<112xi32, #tpu.memory_space<vmem>>
        %dma_wait3A_358 = arith.constant 0 : i32
        %dma_wait3A_359 = arith.constant 0 : i32
        %dma_wait3A_360 = tpu.memref_slice %arg14[%dma_wait3A_358, %dma_wait3A_359] : memref<10112x128xf32, #tpu.memory_space<vmem_shared>> -> memref<10112x128xf32, #tpu.memory_space<vmem_shared>>
        tpu.wait_indirect_dma semaphore(%arg25 : memref<!tpu.dma_semaphore, #tpu.memory_space<semaphore_mem>>) src(%arg12 : memref<112x128xf32, #tpu.memory_space<vmem>>) dst(%dma_wait3A_360 : memref<10112x128xf32, #tpu.memory_space<vmem_shared>>)
      } else {
      }
      %add3A_237 = arith.constant 2 : i32
      %add3A_238 = arith.addi %add3A_217, %add3A_237 : i32
      %lt3A_239 = arith.cmpi slt, %add3A_238, %select_n3A : i32
      %convert_element_type3A_240 = arith.extui %lt3A_239 : i1 to i32
      %cond3A_241 = arith.constant 0 : i32
      %cond3A_242 = arith.cmpi ne, %convert_element_type3A_240, %cond3A_241 : i32
      scf.if %cond3A_242 {
        %dma_wait3A_354 = arith.constant 0 : i32
        %dma_wait3A_355 = arith.constant 0 : i32
        %dma_wait3A_356 = arith.constant 0 : i32
        %dma_wait3A_357 = tpu.memref_slice %arg3[%add3A, %dma_wait3A_354, %dma_wait3A_355, %dma_wait3A_356] : memref<32x174x8x112xi32, #tpu.memory_space<hbm>> -> memref<1x1x8x112xi32, #tpu.memory_space<hbm>>
        %dma_wait3A_358 = tpu.memref_squeeze %dma_wait3A_357 : memref<1x1x8x112xi32, #tpu.memory_space<hbm>> -> memref<8x112xi32, #tpu.memory_space<hbm>>
        %dma_wait3A_359 = arith.constant 0 : i32
        %dma_wait3A_360 = arith.constant 0 : i32
        %dma_wait3A_361 = tpu.memref_slice %arg3[%add3A, %dma_wait3A_354, %dma_wait3A_359, %dma_wait3A_360] : memref<32x174x8x112xi32, #tpu.memory_space<hbm>> -> memref<1x1x8x112xi32, #tpu.memory_space<hbm>>
        %dma_wait3A_362 = tpu.memref_squeeze %dma_wait3A_361 : memref<1x1x8x112xi32, #tpu.memory_space<hbm>> -> memref<8x112xi32, #tpu.memory_space<hbm>>
        tpu.wait_dma2 semaphore(%arg19 : memref<!tpu.dma_semaphore, #tpu.memory_space<semaphore_mem>>) src(%dma_wait3A_362 : memref<8x112xi32, #tpu.memory_space<hbm>>) dst(%arg9 : memref<8x112xi32, #tpu.memory_space<vmem>>)
        %dma_start3A_363 = arith.constant 0 : i32
        %dma_start3A_364 = arith.constant 0 : i32
        %dma_start3A_365 = tpu.memref_slice %arg9[%dma_start3A_363, %dma_start3A_364] : memref<8x112xi32, #tpu.memory_space<vmem>> -> memref<1x112xi32, #tpu.memory_space<vmem>>
        %dma_start3A_366 = tpu.memref_squeeze %dma_start3A_365 : memref<1x112xi32, #tpu.memory_space<vmem>> -> memref<112xi32, #tpu.memory_space<vmem>>
        %dma_start3A_367 = arith.constant 0 : i32
        %dma_start3A_368 = arith.constant 0 : i32
        %dma_start3A_369 = tpu.memref_slice %arg2[%dma_start3A_367, %dma_start3A_368] : memref<10240x128xf32, #tpu.memory_space<hbm>> -> memref<10240x128xf32, #tpu.memory_space<hbm>>
        tpu.enqueue_indirect_dma source(%dma_start3A_369 : memref<10240x128xf32, #tpu.memory_space<hbm>>) target(%arg12 : memref<112x128xf32, #tpu.memory_space<vmem>>) offsets(%dma_start3A_366 : memref<112xi32, #tpu.memory_space<vmem>>) semaphore(%arg22 : memref<!tpu.dma_semaphore, #tpu.memory_space<semaphore_mem>>)
      } else {
      }
      %add3A_243 = arith.constant 5 : i32
      %add3A_244 = arith.addi %add3A_217, %add3A_243 : i32
      %lt3A_245 = arith.cmpi slt, %add3A_244, %select_n3A : i32
      %convert_element_type3A_246 = arith.extui %lt3A_245 : i1 to i32
      %cond3A_247 = arith.constant 0 : i32
      %cond3A_248 = arith.cmpi ne, %convert_element_type3A_246, %cond3A_247 : i32
      scf.if %cond3A_248 {
        %add3A_354 = arith.constant 5 : i32
        %add3A_355 = arith.addi %add3A_217, %add3A_354 : i32
        %dma_start3A_356 = arith.constant 0 : i32
        %dma_start3A_357 = arith.constant 0 : i32
        %dma_start3A_358 = tpu.memref_slice %arg3[%add3A, %add3A_355, %dma_start3A_356, %dma_start3A_357] : memref<32x174x8x112xi32, #tpu.memory_space<hbm>> -> memref<1x1x8x112xi32, #tpu.memory_space<hbm>>
        %dma_start3A_359 = tpu.memref_squeeze %dma_start3A_358 : memref<1x1x8x112xi32, #tpu.memory_space<hbm>> -> memref<8x112xi32, #tpu.memory_space<hbm>>
        %dma_start3A_360 = arith.constant 0 : i32
        %dma_start3A_361 = arith.constant 0 : i32
        %dma_start3A_362 = tpu.memref_slice %arg3[%add3A, %add3A_355, %dma_start3A_360, %dma_start3A_361] : memref<32x174x8x112xi32, #tpu.memory_space<hbm>> -> memref<1x1x8x112xi32, #tpu.memory_space<hbm>>
        %dma_start3A_363 = tpu.memref_squeeze %dma_start3A_362 : memref<1x1x8x112xi32, #tpu.memory_space<hbm>> -> memref<8x112xi32, #tpu.memory_space<hbm>>
        tpu.enqueue_dma source(%dma_start3A_363 : memref<8x112xi32, #tpu.memory_space<hbm>>) target(%arg6 : memref<8x112xi32, #tpu.memory_space<vmem>>) target_semaphore(%arg16 : memref<!tpu.dma_semaphore, #tpu.memory_space<semaphore_mem>>)
      } else {
      }
      %mul3A_249 = arith.constant 6 : i32
      %mul3A_250 = arith.muli %while3A_147, %mul3A_249 : i32
      %add3A_251 = arith.constant 3 : i32
      %add3A_252 = arith.addi %mul3A_250, %add3A_251 : i32
      %dma_wait3A_253 = arith.constant 0 : i32
      %dma_wait3A_254 = arith.constant 0 : i32
      %dma_wait3A_255 = tpu.memref_slice %arg8[%dma_wait3A_253, %dma_wait3A_254] : memref<8x112xi32, #tpu.memory_space<vmem>> -> memref<1x112xi32, #tpu.memory_space<vmem>>
      %dma_wait3A_256 = tpu.memref_squeeze %dma_wait3A_255 : memref<1x112xi32, #tpu.memory_space<vmem>> -> memref<112xi32, #tpu.memory_space<vmem>>
      %dma_wait3A_257 = arith.constant 0 : i32
      %dma_wait3A_258 = arith.constant 0 : i32
      %dma_wait3A_259 = tpu.memref_slice %arg2[%dma_wait3A_257, %dma_wait3A_258] : memref<10240x128xf32, #tpu.memory_space<hbm>> -> memref<10240x128xf32, #tpu.memory_space<hbm>>
      tpu.wait_indirect_dma semaphore(%arg21 : memref<!tpu.dma_semaphore, #tpu.memory_space<semaphore_mem>>) src(%dma_wait3A_259 : memref<10240x128xf32, #tpu.memory_space<hbm>>) dst(%arg11 : memref<112x128xf32, #tpu.memory_space<vmem>>)
      %dma_start3A_260 = arith.constant 1 : i32
      %dma_start3A_261 = arith.constant 0 : i32
      %dma_start3A_262 = tpu.memref_slice %arg8[%dma_start3A_260, %dma_start3A_261] : memref<8x112xi32, #tpu.memory_space<vmem>> -> memref<1x112xi32, #tpu.memory_space<vmem>>
      %dma_start3A_263 = tpu.memref_squeeze %dma_start3A_262 : memref<1x112xi32, #tpu.memory_space<vmem>> -> memref<112xi32, #tpu.memory_space<vmem>>
      %dma_start3A_264 = arith.constant 0 : i32
      %dma_start3A_265 = arith.constant 0 : i32
      %dma_start3A_266 = tpu.memref_slice %arg14[%dma_start3A_264, %dma_start3A_265] : memref<10112x128xf32, #tpu.memory_space<vmem_shared>> -> memref<10112x128xf32, #tpu.memory_space<vmem_shared>>
      tpu.enqueue_indirect_dma source(%arg11 : memref<112x128xf32, #tpu.memory_space<vmem>>) target(%dma_start3A_266 : memref<10112x128xf32, #tpu.memory_space<vmem_shared>>) offsets(%dma_start3A_263 : memref<112xi32, #tpu.memory_space<vmem>>) semaphore(%arg24 : memref<!tpu.dma_semaphore, #tpu.memory_space<semaphore_mem>>) {add = true}
      %ge3A_267 = arith.constant 1 : i32
      %ge3A_268 = arith.cmpi sge, %add3A_252, %ge3A_267 : i32
      %convert_element_type3A_269 = arith.extui %ge3A_268 : i1 to i32
      %cond3A_270 = arith.constant 0 : i32
      %cond3A_271 = arith.cmpi ne, %convert_element_type3A_269, %cond3A_270 : i32
      scf.if %cond3A_271 {
        %dma_wait3A_354 = arith.constant 1 : i32
        %dma_wait3A_355 = arith.constant 0 : i32
        %dma_wait3A_356 = tpu.memref_slice %arg7[%dma_wait3A_354, %dma_wait3A_355] : memref<8x112xi32, #tpu.memory_space<vmem>> -> memref<1x112xi32, #tpu.memory_space<vmem>>
        %dma_wait3A_357 = tpu.memref_squeeze %dma_wait3A_356 : memref<1x112xi32, #tpu.memory_space<vmem>> -> memref<112xi32, #tpu.memory_space<vmem>>
        %dma_wait3A_358 = arith.constant 0 : i32
        %dma_wait3A_359 = arith.constant 0 : i32
        %dma_wait3A_360 = tpu.memref_slice %arg14[%dma_wait3A_358, %dma_wait3A_359] : memref<10112x128xf32, #tpu.memory_space<vmem_shared>> -> memref<10112x128xf32, #tpu.memory_space<vmem_shared>>
        tpu.wait_indirect_dma semaphore(%arg26 : memref<!tpu.dma_semaphore, #tpu.memory_space<semaphore_mem>>) src(%arg13 : memref<112x128xf32, #tpu.memory_space<vmem>>) dst(%dma_wait3A_360 : memref<10112x128xf32, #tpu.memory_space<vmem_shared>>)
      } else {
      }
      %add3A_272 = arith.constant 2 : i32
      %add3A_273 = arith.addi %add3A_252, %add3A_272 : i32
      %lt3A_274 = arith.cmpi slt, %add3A_273, %select_n3A : i32
      %convert_element_type3A_275 = arith.extui %lt3A_274 : i1 to i32
      %cond3A_276 = arith.constant 0 : i32
      %cond3A_277 = arith.cmpi ne, %convert_element_type3A_275, %cond3A_276 : i32
      scf.if %cond3A_277 {
        %dma_wait3A_354 = arith.constant 0 : i32
        %dma_wait3A_355 = arith.constant 0 : i32
        %dma_wait3A_356 = arith.constant 0 : i32
        %dma_wait3A_357 = tpu.memref_slice %arg3[%add3A, %dma_wait3A_354, %dma_wait3A_355, %dma_wait3A_356] : memref<32x174x8x112xi32, #tpu.memory_space<hbm>> -> memref<1x1x8x112xi32, #tpu.memory_space<hbm>>
        %dma_wait3A_358 = tpu.memref_squeeze %dma_wait3A_357 : memref<1x1x8x112xi32, #tpu.memory_space<hbm>> -> memref<8x112xi32, #tpu.memory_space<hbm>>
        %dma_wait3A_359 = arith.constant 0 : i32
        %dma_wait3A_360 = arith.constant 0 : i32
        %dma_wait3A_361 = tpu.memref_slice %arg3[%add3A, %dma_wait3A_354, %dma_wait3A_359, %dma_wait3A_360] : memref<32x174x8x112xi32, #tpu.memory_space<hbm>> -> memref<1x1x8x112xi32, #tpu.memory_space<hbm>>
        %dma_wait3A_362 = tpu.memref_squeeze %dma_wait3A_361 : memref<1x1x8x112xi32, #tpu.memory_space<hbm>> -> memref<8x112xi32, #tpu.memory_space<hbm>>
        tpu.wait_dma2 semaphore(%arg20 : memref<!tpu.dma_semaphore, #tpu.memory_space<semaphore_mem>>) src(%dma_wait3A_362 : memref<8x112xi32, #tpu.memory_space<hbm>>) dst(%arg10 : memref<8x112xi32, #tpu.memory_space<vmem>>)
        %dma_start3A_363 = arith.constant 0 : i32
        %dma_start3A_364 = arith.constant 0 : i32
        %dma_start3A_365 = tpu.memref_slice %arg10[%dma_start3A_363, %dma_start3A_364] : memref<8x112xi32, #tpu.memory_space<vmem>> -> memref<1x112xi32, #tpu.memory_space<vmem>>
        %dma_start3A_366 = tpu.memref_squeeze %dma_start3A_365 : memref<1x112xi32, #tpu.memory_space<vmem>> -> memref<112xi32, #tpu.memory_space<vmem>>
        %dma_start3A_367 = arith.constant 0 : i32
        %dma_start3A_368 = arith.constant 0 : i32
        %dma_start3A_369 = tpu.memref_slice %arg2[%dma_start3A_367, %dma_start3A_368] : memref<10240x128xf32, #tpu.memory_space<hbm>> -> memref<10240x128xf32, #tpu.memory_space<hbm>>
        tpu.enqueue_indirect_dma source(%dma_start3A_369 : memref<10240x128xf32, #tpu.memory_space<hbm>>) target(%arg13 : memref<112x128xf32, #tpu.memory_space<vmem>>) offsets(%dma_start3A_366 : memref<112xi32, #tpu.memory_space<vmem>>) semaphore(%arg23 : memref<!tpu.dma_semaphore, #tpu.memory_space<semaphore_mem>>)
      } else {
      }
      %add3A_278 = arith.constant 5 : i32
      %add3A_279 = arith.addi %add3A_252, %add3A_278 : i32
      %lt3A_280 = arith.cmpi slt, %add3A_279, %select_n3A : i32
      %convert_element_type3A_281 = arith.extui %lt3A_280 : i1 to i32
      %cond3A_282 = arith.constant 0 : i32
      %cond3A_283 = arith.cmpi ne, %convert_element_type3A_281, %cond3A_282 : i32
      scf.if %cond3A_283 {
        %add3A_354 = arith.constant 5 : i32
        %add3A_355 = arith.addi %add3A_252, %add3A_354 : i32
        %dma_start3A_356 = arith.constant 0 : i32
        %dma_start3A_357 = arith.constant 0 : i32
        %dma_start3A_358 = tpu.memref_slice %arg3[%add3A, %add3A_355, %dma_start3A_356, %dma_start3A_357] : memref<32x174x8x112xi32, #tpu.memory_space<hbm>> -> memref<1x1x8x112xi32, #tpu.memory_space<hbm>>
        %dma_start3A_359 = tpu.memref_squeeze %dma_start3A_358 : memref<1x1x8x112xi32, #tpu.memory_space<hbm>> -> memref<8x112xi32, #tpu.memory_space<hbm>>
        %dma_start3A_360 = arith.constant 0 : i32
        %dma_start3A_361 = arith.constant 0 : i32
        %dma_start3A_362 = tpu.memref_slice %arg3[%add3A, %add3A_355, %dma_start3A_360, %dma_start3A_361] : memref<32x174x8x112xi32, #tpu.memory_space<hbm>> -> memref<1x1x8x112xi32, #tpu.memory_space<hbm>>
        %dma_start3A_363 = tpu.memref_squeeze %dma_start3A_362 : memref<1x1x8x112xi32, #tpu.memory_space<hbm>> -> memref<8x112xi32, #tpu.memory_space<hbm>>
        tpu.enqueue_dma source(%dma_start3A_363 : memref<8x112xi32, #tpu.memory_space<hbm>>) target(%arg7 : memref<8x112xi32, #tpu.memory_space<vmem>>) target_semaphore(%arg17 : memref<!tpu.dma_semaphore, #tpu.memory_space<semaphore_mem>>)
      } else {
      }
      %mul3A_284 = arith.constant 6 : i32
      %mul3A_285 = arith.muli %while3A_147, %mul3A_284 : i32
      %add3A_286 = arith.constant 4 : i32
      %add3A_287 = arith.addi %mul3A_285, %add3A_286 : i32
      %dma_wait3A_288 = arith.constant 0 : i32
      %dma_wait3A_289 = arith.constant 0 : i32
      %dma_wait3A_290 = tpu.memref_slice %arg9[%dma_wait3A_288, %dma_wait3A_289] : memref<8x112xi32, #tpu.memory_space<vmem>> -> memref<1x112xi32, #tpu.memory_space<vmem>>
      %dma_wait3A_291 = tpu.memref_squeeze %dma_wait3A_290 : memref<1x112xi32, #tpu.memory_space<vmem>> -> memref<112xi32, #tpu.memory_space<vmem>>
      %dma_wait3A_292 = arith.constant 0 : i32
      %dma_wait3A_293 = arith.constant 0 : i32
      %dma_wait3A_294 = tpu.memref_slice %arg2[%dma_wait3A_292, %dma_wait3A_293] : memref<10240x128xf32, #tpu.memory_space<hbm>> -> memref<10240x128xf32, #tpu.memory_space<hbm>>
      tpu.wait_indirect_dma semaphore(%arg22 : memref<!tpu.dma_semaphore, #tpu.memory_space<semaphore_mem>>) src(%dma_wait3A_294 : memref<10240x128xf32, #tpu.memory_space<hbm>>) dst(%arg12 : memref<112x128xf32, #tpu.memory_space<vmem>>)
      %dma_start3A_295 = arith.constant 1 : i32
      %dma_start3A_296 = arith.constant 0 : i32
      %dma_start3A_297 = tpu.memref_slice %arg9[%dma_start3A_295, %dma_start3A_296] : memref<8x112xi32, #tpu.memory_space<vmem>> -> memref<1x112xi32, #tpu.memory_space<vmem>>
      %dma_start3A_298 = tpu.memref_squeeze %dma_start3A_297 : memref<1x112xi32, #tpu.memory_space<vmem>> -> memref<112xi32, #tpu.memory_space<vmem>>
      %dma_start3A_299 = arith.constant 0 : i32
      %dma_start3A_300 = arith.constant 0 : i32
      %dma_start3A_301 = tpu.memref_slice %arg14[%dma_start3A_299, %dma_start3A_300] : memref<10112x128xf32, #tpu.memory_space<vmem_shared>> -> memref<10112x128xf32, #tpu.memory_space<vmem_shared>>
      tpu.enqueue_indirect_dma source(%arg12 : memref<112x128xf32, #tpu.memory_space<vmem>>) target(%dma_start3A_301 : memref<10112x128xf32, #tpu.memory_space<vmem_shared>>) offsets(%dma_start3A_298 : memref<112xi32, #tpu.memory_space<vmem>>) semaphore(%arg25 : memref<!tpu.dma_semaphore, #tpu.memory_space<semaphore_mem>>) {add = true}
      %ge3A_302 = arith.constant 1 : i32
      %ge3A_303 = arith.cmpi sge, %add3A_287, %ge3A_302 : i32
      %convert_element_type3A_304 = arith.extui %ge3A_303 : i1 to i32
      %cond3A_305 = arith.constant 0 : i32
      %cond3A_306 = arith.cmpi ne, %convert_element_type3A_304, %cond3A_305 : i32
      scf.if %cond3A_306 {
        %dma_wait3A_354 = arith.constant 1 : i32
        %dma_wait3A_355 = arith.constant 0 : i32
        %dma_wait3A_356 = tpu.memref_slice %arg8[%dma_wait3A_354, %dma_wait3A_355] : memref<8x112xi32, #tpu.memory_space<vmem>> -> memref<1x112xi32, #tpu.memory_space<vmem>>
        %dma_wait3A_357 = tpu.memref_squeeze %dma_wait3A_356 : memref<1x112xi32, #tpu.memory_space<vmem>> -> memref<112xi32, #tpu.memory_space<vmem>>
        %dma_wait3A_358 = arith.constant 0 : i32
        %dma_wait3A_359 = arith.constant 0 : i32
        %dma_wait3A_360 = tpu.memref_slice %arg14[%dma_wait3A_358, %dma_wait3A_359] : memref<10112x128xf32, #tpu.memory_space<vmem_shared>> -> memref<10112x128xf32, #tpu.memory_space<vmem_shared>>
        tpu.wait_indirect_dma semaphore(%arg24 : memref<!tpu.dma_semaphore, #tpu.memory_space<semaphore_mem>>) src(%arg11 : memref<112x128xf32, #tpu.memory_space<vmem>>) dst(%dma_wait3A_360 : memref<10112x128xf32, #tpu.memory_space<vmem_shared>>)
      } else {
      }
      %add3A_307 = arith.constant 2 : i32
      %add3A_308 = arith.addi %add3A_287, %add3A_307 : i32
      %lt3A_309 = arith.cmpi slt, %add3A_308, %select_n3A : i32
      %convert_element_type3A_310 = arith.extui %lt3A_309 : i1 to i32
      %cond3A_311 = arith.constant 0 : i32
      %cond3A_312 = arith.cmpi ne, %convert_element_type3A_310, %cond3A_311 : i32
      scf.if %cond3A_312 {
        %dma_wait3A_354 = arith.constant 0 : i32
        %dma_wait3A_355 = arith.constant 0 : i32
        %dma_wait3A_356 = arith.constant 0 : i32
        %dma_wait3A_357 = tpu.memref_slice %arg3[%add3A, %dma_wait3A_354, %dma_wait3A_355, %dma_wait3A_356] : memref<32x174x8x112xi32, #tpu.memory_space<hbm>> -> memref<1x1x8x112xi32, #tpu.memory_space<hbm>>
        %dma_wait3A_358 = tpu.memref_squeeze %dma_wait3A_357 : memref<1x1x8x112xi32, #tpu.memory_space<hbm>> -> memref<8x112xi32, #tpu.memory_space<hbm>>
        %dma_wait3A_359 = arith.constant 0 : i32
        %dma_wait3A_360 = arith.constant 0 : i32
        %dma_wait3A_361 = tpu.memref_slice %arg3[%add3A, %dma_wait3A_354, %dma_wait3A_359, %dma_wait3A_360] : memref<32x174x8x112xi32, #tpu.memory_space<hbm>> -> memref<1x1x8x112xi32, #tpu.memory_space<hbm>>
        %dma_wait3A_362 = tpu.memref_squeeze %dma_wait3A_361 : memref<1x1x8x112xi32, #tpu.memory_space<hbm>> -> memref<8x112xi32, #tpu.memory_space<hbm>>
        tpu.wait_dma2 semaphore(%arg15 : memref<!tpu.dma_semaphore, #tpu.memory_space<semaphore_mem>>) src(%dma_wait3A_362 : memref<8x112xi32, #tpu.memory_space<hbm>>) dst(%arg5 : memref<8x112xi32, #tpu.memory_space<vmem>>)
        %dma_start3A_363 = arith.constant 0 : i32
        %dma_start3A_364 = arith.constant 0 : i32
        %dma_start3A_365 = tpu.memref_slice %arg5[%dma_start3A_363, %dma_start3A_364] : memref<8x112xi32, #tpu.memory_space<vmem>> -> memref<1x112xi32, #tpu.memory_space<vmem>>
        %dma_start3A_366 = tpu.memref_squeeze %dma_start3A_365 : memref<1x112xi32, #tpu.memory_space<vmem>> -> memref<112xi32, #tpu.memory_space<vmem>>
        %dma_start3A_367 = arith.constant 0 : i32
        %dma_start3A_368 = arith.constant 0 : i32
        %dma_start3A_369 = tpu.memref_slice %arg2[%dma_start3A_367, %dma_start3A_368] : memref<10240x128xf32, #tpu.memory_space<hbm>> -> memref<10240x128xf32, #tpu.memory_space<hbm>>
        tpu.enqueue_indirect_dma source(%dma_start3A_369 : memref<10240x128xf32, #tpu.memory_space<hbm>>) target(%arg11 : memref<112x128xf32, #tpu.memory_space<vmem>>) offsets(%dma_start3A_366 : memref<112xi32, #tpu.memory_space<vmem>>) semaphore(%arg21 : memref<!tpu.dma_semaphore, #tpu.memory_space<semaphore_mem>>)
      } else {
      }
      %add3A_313 = arith.constant 5 : i32
      %add3A_314 = arith.addi %add3A_287, %add3A_313 : i32
      %lt3A_315 = arith.cmpi slt, %add3A_314, %select_n3A : i32
      %convert_element_type3A_316 = arith.extui %lt3A_315 : i1 to i32
      %cond3A_317 = arith.constant 0 : i32
      %cond3A_318 = arith.cmpi ne, %convert_element_type3A_316, %cond3A_317 : i32
      scf.if %cond3A_318 {
        %add3A_354 = arith.constant 5 : i32
        %add3A_355 = arith.addi %add3A_287, %add3A_354 : i32
        %dma_start3A_356 = arith.constant 0 : i32
        %dma_start3A_357 = arith.constant 0 : i32
        %dma_start3A_358 = tpu.memref_slice %arg3[%add3A, %add3A_355, %dma_start3A_356, %dma_start3A_357] : memref<32x174x8x112xi32, #tpu.memory_space<hbm>> -> memref<1x1x8x112xi32, #tpu.memory_space<hbm>>
        %dma_start3A_359 = tpu.memref_squeeze %dma_start3A_358 : memref<1x1x8x112xi32, #tpu.memory_space<hbm>> -> memref<8x112xi32, #tpu.memory_space<hbm>>
        %dma_start3A_360 = arith.constant 0 : i32
        %dma_start3A_361 = arith.constant 0 : i32
        %dma_start3A_362 = tpu.memref_slice %arg3[%add3A, %add3A_355, %dma_start3A_360, %dma_start3A_361] : memref<32x174x8x112xi32, #tpu.memory_space<hbm>> -> memref<1x1x8x112xi32, #tpu.memory_space<hbm>>
        %dma_start3A_363 = tpu.memref_squeeze %dma_start3A_362 : memref<1x1x8x112xi32, #tpu.memory_space<hbm>> -> memref<8x112xi32, #tpu.memory_space<hbm>>
        tpu.enqueue_dma source(%dma_start3A_363 : memref<8x112xi32, #tpu.memory_space<hbm>>) target(%arg8 : memref<8x112xi32, #tpu.memory_space<vmem>>) target_semaphore(%arg18 : memref<!tpu.dma_semaphore, #tpu.memory_space<semaphore_mem>>)
      } else {
      }
      %mul3A_319 = arith.constant 6 : i32
      %mul3A_320 = arith.muli %while3A_147, %mul3A_319 : i32
      %add3A_321 = arith.constant 5 : i32
      %add3A_322 = arith.addi %mul3A_320, %add3A_321 : i32
      %dma_wait3A_323 = arith.constant 0 : i32
      %dma_wait3A_324 = arith.constant 0 : i32
      %dma_wait3A_325 = tpu.memref_slice %arg10[%dma_wait3A_323, %dma_wait3A_324] : memref<8x112xi32, #tpu.memory_space<vmem>> -> memref<1x112xi32, #tpu.memory_space<vmem>>
      %dma_wait3A_326 = tpu.memref_squeeze %dma_wait3A_325 : memref<1x112xi32, #tpu.memory_space<vmem>> -> memref<112xi32, #tpu.memory_space<vmem>>
      %dma_wait3A_327 = arith.constant 0 : i32
      %dma_wait3A_328 = arith.constant 0 : i32
      %dma_wait3A_329 = tpu.memref_slice %arg2[%dma_wait3A_327, %dma_wait3A_328] : memref<10240x128xf32, #tpu.memory_space<hbm>> -> memref<10240x128xf32, #tpu.memory_space<hbm>>
      tpu.wait_indirect_dma semaphore(%arg23 : memref<!tpu.dma_semaphore, #tpu.memory_space<semaphore_mem>>) src(%dma_wait3A_329 : memref<10240x128xf32, #tpu.memory_space<hbm>>) dst(%arg13 : memref<112x128xf32, #tpu.memory_space<vmem>>)
      %dma_start3A_330 = arith.constant 1 : i32
      %dma_start3A_331 = arith.constant 0 : i32
      %dma_start3A_332 = tpu.memref_slice %arg10[%dma_start3A_330, %dma_start3A_331] : memref<8x112xi32, #tpu.memory_space<vmem>> -> memref<1x112xi32, #tpu.memory_space<vmem>>
      %dma_start3A_333 = tpu.memref_squeeze %dma_start3A_332 : memref<1x112xi32, #tpu.memory_space<vmem>> -> memref<112xi32, #tpu.memory_space<vmem>>
      %dma_start3A_334 = arith.constant 0 : i32
      %dma_start3A_335 = arith.constant 0 : i32
      %dma_start3A_336 = tpu.memref_slice %arg14[%dma_start3A_334, %dma_start3A_335] : memref<10112x128xf32, #tpu.memory_space<vmem_shared>> -> memref<10112x128xf32, #tpu.memory_space<vmem_shared>>
      tpu.enqueue_indirect_dma source(%arg13 : memref<112x128xf32, #tpu.memory_space<vmem>>) target(%dma_start3A_336 : memref<10112x128xf32, #tpu.memory_space<vmem_shared>>) offsets(%dma_start3A_333 : memref<112xi32, #tpu.memory_space<vmem>>) semaphore(%arg26 : memref<!tpu.dma_semaphore, #tpu.memory_space<semaphore_mem>>) {add = true}
      %ge3A_337 = arith.constant 1 : i32
      %ge3A_338 = arith.cmpi sge, %add3A_322, %ge3A_337 : i32
      %convert_element_type3A_339 = arith.extui %ge3A_338 : i1 to i32
      %cond3A_340 = arith.constant 0 : i32
      %cond3A_341 = arith.cmpi ne, %convert_element_type3A_339, %cond3A_340 : i32
      scf.if %cond3A_341 {
        %dma_wait3A_354 = arith.constant 1 : i32
        %dma_wait3A_355 = arith.constant 0 : i32
        %dma_wait3A_356 = tpu.memref_slice %arg9[%dma_wait3A_354, %dma_wait3A_355] : memref<8x112xi32, #tpu.memory_space<vmem>> -> memref<1x112xi32, #tpu.memory_space<vmem>>
        %dma_wait3A_357 = tpu.memref_squeeze %dma_wait3A_356 : memref<1x112xi32, #tpu.memory_space<vmem>> -> memref<112xi32, #tpu.memory_space<vmem>>
        %dma_wait3A_358 = arith.constant 0 : i32
        %dma_wait3A_359 = arith.constant 0 : i32
        %dma_wait3A_360 = tpu.memref_slice %arg14[%dma_wait3A_358, %dma_wait3A_359] : memref<10112x128xf32, #tpu.memory_space<vmem_shared>> -> memref<10112x128xf32, #tpu.memory_space<vmem_shared>>
        tpu.wait_indirect_dma semaphore(%arg25 : memref<!tpu.dma_semaphore, #tpu.memory_space<semaphore_mem>>) src(%arg12 : memref<112x128xf32, #tpu.memory_space<vmem>>) dst(%dma_wait3A_360 : memref<10112x128xf32, #tpu.memory_space<vmem_shared>>)
      } else {
      }
      %add3A_342 = arith.constant 2 : i32
      %add3A_343 = arith.addi %add3A_322, %add3A_342 : i32
      %lt3A_344 = arith.cmpi slt, %add3A_343, %select_n3A : i32
      %convert_element_type3A_345 = arith.extui %lt3A_344 : i1 to i32
      %cond3A_346 = arith.constant 0 : i32
      %cond3A_347 = arith.cmpi ne, %convert_element_type3A_345, %cond3A_346 : i32
      scf.if %cond3A_347 {
        %dma_wait3A_354 = arith.constant 0 : i32
        %dma_wait3A_355 = arith.constant 0 : i32
        %dma_wait3A_356 = arith.constant 0 : i32
        %dma_wait3A_357 = tpu.memref_slice %arg3[%add3A, %dma_wait3A_354, %dma_wait3A_355, %dma_wait3A_356] : memref<32x174x8x112xi32, #tpu.memory_space<hbm>> -> memref<1x1x8x112xi32, #tpu.memory_space<hbm>>
        %dma_wait3A_358 = tpu.memref_squeeze %dma_wait3A_357 : memref<1x1x8x112xi32, #tpu.memory_space<hbm>> -> memref<8x112xi32, #tpu.memory_space<hbm>>
        %dma_wait3A_359 = arith.constant 0 : i32
        %dma_wait3A_360 = arith.constant 0 : i32
        %dma_wait3A_361 = tpu.memref_slice %arg3[%add3A, %dma_wait3A_354, %dma_wait3A_359, %dma_wait3A_360] : memref<32x174x8x112xi32, #tpu.memory_space<hbm>> -> memref<1x1x8x112xi32, #tpu.memory_space<hbm>>
        %dma_wait3A_362 = tpu.memref_squeeze %dma_wait3A_361 : memref<1x1x8x112xi32, #tpu.memory_space<hbm>> -> memref<8x112xi32, #tpu.memory_space<hbm>>
        tpu.wait_dma2 semaphore(%arg16 : memref<!tpu.dma_semaphore, #tpu.memory_space<semaphore_mem>>) src(%dma_wait3A_362 : memref<8x112xi32, #tpu.memory_space<hbm>>) dst(%arg6 : memref<8x112xi32, #tpu.memory_space<vmem>>)
        %dma_start3A_363 = arith.constant 0 : i32
        %dma_start3A_364 = arith.constant 0 : i32
        %dma_start3A_365 = tpu.memref_slice %arg6[%dma_start3A_363, %dma_start3A_364] : memref<8x112xi32, #tpu.memory_space<vmem>> -> memref<1x112xi32, #tpu.memory_space<vmem>>
        %dma_start3A_366 = tpu.memref_squeeze %dma_start3A_365 : memref<1x112xi32, #tpu.memory_space<vmem>> -> memref<112xi32, #tpu.memory_space<vmem>>
        %dma_start3A_367 = arith.constant 0 : i32
        %dma_start3A_368 = arith.constant 0 : i32
        %dma_start3A_369 = tpu.memref_slice %arg2[%dma_start3A_367, %dma_start3A_368] : memref<10240x128xf32, #tpu.memory_space<hbm>> -> memref<10240x128xf32, #tpu.memory_space<hbm>>
        tpu.enqueue_indirect_dma source(%dma_start3A_369 : memref<10240x128xf32, #tpu.memory_space<hbm>>) target(%arg12 : memref<112x128xf32, #tpu.memory_space<vmem>>) offsets(%dma_start3A_366 : memref<112xi32, #tpu.memory_space<vmem>>) semaphore(%arg22 : memref<!tpu.dma_semaphore, #tpu.memory_space<semaphore_mem>>)
      } else {
      }
      %add3A_348 = arith.constant 5 : i32
      %add3A_349 = arith.addi %add3A_322, %add3A_348 : i32
      %lt3A_350 = arith.cmpi slt, %add3A_349, %select_n3A : i32
      %convert_element_type3A_351 = arith.extui %lt3A_350 : i1 to i32
      %cond3A_352 = arith.constant 0 : i32
      %cond3A_353 = arith.cmpi ne, %convert_element_type3A_351, %cond3A_352 : i32
      scf.if %cond3A_353 {
        %add3A_354 = arith.constant 5 : i32
        %add3A_355 = arith.addi %add3A_322, %add3A_354 : i32
        %dma_start3A_356 = arith.constant 0 : i32
        %dma_start3A_357 = arith.constant 0 : i32
        %dma_start3A_358 = tpu.memref_slice %arg3[%add3A, %add3A_355, %dma_start3A_356, %dma_start3A_357] : memref<32x174x8x112xi32, #tpu.memory_space<hbm>> -> memref<1x1x8x112xi32, #tpu.memory_space<hbm>>
        %dma_start3A_359 = tpu.memref_squeeze %dma_start3A_358 : memref<1x1x8x112xi32, #tpu.memory_space<hbm>> -> memref<8x112xi32, #tpu.memory_space<hbm>>
        %dma_start3A_360 = arith.constant 0 : i32
        %dma_start3A_361 = arith.constant 0 : i32
        %dma_start3A_362 = tpu.memref_slice %arg3[%add3A, %add3A_355, %dma_start3A_360, %dma_start3A_361] : memref<32x174x8x112xi32, #tpu.memory_space<hbm>> -> memref<1x1x8x112xi32, #tpu.memory_space<hbm>>
        %dma_start3A_363 = tpu.memref_squeeze %dma_start3A_362 : memref<1x1x8x112xi32, #tpu.memory_space<hbm>> -> memref<8x112xi32, #tpu.memory_space<hbm>>
        tpu.enqueue_dma source(%dma_start3A_363 : memref<8x112xi32, #tpu.memory_space<hbm>>) target(%arg9 : memref<8x112xi32, #tpu.memory_space<vmem>>) target_semaphore(%arg19 : memref<!tpu.dma_semaphore, #tpu.memory_space<semaphore_mem>>)
      } else {
      }
    }
    %while3A_134 = arith.constant 1 : i32
    scf.for %while3A_147 = %while3A_132 to %while3A_128 step %while3A_134  : i32 {
      %mul3A_148 = arith.constant 6 : i32
      %mul3A_149 = arith.muli %while3A_147, %mul3A_148 : i32
      %add3A_150 = arith.constant 0 : i32
      %add3A_151 = arith.addi %mul3A_149, %add3A_150 : i32
      %dma_wait3A_152 = arith.constant 0 : i32
      %dma_wait3A_153 = arith.constant 0 : i32
      %dma_wait3A_154 = tpu.memref_slice %arg5[%dma_wait3A_152, %dma_wait3A_153] : memref<8x112xi32, #tpu.memory_space<vmem>> -> memref<1x112xi32, #tpu.memory_space<vmem>>
      %dma_wait3A_155 = tpu.memref_squeeze %dma_wait3A_154 : memref<1x112xi32, #tpu.memory_space<vmem>> -> memref<112xi32, #tpu.memory_space<vmem>>
      %dma_wait3A_156 = arith.constant 0 : i32
      %dma_wait3A_157 = arith.constant 0 : i32
      %dma_wait3A_158 = tpu.memref_slice %arg2[%dma_wait3A_156, %dma_wait3A_157] : memref<10240x128xf32, #tpu.memory_space<hbm>> -> memref<10240x128xf32, #tpu.memory_space<hbm>>
      tpu.wait_indirect_dma semaphore(%arg21 : memref<!tpu.dma_semaphore, #tpu.memory_space<semaphore_mem>>) src(%dma_wait3A_158 : memref<10240x128xf32, #tpu.memory_space<hbm>>) dst(%arg11 : memref<112x128xf32, #tpu.memory_space<vmem>>)
      %dma_start3A_159 = arith.constant 1 : i32
      %dma_start3A_160 = arith.constant 0 : i32
      %dma_start3A_161 = tpu.memref_slice %arg5[%dma_start3A_159, %dma_start3A_160] : memref<8x112xi32, #tpu.memory_space<vmem>> -> memref<1x112xi32, #tpu.memory_space<vmem>>
      %dma_start3A_162 = tpu.memref_squeeze %dma_start3A_161 : memref<1x112xi32, #tpu.memory_space<vmem>> -> memref<112xi32, #tpu.memory_space<vmem>>
      %dma_start3A_163 = arith.constant 0 : i32
      %dma_start3A_164 = arith.constant 0 : i32
      %dma_start3A_165 = tpu.memref_slice %arg14[%dma_start3A_163, %dma_start3A_164] : memref<10112x128xf32, #tpu.memory_space<vmem_shared>> -> memref<10112x128xf32, #tpu.memory_space<vmem_shared>>
      tpu.enqueue_indirect_dma source(%arg11 : memref<112x128xf32, #tpu.memory_space<vmem>>) target(%dma_start3A_165 : memref<10112x128xf32, #tpu.memory_space<vmem_shared>>) offsets(%dma_start3A_162 : memref<112xi32, #tpu.memory_space<vmem>>) semaphore(%arg24 : memref<!tpu.dma_semaphore, #tpu.memory_space<semaphore_mem>>) {add = true}
      %ge3A = arith.constant 1 : i32
      %ge3A_166 = arith.cmpi sge, %add3A_151, %ge3A : i32
      %convert_element_type3A = arith.extui %ge3A_166 : i1 to i32
      %cond3A = arith.constant 0 : i32
      %cond3A_167 = arith.cmpi ne, %convert_element_type3A, %cond3A : i32
      scf.if %cond3A_167 {
        %dma_wait3A_354 = arith.constant 1 : i32
        %dma_wait3A_355 = arith.constant 0 : i32
        %dma_wait3A_356 = tpu.memref_slice %arg10[%dma_wait3A_354, %dma_wait3A_355] : memref<8x112xi32, #tpu.memory_space<vmem>> -> memref<1x112xi32, #tpu.memory_space<vmem>>
        %dma_wait3A_357 = tpu.memref_squeeze %dma_wait3A_356 : memref<1x112xi32, #tpu.memory_space<vmem>> -> memref<112xi32, #tpu.memory_space<vmem>>
        %dma_wait3A_358 = arith.constant 0 : i32
        %dma_wait3A_359 = arith.constant 0 : i32
        %dma_wait3A_360 = tpu.memref_slice %arg14[%dma_wait3A_358, %dma_wait3A_359] : memref<10112x128xf32, #tpu.memory_space<vmem_shared>> -> memref<10112x128xf32, #tpu.memory_space<vmem_shared>>
        tpu.wait_indirect_dma semaphore(%arg26 : memref<!tpu.dma_semaphore, #tpu.memory_space<semaphore_mem>>) src(%arg13 : memref<112x128xf32, #tpu.memory_space<vmem>>) dst(%dma_wait3A_360 : memref<10112x128xf32, #tpu.memory_space<vmem_shared>>)
      } else {
      }
      %add3A_168 = arith.constant 2 : i32
      %add3A_169 = arith.addi %add3A_151, %add3A_168 : i32
      %lt3A = arith.cmpi slt, %add3A_169, %select_n3A : i32
      %convert_element_type3A_170 = arith.extui %lt3A : i1 to i32
      %cond3A_171 = arith.constant 0 : i32
      %cond3A_172 = arith.cmpi ne, %convert_element_type3A_170, %cond3A_171 : i32
      scf.if %cond3A_172 {
        %dma_wait3A_354 = arith.constant 0 : i32
        %dma_wait3A_355 = arith.constant 0 : i32
        %dma_wait3A_356 = arith.constant 0 : i32
        %dma_wait3A_357 = tpu.memref_slice %arg3[%add3A, %dma_wait3A_354, %dma_wait3A_355, %dma_wait3A_356] : memref<32x174x8x112xi32, #tpu.memory_space<hbm>> -> memref<1x1x8x112xi32, #tpu.memory_space<hbm>>
        %dma_wait3A_358 = tpu.memref_squeeze %dma_wait3A_357 : memref<1x1x8x112xi32, #tpu.memory_space<hbm>> -> memref<8x112xi32, #tpu.memory_space<hbm>>
        %dma_wait3A_359 = arith.constant 0 : i32
        %dma_wait3A_360 = arith.constant 0 : i32
        %dma_wait3A_361 = tpu.memref_slice %arg3[%add3A, %dma_wait3A_354, %dma_wait3A_359, %dma_wait3A_360] : memref<32x174x8x112xi32, #tpu.memory_space<hbm>> -> memref<1x1x8x112xi32, #tpu.memory_space<hbm>>
        %dma_wait3A_362 = tpu.memref_squeeze %dma_wait3A_361 : memref<1x1x8x112xi32, #tpu.memory_space<hbm>> -> memref<8x112xi32, #tpu.memory_space<hbm>>
        tpu.wait_dma2 semaphore(%arg17 : memref<!tpu.dma_semaphore, #tpu.memory_space<semaphore_mem>>) src(%dma_wait3A_362 : memref<8x112xi32, #tpu.memory_space<hbm>>) dst(%arg7 : memref<8x112xi32, #tpu.memory_space<vmem>>)
        %dma_start3A_363 = arith.constant 0 : i32
        %dma_start3A_364 = arith.constant 0 : i32
        %dma_start3A_365 = tpu.memref_slice %arg7[%dma_start3A_363, %dma_start3A_364] : memref<8x112xi32, #tpu.memory_space<vmem>> -> memref<1x112xi32, #tpu.memory_space<vmem>>
        %dma_start3A_366 = tpu.memref_squeeze %dma_start3A_365 : memref<1x112xi32, #tpu.memory_space<vmem>> -> memref<112xi32, #tpu.memory_space<vmem>>
        %dma_start3A_367 = arith.constant 0 : i32
        %dma_start3A_368 = arith.constant 0 : i32
        %dma_start3A_369 = tpu.memref_slice %arg2[%dma_start3A_367, %dma_start3A_368] : memref<10240x128xf32, #tpu.memory_space<hbm>> -> memref<10240x128xf32, #tpu.memory_space<hbm>>
        tpu.enqueue_indirect_dma source(%dma_start3A_369 : memref<10240x128xf32, #tpu.memory_space<hbm>>) target(%arg13 : memref<112x128xf32, #tpu.memory_space<vmem>>) offsets(%dma_start3A_366 : memref<112xi32, #tpu.memory_space<vmem>>) semaphore(%arg23 : memref<!tpu.dma_semaphore, #tpu.memory_space<semaphore_mem>>)
      } else {
      }
      %add3A_173 = arith.constant 5 : i32
      %add3A_174 = arith.addi %add3A_151, %add3A_173 : i32
      %lt3A_175 = arith.cmpi slt, %add3A_174, %select_n3A : i32
      %convert_element_type3A_176 = arith.extui %lt3A_175 : i1 to i32
      %cond3A_177 = arith.constant 0 : i32
      %cond3A_178 = arith.cmpi ne, %convert_element_type3A_176, %cond3A_177 : i32
      scf.if %cond3A_178 {
        %add3A_354 = arith.constant 5 : i32
        %add3A_355 = arith.addi %add3A_151, %add3A_354 : i32
        %dma_start3A_356 = arith.constant 0 : i32
        %dma_start3A_357 = arith.constant 0 : i32
        %dma_start3A_358 = tpu.memref_slice %arg3[%add3A, %add3A_355, %dma_start3A_356, %dma_start3A_357] : memref<32x174x8x112xi32, #tpu.memory_space<hbm>> -> memref<1x1x8x112xi32, #tpu.memory_space<hbm>>
        %dma_start3A_359 = tpu.memref_squeeze %dma_start3A_358 : memref<1x1x8x112xi32, #tpu.memory_space<hbm>> -> memref<8x112xi32, #tpu.memory_space<hbm>>
        %dma_start3A_360 = arith.constant 0 : i32
        %dma_start3A_361 = arith.constant 0 : i32
        %dma_start3A_362 = tpu.memref_slice %arg3[%add3A, %add3A_355, %dma_start3A_360, %dma_start3A_361] : memref<32x174x8x112xi32, #tpu.memory_space<hbm>> -> memref<1x1x8x112xi32, #tpu.memory_space<hbm>>
        %dma_start3A_363 = tpu.memref_squeeze %dma_start3A_362 : memref<1x1x8x112xi32, #tpu.memory_space<hbm>> -> memref<8x112xi32, #tpu.memory_space<hbm>>
        tpu.enqueue_dma source(%dma_start3A_363 : memref<8x112xi32, #tpu.memory_space<hbm>>) target(%arg10 : memref<8x112xi32, #tpu.memory_space<vmem>>) target_semaphore(%arg20 : memref<!tpu.dma_semaphore, #tpu.memory_space<semaphore_mem>>)
      } else {
      }
      %mul3A_179 = arith.constant 6 : i32
      %mul3A_180 = arith.muli %while3A_147, %mul3A_179 : i32
      %add3A_181 = arith.constant 1 : i32
      %add3A_182 = arith.addi %mul3A_180, %add3A_181 : i32
      %dma_wait3A_183 = arith.constant 0 : i32
      %dma_wait3A_184 = arith.constant 0 : i32
      %dma_wait3A_185 = tpu.memref_slice %arg6[%dma_wait3A_183, %dma_wait3A_184] : memref<8x112xi32, #tpu.memory_space<vmem>> -> memref<1x112xi32, #tpu.memory_space<vmem>>
      %dma_wait3A_186 = tpu.memref_squeeze %dma_wait3A_185 : memref<1x112xi32, #tpu.memory_space<vmem>> -> memref<112xi32, #tpu.memory_space<vmem>>
      %dma_wait3A_187 = arith.constant 0 : i32
      %dma_wait3A_188 = arith.constant 0 : i32
      %dma_wait3A_189 = tpu.memref_slice %arg2[%dma_wait3A_187, %dma_wait3A_188] : memref<10240x128xf32, #tpu.memory_space<hbm>> -> memref<10240x128xf32, #tpu.memory_space<hbm>>
      tpu.wait_indirect_dma semaphore(%arg22 : memref<!tpu.dma_semaphore, #tpu.memory_space<semaphore_mem>>) src(%dma_wait3A_189 : memref<10240x128xf32, #tpu.memory_space<hbm>>) dst(%arg12 : memref<112x128xf32, #tpu.memory_space<vmem>>)
      %dma_start3A_190 = arith.constant 1 : i32
      %dma_start3A_191 = arith.constant 0 : i32
      %dma_start3A_192 = tpu.memref_slice %arg6[%dma_start3A_190, %dma_start3A_191] : memref<8x112xi32, #tpu.memory_space<vmem>> -> memref<1x112xi32, #tpu.memory_space<vmem>>
      %dma_start3A_193 = tpu.memref_squeeze %dma_start3A_192 : memref<1x112xi32, #tpu.memory_space<vmem>> -> memref<112xi32, #tpu.memory_space<vmem>>
      %dma_start3A_194 = arith.constant 0 : i32
      %dma_start3A_195 = arith.constant 0 : i32
      %dma_start3A_196 = tpu.memref_slice %arg14[%dma_start3A_194, %dma_start3A_195] : memref<10112x128xf32, #tpu.memory_space<vmem_shared>> -> memref<10112x128xf32, #tpu.memory_space<vmem_shared>>
      tpu.enqueue_indirect_dma source(%arg12 : memref<112x128xf32, #tpu.memory_space<vmem>>) target(%dma_start3A_196 : memref<10112x128xf32, #tpu.memory_space<vmem_shared>>) offsets(%dma_start3A_193 : memref<112xi32, #tpu.memory_space<vmem>>) semaphore(%arg25 : memref<!tpu.dma_semaphore, #tpu.memory_space<semaphore_mem>>) {add = true}
      %ge3A_197 = arith.constant 1 : i32
      %ge3A_198 = arith.cmpi sge, %add3A_182, %ge3A_197 : i32
      %convert_element_type3A_199 = arith.extui %ge3A_198 : i1 to i32
      %cond3A_200 = arith.constant 0 : i32
      %cond3A_201 = arith.cmpi ne, %convert_element_type3A_199, %cond3A_200 : i32
      scf.if %cond3A_201 {
        %dma_wait3A_354 = arith.constant 1 : i32
        %dma_wait3A_355 = arith.constant 0 : i32
        %dma_wait3A_356 = tpu.memref_slice %arg5[%dma_wait3A_354, %dma_wait3A_355] : memref<8x112xi32, #tpu.memory_space<vmem>> -> memref<1x112xi32, #tpu.memory_space<vmem>>
        %dma_wait3A_357 = tpu.memref_squeeze %dma_wait3A_356 : memref<1x112xi32, #tpu.memory_space<vmem>> -> memref<112xi32, #tpu.memory_space<vmem>>
        %dma_wait3A_358 = arith.constant 0 : i32
        %dma_wait3A_359 = arith.constant 0 : i32
        %dma_wait3A_360 = tpu.memref_slice %arg14[%dma_wait3A_358, %dma_wait3A_359] : memref<10112x128xf32, #tpu.memory_space<vmem_shared>> -> memref<10112x128xf32, #tpu.memory_space<vmem_shared>>
        tpu.wait_indirect_dma semaphore(%arg24 : memref<!tpu.dma_semaphore, #tpu.memory_space<semaphore_mem>>) src(%arg11 : memref<112x128xf32, #tpu.memory_space<vmem>>) dst(%dma_wait3A_360 : memref<10112x128xf32, #tpu.memory_space<vmem_shared>>)
      } else {
      }
      %add3A_202 = arith.constant 2 : i32
      %add3A_203 = arith.addi %add3A_182, %add3A_202 : i32
      %lt3A_204 = arith.cmpi slt, %add3A_203, %select_n3A : i32
      %convert_element_type3A_205 = arith.extui %lt3A_204 : i1 to i32
      %cond3A_206 = arith.constant 0 : i32
      %cond3A_207 = arith.cmpi ne, %convert_element_type3A_205, %cond3A_206 : i32
      scf.if %cond3A_207 {
        %dma_wait3A_354 = arith.constant 0 : i32
        %dma_wait3A_355 = arith.constant 0 : i32
        %dma_wait3A_356 = arith.constant 0 : i32
        %dma_wait3A_357 = tpu.memref_slice %arg3[%add3A, %dma_wait3A_354, %dma_wait3A_355, %dma_wait3A_356] : memref<32x174x8x112xi32, #tpu.memory_space<hbm>> -> memref<1x1x8x112xi32, #tpu.memory_space<hbm>>
        %dma_wait3A_358 = tpu.memref_squeeze %dma_wait3A_357 : memref<1x1x8x112xi32, #tpu.memory_space<hbm>> -> memref<8x112xi32, #tpu.memory_space<hbm>>
        %dma_wait3A_359 = arith.constant 0 : i32
        %dma_wait3A_360 = arith.constant 0 : i32
        %dma_wait3A_361 = tpu.memref_slice %arg3[%add3A, %dma_wait3A_354, %dma_wait3A_359, %dma_wait3A_360] : memref<32x174x8x112xi32, #tpu.memory_space<hbm>> -> memref<1x1x8x112xi32, #tpu.memory_space<hbm>>
        %dma_wait3A_362 = tpu.memref_squeeze %dma_wait3A_361 : memref<1x1x8x112xi32, #tpu.memory_space<hbm>> -> memref<8x112xi32, #tpu.memory_space<hbm>>
        tpu.wait_dma2 semaphore(%arg18 : memref<!tpu.dma_semaphore, #tpu.memory_space<semaphore_mem>>) src(%dma_wait3A_362 : memref<8x112xi32, #tpu.memory_space<hbm>>) dst(%arg8 : memref<8x112xi32, #tpu.memory_space<vmem>>)
        %dma_start3A_363 = arith.constant 0 : i32
        %dma_start3A_364 = arith.constant 0 : i32
        %dma_start3A_365 = tpu.memref_slice %arg8[%dma_start3A_363, %dma_start3A_364] : memref<8x112xi32, #tpu.memory_space<vmem>> -> memref<1x112xi32, #tpu.memory_space<vmem>>
        %dma_start3A_366 = tpu.memref_squeeze %dma_start3A_365 : memref<1x112xi32, #tpu.memory_space<vmem>> -> memref<112xi32, #tpu.memory_space<vmem>>
        %dma_start3A_367 = arith.constant 0 : i32
        %dma_start3A_368 = arith.constant 0 : i32
        %dma_start3A_369 = tpu.memref_slice %arg2[%dma_start3A_367, %dma_start3A_368] : memref<10240x128xf32, #tpu.memory_space<hbm>> -> memref<10240x128xf32, #tpu.memory_space<hbm>>
        tpu.enqueue_indirect_dma source(%dma_start3A_369 : memref<10240x128xf32, #tpu.memory_space<hbm>>) target(%arg11 : memref<112x128xf32, #tpu.memory_space<vmem>>) offsets(%dma_start3A_366 : memref<112xi32, #tpu.memory_space<vmem>>) semaphore(%arg21 : memref<!tpu.dma_semaphore, #tpu.memory_space<semaphore_mem>>)
      } else {
      }
      %add3A_208 = arith.constant 5 : i32
      %add3A_209 = arith.addi %add3A_182, %add3A_208 : i32
      %lt3A_210 = arith.cmpi slt, %add3A_209, %select_n3A : i32
      %convert_element_type3A_211 = arith.extui %lt3A_210 : i1 to i32
      %cond3A_212 = arith.constant 0 : i32
      %cond3A_213 = arith.cmpi ne, %convert_element_type3A_211, %cond3A_212 : i32
      scf.if %cond3A_213 {
        %add3A_354 = arith.constant 5 : i32
        %add3A_355 = arith.addi %add3A_182, %add3A_354 : i32
        %dma_start3A_356 = arith.constant 0 : i32
        %dma_start3A_357 = arith.constant 0 : i32
        %dma_start3A_358 = tpu.memref_slice %arg3[%add3A, %add3A_355, %dma_start3A_356, %dma_start3A_357] : memref<32x174x8x112xi32, #tpu.memory_space<hbm>> -> memref<1x1x8x112xi32, #tpu.memory_space<hbm>>
        %dma_start3A_359 = tpu.memref_squeeze %dma_start3A_358 : memref<1x1x8x112xi32, #tpu.memory_space<hbm>> -> memref<8x112xi32, #tpu.memory_space<hbm>>
        %dma_start3A_360 = arith.constant 0 : i32
        %dma_start3A_361 = arith.constant 0 : i32
        %dma_start3A_362 = tpu.memref_slice %arg3[%add3A, %add3A_355, %dma_start3A_360, %dma_start3A_361] : memref<32x174x8x112xi32, #tpu.memory_space<hbm>> -> memref<1x1x8x112xi32, #tpu.memory_space<hbm>>
        %dma_start3A_363 = tpu.memref_squeeze %dma_start3A_362 : memref<1x1x8x112xi32, #tpu.memory_space<hbm>> -> memref<8x112xi32, #tpu.memory_space<hbm>>
        tpu.enqueue_dma source(%dma_start3A_363 : memref<8x112xi32, #tpu.memory_space<hbm>>) target(%arg5 : memref<8x112xi32, #tpu.memory_space<vmem>>) target_semaphore(%arg15 : memref<!tpu.dma_semaphore, #tpu.memory_space<semaphore_mem>>)
      } else {
      }
      %mul3A_214 = arith.constant 6 : i32
      %mul3A_215 = arith.muli %while3A_147, %mul3A_214 : i32
      %add3A_216 = arith.constant 2 : i32
      %add3A_217 = arith.addi %mul3A_215, %add3A_216 : i32
      %dma_wait3A_218 = arith.constant 0 : i32
      %dma_wait3A_219 = arith.constant 0 : i32
      %dma_wait3A_220 = tpu.memref_slice %arg7[%dma_wait3A_218, %dma_wait3A_219] : memref<8x112xi32, #tpu.memory_space<vmem>> -> memref<1x112xi32, #tpu.memory_space<vmem>>
      %dma_wait3A_221 = tpu.memref_squeeze %dma_wait3A_220 : memref<1x112xi32, #tpu.memory_space<vmem>> -> memref<112xi32, #tpu.memory_space<vmem>>
      %dma_wait3A_222 = arith.constant 0 : i32
      %dma_wait3A_223 = arith.constant 0 : i32
      %dma_wait3A_224 = tpu.memref_slice %arg2[%dma_wait3A_222, %dma_wait3A_223] : memref<10240x128xf32, #tpu.memory_space<hbm>> -> memref<10240x128xf32, #tpu.memory_space<hbm>>
      tpu.wait_indirect_dma semaphore(%arg23 : memref<!tpu.dma_semaphore, #tpu.memory_space<semaphore_mem>>) src(%dma_wait3A_224 : memref<10240x128xf32, #tpu.memory_space<hbm>>) dst(%arg13 : memref<112x128xf32, #tpu.memory_space<vmem>>)
      %dma_start3A_225 = arith.constant 1 : i32
      %dma_start3A_226 = arith.constant 0 : i32
      %dma_start3A_227 = tpu.memref_slice %arg7[%dma_start3A_225, %dma_start3A_226] : memref<8x112xi32, #tpu.memory_space<vmem>> -> memref<1x112xi32, #tpu.memory_space<vmem>>
      %dma_start3A_228 = tpu.memref_squeeze %dma_start3A_227 : memref<1x112xi32, #tpu.memory_space<vmem>> -> memref<112xi32, #tpu.memory_space<vmem>>
      %dma_start3A_229 = arith.constant 0 : i32
      %dma_start3A_230 = arith.constant 0 : i32
      %dma_start3A_231 = tpu.memref_slice %arg14[%dma_start3A_229, %dma_start3A_230] : memref<10112x128xf32, #tpu.memory_space<vmem_shared>> -> memref<10112x128xf32, #tpu.memory_space<vmem_shared>>
      tpu.enqueue_indirect_dma source(%arg13 : memref<112x128xf32, #tpu.memory_space<vmem>>) target(%dma_start3A_231 : memref<10112x128xf32, #tpu.memory_space<vmem_shared>>) offsets(%dma_start3A_228 : memref<112xi32, #tpu.memory_space<vmem>>) semaphore(%arg26 : memref<!tpu.dma_semaphore, #tpu.memory_space<semaphore_mem>>) {add = true}
      %ge3A_232 = arith.constant 1 : i32
      %ge3A_233 = arith.cmpi sge, %add3A_217, %ge3A_232 : i32
      %convert_element_type3A_234 = arith.extui %ge3A_233 : i1 to i32
      %cond3A_235 = arith.constant 0 : i32
      %cond3A_236 = arith.cmpi ne, %convert_element_type3A_234, %cond3A_235 : i32
      scf.if %cond3A_236 {
        %dma_wait3A_354 = arith.constant 1 : i32
        %dma_wait3A_355 = arith.constant 0 : i32
        %dma_wait3A_356 = tpu.memref_slice %arg6[%dma_wait3A_354, %dma_wait3A_355] : memref<8x112xi32, #tpu.memory_space<vmem>> -> memref<1x112xi32, #tpu.memory_space<vmem>>
        %dma_wait3A_357 = tpu.memref_squeeze %dma_wait3A_356 : memref<1x112xi32, #tpu.memory_space<vmem>> -> memref<112xi32, #tpu.memory_space<vmem>>
        %dma_wait3A_358 = arith.constant 0 : i32
        %dma_wait3A_359 = arith.constant 0 : i32
        %dma_wait3A_360 = tpu.memref_slice %arg14[%dma_wait3A_358, %dma_wait3A_359] : memref<10112x128xf32, #tpu.memory_space<vmem_shared>> -> memref<10112x128xf32, #tpu.memory_space<vmem_shared>>
        tpu.wait_indirect_dma semaphore(%arg25 : memref<!tpu.dma_semaphore, #tpu.memory_space<semaphore_mem>>) src(%arg12 : memref<112x128xf32, #tpu.memory_space<vmem>>) dst(%dma_wait3A_360 : memref<10112x128xf32, #tpu.memory_space<vmem_shared>>)
      } else {
      }
      %add3A_237 = arith.constant 2 : i32
      %add3A_238 = arith.addi %add3A_217, %add3A_237 : i32
      %lt3A_239 = arith.cmpi slt, %add3A_238, %select_n3A : i32
      %convert_element_type3A_240 = arith.extui %lt3A_239 : i1 to i32
      %cond3A_241 = arith.constant 0 : i32
      %cond3A_242 = arith.cmpi ne, %convert_element_type3A_240, %cond3A_241 : i32
      scf.if %cond3A_242 {
        %dma_wait3A_354 = arith.constant 0 : i32
        %dma_wait3A_355 = arith.constant 0 : i32
        %dma_wait3A_356 = arith.constant 0 : i32
        %dma_wait3A_357 = tpu.memref_slice %arg3[%add3A, %dma_wait3A_354, %dma_wait3A_355, %dma_wait3A_356] : memref<32x174x8x112xi32, #tpu.memory_space<hbm>> -> memref<1x1x8x112xi32, #tpu.memory_space<hbm>>
        %dma_wait3A_358 = tpu.memref_squeeze %dma_wait3A_357 : memref<1x1x8x112xi32, #tpu.memory_space<hbm>> -> memref<8x112xi32, #tpu.memory_space<hbm>>
        %dma_wait3A_359 = arith.constant 0 : i32
        %dma_wait3A_360 = arith.constant 0 : i32
        %dma_wait3A_361 = tpu.memref_slice %arg3[%add3A, %dma_wait3A_354, %dma_wait3A_359, %dma_wait3A_360] : memref<32x174x8x112xi32, #tpu.memory_space<hbm>> -> memref<1x1x8x112xi32, #tpu.memory_space<hbm>>
        %dma_wait3A_362 = tpu.memref_squeeze %dma_wait3A_361 : memref<1x1x8x112xi32, #tpu.memory_space<hbm>> -> memref<8x112xi32, #tpu.memory_space<hbm>>
        tpu.wait_dma2 semaphore(%arg19 : memref<!tpu.dma_semaphore, #tpu.memory_space<semaphore_mem>>) src(%dma_wait3A_362 : memref<8x112xi32, #tpu.memory_space<hbm>>) dst(%arg9 : memref<8x112xi32, #tpu.memory_space<vmem>>)
        %dma_start3A_363 = arith.constant 0 : i32
        %dma_start3A_364 = arith.constant 0 : i32
        %dma_start3A_365 = tpu.memref_slice %arg9[%dma_start3A_363, %dma_start3A_364] : memref<8x112xi32, #tpu.memory_space<vmem>> -> memref<1x112xi32, #tpu.memory_space<vmem>>
        %dma_start3A_366 = tpu.memref_squeeze %dma_start3A_365 : memref<1x112xi32, #tpu.memory_space<vmem>> -> memref<112xi32, #tpu.memory_space<vmem>>
        %dma_start3A_367 = arith.constant 0 : i32
        %dma_start3A_368 = arith.constant 0 : i32
        %dma_start3A_369 = tpu.memref_slice %arg2[%dma_start3A_367, %dma_start3A_368] : memref<10240x128xf32, #tpu.memory_space<hbm>> -> memref<10240x128xf32, #tpu.memory_space<hbm>>
        tpu.enqueue_indirect_dma source(%dma_start3A_369 : memref<10240x128xf32, #tpu.memory_space<hbm>>) target(%arg12 : memref<112x128xf32, #tpu.memory_space<vmem>>) offsets(%dma_start3A_366 : memref<112xi32, #tpu.memory_space<vmem>>) semaphore(%arg22 : memref<!tpu.dma_semaphore, #tpu.memory_space<semaphore_mem>>)
      } else {
      }
      %add3A_243 = arith.constant 5 : i32
      %add3A_244 = arith.addi %add3A_217, %add3A_243 : i32
      %lt3A_245 = arith.cmpi slt, %add3A_244, %select_n3A : i32
      %convert_element_type3A_246 = arith.extui %lt3A_245 : i1 to i32
      %cond3A_247 = arith.constant 0 : i32
      %cond3A_248 = arith.cmpi ne, %convert_element_type3A_246, %cond3A_247 : i32
      scf.if %cond3A_248 {
        %add3A_354 = arith.constant 5 : i32
        %add3A_355 = arith.addi %add3A_217, %add3A_354 : i32
        %dma_start3A_356 = arith.constant 0 : i32
        %dma_start3A_357 = arith.constant 0 : i32
        %dma_start3A_358 = tpu.memref_slice %arg3[%add3A, %add3A_355, %dma_start3A_356, %dma_start3A_357] : memref<32x174x8x112xi32, #tpu.memory_space<hbm>> -> memref<1x1x8x112xi32, #tpu.memory_space<hbm>>
        %dma_start3A_359 = tpu.memref_squeeze %dma_start3A_358 : memref<1x1x8x112xi32, #tpu.memory_space<hbm>> -> memref<8x112xi32, #tpu.memory_space<hbm>>
        %dma_start3A_360 = arith.constant 0 : i32
        %dma_start3A_361 = arith.constant 0 : i32
        %dma_start3A_362 = tpu.memref_slice %arg3[%add3A, %add3A_355, %dma_start3A_360, %dma_start3A_361] : memref<32x174x8x112xi32, #tpu.memory_space<hbm>> -> memref<1x1x8x112xi32, #tpu.memory_space<hbm>>
        %dma_start3A_363 = tpu.memref_squeeze %dma_start3A_362 : memref<1x1x8x112xi32, #tpu.memory_space<hbm>> -> memref<8x112xi32, #tpu.memory_space<hbm>>
        tpu.enqueue_dma source(%dma_start3A_363 : memref<8x112xi32, #tpu.memory_space<hbm>>) target(%arg6 : memref<8x112xi32, #tpu.memory_space<vmem>>) target_semaphore(%arg16 : memref<!tpu.dma_semaphore, #tpu.memory_space<semaphore_mem>>)
      } else {
      }
      %mul3A_249 = arith.constant 6 : i32
      %mul3A_250 = arith.muli %while3A_147, %mul3A_249 : i32
      %add3A_251 = arith.constant 3 : i32
      %add3A_252 = arith.addi %mul3A_250, %add3A_251 : i32
      %dma_wait3A_253 = arith.constant 0 : i32
      %dma_wait3A_254 = arith.constant 0 : i32
      %dma_wait3A_255 = tpu.memref_slice %arg8[%dma_wait3A_253, %dma_wait3A_254] : memref<8x112xi32, #tpu.memory_space<vmem>> -> memref<1x112xi32, #tpu.memory_space<vmem>>
      %dma_wait3A_256 = tpu.memref_squeeze %dma_wait3A_255 : memref<1x112xi32, #tpu.memory_space<vmem>> -> memref<112xi32, #tpu.memory_space<vmem>>
      %dma_wait3A_257 = arith.constant 0 : i32
      %dma_wait3A_258 = arith.constant 0 : i32
      %dma_wait3A_259 = tpu.memref_slice %arg2[%dma_wait3A_257, %dma_wait3A_258] : memref<10240x128xf32, #tpu.memory_space<hbm>> -> memref<10240x128xf32, #tpu.memory_space<hbm>>
      tpu.wait_indirect_dma semaphore(%arg21 : memref<!tpu.dma_semaphore, #tpu.memory_space<semaphore_mem>>) src(%dma_wait3A_259 : memref<10240x128xf32, #tpu.memory_space<hbm>>) dst(%arg11 : memref<112x128xf32, #tpu.memory_space<vmem>>)
      %dma_start3A_260 = arith.constant 1 : i32
      %dma_start3A_261 = arith.constant 0 : i32
      %dma_start3A_262 = tpu.memref_slice %arg8[%dma_start3A_260, %dma_start3A_261] : memref<8x112xi32, #tpu.memory_space<vmem>> -> memref<1x112xi32, #tpu.memory_space<vmem>>
      %dma_start3A_263 = tpu.memref_squeeze %dma_start3A_262 : memref<1x112xi32, #tpu.memory_space<vmem>> -> memref<112xi32, #tpu.memory_space<vmem>>
      %dma_start3A_264 = arith.constant 0 : i32
      %dma_start3A_265 = arith.constant 0 : i32
      %dma_start3A_266 = tpu.memref_slice %arg14[%dma_start3A_264, %dma_start3A_265] : memref<10112x128xf32, #tpu.memory_space<vmem_shared>> -> memref<10112x128xf32, #tpu.memory_space<vmem_shared>>
      tpu.enqueue_indirect_dma source(%arg11 : memref<112x128xf32, #tpu.memory_space<vmem>>) target(%dma_start3A_266 : memref<10112x128xf32, #tpu.memory_space<vmem_shared>>) offsets(%dma_start3A_263 : memref<112xi32, #tpu.memory_space<vmem>>) semaphore(%arg24 : memref<!tpu.dma_semaphore, #tpu.memory_space<semaphore_mem>>) {add = true}
      %ge3A_267 = arith.constant 1 : i32
      %ge3A_268 = arith.cmpi sge, %add3A_252, %ge3A_267 : i32
      %convert_element_type3A_269 = arith.extui %ge3A_268 : i1 to i32
      %cond3A_270 = arith.constant 0 : i32
      %cond3A_271 = arith.cmpi ne, %convert_element_type3A_269, %cond3A_270 : i32
      scf.if %cond3A_271 {
        %dma_wait3A_354 = arith.constant 1 : i32
        %dma_wait3A_355 = arith.constant 0 : i32
        %dma_wait3A_356 = tpu.memref_slice %arg7[%dma_wait3A_354, %dma_wait3A_355] : memref<8x112xi32, #tpu.memory_space<vmem>> -> memref<1x112xi32, #tpu.memory_space<vmem>>
        %dma_wait3A_357 = tpu.memref_squeeze %dma_wait3A_356 : memref<1x112xi32, #tpu.memory_space<vmem>> -> memref<112xi32, #tpu.memory_space<vmem>>
        %dma_wait3A_358 = arith.constant 0 : i32
        %dma_wait3A_359 = arith.constant 0 : i32
        %dma_wait3A_360 = tpu.memref_slice %arg14[%dma_wait3A_358, %dma_wait3A_359] : memref<10112x128xf32, #tpu.memory_space<vmem_shared>> -> memref<10112x128xf32, #tpu.memory_space<vmem_shared>>
        tpu.wait_indirect_dma semaphore(%arg26 : memref<!tpu.dma_semaphore, #tpu.memory_space<semaphore_mem>>) src(%arg13 : memref<112x128xf32, #tpu.memory_space<vmem>>) dst(%dma_wait3A_360 : memref<10112x128xf32, #tpu.memory_space<vmem_shared>>)
      } else {
      }
      %add3A_272 = arith.constant 2 : i32
      %add3A_273 = arith.addi %add3A_252, %add3A_272 : i32
      %lt3A_274 = arith.cmpi slt, %add3A_273, %select_n3A : i32
      %convert_element_type3A_275 = arith.extui %lt3A_274 : i1 to i32
      %cond3A_276 = arith.constant 0 : i32
      %cond3A_277 = arith.cmpi ne, %convert_element_type3A_275, %cond3A_276 : i32
      scf.if %cond3A_277 {
        %dma_wait3A_354 = arith.constant 0 : i32
        %dma_wait3A_355 = arith.constant 0 : i32
        %dma_wait3A_356 = arith.constant 0 : i32
        %dma_wait3A_357 = tpu.memref_slice %arg3[%add3A, %dma_wait3A_354, %dma_wait3A_355, %dma_wait3A_356] : memref<32x174x8x112xi32, #tpu.memory_space<hbm>> -> memref<1x1x8x112xi32, #tpu.memory_space<hbm>>
        %dma_wait3A_358 = tpu.memref_squeeze %dma_wait3A_357 : memref<1x1x8x112xi32, #tpu.memory_space<hbm>> -> memref<8x112xi32, #tpu.memory_space<hbm>>
        %dma_wait3A_359 = arith.constant 0 : i32
        %dma_wait3A_360 = arith.constant 0 : i32
        %dma_wait3A_361 = tpu.memref_slice %arg3[%add3A, %dma_wait3A_354, %dma_wait3A_359, %dma_wait3A_360] : memref<32x174x8x112xi32, #tpu.memory_space<hbm>> -> memref<1x1x8x112xi32, #tpu.memory_space<hbm>>
        %dma_wait3A_362 = tpu.memref_squeeze %dma_wait3A_361 : memref<1x1x8x112xi32, #tpu.memory_space<hbm>> -> memref<8x112xi32, #tpu.memory_space<hbm>>
        tpu.wait_dma2 semaphore(%arg20 : memref<!tpu.dma_semaphore, #tpu.memory_space<semaphore_mem>>) src(%dma_wait3A_362 : memref<8x112xi32, #tpu.memory_space<hbm>>) dst(%arg10 : memref<8x112xi32, #tpu.memory_space<vmem>>)
        %dma_start3A_363 = arith.constant 0 : i32
        %dma_start3A_364 = arith.constant 0 : i32
        %dma_start3A_365 = tpu.memref_slice %arg10[%dma_start3A_363, %dma_start3A_364] : memref<8x112xi32, #tpu.memory_space<vmem>> -> memref<1x112xi32, #tpu.memory_space<vmem>>
        %dma_start3A_366 = tpu.memref_squeeze %dma_start3A_365 : memref<1x112xi32, #tpu.memory_space<vmem>> -> memref<112xi32, #tpu.memory_space<vmem>>
        %dma_start3A_367 = arith.constant 0 : i32
        %dma_start3A_368 = arith.constant 0 : i32
        %dma_start3A_369 = tpu.memref_slice %arg2[%dma_start3A_367, %dma_start3A_368] : memref<10240x128xf32, #tpu.memory_space<hbm>> -> memref<10240x128xf32, #tpu.memory_space<hbm>>
        tpu.enqueue_indirect_dma source(%dma_start3A_369 : memref<10240x128xf32, #tpu.memory_space<hbm>>) target(%arg13 : memref<112x128xf32, #tpu.memory_space<vmem>>) offsets(%dma_start3A_366 : memref<112xi32, #tpu.memory_space<vmem>>) semaphore(%arg23 : memref<!tpu.dma_semaphore, #tpu.memory_space<semaphore_mem>>)
      } else {
      }
      %add3A_278 = arith.constant 5 : i32
      %add3A_279 = arith.addi %add3A_252, %add3A_278 : i32
      %lt3A_280 = arith.cmpi slt, %add3A_279, %select_n3A : i32
      %convert_element_type3A_281 = arith.extui %lt3A_280 : i1 to i32
      %cond3A_282 = arith.constant 0 : i32
      %cond3A_283 = arith.cmpi ne, %convert_element_type3A_281, %cond3A_282 : i32
      scf.if %cond3A_283 {
        %add3A_354 = arith.constant 5 : i32
        %add3A_355 = arith.addi %add3A_252, %add3A_354 : i32
        %dma_start3A_356 = arith.constant 0 : i32
        %dma_start3A_357 = arith.constant 0 : i32
        %dma_start3A_358 = tpu.memref_slice %arg3[%add3A, %add3A_355, %dma_start3A_356, %dma_start3A_357] : memref<32x174x8x112xi32, #tpu.memory_space<hbm>> -> memref<1x1x8x112xi32, #tpu.memory_space<hbm>>
        %dma_start3A_359 = tpu.memref_squeeze %dma_start3A_358 : memref<1x1x8x112xi32, #tpu.memory_space<hbm>> -> memref<8x112xi32, #tpu.memory_space<hbm>>
        %dma_start3A_360 = arith.constant 0 : i32
        %dma_start3A_361 = arith.constant 0 : i32
        %dma_start3A_362 = tpu.memref_slice %arg3[%add3A, %add3A_355, %dma_start3A_360, %dma_start3A_361] : memref<32x174x8x112xi32, #tpu.memory_space<hbm>> -> memref<1x1x8x112xi32, #tpu.memory_space<hbm>>
        %dma_start3A_363 = tpu.memref_squeeze %dma_start3A_362 : memref<1x1x8x112xi32, #tpu.memory_space<hbm>> -> memref<8x112xi32, #tpu.memory_space<hbm>>
        tpu.enqueue_dma source(%dma_start3A_363 : memref<8x112xi32, #tpu.memory_space<hbm>>) target(%arg7 : memref<8x112xi32, #tpu.memory_space<vmem>>) target_semaphore(%arg17 : memref<!tpu.dma_semaphore, #tpu.memory_space<semaphore_mem>>)
      } else {
      }
      %mul3A_284 = arith.constant 6 : i32
      %mul3A_285 = arith.muli %while3A_147, %mul3A_284 : i32
      %add3A_286 = arith.constant 4 : i32
      %add3A_287 = arith.addi %mul3A_285, %add3A_286 : i32
      %dma_wait3A_288 = arith.constant 0 : i32
      %dma_wait3A_289 = arith.constant 0 : i32
      %dma_wait3A_290 = tpu.memref_slice %arg9[%dma_wait3A_288, %dma_wait3A_289] : memref<8x112xi32, #tpu.memory_space<vmem>> -> memref<1x112xi32, #tpu.memory_space<vmem>>
      %dma_wait3A_291 = tpu.memref_squeeze %dma_wait3A_290 : memref<1x112xi32, #tpu.memory_space<vmem>> -> memref<112xi32, #tpu.memory_space<vmem>>
      %dma_wait3A_292 = arith.constant 0 : i32
      %dma_wait3A_293 = arith.constant 0 : i32
      %dma_wait3A_294 = tpu.memref_slice %arg2[%dma_wait3A_292, %dma_wait3A_293] : memref<10240x128xf32, #tpu.memory_space<hbm>> -> memref<10240x128xf32, #tpu.memory_space<hbm>>
      tpu.wait_indirect_dma semaphore(%arg22 : memref<!tpu.dma_semaphore, #tpu.memory_space<semaphore_mem>>) src(%dma_wait3A_294 : memref<10240x128xf32, #tpu.memory_space<hbm>>) dst(%arg12 : memref<112x128xf32, #tpu.memory_space<vmem>>)
      %dma_start3A_295 = arith.constant 1 : i32
      %dma_start3A_296 = arith.constant 0 : i32
      %dma_start3A_297 = tpu.memref_slice %arg9[%dma_start3A_295, %dma_start3A_296] : memref<8x112xi32, #tpu.memory_space<vmem>> -> memref<1x112xi32, #tpu.memory_space<vmem>>
      %dma_start3A_298 = tpu.memref_squeeze %dma_start3A_297 : memref<1x112xi32, #tpu.memory_space<vmem>> -> memref<112xi32, #tpu.memory_space<vmem>>
      %dma_start3A_299 = arith.constant 0 : i32
      %dma_start3A_300 = arith.constant 0 : i32
      %dma_start3A_301 = tpu.memref_slice %arg14[%dma_start3A_299, %dma_start3A_300] : memref<10112x128xf32, #tpu.memory_space<vmem_shared>> -> memref<10112x128xf32, #tpu.memory_space<vmem_shared>>
      tpu.enqueue_indirect_dma source(%arg12 : memref<112x128xf32, #tpu.memory_space<vmem>>) target(%dma_start3A_301 : memref<10112x128xf32, #tpu.memory_space<vmem_shared>>) offsets(%dma_start3A_298 : memref<112xi32, #tpu.memory_space<vmem>>) semaphore(%arg25 : memref<!tpu.dma_semaphore, #tpu.memory_space<semaphore_mem>>) {add = true}
      %ge3A_302 = arith.constant 1 : i32
      %ge3A_303 = arith.cmpi sge, %add3A_287, %ge3A_302 : i32
      %convert_element_type3A_304 = arith.extui %ge3A_303 : i1 to i32
      %cond3A_305 = arith.constant 0 : i32
      %cond3A_306 = arith.cmpi ne, %convert_element_type3A_304, %cond3A_305 : i32
      scf.if %cond3A_306 {
        %dma_wait3A_354 = arith.constant 1 : i32
        %dma_wait3A_355 = arith.constant 0 : i32
        %dma_wait3A_356 = tpu.memref_slice %arg8[%dma_wait3A_354, %dma_wait3A_355] : memref<8x112xi32, #tpu.memory_space<vmem>> -> memref<1x112xi32, #tpu.memory_space<vmem>>
        %dma_wait3A_357 = tpu.memref_squeeze %dma_wait3A_356 : memref<1x112xi32, #tpu.memory_space<vmem>> -> memref<112xi32, #tpu.memory_space<vmem>>
        %dma_wait3A_358 = arith.constant 0 : i32
        %dma_wait3A_359 = arith.constant 0 : i32
        %dma_wait3A_360 = tpu.memref_slice %arg14[%dma_wait3A_358, %dma_wait3A_359] : memref<10112x128xf32, #tpu.memory_space<vmem_shared>> -> memref<10112x128xf32, #tpu.memory_space<vmem_shared>>
        tpu.wait_indirect_dma semaphore(%arg24 : memref<!tpu.dma_semaphore, #tpu.memory_space<semaphore_mem>>) src(%arg11 : memref<112x128xf32, #tpu.memory_space<vmem>>) dst(%dma_wait3A_360 : memref<10112x128xf32, #tpu.memory_space<vmem_shared>>)
      } else {
      }
      %add3A_307 = arith.constant 2 : i32
      %add3A_308 = arith.addi %add3A_287, %add3A_307 : i32
      %lt3A_309 = arith.cmpi slt, %add3A_308, %select_n3A : i32
      %convert_element_type3A_310 = arith.extui %lt3A_309 : i1 to i32
      %cond3A_311 = arith.constant 0 : i32
      %cond3A_312 = arith.cmpi ne, %convert_element_type3A_310, %cond3A_311 : i32
      scf.if %cond3A_312 {
        %dma_wait3A_354 = arith.constant 0 : i32
        %dma_wait3A_355 = arith.constant 0 : i32
        %dma_wait3A_356 = arith.constant 0 : i32
        %dma_wait3A_357 = tpu.memref_slice %arg3[%add3A, %dma_wait3A_354, %dma_wait3A_355, %dma_wait3A_356] : memref<32x174x8x112xi32, #tpu.memory_space<hbm>> -> memref<1x1x8x112xi32, #tpu.memory_space<hbm>>
        %dma_wait3A_358 = tpu.memref_squeeze %dma_wait3A_357 : memref<1x1x8x112xi32, #tpu.memory_space<hbm>> -> memref<8x112xi32, #tpu.memory_space<hbm>>
        %dma_wait3A_359 = arith.constant 0 : i32
        %dma_wait3A_360 = arith.constant 0 : i32
        %dma_wait3A_361 = tpu.memref_slice %arg3[%add3A, %dma_wait3A_354, %dma_wait3A_359, %dma_wait3A_360] : memref<32x174x8x112xi32, #tpu.memory_space<hbm>> -> memref<1x1x8x112xi32, #tpu.memory_space<hbm>>
        %dma_wait3A_362 = tpu.memref_squeeze %dma_wait3A_361 : memref<1x1x8x112xi32, #tpu.memory_space<hbm>> -> memref<8x112xi32, #tpu.memory_space<hbm>>
        tpu.wait_dma2 semaphore(%arg15 : memref<!tpu.dma_semaphore, #tpu.memory_space<semaphore_mem>>) src(%dma_wait3A_362 : memref<8x112xi32, #tpu.memory_space<hbm>>) dst(%arg5 : memref<8x112xi32, #tpu.memory_space<vmem>>)
        %dma_start3A_363 = arith.constant 0 : i32
        %dma_start3A_364 = arith.constant 0 : i32
        %dma_start3A_365 = tpu.memref_slice %arg5[%dma_start3A_363, %dma_start3A_364] : memref<8x112xi32, #tpu.memory_space<vmem>> -> memref<1x112xi32, #tpu.memory_space<vmem>>
        %dma_start3A_366 = tpu.memref_squeeze %dma_start3A_365 : memref<1x112xi32, #tpu.memory_space<vmem>> -> memref<112xi32, #tpu.memory_space<vmem>>
        %dma_start3A_367 = arith.constant 0 : i32
        %dma_start3A_368 = arith.constant 0 : i32
        %dma_start3A_369 = tpu.memref_slice %arg2[%dma_start3A_367, %dma_start3A_368] : memref<10240x128xf32, #tpu.memory_space<hbm>> -> memref<10240x128xf32, #tpu.memory_space<hbm>>
        tpu.enqueue_indirect_dma source(%dma_start3A_369 : memref<10240x128xf32, #tpu.memory_space<hbm>>) target(%arg11 : memref<112x128xf32, #tpu.memory_space<vmem>>) offsets(%dma_start3A_366 : memref<112xi32, #tpu.memory_space<vmem>>) semaphore(%arg21 : memref<!tpu.dma_semaphore, #tpu.memory_space<semaphore_mem>>)
      } else {
      }
      %add3A_313 = arith.constant 5 : i32
      %add3A_314 = arith.addi %add3A_287, %add3A_313 : i32
      %lt3A_315 = arith.cmpi slt, %add3A_314, %select_n3A : i32
      %convert_element_type3A_316 = arith.extui %lt3A_315 : i1 to i32
      %cond3A_317 = arith.constant 0 : i32
      %cond3A_318 = arith.cmpi ne, %convert_element_type3A_316, %cond3A_317 : i32
      scf.if %cond3A_318 {
        %add3A_354 = arith.constant 5 : i32
        %add3A_355 = arith.addi %add3A_287, %add3A_354 : i32
        %dma_start3A_356 = arith.constant 0 : i32
        %dma_start3A_357 = arith.constant 0 : i32
        %dma_start3A_358 = tpu.memref_slice %arg3[%add3A, %add3A_355, %dma_start3A_356, %dma_start3A_357] : memref<32x174x8x112xi32, #tpu.memory_space<hbm>> -> memref<1x1x8x112xi32, #tpu.memory_space<hbm>>
        %dma_start3A_359 = tpu.memref_squeeze %dma_start3A_358 : memref<1x1x8x112xi32, #tpu.memory_space<hbm>> -> memref<8x112xi32, #tpu.memory_space<hbm>>
        %dma_start3A_360 = arith.constant 0 : i32
        %dma_start3A_361 = arith.constant 0 : i32
        %dma_start3A_362 = tpu.memref_slice %arg3[%add3A, %add3A_355, %dma_start3A_360, %dma_start3A_361] : memref<32x174x8x112xi32, #tpu.memory_space<hbm>> -> memref<1x1x8x112xi32, #tpu.memory_space<hbm>>
        %dma_start3A_363 = tpu.memref_squeeze %dma_start3A_362 : memref<1x1x8x112xi32, #tpu.memory_space<hbm>> -> memref<8x112xi32, #tpu.memory_space<hbm>>
        tpu.enqueue_dma source(%dma_start3A_363 : memref<8x112xi32, #tpu.memory_space<hbm>>) target(%arg8 : memref<8x112xi32, #tpu.memory_space<vmem>>) target_semaphore(%arg18 : memref<!tpu.dma_semaphore, #tpu.memory_space<semaphore_mem>>)
      } else {
      }
      %mul3A_319 = arith.constant 6 : i32
      %mul3A_320 = arith.muli %while3A_147, %mul3A_319 : i32
      %add3A_321 = arith.constant 5 : i32
      %add3A_322 = arith.addi %mul3A_320, %add3A_321 : i32
      %dma_wait3A_323 = arith.constant 0 : i32
      %dma_wait3A_324 = arith.constant 0 : i32
      %dma_wait3A_325 = tpu.memref_slice %arg10[%dma_wait3A_323, %dma_wait3A_324] : memref<8x112xi32, #tpu.memory_space<vmem>> -> memref<1x112xi32, #tpu.memory_space<vmem>>
      %dma_wait3A_326 = tpu.memref_squeeze %dma_wait3A_325 : memref<1x112xi32, #tpu.memory_space<vmem>> -> memref<112xi32, #tpu.memory_space<vmem>>
      %dma_wait3A_327 = arith.constant 0 : i32
      %dma_wait3A_328 = arith.constant 0 : i32
      %dma_wait3A_329 = tpu.memref_slice %arg2[%dma_wait3A_327, %dma_wait3A_328] : memref<10240x128xf32, #tpu.memory_space<hbm>> -> memref<10240x128xf32, #tpu.memory_space<hbm>>
      tpu.wait_indirect_dma semaphore(%arg23 : memref<!tpu.dma_semaphore, #tpu.memory_space<semaphore_mem>>) src(%dma_wait3A_329 : memref<10240x128xf32, #tpu.memory_space<hbm>>) dst(%arg13 : memref<112x128xf32, #tpu.memory_space<vmem>>)
      %dma_start3A_330 = arith.constant 1 : i32
      %dma_start3A_331 = arith.constant 0 : i32
      %dma_start3A_332 = tpu.memref_slice %arg10[%dma_start3A_330, %dma_start3A_331] : memref<8x112xi32, #tpu.memory_space<vmem>> -> memref<1x112xi32, #tpu.memory_space<vmem>>
      %dma_start3A_333 = tpu.memref_squeeze %dma_start3A_332 : memref<1x112xi32, #tpu.memory_space<vmem>> -> memref<112xi32, #tpu.memory_space<vmem>>
      %dma_start3A_334 = arith.constant 0 : i32
      %dma_start3A_335 = arith.constant 0 : i32
      %dma_start3A_336 = tpu.memref_slice %arg14[%dma_start3A_334, %dma_start3A_335] : memref<10112x128xf32, #tpu.memory_space<vmem_shared>> -> memref<10112x128xf32, #tpu.memory_space<vmem_shared>>
      tpu.enqueue_indirect_dma source(%arg13 : memref<112x128xf32, #tpu.memory_space<vmem>>) target(%dma_start3A_336 : memref<10112x128xf32, #tpu.memory_space<vmem_shared>>) offsets(%dma_start3A_333 : memref<112xi32, #tpu.memory_space<vmem>>) semaphore(%arg26 : memref<!tpu.dma_semaphore, #tpu.memory_space<semaphore_mem>>) {add = true}
      %ge3A_337 = arith.constant 1 : i32
      %ge3A_338 = arith.cmpi sge, %add3A_322, %ge3A_337 : i32
      %convert_element_type3A_339 = arith.extui %ge3A_338 : i1 to i32
      %cond3A_340 = arith.constant 0 : i32
      %cond3A_341 = arith.cmpi ne, %convert_element_type3A_339, %cond3A_340 : i32
      scf.if %cond3A_341 {
        %dma_wait3A_354 = arith.constant 1 : i32
        %dma_wait3A_355 = arith.constant 0 : i32
        %dma_wait3A_356 = tpu.memref_slice %arg9[%dma_wait3A_354, %dma_wait3A_355] : memref<8x112xi32, #tpu.memory_space<vmem>> -> memref<1x112xi32, #tpu.memory_space<vmem>>
        %dma_wait3A_357 = tpu.memref_squeeze %dma_wait3A_356 : memref<1x112xi32, #tpu.memory_space<vmem>> -> memref<112xi32, #tpu.memory_space<vmem>>
        %dma_wait3A_358 = arith.constant 0 : i32
        %dma_wait3A_359 = arith.constant 0 : i32
        %dma_wait3A_360 = tpu.memref_slice %arg14[%dma_wait3A_358, %dma_wait3A_359] : memref<10112x128xf32, #tpu.memory_space<vmem_shared>> -> memref<10112x128xf32, #tpu.memory_space<vmem_shared>>
        tpu.wait_indirect_dma semaphore(%arg25 : memref<!tpu.dma_semaphore, #tpu.memory_space<semaphore_mem>>) src(%arg12 : memref<112x128xf32, #tpu.memory_space<vmem>>) dst(%dma_wait3A_360 : memref<10112x128xf32, #tpu.memory_space<vmem_shared>>)
      } else {
      }
      %add3A_342 = arith.constant 2 : i32
      %add3A_343 = arith.addi %add3A_322, %add3A_342 : i32
      %lt3A_344 = arith.cmpi slt, %add3A_343, %select_n3A : i32
      %convert_element_type3A_345 = arith.extui %lt3A_344 : i1 to i32
      %cond3A_346 = arith.constant 0 : i32
      %cond3A_347 = arith.cmpi ne, %convert_element_type3A_345, %cond3A_346 : i32
      scf.if %cond3A_347 {
        %dma_wait3A_354 = arith.constant 0 : i32
        %dma_wait3A_355 = arith.constant 0 : i32
        %dma_wait3A_356 = arith.constant 0 : i32
        %dma_wait3A_357 = tpu.memref_slice %arg3[%add3A, %dma_wait3A_354, %dma_wait3A_355, %dma_wait3A_356] : memref<32x174x8x112xi32, #tpu.memory_space<hbm>> -> memref<1x1x8x112xi32, #tpu.memory_space<hbm>>
        %dma_wait3A_358 = tpu.memref_squeeze %dma_wait3A_357 : memref<1x1x8x112xi32, #tpu.memory_space<hbm>> -> memref<8x112xi32, #tpu.memory_space<hbm>>
        %dma_wait3A_359 = arith.constant 0 : i32
        %dma_wait3A_360 = arith.constant 0 : i32
        %dma_wait3A_361 = tpu.memref_slice %arg3[%add3A, %dma_wait3A_354, %dma_wait3A_359, %dma_wait3A_360] : memref<32x174x8x112xi32, #tpu.memory_space<hbm>> -> memref<1x1x8x112xi32, #tpu.memory_space<hbm>>
        %dma_wait3A_362 = tpu.memref_squeeze %dma_wait3A_361 : memref<1x1x8x112xi32, #tpu.memory_space<hbm>> -> memref<8x112xi32, #tpu.memory_space<hbm>>
        tpu.wait_dma2 semaphore(%arg16 : memref<!tpu.dma_semaphore, #tpu.memory_space<semaphore_mem>>) src(%dma_wait3A_362 : memref<8x112xi32, #tpu.memory_space<hbm>>) dst(%arg6 : memref<8x112xi32, #tpu.memory_space<vmem>>)
        %dma_start3A_363 = arith.constant 0 : i32
        %dma_start3A_364 = arith.constant 0 : i32
        %dma_start3A_365 = tpu.memref_slice %arg6[%dma_start3A_363, %dma_start3A_364] : memref<8x112xi32, #tpu.memory_space<vmem>> -> memref<1x112xi32, #tpu.memory_space<vmem>>
        %dma_start3A_366 = tpu.memref_squeeze %dma_start3A_365 : memref<1x112xi32, #tpu.memory_space<vmem>> -> memref<112xi32, #tpu.memory_space<vmem>>
        %dma_start3A_367 = arith.constant 0 : i32
        %dma_start3A_368 = arith.constant 0 : i32
        %dma_start3A_369 = tpu.memref_slice %arg2[%dma_start3A_367, %dma_start3A_368] : memref<10240x128xf32, #tpu.memory_space<hbm>> -> memref<10240x128xf32, #tpu.memory_space<hbm>>
        tpu.enqueue_indirect_dma source(%dma_start3A_369 : memref<10240x128xf32, #tpu.memory_space<hbm>>) target(%arg12 : memref<112x128xf32, #tpu.memory_space<vmem>>) offsets(%dma_start3A_366 : memref<112xi32, #tpu.memory_space<vmem>>) semaphore(%arg22 : memref<!tpu.dma_semaphore, #tpu.memory_space<semaphore_mem>>)
      } else {
      }
      %add3A_348 = arith.constant 5 : i32
      %add3A_349 = arith.addi %add3A_322, %add3A_348 : i32
      %lt3A_350 = arith.cmpi slt, %add3A_349, %select_n3A : i32
      %convert_element_type3A_351 = arith.extui %lt3A_350 : i1 to i32
      %cond3A_352 = arith.constant 0 : i32
      %cond3A_353 = arith.cmpi ne, %convert_element_type3A_351, %cond3A_352 : i32
      scf.if %cond3A_353 {
        %add3A_354 = arith.constant 5 : i32
        %add3A_355 = arith.addi %add3A_322, %add3A_354 : i32
        %dma_start3A_356 = arith.constant 0 : i32
        %dma_start3A_357 = arith.constant 0 : i32
        %dma_start3A_358 = tpu.memref_slice %arg3[%add3A, %add3A_355, %dma_start3A_356, %dma_start3A_357] : memref<32x174x8x112xi32, #tpu.memory_space<hbm>> -> memref<1x1x8x112xi32, #tpu.memory_space<hbm>>
        %dma_start3A_359 = tpu.memref_squeeze %dma_start3A_358 : memref<1x1x8x112xi32, #tpu.memory_space<hbm>> -> memref<8x112xi32, #tpu.memory_space<hbm>>
        %dma_start3A_360 = arith.constant 0 : i32
        %dma_start3A_361 = arith.constant 0 : i32
        %dma_start3A_362 = tpu.memref_slice %arg3[%add3A, %add3A_355, %dma_start3A_360, %dma_start3A_361] : memref<32x174x8x112xi32, #tpu.memory_space<hbm>> -> memref<1x1x8x112xi32, #tpu.memory_space<hbm>>
        %dma_start3A_363 = tpu.memref_squeeze %dma_start3A_362 : memref<1x1x8x112xi32, #tpu.memory_space<hbm>> -> memref<8x112xi32, #tpu.memory_space<hbm>>
        tpu.enqueue_dma source(%dma_start3A_363 : memref<8x112xi32, #tpu.memory_space<hbm>>) target(%arg9 : memref<8x112xi32, #tpu.memory_space<vmem>>) target_semaphore(%arg19 : memref<!tpu.dma_semaphore, #tpu.memory_space<semaphore_mem>>)
      } else {
      }
    }
    %dma_wait3A_135 = arith.constant 1 : i32
    %dma_wait3A_136 = arith.constant 0 : i32
    %dma_wait3A_137 = tpu.memref_slice %arg10[%dma_wait3A_135, %dma_wait3A_136] : memref<8x112xi32, #tpu.memory_space<vmem>> -> memref<1x112xi32, #tpu.memory_space<vmem>>
    %dma_wait3A_138 = tpu.memref_squeeze %dma_wait3A_137 : memref<1x112xi32, #tpu.memory_space<vmem>> -> memref<112xi32, #tpu.memory_space<vmem>>
    %dma_wait3A_139 = arith.constant 0 : i32
    %dma_wait3A_140 = arith.constant 0 : i32
    %dma_wait3A_141 = tpu.memref_slice %arg14[%dma_wait3A_139, %dma_wait3A_140] : memref<10112x128xf32, #tpu.memory_space<vmem_shared>> -> memref<10112x128xf32, #tpu.memory_space<vmem_shared>>
    tpu.wait_indirect_dma semaphore(%arg26 : memref<!tpu.dma_semaphore, #tpu.memory_space<semaphore_mem>>) src(%arg13 : memref<112x128xf32, #tpu.memory_space<vmem>>) dst(%dma_wait3A_141 : memref<10112x128xf32, #tpu.memory_space<vmem_shared>>)
    %barrier3A_142 = arith.constant 0 : index
    tpu.barrier barrier_id(%barrier3A_142)
    %mul3A_143 = arith.constant 632 : i32
    %mul3A_144 = arith.muli %arg1, %mul3A_143 : i32
    %mul3A_145 = arith.constant 632 : i32
    %mul3A_146 = arith.muli %arg1, %mul3A_145 : i32
    "tpu.region"() ({
      %run_scoped3A = tpu.sem_alloc : memref<!tpu.dma_semaphore, #tpu.memory_space<semaphore_mem>>
      %dma_start3A_147 = arith.constant 0 : i32
      %dma_start3A_148 = tpu.memref_slice %arg4[%arg0, %mul3A_146, %dma_start3A_147] : memref<2x10240x128xf32, #tpu.memory_space<hbm>> -> memref<1x632x128xf32, #tpu.memory_space<hbm>>
      %dma_start3A_149 = tpu.memref_squeeze %dma_start3A_148 : memref<1x632x128xf32, #tpu.memory_space<hbm>> -> memref<632x128xf32, #tpu.memory_space<hbm>>
      %dma_start3A_150 = arith.constant 0 : i32
      %dma_start3A_151 = tpu.memref_slice %arg14[%mul3A_144, %dma_start3A_150] : memref<10112x128xf32, #tpu.memory_space<vmem_shared>> -> memref<632x128xf32, #tpu.memory_space<vmem_shared>>
      tpu.enqueue_dma source(%dma_start3A_151 : memref<632x128xf32, #tpu.memory_space<vmem_shared>>) target(%dma_start3A_149 : memref<632x128xf32, #tpu.memory_space<hbm>>) target_semaphore(%run_scoped3A : memref<!tpu.dma_semaphore, #tpu.memory_space<semaphore_mem>>)
      %dma_wait3A_152 = arith.constant 0 : i32
      %dma_wait3A_153 = tpu.memref_slice %arg4[%arg0, %mul3A_146, %dma_wait3A_152] : memref<2x10240x128xf32, #tpu.memory_space<hbm>> -> memref<1x632x128xf32, #tpu.memory_space<hbm>>
      %dma_wait3A_154 = tpu.memref_squeeze %dma_wait3A_153 : memref<1x632x128xf32, #tpu.memory_space<hbm>> -> memref<632x128xf32, #tpu.memory_space<hbm>>
      %dma_wait3A_155 = arith.constant 0 : i32
      %dma_wait3A_156 = tpu.memref_slice %arg14[%mul3A_144, %dma_wait3A_155] : memref<10112x128xf32, #tpu.memory_space<vmem_shared>> -> memref<632x128xf32, #tpu.memory_space<vmem_shared>>
      tpu.wait_dma2 semaphore(%run_scoped3A : memref<!tpu.dma_semaphore, #tpu.memory_space<semaphore_mem>>) src(%dma_wait3A_156 : memref<632x128xf32, #tpu.memory_space<vmem_shared>>) dst(%dma_wait3A_154 : memref<632x128xf32, #tpu.memory_space<hbm>>)
      tpu.yield
    }) : () -> ()
    return
  }
}

#map = affine_map<(d0, d1) -> (0, 0)>
#map1 = affine_map<(d0, d1) -> (0, 0, 0, 0)>
#map2 = affine_map<(d0, d1) -> (0, 0, 0)>
module attributes {stable_mosaic.version = 14 : i64} {
  func.func @_sc_agg(%arg0: i32, %arg1: i32, %arg2: memref<10240x128xf32, #tpu.memory_space<hbm>>, %arg3: memref<32x174x8x112xi32, #tpu.memory_space<hbm>>, %arg4: memref<2x10240x128xf32, #tpu.memory_space<hbm>>, %arg5: memref<8x112xi32, #tpu.memory_space<vmem>>, %arg6: memref<8x112xi32, #tpu.memory_space<vmem>>, %arg7: memref<8x112xi32, #tpu.memory_space<vmem>>, %arg8: memref<8x112xi32, #tpu.memory_space<vmem>>, %arg9: memref<8x112xi32, #tpu.memory_space<vmem>>, %arg10: memref<8x112xi32, #tpu.memory_space<vmem>>, %arg11: memref<112x128xf32, #tpu.memory_space<vmem>>, %arg12: memref<112x128xf32, #tpu.memory_space<vmem>>, %arg13: memref<112x128xf32, #tpu.memory_space<vmem>>, %arg14: memref<10112x128xf32, #tpu.memory_space<vmem_shared>>, %arg15: memref<!tpu.dma_semaphore, #tpu.memory_space<semaphore_mem>>, %arg16: memref<!tpu.dma_semaphore, #tpu.memory_space<semaphore_mem>>, %arg17: memref<!tpu.dma_semaphore, #tpu.memory_space<semaphore_mem>>, %arg18: memref<!tpu.dma_semaphore, #tpu.memory_space<semaphore_mem>>, %arg19: memref<!tpu.dma_semaphore, #tpu.memory_space<semaphore_mem>>, %arg20: memref<!tpu.dma_semaphore, #tpu.memory_space<semaphore_mem>>, %arg21: memref<!tpu.dma_semaphore, #tpu.memory_space<semaphore_mem>>, %arg22: memref<!tpu.dma_semaphore, #tpu.memory_space<semaphore_mem>>, %arg23: memref<!tpu.dma_semaphore, #tpu.memory_space<semaphore_mem>>, %arg24: memref<!tpu.dma_semaphore, #tpu.memory_space<semaphore_mem>>, %arg25: memref<!tpu.dma_semaphore, #tpu.memory_space<semaphore_mem>>, %arg26: memref<!tpu.dma_semaphore, #tpu.memory_space<semaphore_mem>>) attributes {dimension_semantics = [#tpu.dimension_semantics<core_parallel>, #tpu.dimension_semantics<subcore_parallel>], iteration_bounds = array<i64: 2, 16>, scalar_prefetch = 0 : i64, scratch_operands = 22 : i64, tpu.core_type = #tpu.core_type<sc_vector_subcore>, window_params = [{transform_indices = #map}, {transform_indices = #map1}, {transform_indices = #map2}]} {
    %mul3A = arith.constant 16 : i32
    %mul3A_0 = arith.muli %arg0, %mul3A : i32
    %add3A = arith.addi %mul3A_0, %arg1 : i32
    %eq3A = arith.constant 0 : i32
    %eq3A_1 = arith.cmpi eq, %arg0, %eq3A : i32
    %jit3A = arith.constant 174 : i32
    %jit3A_2 = arith.constant 6 : i32
    %select_n3A = arith.select %eq3A_1, %jit3A, %jit3A_2 : i32
    %dma_start3A = arith.constant 0 : i32
    %dma_start3A_3 = arith.constant 0 : i32
    %dma_start3A_4 = arith.constant 0 : i32
    %dma_start3A_5 = tpu.memref_slice %arg3[%add3A, %dma_start3A, %dma_start3A_3, %dma_start3A_4] : memref<32x174x8x112xi32, #tpu.memory_space<hbm>> -> memref<1x1x8x112xi32, #tpu.memory_space<hbm>>
    %dma_start3A_6 = tpu.memref_squeeze %dma_start3A_5 : memref<1x1x8x112xi32, #tpu.memory_space<hbm>> -> memref<8x112xi32, #tpu.memory_space<hbm>>
    %dma_start3A_7 = arith.constant 0 : i32
    %dma_start3A_8 = arith.constant 0 : i32
    %dma_start3A_9 = tpu.memref_slice %arg3[%add3A, %dma_start3A, %dma_start3A_7, %dma_start3A_8] : memref<32x174x8x112xi32, #tpu.memory_space<hbm>> -> memref<1x1x8x112xi32, #tpu.memory_space<hbm>>
    %dma_start3A_10 = tpu.memref_squeeze %dma_start3A_9 : memref<1x1x8x112xi32, #tpu.memory_space<hbm>> -> memref<8x112xi32, #tpu.memory_space<hbm>>
    tpu.enqueue_dma source(%dma_start3A_10 : memref<8x112xi32, #tpu.memory_space<hbm>>) target(%arg5 : memref<8x112xi32, #tpu.memory_space<vmem>>) target_semaphore(%arg15 : memref<!tpu.dma_semaphore, #tpu.memory_space<semaphore_mem>>)
    %dma_start3A_11 = arith.constant 1 : i32
    %dma_start3A_12 = arith.constant 0 : i32
    %dma_start3A_13 = arith.constant 0 : i32
    %dma_start3A_14 = tpu.memref_slice %arg3[%add3A, %dma_start3A_11, %dma_start3A_12, %dma_start3A_13] : memref<32x174x8x112xi32, #tpu.memory_space<hbm>> -> memref<1x1x8x112xi32, #tpu.memory_space<hbm>>
    %dma_start3A_15 = tpu.memref_squeeze %dma_start3A_14 : memref<1x1x8x112xi32, #tpu.memory_space<hbm>> -> memref<8x112xi32, #tpu.memory_space<hbm>>
    %dma_start3A_16 = arith.constant 0 : i32
    %dma_start3A_17 = arith.constant 0 : i32
    %dma_start3A_18 = tpu.memref_slice %arg3[%add3A, %dma_start3A_11, %dma_start3A_16, %dma_start3A_17] : memref<32x174x8x112xi32, #tpu.memory_space<hbm>> -> memref<1x1x8x112xi32, #tpu.memory_space<hbm>>
    %dma_start3A_19 = tpu.memref_squeeze %dma_start3A_18 : memref<1x1x8x112xi32, #tpu.memory_space<hbm>> -> memref<8x112xi32, #tpu.memory_space<hbm>>
    tpu.enqueue_dma source(%dma_start3A_19 : memref<8x112xi32, #tpu.memory_space<hbm>>) target(%arg6 : memref<8x112xi32, #tpu.memory_space<vmem>>) target_semaphore(%arg16 : memref<!tpu.dma_semaphore, #tpu.memory_space<semaphore_mem>>)
    %dma_start3A_20 = arith.constant 2 : i32
    %dma_start3A_21 = arith.constant 0 : i32
    %dma_start3A_22 = arith.constant 0 : i32
    %dma_start3A_23 = tpu.memref_slice %arg3[%add3A, %dma_start3A_20, %dma_start3A_21, %dma_start3A_22] : memref<32x174x8x112xi32, #tpu.memory_space<hbm>> -> memref<1x1x8x112xi32, #tpu.memory_space<hbm>>
    %dma_start3A_24 = tpu.memref_squeeze %dma_start3A_23 : memref<1x1x8x112xi32, #tpu.memory_space<hbm>> -> memref<8x112xi32, #tpu.memory_space<hbm>>
    %dma_start3A_25 = arith.constant 0 : i32
    %dma_start3A_26 = arith.constant 0 : i32
    %dma_start3A_27 = tpu.memref_slice %arg3[%add3A, %dma_start3A_20, %dma_start3A_25, %dma_start3A_26] : memref<32x174x8x112xi32, #tpu.memory_space<hbm>> -> memref<1x1x8x112xi32, #tpu.memory_space<hbm>>
    %dma_start3A_28 = tpu.memref_squeeze %dma_start3A_27 : memref<1x1x8x112xi32, #tpu.memory_space<hbm>> -> memref<8x112xi32, #tpu.memory_space<hbm>>
    tpu.enqueue_dma source(%dma_start3A_28 : memref<8x112xi32, #tpu.memory_space<hbm>>) target(%arg7 : memref<8x112xi32, #tpu.memory_space<vmem>>) target_semaphore(%arg17 : memref<!tpu.dma_semaphore, #tpu.memory_space<semaphore_mem>>)
    %dma_start3A_29 = arith.constant 3 : i32
    %dma_start3A_30 = arith.constant 0 : i32
    %dma_start3A_31 = arith.constant 0 : i32
    %dma_start3A_32 = tpu.memref_slice %arg3[%add3A, %dma_start3A_29, %dma_start3A_30, %dma_start3A_31] : memref<32x174x8x112xi32, #tpu.memory_space<hbm>> -> memref<1x1x8x112xi32, #tpu.memory_space<hbm>>
    %dma_start3A_33 = tpu.memref_squeeze %dma_start3A_32 : memref<1x1x8x112xi32, #tpu.memory_space<hbm>> -> memref<8x112xi32, #tpu.memory_space<hbm>>
    %dma_start3A_34 = arith.constant 0 : i32
    %dma_start3A_35 = arith.constant 0 : i32
    %dma_start3A_36 = tpu.memref_slice %arg3[%add3A, %dma_start3A_29, %dma_start3A_34, %dma_start3A_35] : memref<32x174x8x112xi32, #tpu.memory_space<hbm>> -> memref<1x1x8x112xi32, #tpu.memory_space<hbm>>
    %dma_start3A_37 = tpu.memref_squeeze %dma_start3A_36 : memref<1x1x8x112xi32, #tpu.memory_space<hbm>> -> memref<8x112xi32, #tpu.memory_space<hbm>>
    tpu.enqueue_dma source(%dma_start3A_37 : memref<8x112xi32, #tpu.memory_space<hbm>>) target(%arg8 : memref<8x112xi32, #tpu.memory_space<vmem>>) target_semaphore(%arg18 : memref<!tpu.dma_semaphore, #tpu.memory_space<semaphore_mem>>)
    %dma_start3A_38 = arith.constant 4 : i32
    %dma_start3A_39 = arith.constant 0 : i32
    %dma_start3A_40 = arith.constant 0 : i32
    %dma_start3A_41 = tpu.memref_slice %arg3[%add3A, %dma_start3A_38, %dma_start3A_39, %dma_start3A_40] : memref<32x174x8x112xi32, #tpu.memory_space<hbm>> -> memref<1x1x8x112xi32, #tpu.memory_space<hbm>>
    %dma_start3A_42 = tpu.memref_squeeze %dma_start3A_41 : memref<1x1x8x112xi32, #tpu.memory_space<hbm>> -> memref<8x112xi32, #tpu.memory_space<hbm>>
    %dma_start3A_43 = arith.constant 0 : i32
    %dma_start3A_44 = arith.constant 0 : i32
    %dma_start3A_45 = tpu.memref_slice %arg3[%add3A, %dma_start3A_38, %dma_start3A_43, %dma_start3A_44] : memref<32x174x8x112xi32, #tpu.memory_space<hbm>> -> memref<1x1x8x112xi32, #tpu.memory_space<hbm>>
    %dma_start3A_46 = tpu.memref_squeeze %dma_start3A_45 : memref<1x1x8x112xi32, #tpu.memory_space<hbm>> -> memref<8x112xi32, #tpu.memory_space<hbm>>
    tpu.enqueue_dma source(%dma_start3A_46 : memref<8x112xi32, #tpu.memory_space<hbm>>) target(%arg9 : memref<8x112xi32, #tpu.memory_space<vmem>>) target_semaphore(%arg19 : memref<!tpu.dma_semaphore, #tpu.memory_space<semaphore_mem>>)
    %broadcast_in_dim3A = arith.constant 0.000000e+00 : f32
    %broadcast_in_dim3A_47 = vector.broadcast %broadcast_in_dim3A : f32 to vector<16xf32>
    %scan3A = arith.constant 0 : i32
    %scan3A_48 = arith.constant 0 : i32
    %scan3A_49 = arith.constant 112 : i32
    %scan3A_50 = arith.addi %scan3A_48, %scan3A_49 : i32
    %scan3A_51 = arith.constant 1 : i32
    scf.for %scan3A_147 = %scan3A_48 to %scan3A_50 step %scan3A_51  : i32 {
      %swap3A = arith.index_cast %scan3A_147 : i32 to index
      %swap3A_148 = arith.constant 0 : index
      %swap3A_149 = tpu.vector_load %arg11[%swap3A, %swap3A_148] {strides = array<i32>} : memref<112x128xf32, #tpu.memory_space<vmem>>, vector<1x16xf32>,
      %swap3A_150 = vector.shape_cast %swap3A_149 : vector<1x16xf32> to vector<16xf32>
      %swap3A_151 = vector.shape_cast %broadcast_in_dim3A_47 : vector<16xf32> to vector<1x16xf32>
      tpu.vector_store %arg11[%swap3A, %swap3A_148], %swap3A_151 {strides = array<i32>} : memref<112x128xf32, #tpu.memory_space<vmem>>, vector<1x16xf32>,
      %swap3A_152 = arith.index_cast %scan3A_147 : i32 to index
      %swap3A_153 = arith.constant 16 : index
      %swap3A_154 = tpu.vector_load %arg11[%swap3A_152, %swap3A_153] {strides = array<i32>} : memref<112x128xf32, #tpu.memory_space<vmem>>, vector<1x16xf32>,
      %swap3A_155 = vector.shape_cast %swap3A_154 : vector<1x16xf32> to vector<16xf32>
      %swap3A_156 = vector.shape_cast %broadcast_in_dim3A_47 : vector<16xf32> to vector<1x16xf32>
      tpu.vector_store %arg11[%swap3A_152, %swap3A_153], %swap3A_156 {strides = array<i32>} : memref<112x128xf32, #tpu.memory_space<vmem>>, vector<1x16xf32>,
      %swap3A_157 = arith.index_cast %scan3A_147 : i32 to index
      %swap3A_158 = arith.constant 32 : index
      %swap3A_159 = tpu.vector_load %arg11[%swap3A_157, %swap3A_158] {strides = array<i32>} : memref<112x128xf32, #tpu.memory_space<vmem>>, vector<1x16xf32>,
      %swap3A_160 = vector.shape_cast %swap3A_159 : vector<1x16xf32> to vector<16xf32>
      %swap3A_161 = vector.shape_cast %broadcast_in_dim3A_47 : vector<16xf32> to vector<1x16xf32>
      tpu.vector_store %arg11[%swap3A_157, %swap3A_158], %swap3A_161 {strides = array<i32>} : memref<112x128xf32, #tpu.memory_space<vmem>>, vector<1x16xf32>,
      %swap3A_162 = arith.index_cast %scan3A_147 : i32 to index
      %swap3A_163 = arith.constant 48 : index
      %swap3A_164 = tpu.vector_load %arg11[%swap3A_162, %swap3A_163] {strides = array<i32>} : memref<112x128xf32, #tpu.memory_space<vmem>>, vector<1x16xf32>,
      %swap3A_165 = vector.shape_cast %swap3A_164 : vector<1x16xf32> to vector<16xf32>
      %swap3A_166 = vector.shape_cast %broadcast_in_dim3A_47 : vector<16xf32> to vector<1x16xf32>
      tpu.vector_store %arg11[%swap3A_162, %swap3A_163], %swap3A_166 {strides = array<i32>} : memref<112x128xf32, #tpu.memory_space<vmem>>, vector<1x16xf32>,
      %swap3A_167 = arith.index_cast %scan3A_147 : i32 to index
      %swap3A_168 = arith.constant 64 : index
      %swap3A_169 = tpu.vector_load %arg11[%swap3A_167, %swap3A_168] {strides = array<i32>} : memref<112x128xf32, #tpu.memory_space<vmem>>, vector<1x16xf32>,
      %swap3A_170 = vector.shape_cast %swap3A_169 : vector<1x16xf32> to vector<16xf32>
      %swap3A_171 = vector.shape_cast %broadcast_in_dim3A_47 : vector<16xf32> to vector<1x16xf32>
      tpu.vector_store %arg11[%swap3A_167, %swap3A_168], %swap3A_171 {strides = array<i32>} : memref<112x128xf32, #tpu.memory_space<vmem>>, vector<1x16xf32>,
      %swap3A_172 = arith.index_cast %scan3A_147 : i32 to index
      %swap3A_173 = arith.constant 80 : index
      %swap3A_174 = tpu.vector_load %arg11[%swap3A_172, %swap3A_173] {strides = array<i32>} : memref<112x128xf32, #tpu.memory_space<vmem>>, vector<1x16xf32>,
      %swap3A_175 = vector.shape_cast %swap3A_174 : vector<1x16xf32> to vector<16xf32>
      %swap3A_176 = vector.shape_cast %broadcast_in_dim3A_47 : vector<16xf32> to vector<1x16xf32>
      tpu.vector_store %arg11[%swap3A_172, %swap3A_173], %swap3A_176 {strides = array<i32>} : memref<112x128xf32, #tpu.memory_space<vmem>>, vector<1x16xf32>,
      %swap3A_177 = arith.index_cast %scan3A_147 : i32 to index
      %swap3A_178 = arith.constant 96 : index
      %swap3A_179 = tpu.vector_load %arg11[%swap3A_177, %swap3A_178] {strides = array<i32>} : memref<112x128xf32, #tpu.memory_space<vmem>>, vector<1x16xf32>,
      %swap3A_180 = vector.shape_cast %swap3A_179 : vector<1x16xf32> to vector<16xf32>
      %swap3A_181 = vector.shape_cast %broadcast_in_dim3A_47 : vector<16xf32> to vector<1x16xf32>
      tpu.vector_store %arg11[%swap3A_177, %swap3A_178], %swap3A_181 {strides = array<i32>} : memref<112x128xf32, #tpu.memory_space<vmem>>, vector<1x16xf32>,
      %swap3A_182 = arith.index_cast %scan3A_147 : i32 to index
      %swap3A_183 = arith.constant 112 : index
      %swap3A_184 = tpu.vector_load %arg11[%swap3A_182, %swap3A_183] {strides = array<i32>} : memref<112x128xf32, #tpu.memory_space<vmem>>, vector<1x16xf32>,
      %swap3A_185 = vector.shape_cast %swap3A_184 : vector<1x16xf32> to vector<16xf32>
      %swap3A_186 = vector.shape_cast %broadcast_in_dim3A_47 : vector<16xf32> to vector<1x16xf32>
      tpu.vector_store %arg11[%swap3A_182, %swap3A_183], %swap3A_186 {strides = array<i32>} : memref<112x128xf32, #tpu.memory_space<vmem>>, vector<1x16xf32>,
    }
    %scan3A_52 = arith.constant 112 : i32
    %mul3A_53 = arith.constant 632 : i32
    %mul3A_54 = arith.muli %arg1, %mul3A_53 : i32
    %add3A_55 = arith.constant 0 : i32
    %add3A_56 = arith.addi %mul3A_54, %add3A_55 : i32
    "tpu.region"() ({
      %run_scoped3A = tpu.sem_alloc : memref<!tpu.dma_semaphore, #tpu.memory_space<semaphore_mem>>
      %dma_start3A_147 = arith.constant 0 : i32
      %dma_start3A_148 = tpu.memref_slice %arg14[%add3A_56, %dma_start3A_147] : memref<10112x128xf32, #tpu.memory_space<vmem_shared>> -> memref<112x128xf32, #tpu.memory_space<vmem_shared>>
      %dma_start3A_149 = arith.constant 0 : i32
      %dma_start3A_150 = tpu.memref_slice %arg14[%add3A_56, %dma_start3A_149] : memref<10112x128xf32, #tpu.memory_space<vmem_shared>> -> memref<112x128xf32, #tpu.memory_space<vmem_shared>>
      tpu.enqueue_dma source(%arg11 : memref<112x128xf32, #tpu.memory_space<vmem>>) target(%dma_start3A_150 : memref<112x128xf32, #tpu.memory_space<vmem_shared>>) target_semaphore(%run_scoped3A : memref<!tpu.dma_semaphore, #tpu.memory_space<semaphore_mem>>)
      %dma_wait3A_151 = arith.constant 0 : i32
      %dma_wait3A_152 = tpu.memref_slice %arg14[%add3A_56, %dma_wait3A_151] : memref<10112x128xf32, #tpu.memory_space<vmem_shared>> -> memref<112x128xf32, #tpu.memory_space<vmem_shared>>
      %dma_wait3A_153 = arith.constant 0 : i32
      %dma_wait3A_154 = tpu.memref_slice %arg14[%add3A_56, %dma_wait3A_153] : memref<10112x128xf32, #tpu.memory_space<vmem_shared>> -> memref<112x128xf32, #tpu.memory_space<vmem_shared>>
      tpu.wait_dma2 semaphore(%run_scoped3A : memref<!tpu.dma_semaphore, #tpu.memory_space<semaphore_mem>>) src(%arg11 : memref<112x128xf32, #tpu.memory_space<vmem>>) dst(%dma_wait3A_154 : memref<112x128xf32, #tpu.memory_space<vmem_shared>>)
      tpu.yield
    }) : () -> ()
    %mul3A_57 = arith.constant 632 : i32
    %mul3A_58 = arith.muli %arg1, %mul3A_57 : i32
    %add3A_59 = arith.constant 112 : i32
    %add3A_60 = arith.addi %mul3A_58, %add3A_59 : i32
    "tpu.region"() ({
      %run_scoped3A = tpu.sem_alloc : memref<!tpu.dma_semaphore, #tpu.memory_space<semaphore_mem>>
      %dma_start3A_147 = arith.constant 0 : i32
      %dma_start3A_148 = tpu.memref_slice %arg14[%add3A_60, %dma_start3A_147] : memref<10112x128xf32, #tpu.memory_space<vmem_shared>> -> memref<112x128xf32, #tpu.memory_space<vmem_shared>>
      %dma_start3A_149 = arith.constant 0 : i32
      %dma_start3A_150 = tpu.memref_slice %arg14[%add3A_60, %dma_start3A_149] : memref<10112x128xf32, #tpu.memory_space<vmem_shared>> -> memref<112x128xf32, #tpu.memory_space<vmem_shared>>
      tpu.enqueue_dma source(%arg11 : memref<112x128xf32, #tpu.memory_space<vmem>>) target(%dma_start3A_150 : memref<112x128xf32, #tpu.memory_space<vmem_shared>>) target_semaphore(%run_scoped3A : memref<!tpu.dma_semaphore, #tpu.memory_space<semaphore_mem>>)
      %dma_wait3A_151 = arith.constant 0 : i32
      %dma_wait3A_152 = tpu.memref_slice %arg14[%add3A_60, %dma_wait3A_151] : memref<10112x128xf32, #tpu.memory_space<vmem_shared>> -> memref<112x128xf32, #tpu.memory_space<vmem_shared>>
      %dma_wait3A_153 = arith.constant 0 : i32
      %dma_wait3A_154 = tpu.memref_slice %arg14[%add3A_60, %dma_wait3A_153] : memref<10112x128xf32, #tpu.memory_space<vmem_shared>> -> memref<112x128xf32, #tpu.memory_space<vmem_shared>>
      tpu.wait_dma2 semaphore(%run_scoped3A : memref<!tpu.dma_semaphore, #tpu.memory_space<semaphore_mem>>) src(%arg11 : memref<112x128xf32, #tpu.memory_space<vmem>>) dst(%dma_wait3A_154 : memref<112x128xf32, #tpu.memory_space<vmem_shared>>)
      tpu.yield
    }) : () -> ()
    %mul3A_61 = arith.constant 632 : i32
    %mul3A_62 = arith.muli %arg1, %mul3A_61 : i32
    %add3A_63 = arith.constant 224 : i32
    %add3A_64 = arith.addi %mul3A_62, %add3A_63 : i32
    "tpu.region"() ({
      %run_scoped3A = tpu.sem_alloc : memref<!tpu.dma_semaphore, #tpu.memory_space<semaphore_mem>>
      %dma_start3A_147 = arith.constant 0 : i32
      %dma_start3A_148 = tpu.memref_slice %arg14[%add3A_64, %dma_start3A_147] : memref<10112x128xf32, #tpu.memory_space<vmem_shared>> -> memref<112x128xf32, #tpu.memory_space<vmem_shared>>
      %dma_start3A_149 = arith.constant 0 : i32
      %dma_start3A_150 = tpu.memref_slice %arg14[%add3A_64, %dma_start3A_149] : memref<10112x128xf32, #tpu.memory_space<vmem_shared>> -> memref<112x128xf32, #tpu.memory_space<vmem_shared>>
      tpu.enqueue_dma source(%arg11 : memref<112x128xf32, #tpu.memory_space<vmem>>) target(%dma_start3A_150 : memref<112x128xf32, #tpu.memory_space<vmem_shared>>) target_semaphore(%run_scoped3A : memref<!tpu.dma_semaphore, #tpu.memory_space<semaphore_mem>>)
      %dma_wait3A_151 = arith.constant 0 : i32
      %dma_wait3A_152 = tpu.memref_slice %arg14[%add3A_64, %dma_wait3A_151] : memref<10112x128xf32, #tpu.memory_space<vmem_shared>> -> memref<112x128xf32, #tpu.memory_space<vmem_shared>>
      %dma_wait3A_153 = arith.constant 0 : i32
      %dma_wait3A_154 = tpu.memref_slice %arg14[%add3A_64, %dma_wait3A_153] : memref<10112x128xf32, #tpu.memory_space<vmem_shared>> -> memref<112x128xf32, #tpu.memory_space<vmem_shared>>
      tpu.wait_dma2 semaphore(%run_scoped3A : memref<!tpu.dma_semaphore, #tpu.memory_space<semaphore_mem>>) src(%arg11 : memref<112x128xf32, #tpu.memory_space<vmem>>) dst(%dma_wait3A_154 : memref<112x128xf32, #tpu.memory_space<vmem_shared>>)
      tpu.yield
    }) : () -> ()
    %mul3A_65 = arith.constant 632 : i32
    %mul3A_66 = arith.muli %arg1, %mul3A_65 : i32
    %add3A_67 = arith.constant 336 : i32
    %add3A_68 = arith.addi %mul3A_66, %add3A_67 : i32
    "tpu.region"() ({
      %run_scoped3A = tpu.sem_alloc : memref<!tpu.dma_semaphore, #tpu.memory_space<semaphore_mem>>
      %dma_start3A_147 = arith.constant 0 : i32
      %dma_start3A_148 = tpu.memref_slice %arg14[%add3A_68, %dma_start3A_147] : memref<10112x128xf32, #tpu.memory_space<vmem_shared>> -> memref<112x128xf32, #tpu.memory_space<vmem_shared>>
      %dma_start3A_149 = arith.constant 0 : i32
      %dma_start3A_150 = tpu.memref_slice %arg14[%add3A_68, %dma_start3A_149] : memref<10112x128xf32, #tpu.memory_space<vmem_shared>> -> memref<112x128xf32, #tpu.memory_space<vmem_shared>>
      tpu.enqueue_dma source(%arg11 : memref<112x128xf32, #tpu.memory_space<vmem>>) target(%dma_start3A_150 : memref<112x128xf32, #tpu.memory_space<vmem_shared>>) target_semaphore(%run_scoped3A : memref<!tpu.dma_semaphore, #tpu.memory_space<semaphore_mem>>)
      %dma_wait3A_151 = arith.constant 0 : i32
      %dma_wait3A_152 = tpu.memref_slice %arg14[%add3A_68, %dma_wait3A_151] : memref<10112x128xf32, #tpu.memory_space<vmem_shared>> -> memref<112x128xf32, #tpu.memory_space<vmem_shared>>
      %dma_wait3A_153 = arith.constant 0 : i32
      %dma_wait3A_154 = tpu.memref_slice %arg14[%add3A_68, %dma_wait3A_153] : memref<10112x128xf32, #tpu.memory_space<vmem_shared>> -> memref<112x128xf32, #tpu.memory_space<vmem_shared>>
      tpu.wait_dma2 semaphore(%run_scoped3A : memref<!tpu.dma_semaphore, #tpu.memory_space<semaphore_mem>>) src(%arg11 : memref<112x128xf32, #tpu.memory_space<vmem>>) dst(%dma_wait3A_154 : memref<112x128xf32, #tpu.memory_space<vmem_shared>>)
      tpu.yield
    }) : () -> ()
    %mul3A_69 = arith.constant 632 : i32
    %mul3A_70 = arith.muli %arg1, %mul3A_69 : i32
    %add3A_71 = arith.constant 448 : i32
    %add3A_72 = arith.addi %mul3A_70, %add3A_71 : i32
    "tpu.region"() ({
      %run_scoped3A = tpu.sem_alloc : memref<!tpu.dma_semaphore, #tpu.memory_space<semaphore_mem>>
      %dma_start3A_147 = arith.constant 0 : i32
      %dma_start3A_148 = tpu.memref_slice %arg14[%add3A_72, %dma_start3A_147] : memref<10112x128xf32, #tpu.memory_space<vmem_shared>> -> memref<112x128xf32, #tpu.memory_space<vmem_shared>>
      %dma_start3A_149 = arith.constant 0 : i32
      %dma_start3A_150 = tpu.memref_slice %arg14[%add3A_72, %dma_start3A_149] : memref<10112x128xf32, #tpu.memory_space<vmem_shared>> -> memref<112x128xf32, #tpu.memory_space<vmem_shared>>
      tpu.enqueue_dma source(%arg11 : memref<112x128xf32, #tpu.memory_space<vmem>>) target(%dma_start3A_150 : memref<112x128xf32, #tpu.memory_space<vmem_shared>>) target_semaphore(%run_scoped3A : memref<!tpu.dma_semaphore, #tpu.memory_space<semaphore_mem>>)
      %dma_wait3A_151 = arith.constant 0 : i32
      %dma_wait3A_152 = tpu.memref_slice %arg14[%add3A_72, %dma_wait3A_151] : memref<10112x128xf32, #tpu.memory_space<vmem_shared>> -> memref<112x128xf32, #tpu.memory_space<vmem_shared>>
      %dma_wait3A_153 = arith.constant 0 : i32
      %dma_wait3A_154 = tpu.memref_slice %arg14[%add3A_72, %dma_wait3A_153] : memref<10112x128xf32, #tpu.memory_space<vmem_shared>> -> memref<112x128xf32, #tpu.memory_space<vmem_shared>>
      tpu.wait_dma2 semaphore(%run_scoped3A : memref<!tpu.dma_semaphore, #tpu.memory_space<semaphore_mem>>) src(%arg11 : memref<112x128xf32, #tpu.memory_space<vmem>>) dst(%dma_wait3A_154 : memref<112x128xf32, #tpu.memory_space<vmem_shared>>)
      tpu.yield
    }) : () -> ()
    %mul3A_73 = arith.constant 632 : i32
    %mul3A_74 = arith.muli %arg1, %mul3A_73 : i32
    %add3A_75 = arith.constant 560 : i32
    %add3A_76 = arith.addi %mul3A_74, %add3A_75 : i32
    "tpu.region"() ({
      %run_scoped3A = tpu.sem_alloc : memref<!tpu.dma_semaphore, #tpu.memory_space<semaphore_mem>>
      %dma_start3A_147 = arith.constant 0 : i32
      %dma_start3A_148 = arith.constant 0 : i32
      %dma_start3A_149 = tpu.memref_slice %arg11[%dma_start3A_147, %dma_start3A_148] : memref<112x128xf32, #tpu.memory_space<vmem>> -> memref<72x128xf32, #tpu.memory_space<vmem>>
      %dma_start3A_150 = arith.constant 0 : i32
      %dma_start3A_151 = tpu.memref_slice %arg14[%add3A_76, %dma_start3A_150] : memref<10112x128xf32, #tpu.memory_space<vmem_shared>> -> memref<72x128xf32, #tpu.memory_space<vmem_shared>>
      %dma_start3A_152 = arith.constant 0 : i32
      %dma_start3A_153 = tpu.memref_slice %arg14[%add3A_76, %dma_start3A_152] : memref<10112x128xf32, #tpu.memory_space<vmem_shared>> -> memref<72x128xf32, #tpu.memory_space<vmem_shared>>
      %dma_start3A_154 = arith.constant 0 : i32
      %dma_start3A_155 = arith.constant 0 : i32
      %dma_start3A_156 = tpu.memref_slice %arg11[%dma_start3A_154, %dma_start3A_155] : memref<112x128xf32, #tpu.memory_space<vmem>> -> memref<72x128xf32, #tpu.memory_space<vmem>>
      tpu.enqueue_dma source(%dma_start3A_156 : memref<72x128xf32, #tpu.memory_space<vmem>>) target(%dma_start3A_153 : memref<72x128xf32, #tpu.memory_space<vmem_shared>>) target_semaphore(%run_scoped3A : memref<!tpu.dma_semaphore, #tpu.memory_space<semaphore_mem>>)
      %dma_wait3A_157 = arith.constant 0 : i32
      %dma_wait3A_158 = arith.constant 0 : i32
      %dma_wait3A_159 = tpu.memref_slice %arg11[%dma_wait3A_157, %dma_wait3A_158] : memref<112x128xf32, #tpu.memory_space<vmem>> -> memref<72x128xf32, #tpu.memory_space<vmem>>
      %dma_wait3A_160 = arith.constant 0 : i32
      %dma_wait3A_161 = tpu.memref_slice %arg14[%add3A_76, %dma_wait3A_160] : memref<10112x128xf32, #tpu.memory_space<vmem_shared>> -> memref<72x128xf32, #tpu.memory_space<vmem_shared>>
      %dma_wait3A_162 = arith.constant 0 : i32
      %dma_wait3A_163 = tpu.memref_slice %arg14[%add3A_76, %dma_wait3A_162] : memref<10112x128xf32, #tpu.memory_space<vmem_shared>> -> memref<72x128xf32, #tpu.memory_space<vmem_shared>>
      %dma_wait3A_164 = arith.constant 0 : i32
      %dma_wait3A_165 = arith.constant 0 : i32
      %dma_wait3A_166 = tpu.memref_slice %arg11[%dma_wait3A_164, %dma_wait3A_165] : memref<112x128xf32, #tpu.memory_space<vmem>> -> memref<72x128xf32, #tpu.memory_space<vmem>>
      tpu.wait_dma2 semaphore(%run_scoped3A : memref<!tpu.dma_semaphore, #tpu.memory_space<semaphore_mem>>) src(%dma_wait3A_166 : memref<72x128xf32, #tpu.memory_space<vmem>>) dst(%dma_wait3A_163 : memref<72x128xf32, #tpu.memory_space<vmem_shared>>)
      tpu.yield
    }) : () -> ()
    %barrier3A = arith.constant 0 : index
    tpu.barrier barrier_id(%barrier3A)
    %dma_wait3A = arith.constant 0 : i32
    %dma_wait3A_77 = arith.constant 0 : i32
    %dma_wait3A_78 = arith.constant 0 : i32
    %dma_wait3A_79 = tpu.memref_slice %arg3[%add3A, %dma_wait3A, %dma_wait3A_77, %dma_wait3A_78] : memref<32x174x8x112xi32, #tpu.memory_space<hbm>> -> memref<1x1x8x112xi32, #tpu.memory_space<hbm>>
    %dma_wait3A_80 = tpu.memref_squeeze %dma_wait3A_79 : memref<1x1x8x112xi32, #tpu.memory_space<hbm>> -> memref<8x112xi32, #tpu.memory_space<hbm>>
    %dma_wait3A_81 = arith.constant 0 : i32
    %dma_wait3A_82 = arith.constant 0 : i32
    %dma_wait3A_83 = tpu.memref_slice %arg3[%add3A, %dma_wait3A, %dma_wait3A_81, %dma_wait3A_82] : memref<32x174x8x112xi32, #tpu.memory_space<hbm>> -> memref<1x1x8x112xi32, #tpu.memory_space<hbm>>
    %dma_wait3A_84 = tpu.memref_squeeze %dma_wait3A_83 : memref<1x1x8x112xi32, #tpu.memory_space<hbm>> -> memref<8x112xi32, #tpu.memory_space<hbm>>
    tpu.wait_dma2 semaphore(%arg15 : memref<!tpu.dma_semaphore, #tpu.memory_space<semaphore_mem>>) src(%dma_wait3A_84 : memref<8x112xi32, #tpu.memory_space<hbm>>) dst(%arg5 : memref<8x112xi32, #tpu.memory_space<vmem>>)
    %dma_start3A_85 = arith.constant 0 : i32
    %dma_start3A_86 = arith.constant 0 : i32
    %dma_start3A_87 = tpu.memref_slice %arg5[%dma_start3A_85, %dma_start3A_86] : memref<8x112xi32, #tpu.memory_space<vmem>> -> memref<1x112xi32, #tpu.memory_space<vmem>>
    %dma_start3A_88 = tpu.memref_squeeze %dma_start3A_87 : memref<1x112xi32, #tpu.memory_space<vmem>> -> memref<112xi32, #tpu.memory_space<vmem>>
    %dma_start3A_89 = arith.constant 0 : i32
    %dma_start3A_90 = arith.constant 0 : i32
    %dma_start3A_91 = tpu.memref_slice %arg2[%dma_start3A_89, %dma_start3A_90] : memref<10240x128xf32, #tpu.memory_space<hbm>> -> memref<10240x128xf32, #tpu.memory_space<hbm>>
    tpu.enqueue_indirect_dma source(%dma_start3A_91 : memref<10240x128xf32, #tpu.memory_space<hbm>>) target(%arg11 : memref<112x128xf32, #tpu.memory_space<vmem>>) offsets(%dma_start3A_88 : memref<112xi32, #tpu.memory_space<vmem>>) semaphore(%arg21 : memref<!tpu.dma_semaphore, #tpu.memory_space<semaphore_mem>>)
    %dma_wait3A_92 = arith.constant 0 : i32
    %dma_wait3A_93 = arith.constant 0 : i32
    %dma_wait3A_94 = arith.constant 0 : i32
    %dma_wait3A_95 = tpu.memref_slice %arg3[%add3A, %dma_wait3A_92, %dma_wait3A_93, %dma_wait3A_94] : memref<32x174x8x112xi32, #tpu.memory_space<hbm>> -> memref<1x1x8x112xi32, #tpu.memory_space<hbm>>
    %dma_wait3A_96 = tpu.memref_squeeze %dma_wait3A_95 : memref<1x1x8x112xi32, #tpu.memory_space<hbm>> -> memref<8x112xi32, #tpu.memory_space<hbm>>
    %dma_wait3A_97 = arith.constant 0 : i32
    %dma_wait3A_98 = arith.constant 0 : i32
    %dma_wait3A_99 = tpu.memref_slice %arg3[%add3A, %dma_wait3A_92, %dma_wait3A_97, %dma_wait3A_98] : memref<32x174x8x112xi32, #tpu.memory_space<hbm>> -> memref<1x1x8x112xi32, #tpu.memory_space<hbm>>
    %dma_wait3A_100 = tpu.memref_squeeze %dma_wait3A_99 : memref<1x1x8x112xi32, #tpu.memory_space<hbm>> -> memref<8x112xi32, #tpu.memory_space<hbm>>
    tpu.wait_dma2 semaphore(%arg16 : memref<!tpu.dma_semaphore, #tpu.memory_space<semaphore_mem>>) src(%dma_wait3A_100 : memref<8x112xi32, #tpu.memory_space<hbm>>) dst(%arg6 : memref<8x112xi32, #tpu.memory_space<vmem>>)
    %dma_start3A_101 = arith.constant 0 : i32
    %dma_start3A_102 = arith.constant 0 : i32
    %dma_start3A_103 = tpu.memref_slice %arg6[%dma_start3A_101, %dma_start3A_102] : memref<8x112xi32, #tpu.memory_space<vmem>> -> memref<1x112xi32, #tpu.memory_space<vmem>>
    %dma_start3A_104 = tpu.memref_squeeze %dma_start3A_103 : memref<1x112xi32, #tpu.memory_space<vmem>> -> memref<112xi32, #tpu.memory_space<vmem>>
    %dma_start3A_105 = arith.constant 0 : i32
    %dma_start3A_106 = arith.constant 0 : i32
    %dma_start3A_107 = tpu.memref_slice %arg2[%dma_start3A_105, %dma_start3A_106] : memref<10240x128xf32, #tpu.memory_space<hbm>> -> memref<10240x128xf32, #tpu.memory_space<hbm>>
    tpu.enqueue_indirect_dma source(%dma_start3A_107 : memref<10240x128xf32, #tpu.memory_space<hbm>>) target(%arg12 : memref<112x128xf32, #tpu.memory_space<vmem>>) offsets(%dma_start3A_104 : memref<112xi32, #tpu.memory_space<vmem>>) semaphore(%arg22 : memref<!tpu.dma_semaphore, #tpu.memory_space<semaphore_mem>>)
    %jit3A_108 = arith.constant 6 : i32
    %div3A = arith.divsi %select_n3A, %jit3A_108 : i32
    %sign3A = arith.constant 0 : i32
    %sign3A_109 = arith.cmpi sgt, %select_n3A, %sign3A : i32
    %sign3A_110 = arith.extui %sign3A_109 : i1 to i32
    %sign3A_111 = arith.constant 0 : i32
    %sign3A_112 = arith.cmpi slt, %select_n3A, %sign3A_111 : i32
    %sign3A_113 = arith.extui %sign3A_112 : i1 to i32
    %sign3A_114 = arith.subi %sign3A_110, %sign3A_113 : i32
    %sign3A_115 = arith.constant 0 : i32
    %sign3A_116 = arith.cmpi sgt, %jit3A_108, %sign3A_115 : i32
    %sign3A_117 = arith.extui %sign3A_116 : i1 to i32
    %sign3A_118 = arith.constant 0 : i32
    %sign3A_119 = arith.cmpi slt, %jit3A_108, %sign3A_118 : i32
    %sign3A_120 = arith.extui %sign3A_119 : i1 to i32
    %sign3A_121 = arith.subi %sign3A_117, %sign3A_120 : i32
    %ne3A = arith.cmpi ne, %sign3A_114, %sign3A_121 : i32
    %rem3A = arith.remsi %select_n3A, %jit3A_108 : i32
    %ne3A_122 = arith.constant 0 : i32
    %ne3A_123 = arith.cmpi ne, %rem3A, %ne3A_122 : i32
    %and3A = arith.andi %ne3A, %ne3A_123 : i1
    %sub3A = arith.constant 1 : i32
    %sub3A_124 = arith.subi %div3A, %sub3A : i32
    %select_n3A_125 = arith.select %and3A, %sub3A_124, %div3A : i32
    %while3A = arith.constant 0 : i32
    %while3A_126 = arith.constant 0 : i32
    %while3A_127 = arith.subi %select_n3A_125, %while3A_126 : i32
    %while3A_128 = arith.addi %while3A_126, %while3A_127 : i32
    %while3A_129 = arith.constant 1 : i32
    %while3A_130 = arith.divsi %while3A_127, %while3A_129 : i32
    %while3A_131 = arith.muli %while3A_130, %while3A_129 : i32
    %while3A_132 = arith.addi %while3A_126, %while3A_131 : i32
    %while3A_133 = arith.constant 1 : i32
    scf.for %while3A_147 = %while3A_126 to %while3A_132 step %while3A_133  : i32 {
      %mul3A_148 = arith.constant 6 : i32
      %mul3A_149 = arith.muli %while3A_147, %mul3A_148 : i32
      %add3A_150 = arith.constant 0 : i32
      %add3A_151 = arith.addi %mul3A_149, %add3A_150 : i32
      %dma_wait3A_152 = arith.constant 0 : i32
      %dma_wait3A_153 = arith.constant 0 : i32
      %dma_wait3A_154 = tpu.memref_slice %arg5[%dma_wait3A_152, %dma_wait3A_153] : memref<8x112xi32, #tpu.memory_space<vmem>> -> memref<1x112xi32, #tpu.memory_space<vmem>>
      %dma_wait3A_155 = tpu.memref_squeeze %dma_wait3A_154 : memref<1x112xi32, #tpu.memory_space<vmem>> -> memref<112xi32, #tpu.memory_space<vmem>>
      %dma_wait3A_156 = arith.constant 0 : i32
      %dma_wait3A_157 = arith.constant 0 : i32
      %dma_wait3A_158 = tpu.memref_slice %arg2[%dma_wait3A_156, %dma_wait3A_157] : memref<10240x128xf32, #tpu.memory_space<hbm>> -> memref<10240x128xf32, #tpu.memory_space<hbm>>
      tpu.wait_indirect_dma semaphore(%arg21 : memref<!tpu.dma_semaphore, #tpu.memory_space<semaphore_mem>>) src(%dma_wait3A_158 : memref<10240x128xf32, #tpu.memory_space<hbm>>) dst(%arg11 : memref<112x128xf32, #tpu.memory_space<vmem>>)
      %dma_start3A_159 = arith.constant 1 : i32
      %dma_start3A_160 = arith.constant 0 : i32
      %dma_start3A_161 = tpu.memref_slice %arg5[%dma_start3A_159, %dma_start3A_160] : memref<8x112xi32, #tpu.memory_space<vmem>> -> memref<1x112xi32, #tpu.memory_space<vmem>>
      %dma_start3A_162 = tpu.memref_squeeze %dma_start3A_161 : memref<1x112xi32, #tpu.memory_space<vmem>> -> memref<112xi32, #tpu.memory_space<vmem>>
      %dma_start3A_163 = arith.constant 0 : i32
      %dma_start3A_164 = arith.constant 0 : i32
      %dma_start3A_165 = tpu.memref_slice %arg14[%dma_start3A_163, %dma_start3A_164] : memref<10112x128xf32, #tpu.memory_space<vmem_shared>> -> memref<10112x128xf32, #tpu.memory_space<vmem_shared>>
      tpu.enqueue_indirect_dma source(%arg11 : memref<112x128xf32, #tpu.memory_space<vmem>>) target(%dma_start3A_165 : memref<10112x128xf32, #tpu.memory_space<vmem_shared>>) offsets(%dma_start3A_162 : memref<112xi32, #tpu.memory_space<vmem>>) semaphore(%arg24 : memref<!tpu.dma_semaphore, #tpu.memory_space<semaphore_mem>>) {add = true}
      %ge3A = arith.constant 1 : i32
      %ge3A_166 = arith.cmpi sge, %add3A_151, %ge3A : i32
      %convert_element_type3A = arith.extui %ge3A_166 : i1 to i32
      %cond3A = arith.constant 0 : i32
      %cond3A_167 = arith.cmpi ne, %convert_element_type3A, %cond3A : i32
      scf.if %cond3A_167 {
        %dma_wait3A_354 = arith.constant 1 : i32
        %dma_wait3A_355 = arith.constant 0 : i32
        %dma_wait3A_356 = tpu.memref_slice %arg10[%dma_wait3A_354, %dma_wait3A_355] : memref<8x112xi32, #tpu.memory_space<vmem>> -> memref<1x112xi32, #tpu.memory_space<vmem>>
        %dma_wait3A_357 = tpu.memref_squeeze %dma_wait3A_356 : memref<1x112xi32, #tpu.memory_space<vmem>> -> memref<112xi32, #tpu.memory_space<vmem>>
        %dma_wait3A_358 = arith.constant 0 : i32
        %dma_wait3A_359 = arith.constant 0 : i32
        %dma_wait3A_360 = tpu.memref_slice %arg14[%dma_wait3A_358, %dma_wait3A_359] : memref<10112x128xf32, #tpu.memory_space<vmem_shared>> -> memref<10112x128xf32, #tpu.memory_space<vmem_shared>>
        tpu.wait_indirect_dma semaphore(%arg26 : memref<!tpu.dma_semaphore, #tpu.memory_space<semaphore_mem>>) src(%arg13 : memref<112x128xf32, #tpu.memory_space<vmem>>) dst(%dma_wait3A_360 : memref<10112x128xf32, #tpu.memory_space<vmem_shared>>)
      } else {
      }
      %add3A_168 = arith.constant 2 : i32
      %add3A_169 = arith.addi %add3A_151, %add3A_168 : i32
      %lt3A = arith.cmpi slt, %add3A_169, %select_n3A : i32
      %convert_element_type3A_170 = arith.extui %lt3A : i1 to i32
      %cond3A_171 = arith.constant 0 : i32
      %cond3A_172 = arith.cmpi ne, %convert_element_type3A_170, %cond3A_171 : i32
      scf.if %cond3A_172 {
        %dma_wait3A_354 = arith.constant 0 : i32
        %dma_wait3A_355 = arith.constant 0 : i32
        %dma_wait3A_356 = arith.constant 0 : i32
        %dma_wait3A_357 = tpu.memref_slice %arg3[%add3A, %dma_wait3A_354, %dma_wait3A_355, %dma_wait3A_356] : memref<32x174x8x112xi32, #tpu.memory_space<hbm>> -> memref<1x1x8x112xi32, #tpu.memory_space<hbm>>
        %dma_wait3A_358 = tpu.memref_squeeze %dma_wait3A_357 : memref<1x1x8x112xi32, #tpu.memory_space<hbm>> -> memref<8x112xi32, #tpu.memory_space<hbm>>
        %dma_wait3A_359 = arith.constant 0 : i32
        %dma_wait3A_360 = arith.constant 0 : i32
        %dma_wait3A_361 = tpu.memref_slice %arg3[%add3A, %dma_wait3A_354, %dma_wait3A_359, %dma_wait3A_360] : memref<32x174x8x112xi32, #tpu.memory_space<hbm>> -> memref<1x1x8x112xi32, #tpu.memory_space<hbm>>
        %dma_wait3A_362 = tpu.memref_squeeze %dma_wait3A_361 : memref<1x1x8x112xi32, #tpu.memory_space<hbm>> -> memref<8x112xi32, #tpu.memory_space<hbm>>
        tpu.wait_dma2 semaphore(%arg17 : memref<!tpu.dma_semaphore, #tpu.memory_space<semaphore_mem>>) src(%dma_wait3A_362 : memref<8x112xi32, #tpu.memory_space<hbm>>) dst(%arg7 : memref<8x112xi32, #tpu.memory_space<vmem>>)
        %dma_start3A_363 = arith.constant 0 : i32
        %dma_start3A_364 = arith.constant 0 : i32
        %dma_start3A_365 = tpu.memref_slice %arg7[%dma_start3A_363, %dma_start3A_364] : memref<8x112xi32, #tpu.memory_space<vmem>> -> memref<1x112xi32, #tpu.memory_space<vmem>>
        %dma_start3A_366 = tpu.memref_squeeze %dma_start3A_365 : memref<1x112xi32, #tpu.memory_space<vmem>> -> memref<112xi32, #tpu.memory_space<vmem>>
        %dma_start3A_367 = arith.constant 0 : i32
        %dma_start3A_368 = arith.constant 0 : i32
        %dma_start3A_369 = tpu.memref_slice %arg2[%dma_start3A_367, %dma_start3A_368] : memref<10240x128xf32, #tpu.memory_space<hbm>> -> memref<10240x128xf32, #tpu.memory_space<hbm>>
        tpu.enqueue_indirect_dma source(%dma_start3A_369 : memref<10240x128xf32, #tpu.memory_space<hbm>>) target(%arg13 : memref<112x128xf32, #tpu.memory_space<vmem>>) offsets(%dma_start3A_366 : memref<112xi32, #tpu.memory_space<vmem>>) semaphore(%arg23 : memref<!tpu.dma_semaphore, #tpu.memory_space<semaphore_mem>>)
      } else {
      }
      %add3A_173 = arith.constant 5 : i32
      %add3A_174 = arith.addi %add3A_151, %add3A_173 : i32
      %lt3A_175 = arith.cmpi slt, %add3A_174, %select_n3A : i32
      %convert_element_type3A_176 = arith.extui %lt3A_175 : i1 to i32
      %cond3A_177 = arith.constant 0 : i32
      %cond3A_178 = arith.cmpi ne, %convert_element_type3A_176, %cond3A_177 : i32
      scf.if %cond3A_178 {
        %add3A_354 = arith.constant 5 : i32
        %add3A_355 = arith.addi %add3A_151, %add3A_354 : i32
        %dma_start3A_356 = arith.constant 0 : i32
        %dma_start3A_357 = arith.constant 0 : i32
        %dma_start3A_358 = tpu.memref_slice %arg3[%add3A, %add3A_355, %dma_start3A_356, %dma_start3A_357] : memref<32x174x8x112xi32, #tpu.memory_space<hbm>> -> memref<1x1x8x112xi32, #tpu.memory_space<hbm>>
        %dma_start3A_359 = tpu.memref_squeeze %dma_start3A_358 : memref<1x1x8x112xi32, #tpu.memory_space<hbm>> -> memref<8x112xi32, #tpu.memory_space<hbm>>
        %dma_start3A_360 = arith.constant 0 : i32
        %dma_start3A_361 = arith.constant 0 : i32
        %dma_start3A_362 = tpu.memref_slice %arg3[%add3A, %add3A_355, %dma_start3A_360, %dma_start3A_361] : memref<32x174x8x112xi32, #tpu.memory_space<hbm>> -> memref<1x1x8x112xi32, #tpu.memory_space<hbm>>
        %dma_start3A_363 = tpu.memref_squeeze %dma_start3A_362 : memref<1x1x8x112xi32, #tpu.memory_space<hbm>> -> memref<8x112xi32, #tpu.memory_space<hbm>>
        tpu.enqueue_dma source(%dma_start3A_363 : memref<8x112xi32, #tpu.memory_space<hbm>>) target(%arg10 : memref<8x112xi32, #tpu.memory_space<vmem>>) target_semaphore(%arg20 : memref<!tpu.dma_semaphore, #tpu.memory_space<semaphore_mem>>)
      } else {
      }
      %mul3A_179 = arith.constant 6 : i32
      %mul3A_180 = arith.muli %while3A_147, %mul3A_179 : i32
      %add3A_181 = arith.constant 1 : i32
      %add3A_182 = arith.addi %mul3A_180, %add3A_181 : i32
      %dma_wait3A_183 = arith.constant 0 : i32
      %dma_wait3A_184 = arith.constant 0 : i32
      %dma_wait3A_185 = tpu.memref_slice %arg6[%dma_wait3A_183, %dma_wait3A_184] : memref<8x112xi32, #tpu.memory_space<vmem>> -> memref<1x112xi32, #tpu.memory_space<vmem>>
      %dma_wait3A_186 = tpu.memref_squeeze %dma_wait3A_185 : memref<1x112xi32, #tpu.memory_space<vmem>> -> memref<112xi32, #tpu.memory_space<vmem>>
      %dma_wait3A_187 = arith.constant 0 : i32
      %dma_wait3A_188 = arith.constant 0 : i32
      %dma_wait3A_189 = tpu.memref_slice %arg2[%dma_wait3A_187, %dma_wait3A_188] : memref<10240x128xf32, #tpu.memory_space<hbm>> -> memref<10240x128xf32, #tpu.memory_space<hbm>>
      tpu.wait_indirect_dma semaphore(%arg22 : memref<!tpu.dma_semaphore, #tpu.memory_space<semaphore_mem>>) src(%dma_wait3A_189 : memref<10240x128xf32, #tpu.memory_space<hbm>>) dst(%arg12 : memref<112x128xf32, #tpu.memory_space<vmem>>)
      %dma_start3A_190 = arith.constant 1 : i32
      %dma_start3A_191 = arith.constant 0 : i32
      %dma_start3A_192 = tpu.memref_slice %arg6[%dma_start3A_190, %dma_start3A_191] : memref<8x112xi32, #tpu.memory_space<vmem>> -> memref<1x112xi32, #tpu.memory_space<vmem>>
      %dma_start3A_193 = tpu.memref_squeeze %dma_start3A_192 : memref<1x112xi32, #tpu.memory_space<vmem>> -> memref<112xi32, #tpu.memory_space<vmem>>
      %dma_start3A_194 = arith.constant 0 : i32
      %dma_start3A_195 = arith.constant 0 : i32
      %dma_start3A_196 = tpu.memref_slice %arg14[%dma_start3A_194, %dma_start3A_195] : memref<10112x128xf32, #tpu.memory_space<vmem_shared>> -> memref<10112x128xf32, #tpu.memory_space<vmem_shared>>
      tpu.enqueue_indirect_dma source(%arg12 : memref<112x128xf32, #tpu.memory_space<vmem>>) target(%dma_start3A_196 : memref<10112x128xf32, #tpu.memory_space<vmem_shared>>) offsets(%dma_start3A_193 : memref<112xi32, #tpu.memory_space<vmem>>) semaphore(%arg25 : memref<!tpu.dma_semaphore, #tpu.memory_space<semaphore_mem>>) {add = true}
      %ge3A_197 = arith.constant 1 : i32
      %ge3A_198 = arith.cmpi sge, %add3A_182, %ge3A_197 : i32
      %convert_element_type3A_199 = arith.extui %ge3A_198 : i1 to i32
      %cond3A_200 = arith.constant 0 : i32
      %cond3A_201 = arith.cmpi ne, %convert_element_type3A_199, %cond3A_200 : i32
      scf.if %cond3A_201 {
        %dma_wait3A_354 = arith.constant 1 : i32
        %dma_wait3A_355 = arith.constant 0 : i32
        %dma_wait3A_356 = tpu.memref_slice %arg5[%dma_wait3A_354, %dma_wait3A_355] : memref<8x112xi32, #tpu.memory_space<vmem>> -> memref<1x112xi32, #tpu.memory_space<vmem>>
        %dma_wait3A_357 = tpu.memref_squeeze %dma_wait3A_356 : memref<1x112xi32, #tpu.memory_space<vmem>> -> memref<112xi32, #tpu.memory_space<vmem>>
        %dma_wait3A_358 = arith.constant 0 : i32
        %dma_wait3A_359 = arith.constant 0 : i32
        %dma_wait3A_360 = tpu.memref_slice %arg14[%dma_wait3A_358, %dma_wait3A_359] : memref<10112x128xf32, #tpu.memory_space<vmem_shared>> -> memref<10112x128xf32, #tpu.memory_space<vmem_shared>>
        tpu.wait_indirect_dma semaphore(%arg24 : memref<!tpu.dma_semaphore, #tpu.memory_space<semaphore_mem>>) src(%arg11 : memref<112x128xf32, #tpu.memory_space<vmem>>) dst(%dma_wait3A_360 : memref<10112x128xf32, #tpu.memory_space<vmem_shared>>)
      } else {
      }
      %add3A_202 = arith.constant 2 : i32
      %add3A_203 = arith.addi %add3A_182, %add3A_202 : i32
      %lt3A_204 = arith.cmpi slt, %add3A_203, %select_n3A : i32
      %convert_element_type3A_205 = arith.extui %lt3A_204 : i1 to i32
      %cond3A_206 = arith.constant 0 : i32
      %cond3A_207 = arith.cmpi ne, %convert_element_type3A_205, %cond3A_206 : i32
      scf.if %cond3A_207 {
        %dma_wait3A_354 = arith.constant 0 : i32
        %dma_wait3A_355 = arith.constant 0 : i32
        %dma_wait3A_356 = arith.constant 0 : i32
        %dma_wait3A_357 = tpu.memref_slice %arg3[%add3A, %dma_wait3A_354, %dma_wait3A_355, %dma_wait3A_356] : memref<32x174x8x112xi32, #tpu.memory_space<hbm>> -> memref<1x1x8x112xi32, #tpu.memory_space<hbm>>
        %dma_wait3A_358 = tpu.memref_squeeze %dma_wait3A_357 : memref<1x1x8x112xi32, #tpu.memory_space<hbm>> -> memref<8x112xi32, #tpu.memory_space<hbm>>
        %dma_wait3A_359 = arith.constant 0 : i32
        %dma_wait3A_360 = arith.constant 0 : i32
        %dma_wait3A_361 = tpu.memref_slice %arg3[%add3A, %dma_wait3A_354, %dma_wait3A_359, %dma_wait3A_360] : memref<32x174x8x112xi32, #tpu.memory_space<hbm>> -> memref<1x1x8x112xi32, #tpu.memory_space<hbm>>
        %dma_wait3A_362 = tpu.memref_squeeze %dma_wait3A_361 : memref<1x1x8x112xi32, #tpu.memory_space<hbm>> -> memref<8x112xi32, #tpu.memory_space<hbm>>
        tpu.wait_dma2 semaphore(%arg18 : memref<!tpu.dma_semaphore, #tpu.memory_space<semaphore_mem>>) src(%dma_wait3A_362 : memref<8x112xi32, #tpu.memory_space<hbm>>) dst(%arg8 : memref<8x112xi32, #tpu.memory_space<vmem>>)
        %dma_start3A_363 = arith.constant 0 : i32
        %dma_start3A_364 = arith.constant 0 : i32
        %dma_start3A_365 = tpu.memref_slice %arg8[%dma_start3A_363, %dma_start3A_364] : memref<8x112xi32, #tpu.memory_space<vmem>> -> memref<1x112xi32, #tpu.memory_space<vmem>>
        %dma_start3A_366 = tpu.memref_squeeze %dma_start3A_365 : memref<1x112xi32, #tpu.memory_space<vmem>> -> memref<112xi32, #tpu.memory_space<vmem>>
        %dma_start3A_367 = arith.constant 0 : i32
        %dma_start3A_368 = arith.constant 0 : i32
        %dma_start3A_369 = tpu.memref_slice %arg2[%dma_start3A_367, %dma_start3A_368] : memref<10240x128xf32, #tpu.memory_space<hbm>> -> memref<10240x128xf32, #tpu.memory_space<hbm>>
        tpu.enqueue_indirect_dma source(%dma_start3A_369 : memref<10240x128xf32, #tpu.memory_space<hbm>>) target(%arg11 : memref<112x128xf32, #tpu.memory_space<vmem>>) offsets(%dma_start3A_366 : memref<112xi32, #tpu.memory_space<vmem>>) semaphore(%arg21 : memref<!tpu.dma_semaphore, #tpu.memory_space<semaphore_mem>>)
      } else {
      }
      %add3A_208 = arith.constant 5 : i32
      %add3A_209 = arith.addi %add3A_182, %add3A_208 : i32
      %lt3A_210 = arith.cmpi slt, %add3A_209, %select_n3A : i32
      %convert_element_type3A_211 = arith.extui %lt3A_210 : i1 to i32
      %cond3A_212 = arith.constant 0 : i32
      %cond3A_213 = arith.cmpi ne, %convert_element_type3A_211, %cond3A_212 : i32
      scf.if %cond3A_213 {
        %add3A_354 = arith.constant 5 : i32
        %add3A_355 = arith.addi %add3A_182, %add3A_354 : i32
        %dma_start3A_356 = arith.constant 0 : i32
        %dma_start3A_357 = arith.constant 0 : i32
        %dma_start3A_358 = tpu.memref_slice %arg3[%add3A, %add3A_355, %dma_start3A_356, %dma_start3A_357] : memref<32x174x8x112xi32, #tpu.memory_space<hbm>> -> memref<1x1x8x112xi32, #tpu.memory_space<hbm>>
        %dma_start3A_359 = tpu.memref_squeeze %dma_start3A_358 : memref<1x1x8x112xi32, #tpu.memory_space<hbm>> -> memref<8x112xi32, #tpu.memory_space<hbm>>
        %dma_start3A_360 = arith.constant 0 : i32
        %dma_start3A_361 = arith.constant 0 : i32
        %dma_start3A_362 = tpu.memref_slice %arg3[%add3A, %add3A_355, %dma_start3A_360, %dma_start3A_361] : memref<32x174x8x112xi32, #tpu.memory_space<hbm>> -> memref<1x1x8x112xi32, #tpu.memory_space<hbm>>
        %dma_start3A_363 = tpu.memref_squeeze %dma_start3A_362 : memref<1x1x8x112xi32, #tpu.memory_space<hbm>> -> memref<8x112xi32, #tpu.memory_space<hbm>>
        tpu.enqueue_dma source(%dma_start3A_363 : memref<8x112xi32, #tpu.memory_space<hbm>>) target(%arg5 : memref<8x112xi32, #tpu.memory_space<vmem>>) target_semaphore(%arg15 : memref<!tpu.dma_semaphore, #tpu.memory_space<semaphore_mem>>)
      } else {
      }
      %mul3A_214 = arith.constant 6 : i32
      %mul3A_215 = arith.muli %while3A_147, %mul3A_214 : i32
      %add3A_216 = arith.constant 2 : i32
      %add3A_217 = arith.addi %mul3A_215, %add3A_216 : i32
      %dma_wait3A_218 = arith.constant 0 : i32
      %dma_wait3A_219 = arith.constant 0 : i32
      %dma_wait3A_220 = tpu.memref_slice %arg7[%dma_wait3A_218, %dma_wait3A_219] : memref<8x112xi32, #tpu.memory_space<vmem>> -> memref<1x112xi32, #tpu.memory_space<vmem>>
      %dma_wait3A_221 = tpu.memref_squeeze %dma_wait3A_220 : memref<1x112xi32, #tpu.memory_space<vmem>> -> memref<112xi32, #tpu.memory_space<vmem>>
      %dma_wait3A_222 = arith.constant 0 : i32
      %dma_wait3A_223 = arith.constant 0 : i32
      %dma_wait3A_224 = tpu.memref_slice %arg2[%dma_wait3A_222, %dma_wait3A_223] : memref<10240x128xf32, #tpu.memory_space<hbm>> -> memref<10240x128xf32, #tpu.memory_space<hbm>>
      tpu.wait_indirect_dma semaphore(%arg23 : memref<!tpu.dma_semaphore, #tpu.memory_space<semaphore_mem>>) src(%dma_wait3A_224 : memref<10240x128xf32, #tpu.memory_space<hbm>>) dst(%arg13 : memref<112x128xf32, #tpu.memory_space<vmem>>)
      %dma_start3A_225 = arith.constant 1 : i32
      %dma_start3A_226 = arith.constant 0 : i32
      %dma_start3A_227 = tpu.memref_slice %arg7[%dma_start3A_225, %dma_start3A_226] : memref<8x112xi32, #tpu.memory_space<vmem>> -> memref<1x112xi32, #tpu.memory_space<vmem>>
      %dma_start3A_228 = tpu.memref_squeeze %dma_start3A_227 : memref<1x112xi32, #tpu.memory_space<vmem>> -> memref<112xi32, #tpu.memory_space<vmem>>
      %dma_start3A_229 = arith.constant 0 : i32
      %dma_start3A_230 = arith.constant 0 : i32
      %dma_start3A_231 = tpu.memref_slice %arg14[%dma_start3A_229, %dma_start3A_230] : memref<10112x128xf32, #tpu.memory_space<vmem_shared>> -> memref<10112x128xf32, #tpu.memory_space<vmem_shared>>
      tpu.enqueue_indirect_dma source(%arg13 : memref<112x128xf32, #tpu.memory_space<vmem>>) target(%dma_start3A_231 : memref<10112x128xf32, #tpu.memory_space<vmem_shared>>) offsets(%dma_start3A_228 : memref<112xi32, #tpu.memory_space<vmem>>) semaphore(%arg26 : memref<!tpu.dma_semaphore, #tpu.memory_space<semaphore_mem>>) {add = true}
      %ge3A_232 = arith.constant 1 : i32
      %ge3A_233 = arith.cmpi sge, %add3A_217, %ge3A_232 : i32
      %convert_element_type3A_234 = arith.extui %ge3A_233 : i1 to i32
      %cond3A_235 = arith.constant 0 : i32
      %cond3A_236 = arith.cmpi ne, %convert_element_type3A_234, %cond3A_235 : i32
      scf.if %cond3A_236 {
        %dma_wait3A_354 = arith.constant 1 : i32
        %dma_wait3A_355 = arith.constant 0 : i32
        %dma_wait3A_356 = tpu.memref_slice %arg6[%dma_wait3A_354, %dma_wait3A_355] : memref<8x112xi32, #tpu.memory_space<vmem>> -> memref<1x112xi32, #tpu.memory_space<vmem>>
        %dma_wait3A_357 = tpu.memref_squeeze %dma_wait3A_356 : memref<1x112xi32, #tpu.memory_space<vmem>> -> memref<112xi32, #tpu.memory_space<vmem>>
        %dma_wait3A_358 = arith.constant 0 : i32
        %dma_wait3A_359 = arith.constant 0 : i32
        %dma_wait3A_360 = tpu.memref_slice %arg14[%dma_wait3A_358, %dma_wait3A_359] : memref<10112x128xf32, #tpu.memory_space<vmem_shared>> -> memref<10112x128xf32, #tpu.memory_space<vmem_shared>>
        tpu.wait_indirect_dma semaphore(%arg25 : memref<!tpu.dma_semaphore, #tpu.memory_space<semaphore_mem>>) src(%arg12 : memref<112x128xf32, #tpu.memory_space<vmem>>) dst(%dma_wait3A_360 : memref<10112x128xf32, #tpu.memory_space<vmem_shared>>)
      } else {
      }
      %add3A_237 = arith.constant 2 : i32
      %add3A_238 = arith.addi %add3A_217, %add3A_237 : i32
      %lt3A_239 = arith.cmpi slt, %add3A_238, %select_n3A : i32
      %convert_element_type3A_240 = arith.extui %lt3A_239 : i1 to i32
      %cond3A_241 = arith.constant 0 : i32
      %cond3A_242 = arith.cmpi ne, %convert_element_type3A_240, %cond3A_241 : i32
      scf.if %cond3A_242 {
        %dma_wait3A_354 = arith.constant 0 : i32
        %dma_wait3A_355 = arith.constant 0 : i32
        %dma_wait3A_356 = arith.constant 0 : i32
        %dma_wait3A_357 = tpu.memref_slice %arg3[%add3A, %dma_wait3A_354, %dma_wait3A_355, %dma_wait3A_356] : memref<32x174x8x112xi32, #tpu.memory_space<hbm>> -> memref<1x1x8x112xi32, #tpu.memory_space<hbm>>
        %dma_wait3A_358 = tpu.memref_squeeze %dma_wait3A_357 : memref<1x1x8x112xi32, #tpu.memory_space<hbm>> -> memref<8x112xi32, #tpu.memory_space<hbm>>
        %dma_wait3A_359 = arith.constant 0 : i32
        %dma_wait3A_360 = arith.constant 0 : i32
        %dma_wait3A_361 = tpu.memref_slice %arg3[%add3A, %dma_wait3A_354, %dma_wait3A_359, %dma_wait3A_360] : memref<32x174x8x112xi32, #tpu.memory_space<hbm>> -> memref<1x1x8x112xi32, #tpu.memory_space<hbm>>
        %dma_wait3A_362 = tpu.memref_squeeze %dma_wait3A_361 : memref<1x1x8x112xi32, #tpu.memory_space<hbm>> -> memref<8x112xi32, #tpu.memory_space<hbm>>
        tpu.wait_dma2 semaphore(%arg19 : memref<!tpu.dma_semaphore, #tpu.memory_space<semaphore_mem>>) src(%dma_wait3A_362 : memref<8x112xi32, #tpu.memory_space<hbm>>) dst(%arg9 : memref<8x112xi32, #tpu.memory_space<vmem>>)
        %dma_start3A_363 = arith.constant 0 : i32
        %dma_start3A_364 = arith.constant 0 : i32
        %dma_start3A_365 = tpu.memref_slice %arg9[%dma_start3A_363, %dma_start3A_364] : memref<8x112xi32, #tpu.memory_space<vmem>> -> memref<1x112xi32, #tpu.memory_space<vmem>>
        %dma_start3A_366 = tpu.memref_squeeze %dma_start3A_365 : memref<1x112xi32, #tpu.memory_space<vmem>> -> memref<112xi32, #tpu.memory_space<vmem>>
        %dma_start3A_367 = arith.constant 0 : i32
        %dma_start3A_368 = arith.constant 0 : i32
        %dma_start3A_369 = tpu.memref_slice %arg2[%dma_start3A_367, %dma_start3A_368] : memref<10240x128xf32, #tpu.memory_space<hbm>> -> memref<10240x128xf32, #tpu.memory_space<hbm>>
        tpu.enqueue_indirect_dma source(%dma_start3A_369 : memref<10240x128xf32, #tpu.memory_space<hbm>>) target(%arg12 : memref<112x128xf32, #tpu.memory_space<vmem>>) offsets(%dma_start3A_366 : memref<112xi32, #tpu.memory_space<vmem>>) semaphore(%arg22 : memref<!tpu.dma_semaphore, #tpu.memory_space<semaphore_mem>>)
      } else {
      }
      %add3A_243 = arith.constant 5 : i32
      %add3A_244 = arith.addi %add3A_217, %add3A_243 : i32
      %lt3A_245 = arith.cmpi slt, %add3A_244, %select_n3A : i32
      %convert_element_type3A_246 = arith.extui %lt3A_245 : i1 to i32
      %cond3A_247 = arith.constant 0 : i32
      %cond3A_248 = arith.cmpi ne, %convert_element_type3A_246, %cond3A_247 : i32
      scf.if %cond3A_248 {
        %add3A_354 = arith.constant 5 : i32
        %add3A_355 = arith.addi %add3A_217, %add3A_354 : i32
        %dma_start3A_356 = arith.constant 0 : i32
        %dma_start3A_357 = arith.constant 0 : i32
        %dma_start3A_358 = tpu.memref_slice %arg3[%add3A, %add3A_355, %dma_start3A_356, %dma_start3A_357] : memref<32x174x8x112xi32, #tpu.memory_space<hbm>> -> memref<1x1x8x112xi32, #tpu.memory_space<hbm>>
        %dma_start3A_359 = tpu.memref_squeeze %dma_start3A_358 : memref<1x1x8x112xi32, #tpu.memory_space<hbm>> -> memref<8x112xi32, #tpu.memory_space<hbm>>
        %dma_start3A_360 = arith.constant 0 : i32
        %dma_start3A_361 = arith.constant 0 : i32
        %dma_start3A_362 = tpu.memref_slice %arg3[%add3A, %add3A_355, %dma_start3A_360, %dma_start3A_361] : memref<32x174x8x112xi32, #tpu.memory_space<hbm>> -> memref<1x1x8x112xi32, #tpu.memory_space<hbm>>
        %dma_start3A_363 = tpu.memref_squeeze %dma_start3A_362 : memref<1x1x8x112xi32, #tpu.memory_space<hbm>> -> memref<8x112xi32, #tpu.memory_space<hbm>>
        tpu.enqueue_dma source(%dma_start3A_363 : memref<8x112xi32, #tpu.memory_space<hbm>>) target(%arg6 : memref<8x112xi32, #tpu.memory_space<vmem>>) target_semaphore(%arg16 : memref<!tpu.dma_semaphore, #tpu.memory_space<semaphore_mem>>)
      } else {
      }
      %mul3A_249 = arith.constant 6 : i32
      %mul3A_250 = arith.muli %while3A_147, %mul3A_249 : i32
      %add3A_251 = arith.constant 3 : i32
      %add3A_252 = arith.addi %mul3A_250, %add3A_251 : i32
      %dma_wait3A_253 = arith.constant 0 : i32
      %dma_wait3A_254 = arith.constant 0 : i32
      %dma_wait3A_255 = tpu.memref_slice %arg8[%dma_wait3A_253, %dma_wait3A_254] : memref<8x112xi32, #tpu.memory_space<vmem>> -> memref<1x112xi32, #tpu.memory_space<vmem>>
      %dma_wait3A_256 = tpu.memref_squeeze %dma_wait3A_255 : memref<1x112xi32, #tpu.memory_space<vmem>> -> memref<112xi32, #tpu.memory_space<vmem>>
      %dma_wait3A_257 = arith.constant 0 : i32
      %dma_wait3A_258 = arith.constant 0 : i32
      %dma_wait3A_259 = tpu.memref_slice %arg2[%dma_wait3A_257, %dma_wait3A_258] : memref<10240x128xf32, #tpu.memory_space<hbm>> -> memref<10240x128xf32, #tpu.memory_space<hbm>>
      tpu.wait_indirect_dma semaphore(%arg21 : memref<!tpu.dma_semaphore, #tpu.memory_space<semaphore_mem>>) src(%dma_wait3A_259 : memref<10240x128xf32, #tpu.memory_space<hbm>>) dst(%arg11 : memref<112x128xf32, #tpu.memory_space<vmem>>)
      %dma_start3A_260 = arith.constant 1 : i32
      %dma_start3A_261 = arith.constant 0 : i32
      %dma_start3A_262 = tpu.memref_slice %arg8[%dma_start3A_260, %dma_start3A_261] : memref<8x112xi32, #tpu.memory_space<vmem>> -> memref<1x112xi32, #tpu.memory_space<vmem>>
      %dma_start3A_263 = tpu.memref_squeeze %dma_start3A_262 : memref<1x112xi32, #tpu.memory_space<vmem>> -> memref<112xi32, #tpu.memory_space<vmem>>
      %dma_start3A_264 = arith.constant 0 : i32
      %dma_start3A_265 = arith.constant 0 : i32
      %dma_start3A_266 = tpu.memref_slice %arg14[%dma_start3A_264, %dma_start3A_265] : memref<10112x128xf32, #tpu.memory_space<vmem_shared>> -> memref<10112x128xf32, #tpu.memory_space<vmem_shared>>
      tpu.enqueue_indirect_dma source(%arg11 : memref<112x128xf32, #tpu.memory_space<vmem>>) target(%dma_start3A_266 : memref<10112x128xf32, #tpu.memory_space<vmem_shared>>) offsets(%dma_start3A_263 : memref<112xi32, #tpu.memory_space<vmem>>) semaphore(%arg24 : memref<!tpu.dma_semaphore, #tpu.memory_space<semaphore_mem>>) {add = true}
      %ge3A_267 = arith.constant 1 : i32
      %ge3A_268 = arith.cmpi sge, %add3A_252, %ge3A_267 : i32
      %convert_element_type3A_269 = arith.extui %ge3A_268 : i1 to i32
      %cond3A_270 = arith.constant 0 : i32
      %cond3A_271 = arith.cmpi ne, %convert_element_type3A_269, %cond3A_270 : i32
      scf.if %cond3A_271 {
        %dma_wait3A_354 = arith.constant 1 : i32
        %dma_wait3A_355 = arith.constant 0 : i32
        %dma_wait3A_356 = tpu.memref_slice %arg7[%dma_wait3A_354, %dma_wait3A_355] : memref<8x112xi32, #tpu.memory_space<vmem>> -> memref<1x112xi32, #tpu.memory_space<vmem>>
        %dma_wait3A_357 = tpu.memref_squeeze %dma_wait3A_356 : memref<1x112xi32, #tpu.memory_space<vmem>> -> memref<112xi32, #tpu.memory_space<vmem>>
        %dma_wait3A_358 = arith.constant 0 : i32
        %dma_wait3A_359 = arith.constant 0 : i32
        %dma_wait3A_360 = tpu.memref_slice %arg14[%dma_wait3A_358, %dma_wait3A_359] : memref<10112x128xf32, #tpu.memory_space<vmem_shared>> -> memref<10112x128xf32, #tpu.memory_space<vmem_shared>>
        tpu.wait_indirect_dma semaphore(%arg26 : memref<!tpu.dma_semaphore, #tpu.memory_space<semaphore_mem>>) src(%arg13 : memref<112x128xf32, #tpu.memory_space<vmem>>) dst(%dma_wait3A_360 : memref<10112x128xf32, #tpu.memory_space<vmem_shared>>)
      } else {
      }
      %add3A_272 = arith.constant 2 : i32
      %add3A_273 = arith.addi %add3A_252, %add3A_272 : i32
      %lt3A_274 = arith.cmpi slt, %add3A_273, %select_n3A : i32
      %convert_element_type3A_275 = arith.extui %lt3A_274 : i1 to i32
      %cond3A_276 = arith.constant 0 : i32
      %cond3A_277 = arith.cmpi ne, %convert_element_type3A_275, %cond3A_276 : i32
      scf.if %cond3A_277 {
        %dma_wait3A_354 = arith.constant 0 : i32
        %dma_wait3A_355 = arith.constant 0 : i32
        %dma_wait3A_356 = arith.constant 0 : i32
        %dma_wait3A_357 = tpu.memref_slice %arg3[%add3A, %dma_wait3A_354, %dma_wait3A_355, %dma_wait3A_356] : memref<32x174x8x112xi32, #tpu.memory_space<hbm>> -> memref<1x1x8x112xi32, #tpu.memory_space<hbm>>
        %dma_wait3A_358 = tpu.memref_squeeze %dma_wait3A_357 : memref<1x1x8x112xi32, #tpu.memory_space<hbm>> -> memref<8x112xi32, #tpu.memory_space<hbm>>
        %dma_wait3A_359 = arith.constant 0 : i32
        %dma_wait3A_360 = arith.constant 0 : i32
        %dma_wait3A_361 = tpu.memref_slice %arg3[%add3A, %dma_wait3A_354, %dma_wait3A_359, %dma_wait3A_360] : memref<32x174x8x112xi32, #tpu.memory_space<hbm>> -> memref<1x1x8x112xi32, #tpu.memory_space<hbm>>
        %dma_wait3A_362 = tpu.memref_squeeze %dma_wait3A_361 : memref<1x1x8x112xi32, #tpu.memory_space<hbm>> -> memref<8x112xi32, #tpu.memory_space<hbm>>
        tpu.wait_dma2 semaphore(%arg20 : memref<!tpu.dma_semaphore, #tpu.memory_space<semaphore_mem>>) src(%dma_wait3A_362 : memref<8x112xi32, #tpu.memory_space<hbm>>) dst(%arg10 : memref<8x112xi32, #tpu.memory_space<vmem>>)
        %dma_start3A_363 = arith.constant 0 : i32
        %dma_start3A_364 = arith.constant 0 : i32
        %dma_start3A_365 = tpu.memref_slice %arg10[%dma_start3A_363, %dma_start3A_364] : memref<8x112xi32, #tpu.memory_space<vmem>> -> memref<1x112xi32, #tpu.memory_space<vmem>>
        %dma_start3A_366 = tpu.memref_squeeze %dma_start3A_365 : memref<1x112xi32, #tpu.memory_space<vmem>> -> memref<112xi32, #tpu.memory_space<vmem>>
        %dma_start3A_367 = arith.constant 0 : i32
        %dma_start3A_368 = arith.constant 0 : i32
        %dma_start3A_369 = tpu.memref_slice %arg2[%dma_start3A_367, %dma_start3A_368] : memref<10240x128xf32, #tpu.memory_space<hbm>> -> memref<10240x128xf32, #tpu.memory_space<hbm>>
        tpu.enqueue_indirect_dma source(%dma_start3A_369 : memref<10240x128xf32, #tpu.memory_space<hbm>>) target(%arg13 : memref<112x128xf32, #tpu.memory_space<vmem>>) offsets(%dma_start3A_366 : memref<112xi32, #tpu.memory_space<vmem>>) semaphore(%arg23 : memref<!tpu.dma_semaphore, #tpu.memory_space<semaphore_mem>>)
      } else {
      }
      %add3A_278 = arith.constant 5 : i32
      %add3A_279 = arith.addi %add3A_252, %add3A_278 : i32
      %lt3A_280 = arith.cmpi slt, %add3A_279, %select_n3A : i32
      %convert_element_type3A_281 = arith.extui %lt3A_280 : i1 to i32
      %cond3A_282 = arith.constant 0 : i32
      %cond3A_283 = arith.cmpi ne, %convert_element_type3A_281, %cond3A_282 : i32
      scf.if %cond3A_283 {
        %add3A_354 = arith.constant 5 : i32
        %add3A_355 = arith.addi %add3A_252, %add3A_354 : i32
        %dma_start3A_356 = arith.constant 0 : i32
        %dma_start3A_357 = arith.constant 0 : i32
        %dma_start3A_358 = tpu.memref_slice %arg3[%add3A, %add3A_355, %dma_start3A_356, %dma_start3A_357] : memref<32x174x8x112xi32, #tpu.memory_space<hbm>> -> memref<1x1x8x112xi32, #tpu.memory_space<hbm>>
        %dma_start3A_359 = tpu.memref_squeeze %dma_start3A_358 : memref<1x1x8x112xi32, #tpu.memory_space<hbm>> -> memref<8x112xi32, #tpu.memory_space<hbm>>
        %dma_start3A_360 = arith.constant 0 : i32
        %dma_start3A_361 = arith.constant 0 : i32
        %dma_start3A_362 = tpu.memref_slice %arg3[%add3A, %add3A_355, %dma_start3A_360, %dma_start3A_361] : memref<32x174x8x112xi32, #tpu.memory_space<hbm>> -> memref<1x1x8x112xi32, #tpu.memory_space<hbm>>
        %dma_start3A_363 = tpu.memref_squeeze %dma_start3A_362 : memref<1x1x8x112xi32, #tpu.memory_space<hbm>> -> memref<8x112xi32, #tpu.memory_space<hbm>>
        tpu.enqueue_dma source(%dma_start3A_363 : memref<8x112xi32, #tpu.memory_space<hbm>>) target(%arg7 : memref<8x112xi32, #tpu.memory_space<vmem>>) target_semaphore(%arg17 : memref<!tpu.dma_semaphore, #tpu.memory_space<semaphore_mem>>)
      } else {
      }
      %mul3A_284 = arith.constant 6 : i32
      %mul3A_285 = arith.muli %while3A_147, %mul3A_284 : i32
      %add3A_286 = arith.constant 4 : i32
      %add3A_287 = arith.addi %mul3A_285, %add3A_286 : i32
      %dma_wait3A_288 = arith.constant 0 : i32
      %dma_wait3A_289 = arith.constant 0 : i32
      %dma_wait3A_290 = tpu.memref_slice %arg9[%dma_wait3A_288, %dma_wait3A_289] : memref<8x112xi32, #tpu.memory_space<vmem>> -> memref<1x112xi32, #tpu.memory_space<vmem>>
      %dma_wait3A_291 = tpu.memref_squeeze %dma_wait3A_290 : memref<1x112xi32, #tpu.memory_space<vmem>> -> memref<112xi32, #tpu.memory_space<vmem>>
      %dma_wait3A_292 = arith.constant 0 : i32
      %dma_wait3A_293 = arith.constant 0 : i32
      %dma_wait3A_294 = tpu.memref_slice %arg2[%dma_wait3A_292, %dma_wait3A_293] : memref<10240x128xf32, #tpu.memory_space<hbm>> -> memref<10240x128xf32, #tpu.memory_space<hbm>>
      tpu.wait_indirect_dma semaphore(%arg22 : memref<!tpu.dma_semaphore, #tpu.memory_space<semaphore_mem>>) src(%dma_wait3A_294 : memref<10240x128xf32, #tpu.memory_space<hbm>>) dst(%arg12 : memref<112x128xf32, #tpu.memory_space<vmem>>)
      %dma_start3A_295 = arith.constant 1 : i32
      %dma_start3A_296 = arith.constant 0 : i32
      %dma_start3A_297 = tpu.memref_slice %arg9[%dma_start3A_295, %dma_start3A_296] : memref<8x112xi32, #tpu.memory_space<vmem>> -> memref<1x112xi32, #tpu.memory_space<vmem>>
      %dma_start3A_298 = tpu.memref_squeeze %dma_start3A_297 : memref<1x112xi32, #tpu.memory_space<vmem>> -> memref<112xi32, #tpu.memory_space<vmem>>
      %dma_start3A_299 = arith.constant 0 : i32
      %dma_start3A_300 = arith.constant 0 : i32
      %dma_start3A_301 = tpu.memref_slice %arg14[%dma_start3A_299, %dma_start3A_300] : memref<10112x128xf32, #tpu.memory_space<vmem_shared>> -> memref<10112x128xf32, #tpu.memory_space<vmem_shared>>
      tpu.enqueue_indirect_dma source(%arg12 : memref<112x128xf32, #tpu.memory_space<vmem>>) target(%dma_start3A_301 : memref<10112x128xf32, #tpu.memory_space<vmem_shared>>) offsets(%dma_start3A_298 : memref<112xi32, #tpu.memory_space<vmem>>) semaphore(%arg25 : memref<!tpu.dma_semaphore, #tpu.memory_space<semaphore_mem>>) {add = true}
      %ge3A_302 = arith.constant 1 : i32
      %ge3A_303 = arith.cmpi sge, %add3A_287, %ge3A_302 : i32
      %convert_element_type3A_304 = arith.extui %ge3A_303 : i1 to i32
      %cond3A_305 = arith.constant 0 : i32
      %cond3A_306 = arith.cmpi ne, %convert_element_type3A_304, %cond3A_305 : i32
      scf.if %cond3A_306 {
        %dma_wait3A_354 = arith.constant 1 : i32
        %dma_wait3A_355 = arith.constant 0 : i32
        %dma_wait3A_356 = tpu.memref_slice %arg8[%dma_wait3A_354, %dma_wait3A_355] : memref<8x112xi32, #tpu.memory_space<vmem>> -> memref<1x112xi32, #tpu.memory_space<vmem>>
        %dma_wait3A_357 = tpu.memref_squeeze %dma_wait3A_356 : memref<1x112xi32, #tpu.memory_space<vmem>> -> memref<112xi32, #tpu.memory_space<vmem>>
        %dma_wait3A_358 = arith.constant 0 : i32
        %dma_wait3A_359 = arith.constant 0 : i32
        %dma_wait3A_360 = tpu.memref_slice %arg14[%dma_wait3A_358, %dma_wait3A_359] : memref<10112x128xf32, #tpu.memory_space<vmem_shared>> -> memref<10112x128xf32, #tpu.memory_space<vmem_shared>>
        tpu.wait_indirect_dma semaphore(%arg24 : memref<!tpu.dma_semaphore, #tpu.memory_space<semaphore_mem>>) src(%arg11 : memref<112x128xf32, #tpu.memory_space<vmem>>) dst(%dma_wait3A_360 : memref<10112x128xf32, #tpu.memory_space<vmem_shared>>)
      } else {
      }
      %add3A_307 = arith.constant 2 : i32
      %add3A_308 = arith.addi %add3A_287, %add3A_307 : i32
      %lt3A_309 = arith.cmpi slt, %add3A_308, %select_n3A : i32
      %convert_element_type3A_310 = arith.extui %lt3A_309 : i1 to i32
      %cond3A_311 = arith.constant 0 : i32
      %cond3A_312 = arith.cmpi ne, %convert_element_type3A_310, %cond3A_311 : i32
      scf.if %cond3A_312 {
        %dma_wait3A_354 = arith.constant 0 : i32
        %dma_wait3A_355 = arith.constant 0 : i32
        %dma_wait3A_356 = arith.constant 0 : i32
        %dma_wait3A_357 = tpu.memref_slice %arg3[%add3A, %dma_wait3A_354, %dma_wait3A_355, %dma_wait3A_356] : memref<32x174x8x112xi32, #tpu.memory_space<hbm>> -> memref<1x1x8x112xi32, #tpu.memory_space<hbm>>
        %dma_wait3A_358 = tpu.memref_squeeze %dma_wait3A_357 : memref<1x1x8x112xi32, #tpu.memory_space<hbm>> -> memref<8x112xi32, #tpu.memory_space<hbm>>
        %dma_wait3A_359 = arith.constant 0 : i32
        %dma_wait3A_360 = arith.constant 0 : i32
        %dma_wait3A_361 = tpu.memref_slice %arg3[%add3A, %dma_wait3A_354, %dma_wait3A_359, %dma_wait3A_360] : memref<32x174x8x112xi32, #tpu.memory_space<hbm>> -> memref<1x1x8x112xi32, #tpu.memory_space<hbm>>
        %dma_wait3A_362 = tpu.memref_squeeze %dma_wait3A_361 : memref<1x1x8x112xi32, #tpu.memory_space<hbm>> -> memref<8x112xi32, #tpu.memory_space<hbm>>
        tpu.wait_dma2 semaphore(%arg15 : memref<!tpu.dma_semaphore, #tpu.memory_space<semaphore_mem>>) src(%dma_wait3A_362 : memref<8x112xi32, #tpu.memory_space<hbm>>) dst(%arg5 : memref<8x112xi32, #tpu.memory_space<vmem>>)
        %dma_start3A_363 = arith.constant 0 : i32
        %dma_start3A_364 = arith.constant 0 : i32
        %dma_start3A_365 = tpu.memref_slice %arg5[%dma_start3A_363, %dma_start3A_364] : memref<8x112xi32, #tpu.memory_space<vmem>> -> memref<1x112xi32, #tpu.memory_space<vmem>>
        %dma_start3A_366 = tpu.memref_squeeze %dma_start3A_365 : memref<1x112xi32, #tpu.memory_space<vmem>> -> memref<112xi32, #tpu.memory_space<vmem>>
        %dma_start3A_367 = arith.constant 0 : i32
        %dma_start3A_368 = arith.constant 0 : i32
        %dma_start3A_369 = tpu.memref_slice %arg2[%dma_start3A_367, %dma_start3A_368] : memref<10240x128xf32, #tpu.memory_space<hbm>> -> memref<10240x128xf32, #tpu.memory_space<hbm>>
        tpu.enqueue_indirect_dma source(%dma_start3A_369 : memref<10240x128xf32, #tpu.memory_space<hbm>>) target(%arg11 : memref<112x128xf32, #tpu.memory_space<vmem>>) offsets(%dma_start3A_366 : memref<112xi32, #tpu.memory_space<vmem>>) semaphore(%arg21 : memref<!tpu.dma_semaphore, #tpu.memory_space<semaphore_mem>>)
      } else {
      }
      %add3A_313 = arith.constant 5 : i32
      %add3A_314 = arith.addi %add3A_287, %add3A_313 : i32
      %lt3A_315 = arith.cmpi slt, %add3A_314, %select_n3A : i32
      %convert_element_type3A_316 = arith.extui %lt3A_315 : i1 to i32
      %cond3A_317 = arith.constant 0 : i32
      %cond3A_318 = arith.cmpi ne, %convert_element_type3A_316, %cond3A_317 : i32
      scf.if %cond3A_318 {
        %add3A_354 = arith.constant 5 : i32
        %add3A_355 = arith.addi %add3A_287, %add3A_354 : i32
        %dma_start3A_356 = arith.constant 0 : i32
        %dma_start3A_357 = arith.constant 0 : i32
        %dma_start3A_358 = tpu.memref_slice %arg3[%add3A, %add3A_355, %dma_start3A_356, %dma_start3A_357] : memref<32x174x8x112xi32, #tpu.memory_space<hbm>> -> memref<1x1x8x112xi32, #tpu.memory_space<hbm>>
        %dma_start3A_359 = tpu.memref_squeeze %dma_start3A_358 : memref<1x1x8x112xi32, #tpu.memory_space<hbm>> -> memref<8x112xi32, #tpu.memory_space<hbm>>
        %dma_start3A_360 = arith.constant 0 : i32
        %dma_start3A_361 = arith.constant 0 : i32
        %dma_start3A_362 = tpu.memref_slice %arg3[%add3A, %add3A_355, %dma_start3A_360, %dma_start3A_361] : memref<32x174x8x112xi32, #tpu.memory_space<hbm>> -> memref<1x1x8x112xi32, #tpu.memory_space<hbm>>
        %dma_start3A_363 = tpu.memref_squeeze %dma_start3A_362 : memref<1x1x8x112xi32, #tpu.memory_space<hbm>> -> memref<8x112xi32, #tpu.memory_space<hbm>>
        tpu.enqueue_dma source(%dma_start3A_363 : memref<8x112xi32, #tpu.memory_space<hbm>>) target(%arg8 : memref<8x112xi32, #tpu.memory_space<vmem>>) target_semaphore(%arg18 : memref<!tpu.dma_semaphore, #tpu.memory_space<semaphore_mem>>)
      } else {
      }
      %mul3A_319 = arith.constant 6 : i32
      %mul3A_320 = arith.muli %while3A_147, %mul3A_319 : i32
      %add3A_321 = arith.constant 5 : i32
      %add3A_322 = arith.addi %mul3A_320, %add3A_321 : i32
      %dma_wait3A_323 = arith.constant 0 : i32
      %dma_wait3A_324 = arith.constant 0 : i32
      %dma_wait3A_325 = tpu.memref_slice %arg10[%dma_wait3A_323, %dma_wait3A_324] : memref<8x112xi32, #tpu.memory_space<vmem>> -> memref<1x112xi32, #tpu.memory_space<vmem>>
      %dma_wait3A_326 = tpu.memref_squeeze %dma_wait3A_325 : memref<1x112xi32, #tpu.memory_space<vmem>> -> memref<112xi32, #tpu.memory_space<vmem>>
      %dma_wait3A_327 = arith.constant 0 : i32
      %dma_wait3A_328 = arith.constant 0 : i32
      %dma_wait3A_329 = tpu.memref_slice %arg2[%dma_wait3A_327, %dma_wait3A_328] : memref<10240x128xf32, #tpu.memory_space<hbm>> -> memref<10240x128xf32, #tpu.memory_space<hbm>>
      tpu.wait_indirect_dma semaphore(%arg23 : memref<!tpu.dma_semaphore, #tpu.memory_space<semaphore_mem>>) src(%dma_wait3A_329 : memref<10240x128xf32, #tpu.memory_space<hbm>>) dst(%arg13 : memref<112x128xf32, #tpu.memory_space<vmem>>)
      %dma_start3A_330 = arith.constant 1 : i32
      %dma_start3A_331 = arith.constant 0 : i32
      %dma_start3A_332 = tpu.memref_slice %arg10[%dma_start3A_330, %dma_start3A_331] : memref<8x112xi32, #tpu.memory_space<vmem>> -> memref<1x112xi32, #tpu.memory_space<vmem>>
      %dma_start3A_333 = tpu.memref_squeeze %dma_start3A_332 : memref<1x112xi32, #tpu.memory_space<vmem>> -> memref<112xi32, #tpu.memory_space<vmem>>
      %dma_start3A_334 = arith.constant 0 : i32
      %dma_start3A_335 = arith.constant 0 : i32
      %dma_start3A_336 = tpu.memref_slice %arg14[%dma_start3A_334, %dma_start3A_335] : memref<10112x128xf32, #tpu.memory_space<vmem_shared>> -> memref<10112x128xf32, #tpu.memory_space<vmem_shared>>
      tpu.enqueue_indirect_dma source(%arg13 : memref<112x128xf32, #tpu.memory_space<vmem>>) target(%dma_start3A_336 : memref<10112x128xf32, #tpu.memory_space<vmem_shared>>) offsets(%dma_start3A_333 : memref<112xi32, #tpu.memory_space<vmem>>) semaphore(%arg26 : memref<!tpu.dma_semaphore, #tpu.memory_space<semaphore_mem>>) {add = true}
      %ge3A_337 = arith.constant 1 : i32
      %ge3A_338 = arith.cmpi sge, %add3A_322, %ge3A_337 : i32
      %convert_element_type3A_339 = arith.extui %ge3A_338 : i1 to i32
      %cond3A_340 = arith.constant 0 : i32
      %cond3A_341 = arith.cmpi ne, %convert_element_type3A_339, %cond3A_340 : i32
      scf.if %cond3A_341 {
        %dma_wait3A_354 = arith.constant 1 : i32
        %dma_wait3A_355 = arith.constant 0 : i32
        %dma_wait3A_356 = tpu.memref_slice %arg9[%dma_wait3A_354, %dma_wait3A_355] : memref<8x112xi32, #tpu.memory_space<vmem>> -> memref<1x112xi32, #tpu.memory_space<vmem>>
        %dma_wait3A_357 = tpu.memref_squeeze %dma_wait3A_356 : memref<1x112xi32, #tpu.memory_space<vmem>> -> memref<112xi32, #tpu.memory_space<vmem>>
        %dma_wait3A_358 = arith.constant 0 : i32
        %dma_wait3A_359 = arith.constant 0 : i32
        %dma_wait3A_360 = tpu.memref_slice %arg14[%dma_wait3A_358, %dma_wait3A_359] : memref<10112x128xf32, #tpu.memory_space<vmem_shared>> -> memref<10112x128xf32, #tpu.memory_space<vmem_shared>>
        tpu.wait_indirect_dma semaphore(%arg25 : memref<!tpu.dma_semaphore, #tpu.memory_space<semaphore_mem>>) src(%arg12 : memref<112x128xf32, #tpu.memory_space<vmem>>) dst(%dma_wait3A_360 : memref<10112x128xf32, #tpu.memory_space<vmem_shared>>)
      } else {
      }
      %add3A_342 = arith.constant 2 : i32
      %add3A_343 = arith.addi %add3A_322, %add3A_342 : i32
      %lt3A_344 = arith.cmpi slt, %add3A_343, %select_n3A : i32
      %convert_element_type3A_345 = arith.extui %lt3A_344 : i1 to i32
      %cond3A_346 = arith.constant 0 : i32
      %cond3A_347 = arith.cmpi ne, %convert_element_type3A_345, %cond3A_346 : i32
      scf.if %cond3A_347 {
        %dma_wait3A_354 = arith.constant 0 : i32
        %dma_wait3A_355 = arith.constant 0 : i32
        %dma_wait3A_356 = arith.constant 0 : i32
        %dma_wait3A_357 = tpu.memref_slice %arg3[%add3A, %dma_wait3A_354, %dma_wait3A_355, %dma_wait3A_356] : memref<32x174x8x112xi32, #tpu.memory_space<hbm>> -> memref<1x1x8x112xi32, #tpu.memory_space<hbm>>
        %dma_wait3A_358 = tpu.memref_squeeze %dma_wait3A_357 : memref<1x1x8x112xi32, #tpu.memory_space<hbm>> -> memref<8x112xi32, #tpu.memory_space<hbm>>
        %dma_wait3A_359 = arith.constant 0 : i32
        %dma_wait3A_360 = arith.constant 0 : i32
        %dma_wait3A_361 = tpu.memref_slice %arg3[%add3A, %dma_wait3A_354, %dma_wait3A_359, %dma_wait3A_360] : memref<32x174x8x112xi32, #tpu.memory_space<hbm>> -> memref<1x1x8x112xi32, #tpu.memory_space<hbm>>
        %dma_wait3A_362 = tpu.memref_squeeze %dma_wait3A_361 : memref<1x1x8x112xi32, #tpu.memory_space<hbm>> -> memref<8x112xi32, #tpu.memory_space<hbm>>
        tpu.wait_dma2 semaphore(%arg16 : memref<!tpu.dma_semaphore, #tpu.memory_space<semaphore_mem>>) src(%dma_wait3A_362 : memref<8x112xi32, #tpu.memory_space<hbm>>) dst(%arg6 : memref<8x112xi32, #tpu.memory_space<vmem>>)
        %dma_start3A_363 = arith.constant 0 : i32
        %dma_start3A_364 = arith.constant 0 : i32
        %dma_start3A_365 = tpu.memref_slice %arg6[%dma_start3A_363, %dma_start3A_364] : memref<8x112xi32, #tpu.memory_space<vmem>> -> memref<1x112xi32, #tpu.memory_space<vmem>>
        %dma_start3A_366 = tpu.memref_squeeze %dma_start3A_365 : memref<1x112xi32, #tpu.memory_space<vmem>> -> memref<112xi32, #tpu.memory_space<vmem>>
        %dma_start3A_367 = arith.constant 0 : i32
        %dma_start3A_368 = arith.constant 0 : i32
        %dma_start3A_369 = tpu.memref_slice %arg2[%dma_start3A_367, %dma_start3A_368] : memref<10240x128xf32, #tpu.memory_space<hbm>> -> memref<10240x128xf32, #tpu.memory_space<hbm>>
        tpu.enqueue_indirect_dma source(%dma_start3A_369 : memref<10240x128xf32, #tpu.memory_space<hbm>>) target(%arg12 : memref<112x128xf32, #tpu.memory_space<vmem>>) offsets(%dma_start3A_366 : memref<112xi32, #tpu.memory_space<vmem>>) semaphore(%arg22 : memref<!tpu.dma_semaphore, #tpu.memory_space<semaphore_mem>>)
      } else {
      }
      %add3A_348 = arith.constant 5 : i32
      %add3A_349 = arith.addi %add3A_322, %add3A_348 : i32
      %lt3A_350 = arith.cmpi slt, %add3A_349, %select_n3A : i32
      %convert_element_type3A_351 = arith.extui %lt3A_350 : i1 to i32
      %cond3A_352 = arith.constant 0 : i32
      %cond3A_353 = arith.cmpi ne, %convert_element_type3A_351, %cond3A_352 : i32
      scf.if %cond3A_353 {
        %add3A_354 = arith.constant 5 : i32
        %add3A_355 = arith.addi %add3A_322, %add3A_354 : i32
        %dma_start3A_356 = arith.constant 0 : i32
        %dma_start3A_357 = arith.constant 0 : i32
        %dma_start3A_358 = tpu.memref_slice %arg3[%add3A, %add3A_355, %dma_start3A_356, %dma_start3A_357] : memref<32x174x8x112xi32, #tpu.memory_space<hbm>> -> memref<1x1x8x112xi32, #tpu.memory_space<hbm>>
        %dma_start3A_359 = tpu.memref_squeeze %dma_start3A_358 : memref<1x1x8x112xi32, #tpu.memory_space<hbm>> -> memref<8x112xi32, #tpu.memory_space<hbm>>
        %dma_start3A_360 = arith.constant 0 : i32
        %dma_start3A_361 = arith.constant 0 : i32
        %dma_start3A_362 = tpu.memref_slice %arg3[%add3A, %add3A_355, %dma_start3A_360, %dma_start3A_361] : memref<32x174x8x112xi32, #tpu.memory_space<hbm>> -> memref<1x1x8x112xi32, #tpu.memory_space<hbm>>
        %dma_start3A_363 = tpu.memref_squeeze %dma_start3A_362 : memref<1x1x8x112xi32, #tpu.memory_space<hbm>> -> memref<8x112xi32, #tpu.memory_space<hbm>>
        tpu.enqueue_dma source(%dma_start3A_363 : memref<8x112xi32, #tpu.memory_space<hbm>>) target(%arg9 : memref<8x112xi32, #tpu.memory_space<vmem>>) target_semaphore(%arg19 : memref<!tpu.dma_semaphore, #tpu.memory_space<semaphore_mem>>)
      } else {
      }
    }
    %while3A_134 = arith.constant 1 : i32
    scf.for %while3A_147 = %while3A_132 to %while3A_128 step %while3A_134  : i32 {
      %mul3A_148 = arith.constant 6 : i32
      %mul3A_149 = arith.muli %while3A_147, %mul3A_148 : i32
      %add3A_150 = arith.constant 0 : i32
      %add3A_151 = arith.addi %mul3A_149, %add3A_150 : i32
      %dma_wait3A_152 = arith.constant 0 : i32
      %dma_wait3A_153 = arith.constant 0 : i32
      %dma_wait3A_154 = tpu.memref_slice %arg5[%dma_wait3A_152, %dma_wait3A_153] : memref<8x112xi32, #tpu.memory_space<vmem>> -> memref<1x112xi32, #tpu.memory_space<vmem>>
      %dma_wait3A_155 = tpu.memref_squeeze %dma_wait3A_154 : memref<1x112xi32, #tpu.memory_space<vmem>> -> memref<112xi32, #tpu.memory_space<vmem>>
      %dma_wait3A_156 = arith.constant 0 : i32
      %dma_wait3A_157 = arith.constant 0 : i32
      %dma_wait3A_158 = tpu.memref_slice %arg2[%dma_wait3A_156, %dma_wait3A_157] : memref<10240x128xf32, #tpu.memory_space<hbm>> -> memref<10240x128xf32, #tpu.memory_space<hbm>>
      tpu.wait_indirect_dma semaphore(%arg21 : memref<!tpu.dma_semaphore, #tpu.memory_space<semaphore_mem>>) src(%dma_wait3A_158 : memref<10240x128xf32, #tpu.memory_space<hbm>>) dst(%arg11 : memref<112x128xf32, #tpu.memory_space<vmem>>)
      %dma_start3A_159 = arith.constant 1 : i32
      %dma_start3A_160 = arith.constant 0 : i32
      %dma_start3A_161 = tpu.memref_slice %arg5[%dma_start3A_159, %dma_start3A_160] : memref<8x112xi32, #tpu.memory_space<vmem>> -> memref<1x112xi32, #tpu.memory_space<vmem>>
      %dma_start3A_162 = tpu.memref_squeeze %dma_start3A_161 : memref<1x112xi32, #tpu.memory_space<vmem>> -> memref<112xi32, #tpu.memory_space<vmem>>
      %dma_start3A_163 = arith.constant 0 : i32
      %dma_start3A_164 = arith.constant 0 : i32
      %dma_start3A_165 = tpu.memref_slice %arg14[%dma_start3A_163, %dma_start3A_164] : memref<10112x128xf32, #tpu.memory_space<vmem_shared>> -> memref<10112x128xf32, #tpu.memory_space<vmem_shared>>
      tpu.enqueue_indirect_dma source(%arg11 : memref<112x128xf32, #tpu.memory_space<vmem>>) target(%dma_start3A_165 : memref<10112x128xf32, #tpu.memory_space<vmem_shared>>) offsets(%dma_start3A_162 : memref<112xi32, #tpu.memory_space<vmem>>) semaphore(%arg24 : memref<!tpu.dma_semaphore, #tpu.memory_space<semaphore_mem>>) {add = true}
      %ge3A = arith.constant 1 : i32
      %ge3A_166 = arith.cmpi sge, %add3A_151, %ge3A : i32
      %convert_element_type3A = arith.extui %ge3A_166 : i1 to i32
      %cond3A = arith.constant 0 : i32
      %cond3A_167 = arith.cmpi ne, %convert_element_type3A, %cond3A : i32
      scf.if %cond3A_167 {
        %dma_wait3A_354 = arith.constant 1 : i32
        %dma_wait3A_355 = arith.constant 0 : i32
        %dma_wait3A_356 = tpu.memref_slice %arg10[%dma_wait3A_354, %dma_wait3A_355] : memref<8x112xi32, #tpu.memory_space<vmem>> -> memref<1x112xi32, #tpu.memory_space<vmem>>
        %dma_wait3A_357 = tpu.memref_squeeze %dma_wait3A_356 : memref<1x112xi32, #tpu.memory_space<vmem>> -> memref<112xi32, #tpu.memory_space<vmem>>
        %dma_wait3A_358 = arith.constant 0 : i32
        %dma_wait3A_359 = arith.constant 0 : i32
        %dma_wait3A_360 = tpu.memref_slice %arg14[%dma_wait3A_358, %dma_wait3A_359] : memref<10112x128xf32, #tpu.memory_space<vmem_shared>> -> memref<10112x128xf32, #tpu.memory_space<vmem_shared>>
        tpu.wait_indirect_dma semaphore(%arg26 : memref<!tpu.dma_semaphore, #tpu.memory_space<semaphore_mem>>) src(%arg13 : memref<112x128xf32, #tpu.memory_space<vmem>>) dst(%dma_wait3A_360 : memref<10112x128xf32, #tpu.memory_space<vmem_shared>>)
      } else {
      }
      %add3A_168 = arith.constant 2 : i32
      %add3A_169 = arith.addi %add3A_151, %add3A_168 : i32
      %lt3A = arith.cmpi slt, %add3A_169, %select_n3A : i32
      %convert_element_type3A_170 = arith.extui %lt3A : i1 to i32
      %cond3A_171 = arith.constant 0 : i32
      %cond3A_172 = arith.cmpi ne, %convert_element_type3A_170, %cond3A_171 : i32
      scf.if %cond3A_172 {
        %dma_wait3A_354 = arith.constant 0 : i32
        %dma_wait3A_355 = arith.constant 0 : i32
        %dma_wait3A_356 = arith.constant 0 : i32
        %dma_wait3A_357 = tpu.memref_slice %arg3[%add3A, %dma_wait3A_354, %dma_wait3A_355, %dma_wait3A_356] : memref<32x174x8x112xi32, #tpu.memory_space<hbm>> -> memref<1x1x8x112xi32, #tpu.memory_space<hbm>>
        %dma_wait3A_358 = tpu.memref_squeeze %dma_wait3A_357 : memref<1x1x8x112xi32, #tpu.memory_space<hbm>> -> memref<8x112xi32, #tpu.memory_space<hbm>>
        %dma_wait3A_359 = arith.constant 0 : i32
        %dma_wait3A_360 = arith.constant 0 : i32
        %dma_wait3A_361 = tpu.memref_slice %arg3[%add3A, %dma_wait3A_354, %dma_wait3A_359, %dma_wait3A_360] : memref<32x174x8x112xi32, #tpu.memory_space<hbm>> -> memref<1x1x8x112xi32, #tpu.memory_space<hbm>>
        %dma_wait3A_362 = tpu.memref_squeeze %dma_wait3A_361 : memref<1x1x8x112xi32, #tpu.memory_space<hbm>> -> memref<8x112xi32, #tpu.memory_space<hbm>>
        tpu.wait_dma2 semaphore(%arg17 : memref<!tpu.dma_semaphore, #tpu.memory_space<semaphore_mem>>) src(%dma_wait3A_362 : memref<8x112xi32, #tpu.memory_space<hbm>>) dst(%arg7 : memref<8x112xi32, #tpu.memory_space<vmem>>)
        %dma_start3A_363 = arith.constant 0 : i32
        %dma_start3A_364 = arith.constant 0 : i32
        %dma_start3A_365 = tpu.memref_slice %arg7[%dma_start3A_363, %dma_start3A_364] : memref<8x112xi32, #tpu.memory_space<vmem>> -> memref<1x112xi32, #tpu.memory_space<vmem>>
        %dma_start3A_366 = tpu.memref_squeeze %dma_start3A_365 : memref<1x112xi32, #tpu.memory_space<vmem>> -> memref<112xi32, #tpu.memory_space<vmem>>
        %dma_start3A_367 = arith.constant 0 : i32
        %dma_start3A_368 = arith.constant 0 : i32
        %dma_start3A_369 = tpu.memref_slice %arg2[%dma_start3A_367, %dma_start3A_368] : memref<10240x128xf32, #tpu.memory_space<hbm>> -> memref<10240x128xf32, #tpu.memory_space<hbm>>
        tpu.enqueue_indirect_dma source(%dma_start3A_369 : memref<10240x128xf32, #tpu.memory_space<hbm>>) target(%arg13 : memref<112x128xf32, #tpu.memory_space<vmem>>) offsets(%dma_start3A_366 : memref<112xi32, #tpu.memory_space<vmem>>) semaphore(%arg23 : memref<!tpu.dma_semaphore, #tpu.memory_space<semaphore_mem>>)
      } else {
      }
      %add3A_173 = arith.constant 5 : i32
      %add3A_174 = arith.addi %add3A_151, %add3A_173 : i32
      %lt3A_175 = arith.cmpi slt, %add3A_174, %select_n3A : i32
      %convert_element_type3A_176 = arith.extui %lt3A_175 : i1 to i32
      %cond3A_177 = arith.constant 0 : i32
      %cond3A_178 = arith.cmpi ne, %convert_element_type3A_176, %cond3A_177 : i32
      scf.if %cond3A_178 {
        %add3A_354 = arith.constant 5 : i32
        %add3A_355 = arith.addi %add3A_151, %add3A_354 : i32
        %dma_start3A_356 = arith.constant 0 : i32
        %dma_start3A_357 = arith.constant 0 : i32
        %dma_start3A_358 = tpu.memref_slice %arg3[%add3A, %add3A_355, %dma_start3A_356, %dma_start3A_357] : memref<32x174x8x112xi32, #tpu.memory_space<hbm>> -> memref<1x1x8x112xi32, #tpu.memory_space<hbm>>
        %dma_start3A_359 = tpu.memref_squeeze %dma_start3A_358 : memref<1x1x8x112xi32, #tpu.memory_space<hbm>> -> memref<8x112xi32, #tpu.memory_space<hbm>>
        %dma_start3A_360 = arith.constant 0 : i32
        %dma_start3A_361 = arith.constant 0 : i32
        %dma_start3A_362 = tpu.memref_slice %arg3[%add3A, %add3A_355, %dma_start3A_360, %dma_start3A_361] : memref<32x174x8x112xi32, #tpu.memory_space<hbm>> -> memref<1x1x8x112xi32, #tpu.memory_space<hbm>>
        %dma_start3A_363 = tpu.memref_squeeze %dma_start3A_362 : memref<1x1x8x112xi32, #tpu.memory_space<hbm>> -> memref<8x112xi32, #tpu.memory_space<hbm>>
        tpu.enqueue_dma source(%dma_start3A_363 : memref<8x112xi32, #tpu.memory_space<hbm>>) target(%arg10 : memref<8x112xi32, #tpu.memory_space<vmem>>) target_semaphore(%arg20 : memref<!tpu.dma_semaphore, #tpu.memory_space<semaphore_mem>>)
      } else {
      }
      %mul3A_179 = arith.constant 6 : i32
      %mul3A_180 = arith.muli %while3A_147, %mul3A_179 : i32
      %add3A_181 = arith.constant 1 : i32
      %add3A_182 = arith.addi %mul3A_180, %add3A_181 : i32
      %dma_wait3A_183 = arith.constant 0 : i32
      %dma_wait3A_184 = arith.constant 0 : i32
      %dma_wait3A_185 = tpu.memref_slice %arg6[%dma_wait3A_183, %dma_wait3A_184] : memref<8x112xi32, #tpu.memory_space<vmem>> -> memref<1x112xi32, #tpu.memory_space<vmem>>
      %dma_wait3A_186 = tpu.memref_squeeze %dma_wait3A_185 : memref<1x112xi32, #tpu.memory_space<vmem>> -> memref<112xi32, #tpu.memory_space<vmem>>
      %dma_wait3A_187 = arith.constant 0 : i32
      %dma_wait3A_188 = arith.constant 0 : i32
      %dma_wait3A_189 = tpu.memref_slice %arg2[%dma_wait3A_187, %dma_wait3A_188] : memref<10240x128xf32, #tpu.memory_space<hbm>> -> memref<10240x128xf32, #tpu.memory_space<hbm>>
      tpu.wait_indirect_dma semaphore(%arg22 : memref<!tpu.dma_semaphore, #tpu.memory_space<semaphore_mem>>) src(%dma_wait3A_189 : memref<10240x128xf32, #tpu.memory_space<hbm>>) dst(%arg12 : memref<112x128xf32, #tpu.memory_space<vmem>>)
      %dma_start3A_190 = arith.constant 1 : i32
      %dma_start3A_191 = arith.constant 0 : i32
      %dma_start3A_192 = tpu.memref_slice %arg6[%dma_start3A_190, %dma_start3A_191] : memref<8x112xi32, #tpu.memory_space<vmem>> -> memref<1x112xi32, #tpu.memory_space<vmem>>
      %dma_start3A_193 = tpu.memref_squeeze %dma_start3A_192 : memref<1x112xi32, #tpu.memory_space<vmem>> -> memref<112xi32, #tpu.memory_space<vmem>>
      %dma_start3A_194 = arith.constant 0 : i32
      %dma_start3A_195 = arith.constant 0 : i32
      %dma_start3A_196 = tpu.memref_slice %arg14[%dma_start3A_194, %dma_start3A_195] : memref<10112x128xf32, #tpu.memory_space<vmem_shared>> -> memref<10112x128xf32, #tpu.memory_space<vmem_shared>>
      tpu.enqueue_indirect_dma source(%arg12 : memref<112x128xf32, #tpu.memory_space<vmem>>) target(%dma_start3A_196 : memref<10112x128xf32, #tpu.memory_space<vmem_shared>>) offsets(%dma_start3A_193 : memref<112xi32, #tpu.memory_space<vmem>>) semaphore(%arg25 : memref<!tpu.dma_semaphore, #tpu.memory_space<semaphore_mem>>) {add = true}
      %ge3A_197 = arith.constant 1 : i32
      %ge3A_198 = arith.cmpi sge, %add3A_182, %ge3A_197 : i32
      %convert_element_type3A_199 = arith.extui %ge3A_198 : i1 to i32
      %cond3A_200 = arith.constant 0 : i32
      %cond3A_201 = arith.cmpi ne, %convert_element_type3A_199, %cond3A_200 : i32
      scf.if %cond3A_201 {
        %dma_wait3A_354 = arith.constant 1 : i32
        %dma_wait3A_355 = arith.constant 0 : i32
        %dma_wait3A_356 = tpu.memref_slice %arg5[%dma_wait3A_354, %dma_wait3A_355] : memref<8x112xi32, #tpu.memory_space<vmem>> -> memref<1x112xi32, #tpu.memory_space<vmem>>
        %dma_wait3A_357 = tpu.memref_squeeze %dma_wait3A_356 : memref<1x112xi32, #tpu.memory_space<vmem>> -> memref<112xi32, #tpu.memory_space<vmem>>
        %dma_wait3A_358 = arith.constant 0 : i32
        %dma_wait3A_359 = arith.constant 0 : i32
        %dma_wait3A_360 = tpu.memref_slice %arg14[%dma_wait3A_358, %dma_wait3A_359] : memref<10112x128xf32, #tpu.memory_space<vmem_shared>> -> memref<10112x128xf32, #tpu.memory_space<vmem_shared>>
        tpu.wait_indirect_dma semaphore(%arg24 : memref<!tpu.dma_semaphore, #tpu.memory_space<semaphore_mem>>) src(%arg11 : memref<112x128xf32, #tpu.memory_space<vmem>>) dst(%dma_wait3A_360 : memref<10112x128xf32, #tpu.memory_space<vmem_shared>>)
      } else {
      }
      %add3A_202 = arith.constant 2 : i32
      %add3A_203 = arith.addi %add3A_182, %add3A_202 : i32
      %lt3A_204 = arith.cmpi slt, %add3A_203, %select_n3A : i32
      %convert_element_type3A_205 = arith.extui %lt3A_204 : i1 to i32
      %cond3A_206 = arith.constant 0 : i32
      %cond3A_207 = arith.cmpi ne, %convert_element_type3A_205, %cond3A_206 : i32
      scf.if %cond3A_207 {
        %dma_wait3A_354 = arith.constant 0 : i32
        %dma_wait3A_355 = arith.constant 0 : i32
        %dma_wait3A_356 = arith.constant 0 : i32
        %dma_wait3A_357 = tpu.memref_slice %arg3[%add3A, %dma_wait3A_354, %dma_wait3A_355, %dma_wait3A_356] : memref<32x174x8x112xi32, #tpu.memory_space<hbm>> -> memref<1x1x8x112xi32, #tpu.memory_space<hbm>>
        %dma_wait3A_358 = tpu.memref_squeeze %dma_wait3A_357 : memref<1x1x8x112xi32, #tpu.memory_space<hbm>> -> memref<8x112xi32, #tpu.memory_space<hbm>>
        %dma_wait3A_359 = arith.constant 0 : i32
        %dma_wait3A_360 = arith.constant 0 : i32
        %dma_wait3A_361 = tpu.memref_slice %arg3[%add3A, %dma_wait3A_354, %dma_wait3A_359, %dma_wait3A_360] : memref<32x174x8x112xi32, #tpu.memory_space<hbm>> -> memref<1x1x8x112xi32, #tpu.memory_space<hbm>>
        %dma_wait3A_362 = tpu.memref_squeeze %dma_wait3A_361 : memref<1x1x8x112xi32, #tpu.memory_space<hbm>> -> memref<8x112xi32, #tpu.memory_space<hbm>>
        tpu.wait_dma2 semaphore(%arg18 : memref<!tpu.dma_semaphore, #tpu.memory_space<semaphore_mem>>) src(%dma_wait3A_362 : memref<8x112xi32, #tpu.memory_space<hbm>>) dst(%arg8 : memref<8x112xi32, #tpu.memory_space<vmem>>)
        %dma_start3A_363 = arith.constant 0 : i32
        %dma_start3A_364 = arith.constant 0 : i32
        %dma_start3A_365 = tpu.memref_slice %arg8[%dma_start3A_363, %dma_start3A_364] : memref<8x112xi32, #tpu.memory_space<vmem>> -> memref<1x112xi32, #tpu.memory_space<vmem>>
        %dma_start3A_366 = tpu.memref_squeeze %dma_start3A_365 : memref<1x112xi32, #tpu.memory_space<vmem>> -> memref<112xi32, #tpu.memory_space<vmem>>
        %dma_start3A_367 = arith.constant 0 : i32
        %dma_start3A_368 = arith.constant 0 : i32
        %dma_start3A_369 = tpu.memref_slice %arg2[%dma_start3A_367, %dma_start3A_368] : memref<10240x128xf32, #tpu.memory_space<hbm>> -> memref<10240x128xf32, #tpu.memory_space<hbm>>
        tpu.enqueue_indirect_dma source(%dma_start3A_369 : memref<10240x128xf32, #tpu.memory_space<hbm>>) target(%arg11 : memref<112x128xf32, #tpu.memory_space<vmem>>) offsets(%dma_start3A_366 : memref<112xi32, #tpu.memory_space<vmem>>) semaphore(%arg21 : memref<!tpu.dma_semaphore, #tpu.memory_space<semaphore_mem>>)
      } else {
      }
      %add3A_208 = arith.constant 5 : i32
      %add3A_209 = arith.addi %add3A_182, %add3A_208 : i32
      %lt3A_210 = arith.cmpi slt, %add3A_209, %select_n3A : i32
      %convert_element_type3A_211 = arith.extui %lt3A_210 : i1 to i32
      %cond3A_212 = arith.constant 0 : i32
      %cond3A_213 = arith.cmpi ne, %convert_element_type3A_211, %cond3A_212 : i32
      scf.if %cond3A_213 {
        %add3A_354 = arith.constant 5 : i32
        %add3A_355 = arith.addi %add3A_182, %add3A_354 : i32
        %dma_start3A_356 = arith.constant 0 : i32
        %dma_start3A_357 = arith.constant 0 : i32
        %dma_start3A_358 = tpu.memref_slice %arg3[%add3A, %add3A_355, %dma_start3A_356, %dma_start3A_357] : memref<32x174x8x112xi32, #tpu.memory_space<hbm>> -> memref<1x1x8x112xi32, #tpu.memory_space<hbm>>
        %dma_start3A_359 = tpu.memref_squeeze %dma_start3A_358 : memref<1x1x8x112xi32, #tpu.memory_space<hbm>> -> memref<8x112xi32, #tpu.memory_space<hbm>>
        %dma_start3A_360 = arith.constant 0 : i32
        %dma_start3A_361 = arith.constant 0 : i32
        %dma_start3A_362 = tpu.memref_slice %arg3[%add3A, %add3A_355, %dma_start3A_360, %dma_start3A_361] : memref<32x174x8x112xi32, #tpu.memory_space<hbm>> -> memref<1x1x8x112xi32, #tpu.memory_space<hbm>>
        %dma_start3A_363 = tpu.memref_squeeze %dma_start3A_362 : memref<1x1x8x112xi32, #tpu.memory_space<hbm>> -> memref<8x112xi32, #tpu.memory_space<hbm>>
        tpu.enqueue_dma source(%dma_start3A_363 : memref<8x112xi32, #tpu.memory_space<hbm>>) target(%arg5 : memref<8x112xi32, #tpu.memory_space<vmem>>) target_semaphore(%arg15 : memref<!tpu.dma_semaphore, #tpu.memory_space<semaphore_mem>>)
      } else {
      }
      %mul3A_214 = arith.constant 6 : i32
      %mul3A_215 = arith.muli %while3A_147, %mul3A_214 : i32
      %add3A_216 = arith.constant 2 : i32
      %add3A_217 = arith.addi %mul3A_215, %add3A_216 : i32
      %dma_wait3A_218 = arith.constant 0 : i32
      %dma_wait3A_219 = arith.constant 0 : i32
      %dma_wait3A_220 = tpu.memref_slice %arg7[%dma_wait3A_218, %dma_wait3A_219] : memref<8x112xi32, #tpu.memory_space<vmem>> -> memref<1x112xi32, #tpu.memory_space<vmem>>
      %dma_wait3A_221 = tpu.memref_squeeze %dma_wait3A_220 : memref<1x112xi32, #tpu.memory_space<vmem>> -> memref<112xi32, #tpu.memory_space<vmem>>
      %dma_wait3A_222 = arith.constant 0 : i32
      %dma_wait3A_223 = arith.constant 0 : i32
      %dma_wait3A_224 = tpu.memref_slice %arg2[%dma_wait3A_222, %dma_wait3A_223] : memref<10240x128xf32, #tpu.memory_space<hbm>> -> memref<10240x128xf32, #tpu.memory_space<hbm>>
      tpu.wait_indirect_dma semaphore(%arg23 : memref<!tpu.dma_semaphore, #tpu.memory_space<semaphore_mem>>) src(%dma_wait3A_224 : memref<10240x128xf32, #tpu.memory_space<hbm>>) dst(%arg13 : memref<112x128xf32, #tpu.memory_space<vmem>>)
      %dma_start3A_225 = arith.constant 1 : i32
      %dma_start3A_226 = arith.constant 0 : i32
      %dma_start3A_227 = tpu.memref_slice %arg7[%dma_start3A_225, %dma_start3A_226] : memref<8x112xi32, #tpu.memory_space<vmem>> -> memref<1x112xi32, #tpu.memory_space<vmem>>
      %dma_start3A_228 = tpu.memref_squeeze %dma_start3A_227 : memref<1x112xi32, #tpu.memory_space<vmem>> -> memref<112xi32, #tpu.memory_space<vmem>>
      %dma_start3A_229 = arith.constant 0 : i32
      %dma_start3A_230 = arith.constant 0 : i32
      %dma_start3A_231 = tpu.memref_slice %arg14[%dma_start3A_229, %dma_start3A_230] : memref<10112x128xf32, #tpu.memory_space<vmem_shared>> -> memref<10112x128xf32, #tpu.memory_space<vmem_shared>>
      tpu.enqueue_indirect_dma source(%arg13 : memref<112x128xf32, #tpu.memory_space<vmem>>) target(%dma_start3A_231 : memref<10112x128xf32, #tpu.memory_space<vmem_shared>>) offsets(%dma_start3A_228 : memref<112xi32, #tpu.memory_space<vmem>>) semaphore(%arg26 : memref<!tpu.dma_semaphore, #tpu.memory_space<semaphore_mem>>) {add = true}
      %ge3A_232 = arith.constant 1 : i32
      %ge3A_233 = arith.cmpi sge, %add3A_217, %ge3A_232 : i32
      %convert_element_type3A_234 = arith.extui %ge3A_233 : i1 to i32
      %cond3A_235 = arith.constant 0 : i32
      %cond3A_236 = arith.cmpi ne, %convert_element_type3A_234, %cond3A_235 : i32
      scf.if %cond3A_236 {
        %dma_wait3A_354 = arith.constant 1 : i32
        %dma_wait3A_355 = arith.constant 0 : i32
        %dma_wait3A_356 = tpu.memref_slice %arg6[%dma_wait3A_354, %dma_wait3A_355] : memref<8x112xi32, #tpu.memory_space<vmem>> -> memref<1x112xi32, #tpu.memory_space<vmem>>
        %dma_wait3A_357 = tpu.memref_squeeze %dma_wait3A_356 : memref<1x112xi32, #tpu.memory_space<vmem>> -> memref<112xi32, #tpu.memory_space<vmem>>
        %dma_wait3A_358 = arith.constant 0 : i32
        %dma_wait3A_359 = arith.constant 0 : i32
        %dma_wait3A_360 = tpu.memref_slice %arg14[%dma_wait3A_358, %dma_wait3A_359] : memref<10112x128xf32, #tpu.memory_space<vmem_shared>> -> memref<10112x128xf32, #tpu.memory_space<vmem_shared>>
        tpu.wait_indirect_dma semaphore(%arg25 : memref<!tpu.dma_semaphore, #tpu.memory_space<semaphore_mem>>) src(%arg12 : memref<112x128xf32, #tpu.memory_space<vmem>>) dst(%dma_wait3A_360 : memref<10112x128xf32, #tpu.memory_space<vmem_shared>>)
      } else {
      }
      %add3A_237 = arith.constant 2 : i32
      %add3A_238 = arith.addi %add3A_217, %add3A_237 : i32
      %lt3A_239 = arith.cmpi slt, %add3A_238, %select_n3A : i32
      %convert_element_type3A_240 = arith.extui %lt3A_239 : i1 to i32
      %cond3A_241 = arith.constant 0 : i32
      %cond3A_242 = arith.cmpi ne, %convert_element_type3A_240, %cond3A_241 : i32
      scf.if %cond3A_242 {
        %dma_wait3A_354 = arith.constant 0 : i32
        %dma_wait3A_355 = arith.constant 0 : i32
        %dma_wait3A_356 = arith.constant 0 : i32
        %dma_wait3A_357 = tpu.memref_slice %arg3[%add3A, %dma_wait3A_354, %dma_wait3A_355, %dma_wait3A_356] : memref<32x174x8x112xi32, #tpu.memory_space<hbm>> -> memref<1x1x8x112xi32, #tpu.memory_space<hbm>>
        %dma_wait3A_358 = tpu.memref_squeeze %dma_wait3A_357 : memref<1x1x8x112xi32, #tpu.memory_space<hbm>> -> memref<8x112xi32, #tpu.memory_space<hbm>>
        %dma_wait3A_359 = arith.constant 0 : i32
        %dma_wait3A_360 = arith.constant 0 : i32
        %dma_wait3A_361 = tpu.memref_slice %arg3[%add3A, %dma_wait3A_354, %dma_wait3A_359, %dma_wait3A_360] : memref<32x174x8x112xi32, #tpu.memory_space<hbm>> -> memref<1x1x8x112xi32, #tpu.memory_space<hbm>>
        %dma_wait3A_362 = tpu.memref_squeeze %dma_wait3A_361 : memref<1x1x8x112xi32, #tpu.memory_space<hbm>> -> memref<8x112xi32, #tpu.memory_space<hbm>>
        tpu.wait_dma2 semaphore(%arg19 : memref<!tpu.dma_semaphore, #tpu.memory_space<semaphore_mem>>) src(%dma_wait3A_362 : memref<8x112xi32, #tpu.memory_space<hbm>>) dst(%arg9 : memref<8x112xi32, #tpu.memory_space<vmem>>)
        %dma_start3A_363 = arith.constant 0 : i32
        %dma_start3A_364 = arith.constant 0 : i32
        %dma_start3A_365 = tpu.memref_slice %arg9[%dma_start3A_363, %dma_start3A_364] : memref<8x112xi32, #tpu.memory_space<vmem>> -> memref<1x112xi32, #tpu.memory_space<vmem>>
        %dma_start3A_366 = tpu.memref_squeeze %dma_start3A_365 : memref<1x112xi32, #tpu.memory_space<vmem>> -> memref<112xi32, #tpu.memory_space<vmem>>
        %dma_start3A_367 = arith.constant 0 : i32
        %dma_start3A_368 = arith.constant 0 : i32
        %dma_start3A_369 = tpu.memref_slice %arg2[%dma_start3A_367, %dma_start3A_368] : memref<10240x128xf32, #tpu.memory_space<hbm>> -> memref<10240x128xf32, #tpu.memory_space<hbm>>
        tpu.enqueue_indirect_dma source(%dma_start3A_369 : memref<10240x128xf32, #tpu.memory_space<hbm>>) target(%arg12 : memref<112x128xf32, #tpu.memory_space<vmem>>) offsets(%dma_start3A_366 : memref<112xi32, #tpu.memory_space<vmem>>) semaphore(%arg22 : memref<!tpu.dma_semaphore, #tpu.memory_space<semaphore_mem>>)
      } else {
      }
      %add3A_243 = arith.constant 5 : i32
      %add3A_244 = arith.addi %add3A_217, %add3A_243 : i32
      %lt3A_245 = arith.cmpi slt, %add3A_244, %select_n3A : i32
      %convert_element_type3A_246 = arith.extui %lt3A_245 : i1 to i32
      %cond3A_247 = arith.constant 0 : i32
      %cond3A_248 = arith.cmpi ne, %convert_element_type3A_246, %cond3A_247 : i32
      scf.if %cond3A_248 {
        %add3A_354 = arith.constant 5 : i32
        %add3A_355 = arith.addi %add3A_217, %add3A_354 : i32
        %dma_start3A_356 = arith.constant 0 : i32
        %dma_start3A_357 = arith.constant 0 : i32
        %dma_start3A_358 = tpu.memref_slice %arg3[%add3A, %add3A_355, %dma_start3A_356, %dma_start3A_357] : memref<32x174x8x112xi32, #tpu.memory_space<hbm>> -> memref<1x1x8x112xi32, #tpu.memory_space<hbm>>
        %dma_start3A_359 = tpu.memref_squeeze %dma_start3A_358 : memref<1x1x8x112xi32, #tpu.memory_space<hbm>> -> memref<8x112xi32, #tpu.memory_space<hbm>>
        %dma_start3A_360 = arith.constant 0 : i32
        %dma_start3A_361 = arith.constant 0 : i32
        %dma_start3A_362 = tpu.memref_slice %arg3[%add3A, %add3A_355, %dma_start3A_360, %dma_start3A_361] : memref<32x174x8x112xi32, #tpu.memory_space<hbm>> -> memref<1x1x8x112xi32, #tpu.memory_space<hbm>>
        %dma_start3A_363 = tpu.memref_squeeze %dma_start3A_362 : memref<1x1x8x112xi32, #tpu.memory_space<hbm>> -> memref<8x112xi32, #tpu.memory_space<hbm>>
        tpu.enqueue_dma source(%dma_start3A_363 : memref<8x112xi32, #tpu.memory_space<hbm>>) target(%arg6 : memref<8x112xi32, #tpu.memory_space<vmem>>) target_semaphore(%arg16 : memref<!tpu.dma_semaphore, #tpu.memory_space<semaphore_mem>>)
      } else {
      }
      %mul3A_249 = arith.constant 6 : i32
      %mul3A_250 = arith.muli %while3A_147, %mul3A_249 : i32
      %add3A_251 = arith.constant 3 : i32
      %add3A_252 = arith.addi %mul3A_250, %add3A_251 : i32
      %dma_wait3A_253 = arith.constant 0 : i32
      %dma_wait3A_254 = arith.constant 0 : i32
      %dma_wait3A_255 = tpu.memref_slice %arg8[%dma_wait3A_253, %dma_wait3A_254] : memref<8x112xi32, #tpu.memory_space<vmem>> -> memref<1x112xi32, #tpu.memory_space<vmem>>
      %dma_wait3A_256 = tpu.memref_squeeze %dma_wait3A_255 : memref<1x112xi32, #tpu.memory_space<vmem>> -> memref<112xi32, #tpu.memory_space<vmem>>
      %dma_wait3A_257 = arith.constant 0 : i32
      %dma_wait3A_258 = arith.constant 0 : i32
      %dma_wait3A_259 = tpu.memref_slice %arg2[%dma_wait3A_257, %dma_wait3A_258] : memref<10240x128xf32, #tpu.memory_space<hbm>> -> memref<10240x128xf32, #tpu.memory_space<hbm>>
      tpu.wait_indirect_dma semaphore(%arg21 : memref<!tpu.dma_semaphore, #tpu.memory_space<semaphore_mem>>) src(%dma_wait3A_259 : memref<10240x128xf32, #tpu.memory_space<hbm>>) dst(%arg11 : memref<112x128xf32, #tpu.memory_space<vmem>>)
      %dma_start3A_260 = arith.constant 1 : i32
      %dma_start3A_261 = arith.constant 0 : i32
      %dma_start3A_262 = tpu.memref_slice %arg8[%dma_start3A_260, %dma_start3A_261] : memref<8x112xi32, #tpu.memory_space<vmem>> -> memref<1x112xi32, #tpu.memory_space<vmem>>
      %dma_start3A_263 = tpu.memref_squeeze %dma_start3A_262 : memref<1x112xi32, #tpu.memory_space<vmem>> -> memref<112xi32, #tpu.memory_space<vmem>>
      %dma_start3A_264 = arith.constant 0 : i32
      %dma_start3A_265 = arith.constant 0 : i32
      %dma_start3A_266 = tpu.memref_slice %arg14[%dma_start3A_264, %dma_start3A_265] : memref<10112x128xf32, #tpu.memory_space<vmem_shared>> -> memref<10112x128xf32, #tpu.memory_space<vmem_shared>>
      tpu.enqueue_indirect_dma source(%arg11 : memref<112x128xf32, #tpu.memory_space<vmem>>) target(%dma_start3A_266 : memref<10112x128xf32, #tpu.memory_space<vmem_shared>>) offsets(%dma_start3A_263 : memref<112xi32, #tpu.memory_space<vmem>>) semaphore(%arg24 : memref<!tpu.dma_semaphore, #tpu.memory_space<semaphore_mem>>) {add = true}
      %ge3A_267 = arith.constant 1 : i32
      %ge3A_268 = arith.cmpi sge, %add3A_252, %ge3A_267 : i32
      %convert_element_type3A_269 = arith.extui %ge3A_268 : i1 to i32
      %cond3A_270 = arith.constant 0 : i32
      %cond3A_271 = arith.cmpi ne, %convert_element_type3A_269, %cond3A_270 : i32
      scf.if %cond3A_271 {
        %dma_wait3A_354 = arith.constant 1 : i32
        %dma_wait3A_355 = arith.constant 0 : i32
        %dma_wait3A_356 = tpu.memref_slice %arg7[%dma_wait3A_354, %dma_wait3A_355] : memref<8x112xi32, #tpu.memory_space<vmem>> -> memref<1x112xi32, #tpu.memory_space<vmem>>
        %dma_wait3A_357 = tpu.memref_squeeze %dma_wait3A_356 : memref<1x112xi32, #tpu.memory_space<vmem>> -> memref<112xi32, #tpu.memory_space<vmem>>
        %dma_wait3A_358 = arith.constant 0 : i32
        %dma_wait3A_359 = arith.constant 0 : i32
        %dma_wait3A_360 = tpu.memref_slice %arg14[%dma_wait3A_358, %dma_wait3A_359] : memref<10112x128xf32, #tpu.memory_space<vmem_shared>> -> memref<10112x128xf32, #tpu.memory_space<vmem_shared>>
        tpu.wait_indirect_dma semaphore(%arg26 : memref<!tpu.dma_semaphore, #tpu.memory_space<semaphore_mem>>) src(%arg13 : memref<112x128xf32, #tpu.memory_space<vmem>>) dst(%dma_wait3A_360 : memref<10112x128xf32, #tpu.memory_space<vmem_shared>>)
      } else {
      }
      %add3A_272 = arith.constant 2 : i32
      %add3A_273 = arith.addi %add3A_252, %add3A_272 : i32
      %lt3A_274 = arith.cmpi slt, %add3A_273, %select_n3A : i32
      %convert_element_type3A_275 = arith.extui %lt3A_274 : i1 to i32
      %cond3A_276 = arith.constant 0 : i32
      %cond3A_277 = arith.cmpi ne, %convert_element_type3A_275, %cond3A_276 : i32
      scf.if %cond3A_277 {
        %dma_wait3A_354 = arith.constant 0 : i32
        %dma_wait3A_355 = arith.constant 0 : i32
        %dma_wait3A_356 = arith.constant 0 : i32
        %dma_wait3A_357 = tpu.memref_slice %arg3[%add3A, %dma_wait3A_354, %dma_wait3A_355, %dma_wait3A_356] : memref<32x174x8x112xi32, #tpu.memory_space<hbm>> -> memref<1x1x8x112xi32, #tpu.memory_space<hbm>>
        %dma_wait3A_358 = tpu.memref_squeeze %dma_wait3A_357 : memref<1x1x8x112xi32, #tpu.memory_space<hbm>> -> memref<8x112xi32, #tpu.memory_space<hbm>>
        %dma_wait3A_359 = arith.constant 0 : i32
        %dma_wait3A_360 = arith.constant 0 : i32
        %dma_wait3A_361 = tpu.memref_slice %arg3[%add3A, %dma_wait3A_354, %dma_wait3A_359, %dma_wait3A_360] : memref<32x174x8x112xi32, #tpu.memory_space<hbm>> -> memref<1x1x8x112xi32, #tpu.memory_space<hbm>>
        %dma_wait3A_362 = tpu.memref_squeeze %dma_wait3A_361 : memref<1x1x8x112xi32, #tpu.memory_space<hbm>> -> memref<8x112xi32, #tpu.memory_space<hbm>>
        tpu.wait_dma2 semaphore(%arg20 : memref<!tpu.dma_semaphore, #tpu.memory_space<semaphore_mem>>) src(%dma_wait3A_362 : memref<8x112xi32, #tpu.memory_space<hbm>>) dst(%arg10 : memref<8x112xi32, #tpu.memory_space<vmem>>)
        %dma_start3A_363 = arith.constant 0 : i32
        %dma_start3A_364 = arith.constant 0 : i32
        %dma_start3A_365 = tpu.memref_slice %arg10[%dma_start3A_363, %dma_start3A_364] : memref<8x112xi32, #tpu.memory_space<vmem>> -> memref<1x112xi32, #tpu.memory_space<vmem>>
        %dma_start3A_366 = tpu.memref_squeeze %dma_start3A_365 : memref<1x112xi32, #tpu.memory_space<vmem>> -> memref<112xi32, #tpu.memory_space<vmem>>
        %dma_start3A_367 = arith.constant 0 : i32
        %dma_start3A_368 = arith.constant 0 : i32
        %dma_start3A_369 = tpu.memref_slice %arg2[%dma_start3A_367, %dma_start3A_368] : memref<10240x128xf32, #tpu.memory_space<hbm>> -> memref<10240x128xf32, #tpu.memory_space<hbm>>
        tpu.enqueue_indirect_dma source(%dma_start3A_369 : memref<10240x128xf32, #tpu.memory_space<hbm>>) target(%arg13 : memref<112x128xf32, #tpu.memory_space<vmem>>) offsets(%dma_start3A_366 : memref<112xi32, #tpu.memory_space<vmem>>) semaphore(%arg23 : memref<!tpu.dma_semaphore, #tpu.memory_space<semaphore_mem>>)
      } else {
      }
      %add3A_278 = arith.constant 5 : i32
      %add3A_279 = arith.addi %add3A_252, %add3A_278 : i32
      %lt3A_280 = arith.cmpi slt, %add3A_279, %select_n3A : i32
      %convert_element_type3A_281 = arith.extui %lt3A_280 : i1 to i32
      %cond3A_282 = arith.constant 0 : i32
      %cond3A_283 = arith.cmpi ne, %convert_element_type3A_281, %cond3A_282 : i32
      scf.if %cond3A_283 {
        %add3A_354 = arith.constant 5 : i32
        %add3A_355 = arith.addi %add3A_252, %add3A_354 : i32
        %dma_start3A_356 = arith.constant 0 : i32
        %dma_start3A_357 = arith.constant 0 : i32
        %dma_start3A_358 = tpu.memref_slice %arg3[%add3A, %add3A_355, %dma_start3A_356, %dma_start3A_357] : memref<32x174x8x112xi32, #tpu.memory_space<hbm>> -> memref<1x1x8x112xi32, #tpu.memory_space<hbm>>
        %dma_start3A_359 = tpu.memref_squeeze %dma_start3A_358 : memref<1x1x8x112xi32, #tpu.memory_space<hbm>> -> memref<8x112xi32, #tpu.memory_space<hbm>>
        %dma_start3A_360 = arith.constant 0 : i32
        %dma_start3A_361 = arith.constant 0 : i32
        %dma_start3A_362 = tpu.memref_slice %arg3[%add3A, %add3A_355, %dma_start3A_360, %dma_start3A_361] : memref<32x174x8x112xi32, #tpu.memory_space<hbm>> -> memref<1x1x8x112xi32, #tpu.memory_space<hbm>>
        %dma_start3A_363 = tpu.memref_squeeze %dma_start3A_362 : memref<1x1x8x112xi32, #tpu.memory_space<hbm>> -> memref<8x112xi32, #tpu.memory_space<hbm>>
        tpu.enqueue_dma source(%dma_start3A_363 : memref<8x112xi32, #tpu.memory_space<hbm>>) target(%arg7 : memref<8x112xi32, #tpu.memory_space<vmem>>) target_semaphore(%arg17 : memref<!tpu.dma_semaphore, #tpu.memory_space<semaphore_mem>>)
      } else {
      }
      %mul3A_284 = arith.constant 6 : i32
      %mul3A_285 = arith.muli %while3A_147, %mul3A_284 : i32
      %add3A_286 = arith.constant 4 : i32
      %add3A_287 = arith.addi %mul3A_285, %add3A_286 : i32
      %dma_wait3A_288 = arith.constant 0 : i32
      %dma_wait3A_289 = arith.constant 0 : i32
      %dma_wait3A_290 = tpu.memref_slice %arg9[%dma_wait3A_288, %dma_wait3A_289] : memref<8x112xi32, #tpu.memory_space<vmem>> -> memref<1x112xi32, #tpu.memory_space<vmem>>
      %dma_wait3A_291 = tpu.memref_squeeze %dma_wait3A_290 : memref<1x112xi32, #tpu.memory_space<vmem>> -> memref<112xi32, #tpu.memory_space<vmem>>
      %dma_wait3A_292 = arith.constant 0 : i32
      %dma_wait3A_293 = arith.constant 0 : i32
      %dma_wait3A_294 = tpu.memref_slice %arg2[%dma_wait3A_292, %dma_wait3A_293] : memref<10240x128xf32, #tpu.memory_space<hbm>> -> memref<10240x128xf32, #tpu.memory_space<hbm>>
      tpu.wait_indirect_dma semaphore(%arg22 : memref<!tpu.dma_semaphore, #tpu.memory_space<semaphore_mem>>) src(%dma_wait3A_294 : memref<10240x128xf32, #tpu.memory_space<hbm>>) dst(%arg12 : memref<112x128xf32, #tpu.memory_space<vmem>>)
      %dma_start3A_295 = arith.constant 1 : i32
      %dma_start3A_296 = arith.constant 0 : i32
      %dma_start3A_297 = tpu.memref_slice %arg9[%dma_start3A_295, %dma_start3A_296] : memref<8x112xi32, #tpu.memory_space<vmem>> -> memref<1x112xi32, #tpu.memory_space<vmem>>
      %dma_start3A_298 = tpu.memref_squeeze %dma_start3A_297 : memref<1x112xi32, #tpu.memory_space<vmem>> -> memref<112xi32, #tpu.memory_space<vmem>>
      %dma_start3A_299 = arith.constant 0 : i32
      %dma_start3A_300 = arith.constant 0 : i32
      %dma_start3A_301 = tpu.memref_slice %arg14[%dma_start3A_299, %dma_start3A_300] : memref<10112x128xf32, #tpu.memory_space<vmem_shared>> -> memref<10112x128xf32, #tpu.memory_space<vmem_shared>>
      tpu.enqueue_indirect_dma source(%arg12 : memref<112x128xf32, #tpu.memory_space<vmem>>) target(%dma_start3A_301 : memref<10112x128xf32, #tpu.memory_space<vmem_shared>>) offsets(%dma_start3A_298 : memref<112xi32, #tpu.memory_space<vmem>>) semaphore(%arg25 : memref<!tpu.dma_semaphore, #tpu.memory_space<semaphore_mem>>) {add = true}
      %ge3A_302 = arith.constant 1 : i32
      %ge3A_303 = arith.cmpi sge, %add3A_287, %ge3A_302 : i32
      %convert_element_type3A_304 = arith.extui %ge3A_303 : i1 to i32
      %cond3A_305 = arith.constant 0 : i32
      %cond3A_306 = arith.cmpi ne, %convert_element_type3A_304, %cond3A_305 : i32
      scf.if %cond3A_306 {
        %dma_wait3A_354 = arith.constant 1 : i32
        %dma_wait3A_355 = arith.constant 0 : i32
        %dma_wait3A_356 = tpu.memref_slice %arg8[%dma_wait3A_354, %dma_wait3A_355] : memref<8x112xi32, #tpu.memory_space<vmem>> -> memref<1x112xi32, #tpu.memory_space<vmem>>
        %dma_wait3A_357 = tpu.memref_squeeze %dma_wait3A_356 : memref<1x112xi32, #tpu.memory_space<vmem>> -> memref<112xi32, #tpu.memory_space<vmem>>
        %dma_wait3A_358 = arith.constant 0 : i32
        %dma_wait3A_359 = arith.constant 0 : i32
        %dma_wait3A_360 = tpu.memref_slice %arg14[%dma_wait3A_358, %dma_wait3A_359] : memref<10112x128xf32, #tpu.memory_space<vmem_shared>> -> memref<10112x128xf32, #tpu.memory_space<vmem_shared>>
        tpu.wait_indirect_dma semaphore(%arg24 : memref<!tpu.dma_semaphore, #tpu.memory_space<semaphore_mem>>) src(%arg11 : memref<112x128xf32, #tpu.memory_space<vmem>>) dst(%dma_wait3A_360 : memref<10112x128xf32, #tpu.memory_space<vmem_shared>>)
      } else {
      }
      %add3A_307 = arith.constant 2 : i32
      %add3A_308 = arith.addi %add3A_287, %add3A_307 : i32
      %lt3A_309 = arith.cmpi slt, %add3A_308, %select_n3A : i32
      %convert_element_type3A_310 = arith.extui %lt3A_309 : i1 to i32
      %cond3A_311 = arith.constant 0 : i32
      %cond3A_312 = arith.cmpi ne, %convert_element_type3A_310, %cond3A_311 : i32
      scf.if %cond3A_312 {
        %dma_wait3A_354 = arith.constant 0 : i32
        %dma_wait3A_355 = arith.constant 0 : i32
        %dma_wait3A_356 = arith.constant 0 : i32
        %dma_wait3A_357 = tpu.memref_slice %arg3[%add3A, %dma_wait3A_354, %dma_wait3A_355, %dma_wait3A_356] : memref<32x174x8x112xi32, #tpu.memory_space<hbm>> -> memref<1x1x8x112xi32, #tpu.memory_space<hbm>>
        %dma_wait3A_358 = tpu.memref_squeeze %dma_wait3A_357 : memref<1x1x8x112xi32, #tpu.memory_space<hbm>> -> memref<8x112xi32, #tpu.memory_space<hbm>>
        %dma_wait3A_359 = arith.constant 0 : i32
        %dma_wait3A_360 = arith.constant 0 : i32
        %dma_wait3A_361 = tpu.memref_slice %arg3[%add3A, %dma_wait3A_354, %dma_wait3A_359, %dma_wait3A_360] : memref<32x174x8x112xi32, #tpu.memory_space<hbm>> -> memref<1x1x8x112xi32, #tpu.memory_space<hbm>>
        %dma_wait3A_362 = tpu.memref_squeeze %dma_wait3A_361 : memref<1x1x8x112xi32, #tpu.memory_space<hbm>> -> memref<8x112xi32, #tpu.memory_space<hbm>>
        tpu.wait_dma2 semaphore(%arg15 : memref<!tpu.dma_semaphore, #tpu.memory_space<semaphore_mem>>) src(%dma_wait3A_362 : memref<8x112xi32, #tpu.memory_space<hbm>>) dst(%arg5 : memref<8x112xi32, #tpu.memory_space<vmem>>)
        %dma_start3A_363 = arith.constant 0 : i32
        %dma_start3A_364 = arith.constant 0 : i32
        %dma_start3A_365 = tpu.memref_slice %arg5[%dma_start3A_363, %dma_start3A_364] : memref<8x112xi32, #tpu.memory_space<vmem>> -> memref<1x112xi32, #tpu.memory_space<vmem>>
        %dma_start3A_366 = tpu.memref_squeeze %dma_start3A_365 : memref<1x112xi32, #tpu.memory_space<vmem>> -> memref<112xi32, #tpu.memory_space<vmem>>
        %dma_start3A_367 = arith.constant 0 : i32
        %dma_start3A_368 = arith.constant 0 : i32
        %dma_start3A_369 = tpu.memref_slice %arg2[%dma_start3A_367, %dma_start3A_368] : memref<10240x128xf32, #tpu.memory_space<hbm>> -> memref<10240x128xf32, #tpu.memory_space<hbm>>
        tpu.enqueue_indirect_dma source(%dma_start3A_369 : memref<10240x128xf32, #tpu.memory_space<hbm>>) target(%arg11 : memref<112x128xf32, #tpu.memory_space<vmem>>) offsets(%dma_start3A_366 : memref<112xi32, #tpu.memory_space<vmem>>) semaphore(%arg21 : memref<!tpu.dma_semaphore, #tpu.memory_space<semaphore_mem>>)
      } else {
      }
      %add3A_313 = arith.constant 5 : i32
      %add3A_314 = arith.addi %add3A_287, %add3A_313 : i32
      %lt3A_315 = arith.cmpi slt, %add3A_314, %select_n3A : i32
      %convert_element_type3A_316 = arith.extui %lt3A_315 : i1 to i32
      %cond3A_317 = arith.constant 0 : i32
      %cond3A_318 = arith.cmpi ne, %convert_element_type3A_316, %cond3A_317 : i32
      scf.if %cond3A_318 {
        %add3A_354 = arith.constant 5 : i32
        %add3A_355 = arith.addi %add3A_287, %add3A_354 : i32
        %dma_start3A_356 = arith.constant 0 : i32
        %dma_start3A_357 = arith.constant 0 : i32
        %dma_start3A_358 = tpu.memref_slice %arg3[%add3A, %add3A_355, %dma_start3A_356, %dma_start3A_357] : memref<32x174x8x112xi32, #tpu.memory_space<hbm>> -> memref<1x1x8x112xi32, #tpu.memory_space<hbm>>
        %dma_start3A_359 = tpu.memref_squeeze %dma_start3A_358 : memref<1x1x8x112xi32, #tpu.memory_space<hbm>> -> memref<8x112xi32, #tpu.memory_space<hbm>>
        %dma_start3A_360 = arith.constant 0 : i32
        %dma_start3A_361 = arith.constant 0 : i32
        %dma_start3A_362 = tpu.memref_slice %arg3[%add3A, %add3A_355, %dma_start3A_360, %dma_start3A_361] : memref<32x174x8x112xi32, #tpu.memory_space<hbm>> -> memref<1x1x8x112xi32, #tpu.memory_space<hbm>>
        %dma_start3A_363 = tpu.memref_squeeze %dma_start3A_362 : memref<1x1x8x112xi32, #tpu.memory_space<hbm>> -> memref<8x112xi32, #tpu.memory_space<hbm>>
        tpu.enqueue_dma source(%dma_start3A_363 : memref<8x112xi32, #tpu.memory_space<hbm>>) target(%arg8 : memref<8x112xi32, #tpu.memory_space<vmem>>) target_semaphore(%arg18 : memref<!tpu.dma_semaphore, #tpu.memory_space<semaphore_mem>>)
      } else {
      }
      %mul3A_319 = arith.constant 6 : i32
      %mul3A_320 = arith.muli %while3A_147, %mul3A_319 : i32
      %add3A_321 = arith.constant 5 : i32
      %add3A_322 = arith.addi %mul3A_320, %add3A_321 : i32
      %dma_wait3A_323 = arith.constant 0 : i32
      %dma_wait3A_324 = arith.constant 0 : i32
      %dma_wait3A_325 = tpu.memref_slice %arg10[%dma_wait3A_323, %dma_wait3A_324] : memref<8x112xi32, #tpu.memory_space<vmem>> -> memref<1x112xi32, #tpu.memory_space<vmem>>
      %dma_wait3A_326 = tpu.memref_squeeze %dma_wait3A_325 : memref<1x112xi32, #tpu.memory_space<vmem>> -> memref<112xi32, #tpu.memory_space<vmem>>
      %dma_wait3A_327 = arith.constant 0 : i32
      %dma_wait3A_328 = arith.constant 0 : i32
      %dma_wait3A_329 = tpu.memref_slice %arg2[%dma_wait3A_327, %dma_wait3A_328] : memref<10240x128xf32, #tpu.memory_space<hbm>> -> memref<10240x128xf32, #tpu.memory_space<hbm>>
      tpu.wait_indirect_dma semaphore(%arg23 : memref<!tpu.dma_semaphore, #tpu.memory_space<semaphore_mem>>) src(%dma_wait3A_329 : memref<10240x128xf32, #tpu.memory_space<hbm>>) dst(%arg13 : memref<112x128xf32, #tpu.memory_space<vmem>>)
      %dma_start3A_330 = arith.constant 1 : i32
      %dma_start3A_331 = arith.constant 0 : i32
      %dma_start3A_332 = tpu.memref_slice %arg10[%dma_start3A_330, %dma_start3A_331] : memref<8x112xi32, #tpu.memory_space<vmem>> -> memref<1x112xi32, #tpu.memory_space<vmem>>
      %dma_start3A_333 = tpu.memref_squeeze %dma_start3A_332 : memref<1x112xi32, #tpu.memory_space<vmem>> -> memref<112xi32, #tpu.memory_space<vmem>>
      %dma_start3A_334 = arith.constant 0 : i32
      %dma_start3A_335 = arith.constant 0 : i32
      %dma_start3A_336 = tpu.memref_slice %arg14[%dma_start3A_334, %dma_start3A_335] : memref<10112x128xf32, #tpu.memory_space<vmem_shared>> -> memref<10112x128xf32, #tpu.memory_space<vmem_shared>>
      tpu.enqueue_indirect_dma source(%arg13 : memref<112x128xf32, #tpu.memory_space<vmem>>) target(%dma_start3A_336 : memref<10112x128xf32, #tpu.memory_space<vmem_shared>>) offsets(%dma_start3A_333 : memref<112xi32, #tpu.memory_space<vmem>>) semaphore(%arg26 : memref<!tpu.dma_semaphore, #tpu.memory_space<semaphore_mem>>) {add = true}
      %ge3A_337 = arith.constant 1 : i32
      %ge3A_338 = arith.cmpi sge, %add3A_322, %ge3A_337 : i32
      %convert_element_type3A_339 = arith.extui %ge3A_338 : i1 to i32
      %cond3A_340 = arith.constant 0 : i32
      %cond3A_341 = arith.cmpi ne, %convert_element_type3A_339, %cond3A_340 : i32
      scf.if %cond3A_341 {
        %dma_wait3A_354 = arith.constant 1 : i32
        %dma_wait3A_355 = arith.constant 0 : i32
        %dma_wait3A_356 = tpu.memref_slice %arg9[%dma_wait3A_354, %dma_wait3A_355] : memref<8x112xi32, #tpu.memory_space<vmem>> -> memref<1x112xi32, #tpu.memory_space<vmem>>
        %dma_wait3A_357 = tpu.memref_squeeze %dma_wait3A_356 : memref<1x112xi32, #tpu.memory_space<vmem>> -> memref<112xi32, #tpu.memory_space<vmem>>
        %dma_wait3A_358 = arith.constant 0 : i32
        %dma_wait3A_359 = arith.constant 0 : i32
        %dma_wait3A_360 = tpu.memref_slice %arg14[%dma_wait3A_358, %dma_wait3A_359] : memref<10112x128xf32, #tpu.memory_space<vmem_shared>> -> memref<10112x128xf32, #tpu.memory_space<vmem_shared>>
        tpu.wait_indirect_dma semaphore(%arg25 : memref<!tpu.dma_semaphore, #tpu.memory_space<semaphore_mem>>) src(%arg12 : memref<112x128xf32, #tpu.memory_space<vmem>>) dst(%dma_wait3A_360 : memref<10112x128xf32, #tpu.memory_space<vmem_shared>>)
      } else {
      }
      %add3A_342 = arith.constant 2 : i32
      %add3A_343 = arith.addi %add3A_322, %add3A_342 : i32
      %lt3A_344 = arith.cmpi slt, %add3A_343, %select_n3A : i32
      %convert_element_type3A_345 = arith.extui %lt3A_344 : i1 to i32
      %cond3A_346 = arith.constant 0 : i32
      %cond3A_347 = arith.cmpi ne, %convert_element_type3A_345, %cond3A_346 : i32
      scf.if %cond3A_347 {
        %dma_wait3A_354 = arith.constant 0 : i32
        %dma_wait3A_355 = arith.constant 0 : i32
        %dma_wait3A_356 = arith.constant 0 : i32
        %dma_wait3A_357 = tpu.memref_slice %arg3[%add3A, %dma_wait3A_354, %dma_wait3A_355, %dma_wait3A_356] : memref<32x174x8x112xi32, #tpu.memory_space<hbm>> -> memref<1x1x8x112xi32, #tpu.memory_space<hbm>>
        %dma_wait3A_358 = tpu.memref_squeeze %dma_wait3A_357 : memref<1x1x8x112xi32, #tpu.memory_space<hbm>> -> memref<8x112xi32, #tpu.memory_space<hbm>>
        %dma_wait3A_359 = arith.constant 0 : i32
        %dma_wait3A_360 = arith.constant 0 : i32
        %dma_wait3A_361 = tpu.memref_slice %arg3[%add3A, %dma_wait3A_354, %dma_wait3A_359, %dma_wait3A_360] : memref<32x174x8x112xi32, #tpu.memory_space<hbm>> -> memref<1x1x8x112xi32, #tpu.memory_space<hbm>>
        %dma_wait3A_362 = tpu.memref_squeeze %dma_wait3A_361 : memref<1x1x8x112xi32, #tpu.memory_space<hbm>> -> memref<8x112xi32, #tpu.memory_space<hbm>>
        tpu.wait_dma2 semaphore(%arg16 : memref<!tpu.dma_semaphore, #tpu.memory_space<semaphore_mem>>) src(%dma_wait3A_362 : memref<8x112xi32, #tpu.memory_space<hbm>>) dst(%arg6 : memref<8x112xi32, #tpu.memory_space<vmem>>)
        %dma_start3A_363 = arith.constant 0 : i32
        %dma_start3A_364 = arith.constant 0 : i32
        %dma_start3A_365 = tpu.memref_slice %arg6[%dma_start3A_363, %dma_start3A_364] : memref<8x112xi32, #tpu.memory_space<vmem>> -> memref<1x112xi32, #tpu.memory_space<vmem>>
        %dma_start3A_366 = tpu.memref_squeeze %dma_start3A_365 : memref<1x112xi32, #tpu.memory_space<vmem>> -> memref<112xi32, #tpu.memory_space<vmem>>
        %dma_start3A_367 = arith.constant 0 : i32
        %dma_start3A_368 = arith.constant 0 : i32
        %dma_start3A_369 = tpu.memref_slice %arg2[%dma_start3A_367, %dma_start3A_368] : memref<10240x128xf32, #tpu.memory_space<hbm>> -> memref<10240x128xf32, #tpu.memory_space<hbm>>
        tpu.enqueue_indirect_dma source(%dma_start3A_369 : memref<10240x128xf32, #tpu.memory_space<hbm>>) target(%arg12 : memref<112x128xf32, #tpu.memory_space<vmem>>) offsets(%dma_start3A_366 : memref<112xi32, #tpu.memory_space<vmem>>) semaphore(%arg22 : memref<!tpu.dma_semaphore, #tpu.memory_space<semaphore_mem>>)
      } else {
      }
      %add3A_348 = arith.constant 5 : i32
      %add3A_349 = arith.addi %add3A_322, %add3A_348 : i32
      %lt3A_350 = arith.cmpi slt, %add3A_349, %select_n3A : i32
      %convert_element_type3A_351 = arith.extui %lt3A_350 : i1 to i32
      %cond3A_352 = arith.constant 0 : i32
      %cond3A_353 = arith.cmpi ne, %convert_element_type3A_351, %cond3A_352 : i32
      scf.if %cond3A_353 {
        %add3A_354 = arith.constant 5 : i32
        %add3A_355 = arith.addi %add3A_322, %add3A_354 : i32
        %dma_start3A_356 = arith.constant 0 : i32
        %dma_start3A_357 = arith.constant 0 : i32
        %dma_start3A_358 = tpu.memref_slice %arg3[%add3A, %add3A_355, %dma_start3A_356, %dma_start3A_357] : memref<32x174x8x112xi32, #tpu.memory_space<hbm>> -> memref<1x1x8x112xi32, #tpu.memory_space<hbm>>
        %dma_start3A_359 = tpu.memref_squeeze %dma_start3A_358 : memref<1x1x8x112xi32, #tpu.memory_space<hbm>> -> memref<8x112xi32, #tpu.memory_space<hbm>>
        %dma_start3A_360 = arith.constant 0 : i32
        %dma_start3A_361 = arith.constant 0 : i32
        %dma_start3A_362 = tpu.memref_slice %arg3[%add3A, %add3A_355, %dma_start3A_360, %dma_start3A_361] : memref<32x174x8x112xi32, #tpu.memory_space<hbm>> -> memref<1x1x8x112xi32, #tpu.memory_space<hbm>>
        %dma_start3A_363 = tpu.memref_squeeze %dma_start3A_362 : memref<1x1x8x112xi32, #tpu.memory_space<hbm>> -> memref<8x112xi32, #tpu.memory_space<hbm>>
        tpu.enqueue_dma source(%dma_start3A_363 : memref<8x112xi32, #tpu.memory_space<hbm>>) target(%arg9 : memref<8x112xi32, #tpu.memory_space<vmem>>) target_semaphore(%arg19 : memref<!tpu.dma_semaphore, #tpu.memory_space<semaphore_mem>>)
      } else {
      }
    }
    %dma_wait3A_135 = arith.constant 1 : i32
    %dma_wait3A_136 = arith.constant 0 : i32
    %dma_wait3A_137 = tpu.memref_slice %arg10[%dma_wait3A_135, %dma_wait3A_136] : memref<8x112xi32, #tpu.memory_space<vmem>> -> memref<1x112xi32, #tpu.memory_space<vmem>>
    %dma_wait3A_138 = tpu.memref_squeeze %dma_wait3A_137 : memref<1x112xi32, #tpu.memory_space<vmem>> -> memref<112xi32, #tpu.memory_space<vmem>>
    %dma_wait3A_139 = arith.constant 0 : i32
    %dma_wait3A_140 = arith.constant 0 : i32
    %dma_wait3A_141 = tpu.memref_slice %arg14[%dma_wait3A_139, %dma_wait3A_140] : memref<10112x128xf32, #tpu.memory_space<vmem_shared>> -> memref<10112x128xf32, #tpu.memory_space<vmem_shared>>
    tpu.wait_indirect_dma semaphore(%arg26 : memref<!tpu.dma_semaphore, #tpu.memory_space<semaphore_mem>>) src(%arg13 : memref<112x128xf32, #tpu.memory_space<vmem>>) dst(%dma_wait3A_141 : memref<10112x128xf32, #tpu.memory_space<vmem_shared>>)
    %barrier3A_142 = arith.constant 0 : index
    tpu.barrier barrier_id(%barrier3A_142)
    %mul3A_143 = arith.constant 632 : i32
    %mul3A_144 = arith.muli %arg1, %mul3A_143 : i32
    %mul3A_145 = arith.constant 632 : i32
    %mul3A_146 = arith.muli %arg1, %mul3A_145 : i32
    "tpu.region"() ({
      %run_scoped3A = tpu.sem_alloc : memref<!tpu.dma_semaphore, #tpu.memory_space<semaphore_mem>>
      %dma_start3A_147 = arith.constant 0 : i32
      %dma_start3A_148 = tpu.memref_slice %arg4[%arg0, %mul3A_146, %dma_start3A_147] : memref<2x10240x128xf32, #tpu.memory_space<hbm>> -> memref<1x632x128xf32, #tpu.memory_space<hbm>>
      %dma_start3A_149 = tpu.memref_squeeze %dma_start3A_148 : memref<1x632x128xf32, #tpu.memory_space<hbm>> -> memref<632x128xf32, #tpu.memory_space<hbm>>
      %dma_start3A_150 = arith.constant 0 : i32
      %dma_start3A_151 = tpu.memref_slice %arg14[%mul3A_144, %dma_start3A_150] : memref<10112x128xf32, #tpu.memory_space<vmem_shared>> -> memref<632x128xf32, #tpu.memory_space<vmem_shared>>
      tpu.enqueue_dma source(%dma_start3A_151 : memref<632x128xf32, #tpu.memory_space<vmem_shared>>) target(%dma_start3A_149 : memref<632x128xf32, #tpu.memory_space<hbm>>) target_semaphore(%run_scoped3A : memref<!tpu.dma_semaphore, #tpu.memory_space<semaphore_mem>>)
      %dma_wait3A_152 = arith.constant 0 : i32
      %dma_wait3A_153 = tpu.memref_slice %arg4[%arg0, %mul3A_146, %dma_wait3A_152] : memref<2x10240x128xf32, #tpu.memory_space<hbm>> -> memref<1x632x128xf32, #tpu.memory_space<hbm>>
      %dma_wait3A_154 = tpu.memref_squeeze %dma_wait3A_153 : memref<1x632x128xf32, #tpu.memory_space<hbm>> -> memref<632x128xf32, #tpu.memory_space<hbm>>
      %dma_wait3A_155 = arith.constant 0 : i32
      %dma_wait3A_156 = tpu.memref_slice %arg14[%mul3A_144, %dma_wait3A_155] : memref<10112x128xf32, #tpu.memory_space<vmem_shared>> -> memref<632x128xf32, #tpu.memory_space<vmem_shared>>
      tpu.wait_dma2 semaphore(%run_scoped3A : memref<!tpu.dma_semaphore, #tpu.memory_space<semaphore_mem>>) src(%dma_wait3A_156 : memref<632x128xf32, #tpu.memory_space<vmem_shared>>) dst(%dma_wait3A_154 : memref<632x128xf32, #tpu.memory_space<hbm>>)
      tpu.yield
    }) : () -> ()
    return
  }
}

#map = affine_map<(d0, d1) -> (0, 0)>
#map1 = affine_map<(d0, d1) -> (0, 0, 0, 0)>
#map2 = affine_map<(d0, d1) -> (0, 0, 0)>
module attributes {stable_mosaic.version = 14 : i64} {
  func.func @_sc_agg(%arg0: i32, %arg1: i32, %arg2: memref<10240x128xf32, #tpu.memory_space<hbm>>, %arg3: memref<32x174x8x112xi32, #tpu.memory_space<hbm>>, %arg4: memref<2x10240x128xf32, #tpu.memory_space<hbm>>, %arg5: memref<8x112xi32, #tpu.memory_space<vmem>>, %arg6: memref<8x112xi32, #tpu.memory_space<vmem>>, %arg7: memref<8x112xi32, #tpu.memory_space<vmem>>, %arg8: memref<8x112xi32, #tpu.memory_space<vmem>>, %arg9: memref<8x112xi32, #tpu.memory_space<vmem>>, %arg10: memref<8x112xi32, #tpu.memory_space<vmem>>, %arg11: memref<112x128xf32, #tpu.memory_space<vmem>>, %arg12: memref<112x128xf32, #tpu.memory_space<vmem>>, %arg13: memref<112x128xf32, #tpu.memory_space<vmem>>, %arg14: memref<10112x128xf32, #tpu.memory_space<vmem_shared>>, %arg15: memref<!tpu.dma_semaphore, #tpu.memory_space<semaphore_mem>>, %arg16: memref<!tpu.dma_semaphore, #tpu.memory_space<semaphore_mem>>, %arg17: memref<!tpu.dma_semaphore, #tpu.memory_space<semaphore_mem>>, %arg18: memref<!tpu.dma_semaphore, #tpu.memory_space<semaphore_mem>>, %arg19: memref<!tpu.dma_semaphore, #tpu.memory_space<semaphore_mem>>, %arg20: memref<!tpu.dma_semaphore, #tpu.memory_space<semaphore_mem>>, %arg21: memref<!tpu.dma_semaphore, #tpu.memory_space<semaphore_mem>>, %arg22: memref<!tpu.dma_semaphore, #tpu.memory_space<semaphore_mem>>, %arg23: memref<!tpu.dma_semaphore, #tpu.memory_space<semaphore_mem>>, %arg24: memref<!tpu.dma_semaphore, #tpu.memory_space<semaphore_mem>>, %arg25: memref<!tpu.dma_semaphore, #tpu.memory_space<semaphore_mem>>, %arg26: memref<!tpu.dma_semaphore, #tpu.memory_space<semaphore_mem>>) attributes {dimension_semantics = [#tpu.dimension_semantics<core_parallel>, #tpu.dimension_semantics<subcore_parallel>], iteration_bounds = array<i64: 2, 16>, scalar_prefetch = 0 : i64, scratch_operands = 22 : i64, tpu.core_type = #tpu.core_type<sc_vector_subcore>, window_params = [{transform_indices = #map}, {transform_indices = #map1}, {transform_indices = #map2}]} {
    %mul3A = arith.constant 16 : i32
    %mul3A_0 = arith.muli %arg0, %mul3A : i32
    %add3A = arith.addi %mul3A_0, %arg1 : i32
    %eq3A = arith.constant 0 : i32
    %eq3A_1 = arith.cmpi eq, %arg0, %eq3A : i32
    %jit3A = arith.constant 174 : i32
    %jit3A_2 = arith.constant 6 : i32
    %select_n3A = arith.select %eq3A_1, %jit3A, %jit3A_2 : i32
    %dma_start3A = arith.constant 0 : i32
    %dma_start3A_3 = arith.constant 0 : i32
    %dma_start3A_4 = arith.constant 0 : i32
    %dma_start3A_5 = tpu.memref_slice %arg3[%add3A, %dma_start3A, %dma_start3A_3, %dma_start3A_4] : memref<32x174x8x112xi32, #tpu.memory_space<hbm>> -> memref<1x1x8x112xi32, #tpu.memory_space<hbm>>
    %dma_start3A_6 = tpu.memref_squeeze %dma_start3A_5 : memref<1x1x8x112xi32, #tpu.memory_space<hbm>> -> memref<8x112xi32, #tpu.memory_space<hbm>>
    %dma_start3A_7 = arith.constant 0 : i32
    %dma_start3A_8 = arith.constant 0 : i32
    %dma_start3A_9 = tpu.memref_slice %arg3[%add3A, %dma_start3A, %dma_start3A_7, %dma_start3A_8] : memref<32x174x8x112xi32, #tpu.memory_space<hbm>> -> memref<1x1x8x112xi32, #tpu.memory_space<hbm>>
    %dma_start3A_10 = tpu.memref_squeeze %dma_start3A_9 : memref<1x1x8x112xi32, #tpu.memory_space<hbm>> -> memref<8x112xi32, #tpu.memory_space<hbm>>
    tpu.enqueue_dma source(%dma_start3A_10 : memref<8x112xi32, #tpu.memory_space<hbm>>) target(%arg5 : memref<8x112xi32, #tpu.memory_space<vmem>>) target_semaphore(%arg15 : memref<!tpu.dma_semaphore, #tpu.memory_space<semaphore_mem>>)
    %dma_start3A_11 = arith.constant 1 : i32
    %dma_start3A_12 = arith.constant 0 : i32
    %dma_start3A_13 = arith.constant 0 : i32
    %dma_start3A_14 = tpu.memref_slice %arg3[%add3A, %dma_start3A_11, %dma_start3A_12, %dma_start3A_13] : memref<32x174x8x112xi32, #tpu.memory_space<hbm>> -> memref<1x1x8x112xi32, #tpu.memory_space<hbm>>
    %dma_start3A_15 = tpu.memref_squeeze %dma_start3A_14 : memref<1x1x8x112xi32, #tpu.memory_space<hbm>> -> memref<8x112xi32, #tpu.memory_space<hbm>>
    %dma_start3A_16 = arith.constant 0 : i32
    %dma_start3A_17 = arith.constant 0 : i32
    %dma_start3A_18 = tpu.memref_slice %arg3[%add3A, %dma_start3A_11, %dma_start3A_16, %dma_start3A_17] : memref<32x174x8x112xi32, #tpu.memory_space<hbm>> -> memref<1x1x8x112xi32, #tpu.memory_space<hbm>>
    %dma_start3A_19 = tpu.memref_squeeze %dma_start3A_18 : memref<1x1x8x112xi32, #tpu.memory_space<hbm>> -> memref<8x112xi32, #tpu.memory_space<hbm>>
    tpu.enqueue_dma source(%dma_start3A_19 : memref<8x112xi32, #tpu.memory_space<hbm>>) target(%arg6 : memref<8x112xi32, #tpu.memory_space<vmem>>) target_semaphore(%arg16 : memref<!tpu.dma_semaphore, #tpu.memory_space<semaphore_mem>>)
    %dma_start3A_20 = arith.constant 2 : i32
    %dma_start3A_21 = arith.constant 0 : i32
    %dma_start3A_22 = arith.constant 0 : i32
    %dma_start3A_23 = tpu.memref_slice %arg3[%add3A, %dma_start3A_20, %dma_start3A_21, %dma_start3A_22] : memref<32x174x8x112xi32, #tpu.memory_space<hbm>> -> memref<1x1x8x112xi32, #tpu.memory_space<hbm>>
    %dma_start3A_24 = tpu.memref_squeeze %dma_start3A_23 : memref<1x1x8x112xi32, #tpu.memory_space<hbm>> -> memref<8x112xi32, #tpu.memory_space<hbm>>
    %dma_start3A_25 = arith.constant 0 : i32
    %dma_start3A_26 = arith.constant 0 : i32
    %dma_start3A_27 = tpu.memref_slice %arg3[%add3A, %dma_start3A_20, %dma_start3A_25, %dma_start3A_26] : memref<32x174x8x112xi32, #tpu.memory_space<hbm>> -> memref<1x1x8x112xi32, #tpu.memory_space<hbm>>
    %dma_start3A_28 = tpu.memref_squeeze %dma_start3A_27 : memref<1x1x8x112xi32, #tpu.memory_space<hbm>> -> memref<8x112xi32, #tpu.memory_space<hbm>>
    tpu.enqueue_dma source(%dma_start3A_28 : memref<8x112xi32, #tpu.memory_space<hbm>>) target(%arg7 : memref<8x112xi32, #tpu.memory_space<vmem>>) target_semaphore(%arg17 : memref<!tpu.dma_semaphore, #tpu.memory_space<semaphore_mem>>)
    %dma_start3A_29 = arith.constant 3 : i32
    %dma_start3A_30 = arith.constant 0 : i32
    %dma_start3A_31 = arith.constant 0 : i32
    %dma_start3A_32 = tpu.memref_slice %arg3[%add3A, %dma_start3A_29, %dma_start3A_30, %dma_start3A_31] : memref<32x174x8x112xi32, #tpu.memory_space<hbm>> -> memref<1x1x8x112xi32, #tpu.memory_space<hbm>>
    %dma_start3A_33 = tpu.memref_squeeze %dma_start3A_32 : memref<1x1x8x112xi32, #tpu.memory_space<hbm>> -> memref<8x112xi32, #tpu.memory_space<hbm>>
    %dma_start3A_34 = arith.constant 0 : i32
    %dma_start3A_35 = arith.constant 0 : i32
    %dma_start3A_36 = tpu.memref_slice %arg3[%add3A, %dma_start3A_29, %dma_start3A_34, %dma_start3A_35] : memref<32x174x8x112xi32, #tpu.memory_space<hbm>> -> memref<1x1x8x112xi32, #tpu.memory_space<hbm>>
    %dma_start3A_37 = tpu.memref_squeeze %dma_start3A_36 : memref<1x1x8x112xi32, #tpu.memory_space<hbm>> -> memref<8x112xi32, #tpu.memory_space<hbm>>
    tpu.enqueue_dma source(%dma_start3A_37 : memref<8x112xi32, #tpu.memory_space<hbm>>) target(%arg8 : memref<8x112xi32, #tpu.memory_space<vmem>>) target_semaphore(%arg18 : memref<!tpu.dma_semaphore, #tpu.memory_space<semaphore_mem>>)
    %dma_start3A_38 = arith.constant 4 : i32
    %dma_start3A_39 = arith.constant 0 : i32
    %dma_start3A_40 = arith.constant 0 : i32
    %dma_start3A_41 = tpu.memref_slice %arg3[%add3A, %dma_start3A_38, %dma_start3A_39, %dma_start3A_40] : memref<32x174x8x112xi32, #tpu.memory_space<hbm>> -> memref<1x1x8x112xi32, #tpu.memory_space<hbm>>
    %dma_start3A_42 = tpu.memref_squeeze %dma_start3A_41 : memref<1x1x8x112xi32, #tpu.memory_space<hbm>> -> memref<8x112xi32, #tpu.memory_space<hbm>>
    %dma_start3A_43 = arith.constant 0 : i32
    %dma_start3A_44 = arith.constant 0 : i32
    %dma_start3A_45 = tpu.memref_slice %arg3[%add3A, %dma_start3A_38, %dma_start3A_43, %dma_start3A_44] : memref<32x174x8x112xi32, #tpu.memory_space<hbm>> -> memref<1x1x8x112xi32, #tpu.memory_space<hbm>>
    %dma_start3A_46 = tpu.memref_squeeze %dma_start3A_45 : memref<1x1x8x112xi32, #tpu.memory_space<hbm>> -> memref<8x112xi32, #tpu.memory_space<hbm>>
    tpu.enqueue_dma source(%dma_start3A_46 : memref<8x112xi32, #tpu.memory_space<hbm>>) target(%arg9 : memref<8x112xi32, #tpu.memory_space<vmem>>) target_semaphore(%arg19 : memref<!tpu.dma_semaphore, #tpu.memory_space<semaphore_mem>>)
    %broadcast_in_dim3A = arith.constant 0.000000e+00 : f32
    %broadcast_in_dim3A_47 = vector.broadcast %broadcast_in_dim3A : f32 to vector<16xf32>
    %scan3A = arith.constant 0 : i32
    %scan3A_48 = arith.constant 0 : i32
    %scan3A_49 = arith.constant 112 : i32
    %scan3A_50 = arith.addi %scan3A_48, %scan3A_49 : i32
    %scan3A_51 = arith.constant 1 : i32
    scf.for %scan3A_147 = %scan3A_48 to %scan3A_50 step %scan3A_51  : i32 {
      %swap3A = arith.index_cast %scan3A_147 : i32 to index
      %swap3A_148 = arith.constant 0 : index
      %swap3A_149 = tpu.vector_load %arg11[%swap3A, %swap3A_148] {strides = array<i32>} : memref<112x128xf32, #tpu.memory_space<vmem>>, vector<1x16xf32>,
      %swap3A_150 = vector.shape_cast %swap3A_149 : vector<1x16xf32> to vector<16xf32>
      %swap3A_151 = vector.shape_cast %broadcast_in_dim3A_47 : vector<16xf32> to vector<1x16xf32>
      tpu.vector_store %arg11[%swap3A, %swap3A_148], %swap3A_151 {strides = array<i32>} : memref<112x128xf32, #tpu.memory_space<vmem>>, vector<1x16xf32>,
      %swap3A_152 = arith.index_cast %scan3A_147 : i32 to index
      %swap3A_153 = arith.constant 16 : index
      %swap3A_154 = tpu.vector_load %arg11[%swap3A_152, %swap3A_153] {strides = array<i32>} : memref<112x128xf32, #tpu.memory_space<vmem>>, vector<1x16xf32>,
      %swap3A_155 = vector.shape_cast %swap3A_154 : vector<1x16xf32> to vector<16xf32>
      %swap3A_156 = vector.shape_cast %broadcast_in_dim3A_47 : vector<16xf32> to vector<1x16xf32>
      tpu.vector_store %arg11[%swap3A_152, %swap3A_153], %swap3A_156 {strides = array<i32>} : memref<112x128xf32, #tpu.memory_space<vmem>>, vector<1x16xf32>,
      %swap3A_157 = arith.index_cast %scan3A_147 : i32 to index
      %swap3A_158 = arith.constant 32 : index
      %swap3A_159 = tpu.vector_load %arg11[%swap3A_157, %swap3A_158] {strides = array<i32>} : memref<112x128xf32, #tpu.memory_space<vmem>>, vector<1x16xf32>,
      %swap3A_160 = vector.shape_cast %swap3A_159 : vector<1x16xf32> to vector<16xf32>
      %swap3A_161 = vector.shape_cast %broadcast_in_dim3A_47 : vector<16xf32> to vector<1x16xf32>
      tpu.vector_store %arg11[%swap3A_157, %swap3A_158], %swap3A_161 {strides = array<i32>} : memref<112x128xf32, #tpu.memory_space<vmem>>, vector<1x16xf32>,
      %swap3A_162 = arith.index_cast %scan3A_147 : i32 to index
      %swap3A_163 = arith.constant 48 : index
      %swap3A_164 = tpu.vector_load %arg11[%swap3A_162, %swap3A_163] {strides = array<i32>} : memref<112x128xf32, #tpu.memory_space<vmem>>, vector<1x16xf32>,
      %swap3A_165 = vector.shape_cast %swap3A_164 : vector<1x16xf32> to vector<16xf32>
      %swap3A_166 = vector.shape_cast %broadcast_in_dim3A_47 : vector<16xf32> to vector<1x16xf32>
      tpu.vector_store %arg11[%swap3A_162, %swap3A_163], %swap3A_166 {strides = array<i32>} : memref<112x128xf32, #tpu.memory_space<vmem>>, vector<1x16xf32>,
      %swap3A_167 = arith.index_cast %scan3A_147 : i32 to index
      %swap3A_168 = arith.constant 64 : index
      %swap3A_169 = tpu.vector_load %arg11[%swap3A_167, %swap3A_168] {strides = array<i32>} : memref<112x128xf32, #tpu.memory_space<vmem>>, vector<1x16xf32>,
      %swap3A_170 = vector.shape_cast %swap3A_169 : vector<1x16xf32> to vector<16xf32>
      %swap3A_171 = vector.shape_cast %broadcast_in_dim3A_47 : vector<16xf32> to vector<1x16xf32>
      tpu.vector_store %arg11[%swap3A_167, %swap3A_168], %swap3A_171 {strides = array<i32>} : memref<112x128xf32, #tpu.memory_space<vmem>>, vector<1x16xf32>,
      %swap3A_172 = arith.index_cast %scan3A_147 : i32 to index
      %swap3A_173 = arith.constant 80 : index
      %swap3A_174 = tpu.vector_load %arg11[%swap3A_172, %swap3A_173] {strides = array<i32>} : memref<112x128xf32, #tpu.memory_space<vmem>>, vector<1x16xf32>,
      %swap3A_175 = vector.shape_cast %swap3A_174 : vector<1x16xf32> to vector<16xf32>
      %swap3A_176 = vector.shape_cast %broadcast_in_dim3A_47 : vector<16xf32> to vector<1x16xf32>
      tpu.vector_store %arg11[%swap3A_172, %swap3A_173], %swap3A_176 {strides = array<i32>} : memref<112x128xf32, #tpu.memory_space<vmem>>, vector<1x16xf32>,
      %swap3A_177 = arith.index_cast %scan3A_147 : i32 to index
      %swap3A_178 = arith.constant 96 : index
      %swap3A_179 = tpu.vector_load %arg11[%swap3A_177, %swap3A_178] {strides = array<i32>} : memref<112x128xf32, #tpu.memory_space<vmem>>, vector<1x16xf32>,
      %swap3A_180 = vector.shape_cast %swap3A_179 : vector<1x16xf32> to vector<16xf32>
      %swap3A_181 = vector.shape_cast %broadcast_in_dim3A_47 : vector<16xf32> to vector<1x16xf32>
      tpu.vector_store %arg11[%swap3A_177, %swap3A_178], %swap3A_181 {strides = array<i32>} : memref<112x128xf32, #tpu.memory_space<vmem>>, vector<1x16xf32>,
      %swap3A_182 = arith.index_cast %scan3A_147 : i32 to index
      %swap3A_183 = arith.constant 112 : index
      %swap3A_184 = tpu.vector_load %arg11[%swap3A_182, %swap3A_183] {strides = array<i32>} : memref<112x128xf32, #tpu.memory_space<vmem>>, vector<1x16xf32>,
      %swap3A_185 = vector.shape_cast %swap3A_184 : vector<1x16xf32> to vector<16xf32>
      %swap3A_186 = vector.shape_cast %broadcast_in_dim3A_47 : vector<16xf32> to vector<1x16xf32>
      tpu.vector_store %arg11[%swap3A_182, %swap3A_183], %swap3A_186 {strides = array<i32>} : memref<112x128xf32, #tpu.memory_space<vmem>>, vector<1x16xf32>,
    }
    %scan3A_52 = arith.constant 112 : i32
    %mul3A_53 = arith.constant 632 : i32
    %mul3A_54 = arith.muli %arg1, %mul3A_53 : i32
    %add3A_55 = arith.constant 0 : i32
    %add3A_56 = arith.addi %mul3A_54, %add3A_55 : i32
    "tpu.region"() ({
      %run_scoped3A = tpu.sem_alloc : memref<!tpu.dma_semaphore, #tpu.memory_space<semaphore_mem>>
      %dma_start3A_147 = arith.constant 0 : i32
      %dma_start3A_148 = tpu.memref_slice %arg14[%add3A_56, %dma_start3A_147] : memref<10112x128xf32, #tpu.memory_space<vmem_shared>> -> memref<112x128xf32, #tpu.memory_space<vmem_shared>>
      %dma_start3A_149 = arith.constant 0 : i32
      %dma_start3A_150 = tpu.memref_slice %arg14[%add3A_56, %dma_start3A_149] : memref<10112x128xf32, #tpu.memory_space<vmem_shared>> -> memref<112x128xf32, #tpu.memory_space<vmem_shared>>
      tpu.enqueue_dma source(%arg11 : memref<112x128xf32, #tpu.memory_space<vmem>>) target(%dma_start3A_150 : memref<112x128xf32, #tpu.memory_space<vmem_shared>>) target_semaphore(%run_scoped3A : memref<!tpu.dma_semaphore, #tpu.memory_space<semaphore_mem>>)
      %dma_wait3A_151 = arith.constant 0 : i32
      %dma_wait3A_152 = tpu.memref_slice %arg14[%add3A_56, %dma_wait3A_151] : memref<10112x128xf32, #tpu.memory_space<vmem_shared>> -> memref<112x128xf32, #tpu.memory_space<vmem_shared>>
      %dma_wait3A_153 = arith.constant 0 : i32
      %dma_wait3A_154 = tpu.memref_slice %arg14[%add3A_56, %dma_wait3A_153] : memref<10112x128xf32, #tpu.memory_space<vmem_shared>> -> memref<112x128xf32, #tpu.memory_space<vmem_shared>>
      tpu.wait_dma2 semaphore(%run_scoped3A : memref<!tpu.dma_semaphore, #tpu.memory_space<semaphore_mem>>) src(%arg11 : memref<112x128xf32, #tpu.memory_space<vmem>>) dst(%dma_wait3A_154 : memref<112x128xf32, #tpu.memory_space<vmem_shared>>)
      tpu.yield
    }) : () -> ()
    %mul3A_57 = arith.constant 632 : i32
    %mul3A_58 = arith.muli %arg1, %mul3A_57 : i32
    %add3A_59 = arith.constant 112 : i32
    %add3A_60 = arith.addi %mul3A_58, %add3A_59 : i32
    "tpu.region"() ({
      %run_scoped3A = tpu.sem_alloc : memref<!tpu.dma_semaphore, #tpu.memory_space<semaphore_mem>>
      %dma_start3A_147 = arith.constant 0 : i32
      %dma_start3A_148 = tpu.memref_slice %arg14[%add3A_60, %dma_start3A_147] : memref<10112x128xf32, #tpu.memory_space<vmem_shared>> -> memref<112x128xf32, #tpu.memory_space<vmem_shared>>
      %dma_start3A_149 = arith.constant 0 : i32
      %dma_start3A_150 = tpu.memref_slice %arg14[%add3A_60, %dma_start3A_149] : memref<10112x128xf32, #tpu.memory_space<vmem_shared>> -> memref<112x128xf32, #tpu.memory_space<vmem_shared>>
      tpu.enqueue_dma source(%arg11 : memref<112x128xf32, #tpu.memory_space<vmem>>) target(%dma_start3A_150 : memref<112x128xf32, #tpu.memory_space<vmem_shared>>) target_semaphore(%run_scoped3A : memref<!tpu.dma_semaphore, #tpu.memory_space<semaphore_mem>>)
      %dma_wait3A_151 = arith.constant 0 : i32
      %dma_wait3A_152 = tpu.memref_slice %arg14[%add3A_60, %dma_wait3A_151] : memref<10112x128xf32, #tpu.memory_space<vmem_shared>> -> memref<112x128xf32, #tpu.memory_space<vmem_shared>>
      %dma_wait3A_153 = arith.constant 0 : i32
      %dma_wait3A_154 = tpu.memref_slice %arg14[%add3A_60, %dma_wait3A_153] : memref<10112x128xf32, #tpu.memory_space<vmem_shared>> -> memref<112x128xf32, #tpu.memory_space<vmem_shared>>
      tpu.wait_dma2 semaphore(%run_scoped3A : memref<!tpu.dma_semaphore, #tpu.memory_space<semaphore_mem>>) src(%arg11 : memref<112x128xf32, #tpu.memory_space<vmem>>) dst(%dma_wait3A_154 : memref<112x128xf32, #tpu.memory_space<vmem_shared>>)
      tpu.yield
    }) : () -> ()
    %mul3A_61 = arith.constant 632 : i32
    %mul3A_62 = arith.muli %arg1, %mul3A_61 : i32
    %add3A_63 = arith.constant 224 : i32
    %add3A_64 = arith.addi %mul3A_62, %add3A_63 : i32
    "tpu.region"() ({
      %run_scoped3A = tpu.sem_alloc : memref<!tpu.dma_semaphore, #tpu.memory_space<semaphore_mem>>
      %dma_start3A_147 = arith.constant 0 : i32
      %dma_start3A_148 = tpu.memref_slice %arg14[%add3A_64, %dma_start3A_147] : memref<10112x128xf32, #tpu.memory_space<vmem_shared>> -> memref<112x128xf32, #tpu.memory_space<vmem_shared>>
      %dma_start3A_149 = arith.constant 0 : i32
      %dma_start3A_150 = tpu.memref_slice %arg14[%add3A_64, %dma_start3A_149] : memref<10112x128xf32, #tpu.memory_space<vmem_shared>> -> memref<112x128xf32, #tpu.memory_space<vmem_shared>>
      tpu.enqueue_dma source(%arg11 : memref<112x128xf32, #tpu.memory_space<vmem>>) target(%dma_start3A_150 : memref<112x128xf32, #tpu.memory_space<vmem_shared>>) target_semaphore(%run_scoped3A : memref<!tpu.dma_semaphore, #tpu.memory_space<semaphore_mem>>)
      %dma_wait3A_151 = arith.constant 0 : i32
      %dma_wait3A_152 = tpu.memref_slice %arg14[%add3A_64, %dma_wait3A_151] : memref<10112x128xf32, #tpu.memory_space<vmem_shared>> -> memref<112x128xf32, #tpu.memory_space<vmem_shared>>
      %dma_wait3A_153 = arith.constant 0 : i32
      %dma_wait3A_154 = tpu.memref_slice %arg14[%add3A_64, %dma_wait3A_153] : memref<10112x128xf32, #tpu.memory_space<vmem_shared>> -> memref<112x128xf32, #tpu.memory_space<vmem_shared>>
      tpu.wait_dma2 semaphore(%run_scoped3A : memref<!tpu.dma_semaphore, #tpu.memory_space<semaphore_mem>>) src(%arg11 : memref<112x128xf32, #tpu.memory_space<vmem>>) dst(%dma_wait3A_154 : memref<112x128xf32, #tpu.memory_space<vmem_shared>>)
      tpu.yield
    }) : () -> ()
    %mul3A_65 = arith.constant 632 : i32
    %mul3A_66 = arith.muli %arg1, %mul3A_65 : i32
    %add3A_67 = arith.constant 336 : i32
    %add3A_68 = arith.addi %mul3A_66, %add3A_67 : i32
    "tpu.region"() ({
      %run_scoped3A = tpu.sem_alloc : memref<!tpu.dma_semaphore, #tpu.memory_space<semaphore_mem>>
      %dma_start3A_147 = arith.constant 0 : i32
      %dma_start3A_148 = tpu.memref_slice %arg14[%add3A_68, %dma_start3A_147] : memref<10112x128xf32, #tpu.memory_space<vmem_shared>> -> memref<112x128xf32, #tpu.memory_space<vmem_shared>>
      %dma_start3A_149 = arith.constant 0 : i32
      %dma_start3A_150 = tpu.memref_slice %arg14[%add3A_68, %dma_start3A_149] : memref<10112x128xf32, #tpu.memory_space<vmem_shared>> -> memref<112x128xf32, #tpu.memory_space<vmem_shared>>
      tpu.enqueue_dma source(%arg11 : memref<112x128xf32, #tpu.memory_space<vmem>>) target(%dma_start3A_150 : memref<112x128xf32, #tpu.memory_space<vmem_shared>>) target_semaphore(%run_scoped3A : memref<!tpu.dma_semaphore, #tpu.memory_space<semaphore_mem>>)
      %dma_wait3A_151 = arith.constant 0 : i32
      %dma_wait3A_152 = tpu.memref_slice %arg14[%add3A_68, %dma_wait3A_151] : memref<10112x128xf32, #tpu.memory_space<vmem_shared>> -> memref<112x128xf32, #tpu.memory_space<vmem_shared>>
      %dma_wait3A_153 = arith.constant 0 : i32
      %dma_wait3A_154 = tpu.memref_slice %arg14[%add3A_68, %dma_wait3A_153] : memref<10112x128xf32, #tpu.memory_space<vmem_shared>> -> memref<112x128xf32, #tpu.memory_space<vmem_shared>>
      tpu.wait_dma2 semaphore(%run_scoped3A : memref<!tpu.dma_semaphore, #tpu.memory_space<semaphore_mem>>) src(%arg11 : memref<112x128xf32, #tpu.memory_space<vmem>>) dst(%dma_wait3A_154 : memref<112x128xf32, #tpu.memory_space<vmem_shared>>)
      tpu.yield
    }) : () -> ()
    %mul3A_69 = arith.constant 632 : i32
    %mul3A_70 = arith.muli %arg1, %mul3A_69 : i32
    %add3A_71 = arith.constant 448 : i32
    %add3A_72 = arith.addi %mul3A_70, %add3A_71 : i32
    "tpu.region"() ({
      %run_scoped3A = tpu.sem_alloc : memref<!tpu.dma_semaphore, #tpu.memory_space<semaphore_mem>>
      %dma_start3A_147 = arith.constant 0 : i32
      %dma_start3A_148 = tpu.memref_slice %arg14[%add3A_72, %dma_start3A_147] : memref<10112x128xf32, #tpu.memory_space<vmem_shared>> -> memref<112x128xf32, #tpu.memory_space<vmem_shared>>
      %dma_start3A_149 = arith.constant 0 : i32
      %dma_start3A_150 = tpu.memref_slice %arg14[%add3A_72, %dma_start3A_149] : memref<10112x128xf32, #tpu.memory_space<vmem_shared>> -> memref<112x128xf32, #tpu.memory_space<vmem_shared>>
      tpu.enqueue_dma source(%arg11 : memref<112x128xf32, #tpu.memory_space<vmem>>) target(%dma_start3A_150 : memref<112x128xf32, #tpu.memory_space<vmem_shared>>) target_semaphore(%run_scoped3A : memref<!tpu.dma_semaphore, #tpu.memory_space<semaphore_mem>>)
      %dma_wait3A_151 = arith.constant 0 : i32
      %dma_wait3A_152 = tpu.memref_slice %arg14[%add3A_72, %dma_wait3A_151] : memref<10112x128xf32, #tpu.memory_space<vmem_shared>> -> memref<112x128xf32, #tpu.memory_space<vmem_shared>>
      %dma_wait3A_153 = arith.constant 0 : i32
      %dma_wait3A_154 = tpu.memref_slice %arg14[%add3A_72, %dma_wait3A_153] : memref<10112x128xf32, #tpu.memory_space<vmem_shared>> -> memref<112x128xf32, #tpu.memory_space<vmem_shared>>
      tpu.wait_dma2 semaphore(%run_scoped3A : memref<!tpu.dma_semaphore, #tpu.memory_space<semaphore_mem>>) src(%arg11 : memref<112x128xf32, #tpu.memory_space<vmem>>) dst(%dma_wait3A_154 : memref<112x128xf32, #tpu.memory_space<vmem_shared>>)
      tpu.yield
    }) : () -> ()
    %mul3A_73 = arith.constant 632 : i32
    %mul3A_74 = arith.muli %arg1, %mul3A_73 : i32
    %add3A_75 = arith.constant 560 : i32
    %add3A_76 = arith.addi %mul3A_74, %add3A_75 : i32
    "tpu.region"() ({
      %run_scoped3A = tpu.sem_alloc : memref<!tpu.dma_semaphore, #tpu.memory_space<semaphore_mem>>
      %dma_start3A_147 = arith.constant 0 : i32
      %dma_start3A_148 = arith.constant 0 : i32
      %dma_start3A_149 = tpu.memref_slice %arg11[%dma_start3A_147, %dma_start3A_148] : memref<112x128xf32, #tpu.memory_space<vmem>> -> memref<72x128xf32, #tpu.memory_space<vmem>>
      %dma_start3A_150 = arith.constant 0 : i32
      %dma_start3A_151 = tpu.memref_slice %arg14[%add3A_76, %dma_start3A_150] : memref<10112x128xf32, #tpu.memory_space<vmem_shared>> -> memref<72x128xf32, #tpu.memory_space<vmem_shared>>
      %dma_start3A_152 = arith.constant 0 : i32
      %dma_start3A_153 = tpu.memref_slice %arg14[%add3A_76, %dma_start3A_152] : memref<10112x128xf32, #tpu.memory_space<vmem_shared>> -> memref<72x128xf32, #tpu.memory_space<vmem_shared>>
      %dma_start3A_154 = arith.constant 0 : i32
      %dma_start3A_155 = arith.constant 0 : i32
      %dma_start3A_156 = tpu.memref_slice %arg11[%dma_start3A_154, %dma_start3A_155] : memref<112x128xf32, #tpu.memory_space<vmem>> -> memref<72x128xf32, #tpu.memory_space<vmem>>
      tpu.enqueue_dma source(%dma_start3A_156 : memref<72x128xf32, #tpu.memory_space<vmem>>) target(%dma_start3A_153 : memref<72x128xf32, #tpu.memory_space<vmem_shared>>) target_semaphore(%run_scoped3A : memref<!tpu.dma_semaphore, #tpu.memory_space<semaphore_mem>>)
      %dma_wait3A_157 = arith.constant 0 : i32
      %dma_wait3A_158 = arith.constant 0 : i32
      %dma_wait3A_159 = tpu.memref_slice %arg11[%dma_wait3A_157, %dma_wait3A_158] : memref<112x128xf32, #tpu.memory_space<vmem>> -> memref<72x128xf32, #tpu.memory_space<vmem>>
      %dma_wait3A_160 = arith.constant 0 : i32
      %dma_wait3A_161 = tpu.memref_slice %arg14[%add3A_76, %dma_wait3A_160] : memref<10112x128xf32, #tpu.memory_space<vmem_shared>> -> memref<72x128xf32, #tpu.memory_space<vmem_shared>>
      %dma_wait3A_162 = arith.constant 0 : i32
      %dma_wait3A_163 = tpu.memref_slice %arg14[%add3A_76, %dma_wait3A_162] : memref<10112x128xf32, #tpu.memory_space<vmem_shared>> -> memref<72x128xf32, #tpu.memory_space<vmem_shared>>
      %dma_wait3A_164 = arith.constant 0 : i32
      %dma_wait3A_165 = arith.constant 0 : i32
      %dma_wait3A_166 = tpu.memref_slice %arg11[%dma_wait3A_164, %dma_wait3A_165] : memref<112x128xf32, #tpu.memory_space<vmem>> -> memref<72x128xf32, #tpu.memory_space<vmem>>
      tpu.wait_dma2 semaphore(%run_scoped3A : memref<!tpu.dma_semaphore, #tpu.memory_space<semaphore_mem>>) src(%dma_wait3A_166 : memref<72x128xf32, #tpu.memory_space<vmem>>) dst(%dma_wait3A_163 : memref<72x128xf32, #tpu.memory_space<vmem_shared>>)
      tpu.yield
    }) : () -> ()
    %barrier3A = arith.constant 0 : index
    tpu.barrier barrier_id(%barrier3A)
    %dma_wait3A = arith.constant 0 : i32
    %dma_wait3A_77 = arith.constant 0 : i32
    %dma_wait3A_78 = arith.constant 0 : i32
    %dma_wait3A_79 = tpu.memref_slice %arg3[%add3A, %dma_wait3A, %dma_wait3A_77, %dma_wait3A_78] : memref<32x174x8x112xi32, #tpu.memory_space<hbm>> -> memref<1x1x8x112xi32, #tpu.memory_space<hbm>>
    %dma_wait3A_80 = tpu.memref_squeeze %dma_wait3A_79 : memref<1x1x8x112xi32, #tpu.memory_space<hbm>> -> memref<8x112xi32, #tpu.memory_space<hbm>>
    %dma_wait3A_81 = arith.constant 0 : i32
    %dma_wait3A_82 = arith.constant 0 : i32
    %dma_wait3A_83 = tpu.memref_slice %arg3[%add3A, %dma_wait3A, %dma_wait3A_81, %dma_wait3A_82] : memref<32x174x8x112xi32, #tpu.memory_space<hbm>> -> memref<1x1x8x112xi32, #tpu.memory_space<hbm>>
    %dma_wait3A_84 = tpu.memref_squeeze %dma_wait3A_83 : memref<1x1x8x112xi32, #tpu.memory_space<hbm>> -> memref<8x112xi32, #tpu.memory_space<hbm>>
    tpu.wait_dma2 semaphore(%arg15 : memref<!tpu.dma_semaphore, #tpu.memory_space<semaphore_mem>>) src(%dma_wait3A_84 : memref<8x112xi32, #tpu.memory_space<hbm>>) dst(%arg5 : memref<8x112xi32, #tpu.memory_space<vmem>>)
    %dma_start3A_85 = arith.constant 0 : i32
    %dma_start3A_86 = arith.constant 0 : i32
    %dma_start3A_87 = tpu.memref_slice %arg5[%dma_start3A_85, %dma_start3A_86] : memref<8x112xi32, #tpu.memory_space<vmem>> -> memref<1x112xi32, #tpu.memory_space<vmem>>
    %dma_start3A_88 = tpu.memref_squeeze %dma_start3A_87 : memref<1x112xi32, #tpu.memory_space<vmem>> -> memref<112xi32, #tpu.memory_space<vmem>>
    %dma_start3A_89 = arith.constant 0 : i32
    %dma_start3A_90 = arith.constant 0 : i32
    %dma_start3A_91 = tpu.memref_slice %arg2[%dma_start3A_89, %dma_start3A_90] : memref<10240x128xf32, #tpu.memory_space<hbm>> -> memref<10240x128xf32, #tpu.memory_space<hbm>>
    tpu.enqueue_indirect_dma source(%dma_start3A_91 : memref<10240x128xf32, #tpu.memory_space<hbm>>) target(%arg11 : memref<112x128xf32, #tpu.memory_space<vmem>>) offsets(%dma_start3A_88 : memref<112xi32, #tpu.memory_space<vmem>>) semaphore(%arg21 : memref<!tpu.dma_semaphore, #tpu.memory_space<semaphore_mem>>)
    %dma_wait3A_92 = arith.constant 0 : i32
    %dma_wait3A_93 = arith.constant 0 : i32
    %dma_wait3A_94 = arith.constant 0 : i32
    %dma_wait3A_95 = tpu.memref_slice %arg3[%add3A, %dma_wait3A_92, %dma_wait3A_93, %dma_wait3A_94] : memref<32x174x8x112xi32, #tpu.memory_space<hbm>> -> memref<1x1x8x112xi32, #tpu.memory_space<hbm>>
    %dma_wait3A_96 = tpu.memref_squeeze %dma_wait3A_95 : memref<1x1x8x112xi32, #tpu.memory_space<hbm>> -> memref<8x112xi32, #tpu.memory_space<hbm>>
    %dma_wait3A_97 = arith.constant 0 : i32
    %dma_wait3A_98 = arith.constant 0 : i32
    %dma_wait3A_99 = tpu.memref_slice %arg3[%add3A, %dma_wait3A_92, %dma_wait3A_97, %dma_wait3A_98] : memref<32x174x8x112xi32, #tpu.memory_space<hbm>> -> memref<1x1x8x112xi32, #tpu.memory_space<hbm>>
    %dma_wait3A_100 = tpu.memref_squeeze %dma_wait3A_99 : memref<1x1x8x112xi32, #tpu.memory_space<hbm>> -> memref<8x112xi32, #tpu.memory_space<hbm>>
    tpu.wait_dma2 semaphore(%arg16 : memref<!tpu.dma_semaphore, #tpu.memory_space<semaphore_mem>>) src(%dma_wait3A_100 : memref<8x112xi32, #tpu.memory_space<hbm>>) dst(%arg6 : memref<8x112xi32, #tpu.memory_space<vmem>>)
    %dma_start3A_101 = arith.constant 0 : i32
    %dma_start3A_102 = arith.constant 0 : i32
    %dma_start3A_103 = tpu.memref_slice %arg6[%dma_start3A_101, %dma_start3A_102] : memref<8x112xi32, #tpu.memory_space<vmem>> -> memref<1x112xi32, #tpu.memory_space<vmem>>
    %dma_start3A_104 = tpu.memref_squeeze %dma_start3A_103 : memref<1x112xi32, #tpu.memory_space<vmem>> -> memref<112xi32, #tpu.memory_space<vmem>>
    %dma_start3A_105 = arith.constant 0 : i32
    %dma_start3A_106 = arith.constant 0 : i32
    %dma_start3A_107 = tpu.memref_slice %arg2[%dma_start3A_105, %dma_start3A_106] : memref<10240x128xf32, #tpu.memory_space<hbm>> -> memref<10240x128xf32, #tpu.memory_space<hbm>>
    tpu.enqueue_indirect_dma source(%dma_start3A_107 : memref<10240x128xf32, #tpu.memory_space<hbm>>) target(%arg12 : memref<112x128xf32, #tpu.memory_space<vmem>>) offsets(%dma_start3A_104 : memref<112xi32, #tpu.memory_space<vmem>>) semaphore(%arg22 : memref<!tpu.dma_semaphore, #tpu.memory_space<semaphore_mem>>)
    %jit3A_108 = arith.constant 6 : i32
    %div3A = arith.divsi %select_n3A, %jit3A_108 : i32
    %sign3A = arith.constant 0 : i32
    %sign3A_109 = arith.cmpi sgt, %select_n3A, %sign3A : i32
    %sign3A_110 = arith.extui %sign3A_109 : i1 to i32
    %sign3A_111 = arith.constant 0 : i32
    %sign3A_112 = arith.cmpi slt, %select_n3A, %sign3A_111 : i32
    %sign3A_113 = arith.extui %sign3A_112 : i1 to i32
    %sign3A_114 = arith.subi %sign3A_110, %sign3A_113 : i32
    %sign3A_115 = arith.constant 0 : i32
    %sign3A_116 = arith.cmpi sgt, %jit3A_108, %sign3A_115 : i32
    %sign3A_117 = arith.extui %sign3A_116 : i1 to i32
    %sign3A_118 = arith.constant 0 : i32
    %sign3A_119 = arith.cmpi slt, %jit3A_108, %sign3A_118 : i32
    %sign3A_120 = arith.extui %sign3A_119 : i1 to i32
    %sign3A_121 = arith.subi %sign3A_117, %sign3A_120 : i32
    %ne3A = arith.cmpi ne, %sign3A_114, %sign3A_121 : i32
    %rem3A = arith.remsi %select_n3A, %jit3A_108 : i32
    %ne3A_122 = arith.constant 0 : i32
    %ne3A_123 = arith.cmpi ne, %rem3A, %ne3A_122 : i32
    %and3A = arith.andi %ne3A, %ne3A_123 : i1
    %sub3A = arith.constant 1 : i32
    %sub3A_124 = arith.subi %div3A, %sub3A : i32
    %select_n3A_125 = arith.select %and3A, %sub3A_124, %div3A : i32
    %while3A = arith.constant 0 : i32
    %while3A_126 = arith.constant 0 : i32
    %while3A_127 = arith.subi %select_n3A_125, %while3A_126 : i32
    %while3A_128 = arith.addi %while3A_126, %while3A_127 : i32
    %while3A_129 = arith.constant 1 : i32
    %while3A_130 = arith.divsi %while3A_127, %while3A_129 : i32
    %while3A_131 = arith.muli %while3A_130, %while3A_129 : i32
    %while3A_132 = arith.addi %while3A_126, %while3A_131 : i32
    %while3A_133 = arith.constant 1 : i32
    scf.for %while3A_147 = %while3A_126 to %while3A_132 step %while3A_133  : i32 {
      %mul3A_148 = arith.constant 6 : i32
      %mul3A_149 = arith.muli %while3A_147, %mul3A_148 : i32
      %add3A_150 = arith.constant 0 : i32
      %add3A_151 = arith.addi %mul3A_149, %add3A_150 : i32
      %dma_wait3A_152 = arith.constant 0 : i32
      %dma_wait3A_153 = arith.constant 0 : i32
      %dma_wait3A_154 = tpu.memref_slice %arg5[%dma_wait3A_152, %dma_wait3A_153] : memref<8x112xi32, #tpu.memory_space<vmem>> -> memref<1x112xi32, #tpu.memory_space<vmem>>
      %dma_wait3A_155 = tpu.memref_squeeze %dma_wait3A_154 : memref<1x112xi32, #tpu.memory_space<vmem>> -> memref<112xi32, #tpu.memory_space<vmem>>
      %dma_wait3A_156 = arith.constant 0 : i32
      %dma_wait3A_157 = arith.constant 0 : i32
      %dma_wait3A_158 = tpu.memref_slice %arg2[%dma_wait3A_156, %dma_wait3A_157] : memref<10240x128xf32, #tpu.memory_space<hbm>> -> memref<10240x128xf32, #tpu.memory_space<hbm>>
      tpu.wait_indirect_dma semaphore(%arg21 : memref<!tpu.dma_semaphore, #tpu.memory_space<semaphore_mem>>) src(%dma_wait3A_158 : memref<10240x128xf32, #tpu.memory_space<hbm>>) dst(%arg11 : memref<112x128xf32, #tpu.memory_space<vmem>>)
      %dma_start3A_159 = arith.constant 1 : i32
      %dma_start3A_160 = arith.constant 0 : i32
      %dma_start3A_161 = tpu.memref_slice %arg5[%dma_start3A_159, %dma_start3A_160] : memref<8x112xi32, #tpu.memory_space<vmem>> -> memref<1x112xi32, #tpu.memory_space<vmem>>
      %dma_start3A_162 = tpu.memref_squeeze %dma_start3A_161 : memref<1x112xi32, #tpu.memory_space<vmem>> -> memref<112xi32, #tpu.memory_space<vmem>>
      %dma_start3A_163 = arith.constant 0 : i32
      %dma_start3A_164 = arith.constant 0 : i32
      %dma_start3A_165 = tpu.memref_slice %arg14[%dma_start3A_163, %dma_start3A_164] : memref<10112x128xf32, #tpu.memory_space<vmem_shared>> -> memref<10112x128xf32, #tpu.memory_space<vmem_shared>>
      tpu.enqueue_indirect_dma source(%arg11 : memref<112x128xf32, #tpu.memory_space<vmem>>) target(%dma_start3A_165 : memref<10112x128xf32, #tpu.memory_space<vmem_shared>>) offsets(%dma_start3A_162 : memref<112xi32, #tpu.memory_space<vmem>>) semaphore(%arg24 : memref<!tpu.dma_semaphore, #tpu.memory_space<semaphore_mem>>) {add = true}
      %ge3A = arith.constant 1 : i32
      %ge3A_166 = arith.cmpi sge, %add3A_151, %ge3A : i32
      %convert_element_type3A = arith.extui %ge3A_166 : i1 to i32
      %cond3A = arith.constant 0 : i32
      %cond3A_167 = arith.cmpi ne, %convert_element_type3A, %cond3A : i32
      scf.if %cond3A_167 {
        %dma_wait3A_354 = arith.constant 1 : i32
        %dma_wait3A_355 = arith.constant 0 : i32
        %dma_wait3A_356 = tpu.memref_slice %arg10[%dma_wait3A_354, %dma_wait3A_355] : memref<8x112xi32, #tpu.memory_space<vmem>> -> memref<1x112xi32, #tpu.memory_space<vmem>>
        %dma_wait3A_357 = tpu.memref_squeeze %dma_wait3A_356 : memref<1x112xi32, #tpu.memory_space<vmem>> -> memref<112xi32, #tpu.memory_space<vmem>>
        %dma_wait3A_358 = arith.constant 0 : i32
        %dma_wait3A_359 = arith.constant 0 : i32
        %dma_wait3A_360 = tpu.memref_slice %arg14[%dma_wait3A_358, %dma_wait3A_359] : memref<10112x128xf32, #tpu.memory_space<vmem_shared>> -> memref<10112x128xf32, #tpu.memory_space<vmem_shared>>
        tpu.wait_indirect_dma semaphore(%arg26 : memref<!tpu.dma_semaphore, #tpu.memory_space<semaphore_mem>>) src(%arg13 : memref<112x128xf32, #tpu.memory_space<vmem>>) dst(%dma_wait3A_360 : memref<10112x128xf32, #tpu.memory_space<vmem_shared>>)
      } else {
      }
      %add3A_168 = arith.constant 2 : i32
      %add3A_169 = arith.addi %add3A_151, %add3A_168 : i32
      %lt3A = arith.cmpi slt, %add3A_169, %select_n3A : i32
      %convert_element_type3A_170 = arith.extui %lt3A : i1 to i32
      %cond3A_171 = arith.constant 0 : i32
      %cond3A_172 = arith.cmpi ne, %convert_element_type3A_170, %cond3A_171 : i32
      scf.if %cond3A_172 {
        %dma_wait3A_354 = arith.constant 0 : i32
        %dma_wait3A_355 = arith.constant 0 : i32
        %dma_wait3A_356 = arith.constant 0 : i32
        %dma_wait3A_357 = tpu.memref_slice %arg3[%add3A, %dma_wait3A_354, %dma_wait3A_355, %dma_wait3A_356] : memref<32x174x8x112xi32, #tpu.memory_space<hbm>> -> memref<1x1x8x112xi32, #tpu.memory_space<hbm>>
        %dma_wait3A_358 = tpu.memref_squeeze %dma_wait3A_357 : memref<1x1x8x112xi32, #tpu.memory_space<hbm>> -> memref<8x112xi32, #tpu.memory_space<hbm>>
        %dma_wait3A_359 = arith.constant 0 : i32
        %dma_wait3A_360 = arith.constant 0 : i32
        %dma_wait3A_361 = tpu.memref_slice %arg3[%add3A, %dma_wait3A_354, %dma_wait3A_359, %dma_wait3A_360] : memref<32x174x8x112xi32, #tpu.memory_space<hbm>> -> memref<1x1x8x112xi32, #tpu.memory_space<hbm>>
        %dma_wait3A_362 = tpu.memref_squeeze %dma_wait3A_361 : memref<1x1x8x112xi32, #tpu.memory_space<hbm>> -> memref<8x112xi32, #tpu.memory_space<hbm>>
        tpu.wait_dma2 semaphore(%arg17 : memref<!tpu.dma_semaphore, #tpu.memory_space<semaphore_mem>>) src(%dma_wait3A_362 : memref<8x112xi32, #tpu.memory_space<hbm>>) dst(%arg7 : memref<8x112xi32, #tpu.memory_space<vmem>>)
        %dma_start3A_363 = arith.constant 0 : i32
        %dma_start3A_364 = arith.constant 0 : i32
        %dma_start3A_365 = tpu.memref_slice %arg7[%dma_start3A_363, %dma_start3A_364] : memref<8x112xi32, #tpu.memory_space<vmem>> -> memref<1x112xi32, #tpu.memory_space<vmem>>
        %dma_start3A_366 = tpu.memref_squeeze %dma_start3A_365 : memref<1x112xi32, #tpu.memory_space<vmem>> -> memref<112xi32, #tpu.memory_space<vmem>>
        %dma_start3A_367 = arith.constant 0 : i32
        %dma_start3A_368 = arith.constant 0 : i32
        %dma_start3A_369 = tpu.memref_slice %arg2[%dma_start3A_367, %dma_start3A_368] : memref<10240x128xf32, #tpu.memory_space<hbm>> -> memref<10240x128xf32, #tpu.memory_space<hbm>>
        tpu.enqueue_indirect_dma source(%dma_start3A_369 : memref<10240x128xf32, #tpu.memory_space<hbm>>) target(%arg13 : memref<112x128xf32, #tpu.memory_space<vmem>>) offsets(%dma_start3A_366 : memref<112xi32, #tpu.memory_space<vmem>>) semaphore(%arg23 : memref<!tpu.dma_semaphore, #tpu.memory_space<semaphore_mem>>)
      } else {
      }
      %add3A_173 = arith.constant 5 : i32
      %add3A_174 = arith.addi %add3A_151, %add3A_173 : i32
      %lt3A_175 = arith.cmpi slt, %add3A_174, %select_n3A : i32
      %convert_element_type3A_176 = arith.extui %lt3A_175 : i1 to i32
      %cond3A_177 = arith.constant 0 : i32
      %cond3A_178 = arith.cmpi ne, %convert_element_type3A_176, %cond3A_177 : i32
      scf.if %cond3A_178 {
        %add3A_354 = arith.constant 5 : i32
        %add3A_355 = arith.addi %add3A_151, %add3A_354 : i32
        %dma_start3A_356 = arith.constant 0 : i32
        %dma_start3A_357 = arith.constant 0 : i32
        %dma_start3A_358 = tpu.memref_slice %arg3[%add3A, %add3A_355, %dma_start3A_356, %dma_start3A_357] : memref<32x174x8x112xi32, #tpu.memory_space<hbm>> -> memref<1x1x8x112xi32, #tpu.memory_space<hbm>>
        %dma_start3A_359 = tpu.memref_squeeze %dma_start3A_358 : memref<1x1x8x112xi32, #tpu.memory_space<hbm>> -> memref<8x112xi32, #tpu.memory_space<hbm>>
        %dma_start3A_360 = arith.constant 0 : i32
        %dma_start3A_361 = arith.constant 0 : i32
        %dma_start3A_362 = tpu.memref_slice %arg3[%add3A, %add3A_355, %dma_start3A_360, %dma_start3A_361] : memref<32x174x8x112xi32, #tpu.memory_space<hbm>> -> memref<1x1x8x112xi32, #tpu.memory_space<hbm>>
        %dma_start3A_363 = tpu.memref_squeeze %dma_start3A_362 : memref<1x1x8x112xi32, #tpu.memory_space<hbm>> -> memref<8x112xi32, #tpu.memory_space<hbm>>
        tpu.enqueue_dma source(%dma_start3A_363 : memref<8x112xi32, #tpu.memory_space<hbm>>) target(%arg10 : memref<8x112xi32, #tpu.memory_space<vmem>>) target_semaphore(%arg20 : memref<!tpu.dma_semaphore, #tpu.memory_space<semaphore_mem>>)
      } else {
      }
      %mul3A_179 = arith.constant 6 : i32
      %mul3A_180 = arith.muli %while3A_147, %mul3A_179 : i32
      %add3A_181 = arith.constant 1 : i32
      %add3A_182 = arith.addi %mul3A_180, %add3A_181 : i32
      %dma_wait3A_183 = arith.constant 0 : i32
      %dma_wait3A_184 = arith.constant 0 : i32
      %dma_wait3A_185 = tpu.memref_slice %arg6[%dma_wait3A_183, %dma_wait3A_184] : memref<8x112xi32, #tpu.memory_space<vmem>> -> memref<1x112xi32, #tpu.memory_space<vmem>>
      %dma_wait3A_186 = tpu.memref_squeeze %dma_wait3A_185 : memref<1x112xi32, #tpu.memory_space<vmem>> -> memref<112xi32, #tpu.memory_space<vmem>>
      %dma_wait3A_187 = arith.constant 0 : i32
      %dma_wait3A_188 = arith.constant 0 : i32
      %dma_wait3A_189 = tpu.memref_slice %arg2[%dma_wait3A_187, %dma_wait3A_188] : memref<10240x128xf32, #tpu.memory_space<hbm>> -> memref<10240x128xf32, #tpu.memory_space<hbm>>
      tpu.wait_indirect_dma semaphore(%arg22 : memref<!tpu.dma_semaphore, #tpu.memory_space<semaphore_mem>>) src(%dma_wait3A_189 : memref<10240x128xf32, #tpu.memory_space<hbm>>) dst(%arg12 : memref<112x128xf32, #tpu.memory_space<vmem>>)
      %dma_start3A_190 = arith.constant 1 : i32
      %dma_start3A_191 = arith.constant 0 : i32
      %dma_start3A_192 = tpu.memref_slice %arg6[%dma_start3A_190, %dma_start3A_191] : memref<8x112xi32, #tpu.memory_space<vmem>> -> memref<1x112xi32, #tpu.memory_space<vmem>>
      %dma_start3A_193 = tpu.memref_squeeze %dma_start3A_192 : memref<1x112xi32, #tpu.memory_space<vmem>> -> memref<112xi32, #tpu.memory_space<vmem>>
      %dma_start3A_194 = arith.constant 0 : i32
      %dma_start3A_195 = arith.constant 0 : i32
      %dma_start3A_196 = tpu.memref_slice %arg14[%dma_start3A_194, %dma_start3A_195] : memref<10112x128xf32, #tpu.memory_space<vmem_shared>> -> memref<10112x128xf32, #tpu.memory_space<vmem_shared>>
      tpu.enqueue_indirect_dma source(%arg12 : memref<112x128xf32, #tpu.memory_space<vmem>>) target(%dma_start3A_196 : memref<10112x128xf32, #tpu.memory_space<vmem_shared>>) offsets(%dma_start3A_193 : memref<112xi32, #tpu.memory_space<vmem>>) semaphore(%arg25 : memref<!tpu.dma_semaphore, #tpu.memory_space<semaphore_mem>>) {add = true}
      %ge3A_197 = arith.constant 1 : i32
      %ge3A_198 = arith.cmpi sge, %add3A_182, %ge3A_197 : i32
      %convert_element_type3A_199 = arith.extui %ge3A_198 : i1 to i32
      %cond3A_200 = arith.constant 0 : i32
      %cond3A_201 = arith.cmpi ne, %convert_element_type3A_199, %cond3A_200 : i32
      scf.if %cond3A_201 {
        %dma_wait3A_354 = arith.constant 1 : i32
        %dma_wait3A_355 = arith.constant 0 : i32
        %dma_wait3A_356 = tpu.memref_slice %arg5[%dma_wait3A_354, %dma_wait3A_355] : memref<8x112xi32, #tpu.memory_space<vmem>> -> memref<1x112xi32, #tpu.memory_space<vmem>>
        %dma_wait3A_357 = tpu.memref_squeeze %dma_wait3A_356 : memref<1x112xi32, #tpu.memory_space<vmem>> -> memref<112xi32, #tpu.memory_space<vmem>>
        %dma_wait3A_358 = arith.constant 0 : i32
        %dma_wait3A_359 = arith.constant 0 : i32
        %dma_wait3A_360 = tpu.memref_slice %arg14[%dma_wait3A_358, %dma_wait3A_359] : memref<10112x128xf32, #tpu.memory_space<vmem_shared>> -> memref<10112x128xf32, #tpu.memory_space<vmem_shared>>
        tpu.wait_indirect_dma semaphore(%arg24 : memref<!tpu.dma_semaphore, #tpu.memory_space<semaphore_mem>>) src(%arg11 : memref<112x128xf32, #tpu.memory_space<vmem>>) dst(%dma_wait3A_360 : memref<10112x128xf32, #tpu.memory_space<vmem_shared>>)
      } else {
      }
      %add3A_202 = arith.constant 2 : i32
      %add3A_203 = arith.addi %add3A_182, %add3A_202 : i32
      %lt3A_204 = arith.cmpi slt, %add3A_203, %select_n3A : i32
      %convert_element_type3A_205 = arith.extui %lt3A_204 : i1 to i32
      %cond3A_206 = arith.constant 0 : i32
      %cond3A_207 = arith.cmpi ne, %convert_element_type3A_205, %cond3A_206 : i32
      scf.if %cond3A_207 {
        %dma_wait3A_354 = arith.constant 0 : i32
        %dma_wait3A_355 = arith.constant 0 : i32
        %dma_wait3A_356 = arith.constant 0 : i32
        %dma_wait3A_357 = tpu.memref_slice %arg3[%add3A, %dma_wait3A_354, %dma_wait3A_355, %dma_wait3A_356] : memref<32x174x8x112xi32, #tpu.memory_space<hbm>> -> memref<1x1x8x112xi32, #tpu.memory_space<hbm>>
        %dma_wait3A_358 = tpu.memref_squeeze %dma_wait3A_357 : memref<1x1x8x112xi32, #tpu.memory_space<hbm>> -> memref<8x112xi32, #tpu.memory_space<hbm>>
        %dma_wait3A_359 = arith.constant 0 : i32
        %dma_wait3A_360 = arith.constant 0 : i32
        %dma_wait3A_361 = tpu.memref_slice %arg3[%add3A, %dma_wait3A_354, %dma_wait3A_359, %dma_wait3A_360] : memref<32x174x8x112xi32, #tpu.memory_space<hbm>> -> memref<1x1x8x112xi32, #tpu.memory_space<hbm>>
        %dma_wait3A_362 = tpu.memref_squeeze %dma_wait3A_361 : memref<1x1x8x112xi32, #tpu.memory_space<hbm>> -> memref<8x112xi32, #tpu.memory_space<hbm>>
        tpu.wait_dma2 semaphore(%arg18 : memref<!tpu.dma_semaphore, #tpu.memory_space<semaphore_mem>>) src(%dma_wait3A_362 : memref<8x112xi32, #tpu.memory_space<hbm>>) dst(%arg8 : memref<8x112xi32, #tpu.memory_space<vmem>>)
        %dma_start3A_363 = arith.constant 0 : i32
        %dma_start3A_364 = arith.constant 0 : i32
        %dma_start3A_365 = tpu.memref_slice %arg8[%dma_start3A_363, %dma_start3A_364] : memref<8x112xi32, #tpu.memory_space<vmem>> -> memref<1x112xi32, #tpu.memory_space<vmem>>
        %dma_start3A_366 = tpu.memref_squeeze %dma_start3A_365 : memref<1x112xi32, #tpu.memory_space<vmem>> -> memref<112xi32, #tpu.memory_space<vmem>>
        %dma_start3A_367 = arith.constant 0 : i32
        %dma_start3A_368 = arith.constant 0 : i32
        %dma_start3A_369 = tpu.memref_slice %arg2[%dma_start3A_367, %dma_start3A_368] : memref<10240x128xf32, #tpu.memory_space<hbm>> -> memref<10240x128xf32, #tpu.memory_space<hbm>>
        tpu.enqueue_indirect_dma source(%dma_start3A_369 : memref<10240x128xf32, #tpu.memory_space<hbm>>) target(%arg11 : memref<112x128xf32, #tpu.memory_space<vmem>>) offsets(%dma_start3A_366 : memref<112xi32, #tpu.memory_space<vmem>>) semaphore(%arg21 : memref<!tpu.dma_semaphore, #tpu.memory_space<semaphore_mem>>)
      } else {
      }
      %add3A_208 = arith.constant 5 : i32
      %add3A_209 = arith.addi %add3A_182, %add3A_208 : i32
      %lt3A_210 = arith.cmpi slt, %add3A_209, %select_n3A : i32
      %convert_element_type3A_211 = arith.extui %lt3A_210 : i1 to i32
      %cond3A_212 = arith.constant 0 : i32
      %cond3A_213 = arith.cmpi ne, %convert_element_type3A_211, %cond3A_212 : i32
      scf.if %cond3A_213 {
        %add3A_354 = arith.constant 5 : i32
        %add3A_355 = arith.addi %add3A_182, %add3A_354 : i32
        %dma_start3A_356 = arith.constant 0 : i32
        %dma_start3A_357 = arith.constant 0 : i32
        %dma_start3A_358 = tpu.memref_slice %arg3[%add3A, %add3A_355, %dma_start3A_356, %dma_start3A_357] : memref<32x174x8x112xi32, #tpu.memory_space<hbm>> -> memref<1x1x8x112xi32, #tpu.memory_space<hbm>>
        %dma_start3A_359 = tpu.memref_squeeze %dma_start3A_358 : memref<1x1x8x112xi32, #tpu.memory_space<hbm>> -> memref<8x112xi32, #tpu.memory_space<hbm>>
        %dma_start3A_360 = arith.constant 0 : i32
        %dma_start3A_361 = arith.constant 0 : i32
        %dma_start3A_362 = tpu.memref_slice %arg3[%add3A, %add3A_355, %dma_start3A_360, %dma_start3A_361] : memref<32x174x8x112xi32, #tpu.memory_space<hbm>> -> memref<1x1x8x112xi32, #tpu.memory_space<hbm>>
        %dma_start3A_363 = tpu.memref_squeeze %dma_start3A_362 : memref<1x1x8x112xi32, #tpu.memory_space<hbm>> -> memref<8x112xi32, #tpu.memory_space<hbm>>
        tpu.enqueue_dma source(%dma_start3A_363 : memref<8x112xi32, #tpu.memory_space<hbm>>) target(%arg5 : memref<8x112xi32, #tpu.memory_space<vmem>>) target_semaphore(%arg15 : memref<!tpu.dma_semaphore, #tpu.memory_space<semaphore_mem>>)
      } else {
      }
      %mul3A_214 = arith.constant 6 : i32
      %mul3A_215 = arith.muli %while3A_147, %mul3A_214 : i32
      %add3A_216 = arith.constant 2 : i32
      %add3A_217 = arith.addi %mul3A_215, %add3A_216 : i32
      %dma_wait3A_218 = arith.constant 0 : i32
      %dma_wait3A_219 = arith.constant 0 : i32
      %dma_wait3A_220 = tpu.memref_slice %arg7[%dma_wait3A_218, %dma_wait3A_219] : memref<8x112xi32, #tpu.memory_space<vmem>> -> memref<1x112xi32, #tpu.memory_space<vmem>>
      %dma_wait3A_221 = tpu.memref_squeeze %dma_wait3A_220 : memref<1x112xi32, #tpu.memory_space<vmem>> -> memref<112xi32, #tpu.memory_space<vmem>>
      %dma_wait3A_222 = arith.constant 0 : i32
      %dma_wait3A_223 = arith.constant 0 : i32
      %dma_wait3A_224 = tpu.memref_slice %arg2[%dma_wait3A_222, %dma_wait3A_223] : memref<10240x128xf32, #tpu.memory_space<hbm>> -> memref<10240x128xf32, #tpu.memory_space<hbm>>
      tpu.wait_indirect_dma semaphore(%arg23 : memref<!tpu.dma_semaphore, #tpu.memory_space<semaphore_mem>>) src(%dma_wait3A_224 : memref<10240x128xf32, #tpu.memory_space<hbm>>) dst(%arg13 : memref<112x128xf32, #tpu.memory_space<vmem>>)
      %dma_start3A_225 = arith.constant 1 : i32
      %dma_start3A_226 = arith.constant 0 : i32
      %dma_start3A_227 = tpu.memref_slice %arg7[%dma_start3A_225, %dma_start3A_226] : memref<8x112xi32, #tpu.memory_space<vmem>> -> memref<1x112xi32, #tpu.memory_space<vmem>>
      %dma_start3A_228 = tpu.memref_squeeze %dma_start3A_227 : memref<1x112xi32, #tpu.memory_space<vmem>> -> memref<112xi32, #tpu.memory_space<vmem>>
      %dma_start3A_229 = arith.constant 0 : i32
      %dma_start3A_230 = arith.constant 0 : i32
      %dma_start3A_231 = tpu.memref_slice %arg14[%dma_start3A_229, %dma_start3A_230] : memref<10112x128xf32, #tpu.memory_space<vmem_shared>> -> memref<10112x128xf32, #tpu.memory_space<vmem_shared>>
      tpu.enqueue_indirect_dma source(%arg13 : memref<112x128xf32, #tpu.memory_space<vmem>>) target(%dma_start3A_231 : memref<10112x128xf32, #tpu.memory_space<vmem_shared>>) offsets(%dma_start3A_228 : memref<112xi32, #tpu.memory_space<vmem>>) semaphore(%arg26 : memref<!tpu.dma_semaphore, #tpu.memory_space<semaphore_mem>>) {add = true}
      %ge3A_232 = arith.constant 1 : i32
      %ge3A_233 = arith.cmpi sge, %add3A_217, %ge3A_232 : i32
      %convert_element_type3A_234 = arith.extui %ge3A_233 : i1 to i32
      %cond3A_235 = arith.constant 0 : i32
      %cond3A_236 = arith.cmpi ne, %convert_element_type3A_234, %cond3A_235 : i32
      scf.if %cond3A_236 {
        %dma_wait3A_354 = arith.constant 1 : i32
        %dma_wait3A_355 = arith.constant 0 : i32
        %dma_wait3A_356 = tpu.memref_slice %arg6[%dma_wait3A_354, %dma_wait3A_355] : memref<8x112xi32, #tpu.memory_space<vmem>> -> memref<1x112xi32, #tpu.memory_space<vmem>>
        %dma_wait3A_357 = tpu.memref_squeeze %dma_wait3A_356 : memref<1x112xi32, #tpu.memory_space<vmem>> -> memref<112xi32, #tpu.memory_space<vmem>>
        %dma_wait3A_358 = arith.constant 0 : i32
        %dma_wait3A_359 = arith.constant 0 : i32
        %dma_wait3A_360 = tpu.memref_slice %arg14[%dma_wait3A_358, %dma_wait3A_359] : memref<10112x128xf32, #tpu.memory_space<vmem_shared>> -> memref<10112x128xf32, #tpu.memory_space<vmem_shared>>
        tpu.wait_indirect_dma semaphore(%arg25 : memref<!tpu.dma_semaphore, #tpu.memory_space<semaphore_mem>>) src(%arg12 : memref<112x128xf32, #tpu.memory_space<vmem>>) dst(%dma_wait3A_360 : memref<10112x128xf32, #tpu.memory_space<vmem_shared>>)
      } else {
      }
      %add3A_237 = arith.constant 2 : i32
      %add3A_238 = arith.addi %add3A_217, %add3A_237 : i32
      %lt3A_239 = arith.cmpi slt, %add3A_238, %select_n3A : i32
      %convert_element_type3A_240 = arith.extui %lt3A_239 : i1 to i32
      %cond3A_241 = arith.constant 0 : i32
      %cond3A_242 = arith.cmpi ne, %convert_element_type3A_240, %cond3A_241 : i32
      scf.if %cond3A_242 {
        %dma_wait3A_354 = arith.constant 0 : i32
        %dma_wait3A_355 = arith.constant 0 : i32
        %dma_wait3A_356 = arith.constant 0 : i32
        %dma_wait3A_357 = tpu.memref_slice %arg3[%add3A, %dma_wait3A_354, %dma_wait3A_355, %dma_wait3A_356] : memref<32x174x8x112xi32, #tpu.memory_space<hbm>> -> memref<1x1x8x112xi32, #tpu.memory_space<hbm>>
        %dma_wait3A_358 = tpu.memref_squeeze %dma_wait3A_357 : memref<1x1x8x112xi32, #tpu.memory_space<hbm>> -> memref<8x112xi32, #tpu.memory_space<hbm>>
        %dma_wait3A_359 = arith.constant 0 : i32
        %dma_wait3A_360 = arith.constant 0 : i32
        %dma_wait3A_361 = tpu.memref_slice %arg3[%add3A, %dma_wait3A_354, %dma_wait3A_359, %dma_wait3A_360] : memref<32x174x8x112xi32, #tpu.memory_space<hbm>> -> memref<1x1x8x112xi32, #tpu.memory_space<hbm>>
        %dma_wait3A_362 = tpu.memref_squeeze %dma_wait3A_361 : memref<1x1x8x112xi32, #tpu.memory_space<hbm>> -> memref<8x112xi32, #tpu.memory_space<hbm>>
        tpu.wait_dma2 semaphore(%arg19 : memref<!tpu.dma_semaphore, #tpu.memory_space<semaphore_mem>>) src(%dma_wait3A_362 : memref<8x112xi32, #tpu.memory_space<hbm>>) dst(%arg9 : memref<8x112xi32, #tpu.memory_space<vmem>>)
        %dma_start3A_363 = arith.constant 0 : i32
        %dma_start3A_364 = arith.constant 0 : i32
        %dma_start3A_365 = tpu.memref_slice %arg9[%dma_start3A_363, %dma_start3A_364] : memref<8x112xi32, #tpu.memory_space<vmem>> -> memref<1x112xi32, #tpu.memory_space<vmem>>
        %dma_start3A_366 = tpu.memref_squeeze %dma_start3A_365 : memref<1x112xi32, #tpu.memory_space<vmem>> -> memref<112xi32, #tpu.memory_space<vmem>>
        %dma_start3A_367 = arith.constant 0 : i32
        %dma_start3A_368 = arith.constant 0 : i32
        %dma_start3A_369 = tpu.memref_slice %arg2[%dma_start3A_367, %dma_start3A_368] : memref<10240x128xf32, #tpu.memory_space<hbm>> -> memref<10240x128xf32, #tpu.memory_space<hbm>>
        tpu.enqueue_indirect_dma source(%dma_start3A_369 : memref<10240x128xf32, #tpu.memory_space<hbm>>) target(%arg12 : memref<112x128xf32, #tpu.memory_space<vmem>>) offsets(%dma_start3A_366 : memref<112xi32, #tpu.memory_space<vmem>>) semaphore(%arg22 : memref<!tpu.dma_semaphore, #tpu.memory_space<semaphore_mem>>)
      } else {
      }
      %add3A_243 = arith.constant 5 : i32
      %add3A_244 = arith.addi %add3A_217, %add3A_243 : i32
      %lt3A_245 = arith.cmpi slt, %add3A_244, %select_n3A : i32
      %convert_element_type3A_246 = arith.extui %lt3A_245 : i1 to i32
      %cond3A_247 = arith.constant 0 : i32
      %cond3A_248 = arith.cmpi ne, %convert_element_type3A_246, %cond3A_247 : i32
      scf.if %cond3A_248 {
        %add3A_354 = arith.constant 5 : i32
        %add3A_355 = arith.addi %add3A_217, %add3A_354 : i32
        %dma_start3A_356 = arith.constant 0 : i32
        %dma_start3A_357 = arith.constant 0 : i32
        %dma_start3A_358 = tpu.memref_slice %arg3[%add3A, %add3A_355, %dma_start3A_356, %dma_start3A_357] : memref<32x174x8x112xi32, #tpu.memory_space<hbm>> -> memref<1x1x8x112xi32, #tpu.memory_space<hbm>>
        %dma_start3A_359 = tpu.memref_squeeze %dma_start3A_358 : memref<1x1x8x112xi32, #tpu.memory_space<hbm>> -> memref<8x112xi32, #tpu.memory_space<hbm>>
        %dma_start3A_360 = arith.constant 0 : i32
        %dma_start3A_361 = arith.constant 0 : i32
        %dma_start3A_362 = tpu.memref_slice %arg3[%add3A, %add3A_355, %dma_start3A_360, %dma_start3A_361] : memref<32x174x8x112xi32, #tpu.memory_space<hbm>> -> memref<1x1x8x112xi32, #tpu.memory_space<hbm>>
        %dma_start3A_363 = tpu.memref_squeeze %dma_start3A_362 : memref<1x1x8x112xi32, #tpu.memory_space<hbm>> -> memref<8x112xi32, #tpu.memory_space<hbm>>
        tpu.enqueue_dma source(%dma_start3A_363 : memref<8x112xi32, #tpu.memory_space<hbm>>) target(%arg6 : memref<8x112xi32, #tpu.memory_space<vmem>>) target_semaphore(%arg16 : memref<!tpu.dma_semaphore, #tpu.memory_space<semaphore_mem>>)
      } else {
      }
      %mul3A_249 = arith.constant 6 : i32
      %mul3A_250 = arith.muli %while3A_147, %mul3A_249 : i32
      %add3A_251 = arith.constant 3 : i32
      %add3A_252 = arith.addi %mul3A_250, %add3A_251 : i32
      %dma_wait3A_253 = arith.constant 0 : i32
      %dma_wait3A_254 = arith.constant 0 : i32
      %dma_wait3A_255 = tpu.memref_slice %arg8[%dma_wait3A_253, %dma_wait3A_254] : memref<8x112xi32, #tpu.memory_space<vmem>> -> memref<1x112xi32, #tpu.memory_space<vmem>>
      %dma_wait3A_256 = tpu.memref_squeeze %dma_wait3A_255 : memref<1x112xi32, #tpu.memory_space<vmem>> -> memref<112xi32, #tpu.memory_space<vmem>>
      %dma_wait3A_257 = arith.constant 0 : i32
      %dma_wait3A_258 = arith.constant 0 : i32
      %dma_wait3A_259 = tpu.memref_slice %arg2[%dma_wait3A_257, %dma_wait3A_258] : memref<10240x128xf32, #tpu.memory_space<hbm>> -> memref<10240x128xf32, #tpu.memory_space<hbm>>
      tpu.wait_indirect_dma semaphore(%arg21 : memref<!tpu.dma_semaphore, #tpu.memory_space<semaphore_mem>>) src(%dma_wait3A_259 : memref<10240x128xf32, #tpu.memory_space<hbm>>) dst(%arg11 : memref<112x128xf32, #tpu.memory_space<vmem>>)
      %dma_start3A_260 = arith.constant 1 : i32
      %dma_start3A_261 = arith.constant 0 : i32
      %dma_start3A_262 = tpu.memref_slice %arg8[%dma_start3A_260, %dma_start3A_261] : memref<8x112xi32, #tpu.memory_space<vmem>> -> memref<1x112xi32, #tpu.memory_space<vmem>>
      %dma_start3A_263 = tpu.memref_squeeze %dma_start3A_262 : memref<1x112xi32, #tpu.memory_space<vmem>> -> memref<112xi32, #tpu.memory_space<vmem>>
      %dma_start3A_264 = arith.constant 0 : i32
      %dma_start3A_265 = arith.constant 0 : i32
      %dma_start3A_266 = tpu.memref_slice %arg14[%dma_start3A_264, %dma_start3A_265] : memref<10112x128xf32, #tpu.memory_space<vmem_shared>> -> memref<10112x128xf32, #tpu.memory_space<vmem_shared>>
      tpu.enqueue_indirect_dma source(%arg11 : memref<112x128xf32, #tpu.memory_space<vmem>>) target(%dma_start3A_266 : memref<10112x128xf32, #tpu.memory_space<vmem_shared>>) offsets(%dma_start3A_263 : memref<112xi32, #tpu.memory_space<vmem>>) semaphore(%arg24 : memref<!tpu.dma_semaphore, #tpu.memory_space<semaphore_mem>>) {add = true}
      %ge3A_267 = arith.constant 1 : i32
      %ge3A_268 = arith.cmpi sge, %add3A_252, %ge3A_267 : i32
      %convert_element_type3A_269 = arith.extui %ge3A_268 : i1 to i32
      %cond3A_270 = arith.constant 0 : i32
      %cond3A_271 = arith.cmpi ne, %convert_element_type3A_269, %cond3A_270 : i32
      scf.if %cond3A_271 {
        %dma_wait3A_354 = arith.constant 1 : i32
        %dma_wait3A_355 = arith.constant 0 : i32
        %dma_wait3A_356 = tpu.memref_slice %arg7[%dma_wait3A_354, %dma_wait3A_355] : memref<8x112xi32, #tpu.memory_space<vmem>> -> memref<1x112xi32, #tpu.memory_space<vmem>>
        %dma_wait3A_357 = tpu.memref_squeeze %dma_wait3A_356 : memref<1x112xi32, #tpu.memory_space<vmem>> -> memref<112xi32, #tpu.memory_space<vmem>>
        %dma_wait3A_358 = arith.constant 0 : i32
        %dma_wait3A_359 = arith.constant 0 : i32
        %dma_wait3A_360 = tpu.memref_slice %arg14[%dma_wait3A_358, %dma_wait3A_359] : memref<10112x128xf32, #tpu.memory_space<vmem_shared>> -> memref<10112x128xf32, #tpu.memory_space<vmem_shared>>
        tpu.wait_indirect_dma semaphore(%arg26 : memref<!tpu.dma_semaphore, #tpu.memory_space<semaphore_mem>>) src(%arg13 : memref<112x128xf32, #tpu.memory_space<vmem>>) dst(%dma_wait3A_360 : memref<10112x128xf32, #tpu.memory_space<vmem_shared>>)
      } else {
      }
      %add3A_272 = arith.constant 2 : i32
      %add3A_273 = arith.addi %add3A_252, %add3A_272 : i32
      %lt3A_274 = arith.cmpi slt, %add3A_273, %select_n3A : i32
      %convert_element_type3A_275 = arith.extui %lt3A_274 : i1 to i32
      %cond3A_276 = arith.constant 0 : i32
      %cond3A_277 = arith.cmpi ne, %convert_element_type3A_275, %cond3A_276 : i32
      scf.if %cond3A_277 {
        %dma_wait3A_354 = arith.constant 0 : i32
        %dma_wait3A_355 = arith.constant 0 : i32
        %dma_wait3A_356 = arith.constant 0 : i32
        %dma_wait3A_357 = tpu.memref_slice %arg3[%add3A, %dma_wait3A_354, %dma_wait3A_355, %dma_wait3A_356] : memref<32x174x8x112xi32, #tpu.memory_space<hbm>> -> memref<1x1x8x112xi32, #tpu.memory_space<hbm>>
        %dma_wait3A_358 = tpu.memref_squeeze %dma_wait3A_357 : memref<1x1x8x112xi32, #tpu.memory_space<hbm>> -> memref<8x112xi32, #tpu.memory_space<hbm>>
        %dma_wait3A_359 = arith.constant 0 : i32
        %dma_wait3A_360 = arith.constant 0 : i32
        %dma_wait3A_361 = tpu.memref_slice %arg3[%add3A, %dma_wait3A_354, %dma_wait3A_359, %dma_wait3A_360] : memref<32x174x8x112xi32, #tpu.memory_space<hbm>> -> memref<1x1x8x112xi32, #tpu.memory_space<hbm>>
        %dma_wait3A_362 = tpu.memref_squeeze %dma_wait3A_361 : memref<1x1x8x112xi32, #tpu.memory_space<hbm>> -> memref<8x112xi32, #tpu.memory_space<hbm>>
        tpu.wait_dma2 semaphore(%arg20 : memref<!tpu.dma_semaphore, #tpu.memory_space<semaphore_mem>>) src(%dma_wait3A_362 : memref<8x112xi32, #tpu.memory_space<hbm>>) dst(%arg10 : memref<8x112xi32, #tpu.memory_space<vmem>>)
        %dma_start3A_363 = arith.constant 0 : i32
        %dma_start3A_364 = arith.constant 0 : i32
        %dma_start3A_365 = tpu.memref_slice %arg10[%dma_start3A_363, %dma_start3A_364] : memref<8x112xi32, #tpu.memory_space<vmem>> -> memref<1x112xi32, #tpu.memory_space<vmem>>
        %dma_start3A_366 = tpu.memref_squeeze %dma_start3A_365 : memref<1x112xi32, #tpu.memory_space<vmem>> -> memref<112xi32, #tpu.memory_space<vmem>>
        %dma_start3A_367 = arith.constant 0 : i32
        %dma_start3A_368 = arith.constant 0 : i32
        %dma_start3A_369 = tpu.memref_slice %arg2[%dma_start3A_367, %dma_start3A_368] : memref<10240x128xf32, #tpu.memory_space<hbm>> -> memref<10240x128xf32, #tpu.memory_space<hbm>>
        tpu.enqueue_indirect_dma source(%dma_start3A_369 : memref<10240x128xf32, #tpu.memory_space<hbm>>) target(%arg13 : memref<112x128xf32, #tpu.memory_space<vmem>>) offsets(%dma_start3A_366 : memref<112xi32, #tpu.memory_space<vmem>>) semaphore(%arg23 : memref<!tpu.dma_semaphore, #tpu.memory_space<semaphore_mem>>)
      } else {
      }
      %add3A_278 = arith.constant 5 : i32
      %add3A_279 = arith.addi %add3A_252, %add3A_278 : i32
      %lt3A_280 = arith.cmpi slt, %add3A_279, %select_n3A : i32
      %convert_element_type3A_281 = arith.extui %lt3A_280 : i1 to i32
      %cond3A_282 = arith.constant 0 : i32
      %cond3A_283 = arith.cmpi ne, %convert_element_type3A_281, %cond3A_282 : i32
      scf.if %cond3A_283 {
        %add3A_354 = arith.constant 5 : i32
        %add3A_355 = arith.addi %add3A_252, %add3A_354 : i32
        %dma_start3A_356 = arith.constant 0 : i32
        %dma_start3A_357 = arith.constant 0 : i32
        %dma_start3A_358 = tpu.memref_slice %arg3[%add3A, %add3A_355, %dma_start3A_356, %dma_start3A_357] : memref<32x174x8x112xi32, #tpu.memory_space<hbm>> -> memref<1x1x8x112xi32, #tpu.memory_space<hbm>>
        %dma_start3A_359 = tpu.memref_squeeze %dma_start3A_358 : memref<1x1x8x112xi32, #tpu.memory_space<hbm>> -> memref<8x112xi32, #tpu.memory_space<hbm>>
        %dma_start3A_360 = arith.constant 0 : i32
        %dma_start3A_361 = arith.constant 0 : i32
        %dma_start3A_362 = tpu.memref_slice %arg3[%add3A, %add3A_355, %dma_start3A_360, %dma_start3A_361] : memref<32x174x8x112xi32, #tpu.memory_space<hbm>> -> memref<1x1x8x112xi32, #tpu.memory_space<hbm>>
        %dma_start3A_363 = tpu.memref_squeeze %dma_start3A_362 : memref<1x1x8x112xi32, #tpu.memory_space<hbm>> -> memref<8x112xi32, #tpu.memory_space<hbm>>
        tpu.enqueue_dma source(%dma_start3A_363 : memref<8x112xi32, #tpu.memory_space<hbm>>) target(%arg7 : memref<8x112xi32, #tpu.memory_space<vmem>>) target_semaphore(%arg17 : memref<!tpu.dma_semaphore, #tpu.memory_space<semaphore_mem>>)
      } else {
      }
      %mul3A_284 = arith.constant 6 : i32
      %mul3A_285 = arith.muli %while3A_147, %mul3A_284 : i32
      %add3A_286 = arith.constant 4 : i32
      %add3A_287 = arith.addi %mul3A_285, %add3A_286 : i32
      %dma_wait3A_288 = arith.constant 0 : i32
      %dma_wait3A_289 = arith.constant 0 : i32
      %dma_wait3A_290 = tpu.memref_slice %arg9[%dma_wait3A_288, %dma_wait3A_289] : memref<8x112xi32, #tpu.memory_space<vmem>> -> memref<1x112xi32, #tpu.memory_space<vmem>>
      %dma_wait3A_291 = tpu.memref_squeeze %dma_wait3A_290 : memref<1x112xi32, #tpu.memory_space<vmem>> -> memref<112xi32, #tpu.memory_space<vmem>>
      %dma_wait3A_292 = arith.constant 0 : i32
      %dma_wait3A_293 = arith.constant 0 : i32
      %dma_wait3A_294 = tpu.memref_slice %arg2[%dma_wait3A_292, %dma_wait3A_293] : memref<10240x128xf32, #tpu.memory_space<hbm>> -> memref<10240x128xf32, #tpu.memory_space<hbm>>
      tpu.wait_indirect_dma semaphore(%arg22 : memref<!tpu.dma_semaphore, #tpu.memory_space<semaphore_mem>>) src(%dma_wait3A_294 : memref<10240x128xf32, #tpu.memory_space<hbm>>) dst(%arg12 : memref<112x128xf32, #tpu.memory_space<vmem>>)
      %dma_start3A_295 = arith.constant 1 : i32
      %dma_start3A_296 = arith.constant 0 : i32
      %dma_start3A_297 = tpu.memref_slice %arg9[%dma_start3A_295, %dma_start3A_296] : memref<8x112xi32, #tpu.memory_space<vmem>> -> memref<1x112xi32, #tpu.memory_space<vmem>>
      %dma_start3A_298 = tpu.memref_squeeze %dma_start3A_297 : memref<1x112xi32, #tpu.memory_space<vmem>> -> memref<112xi32, #tpu.memory_space<vmem>>
      %dma_start3A_299 = arith.constant 0 : i32
      %dma_start3A_300 = arith.constant 0 : i32
      %dma_start3A_301 = tpu.memref_slice %arg14[%dma_start3A_299, %dma_start3A_300] : memref<10112x128xf32, #tpu.memory_space<vmem_shared>> -> memref<10112x128xf32, #tpu.memory_space<vmem_shared>>
      tpu.enqueue_indirect_dma source(%arg12 : memref<112x128xf32, #tpu.memory_space<vmem>>) target(%dma_start3A_301 : memref<10112x128xf32, #tpu.memory_space<vmem_shared>>) offsets(%dma_start3A_298 : memref<112xi32, #tpu.memory_space<vmem>>) semaphore(%arg25 : memref<!tpu.dma_semaphore, #tpu.memory_space<semaphore_mem>>) {add = true}
      %ge3A_302 = arith.constant 1 : i32
      %ge3A_303 = arith.cmpi sge, %add3A_287, %ge3A_302 : i32
      %convert_element_type3A_304 = arith.extui %ge3A_303 : i1 to i32
      %cond3A_305 = arith.constant 0 : i32
      %cond3A_306 = arith.cmpi ne, %convert_element_type3A_304, %cond3A_305 : i32
      scf.if %cond3A_306 {
        %dma_wait3A_354 = arith.constant 1 : i32
        %dma_wait3A_355 = arith.constant 0 : i32
        %dma_wait3A_356 = tpu.memref_slice %arg8[%dma_wait3A_354, %dma_wait3A_355] : memref<8x112xi32, #tpu.memory_space<vmem>> -> memref<1x112xi32, #tpu.memory_space<vmem>>
        %dma_wait3A_357 = tpu.memref_squeeze %dma_wait3A_356 : memref<1x112xi32, #tpu.memory_space<vmem>> -> memref<112xi32, #tpu.memory_space<vmem>>
        %dma_wait3A_358 = arith.constant 0 : i32
        %dma_wait3A_359 = arith.constant 0 : i32
        %dma_wait3A_360 = tpu.memref_slice %arg14[%dma_wait3A_358, %dma_wait3A_359] : memref<10112x128xf32, #tpu.memory_space<vmem_shared>> -> memref<10112x128xf32, #tpu.memory_space<vmem_shared>>
        tpu.wait_indirect_dma semaphore(%arg24 : memref<!tpu.dma_semaphore, #tpu.memory_space<semaphore_mem>>) src(%arg11 : memref<112x128xf32, #tpu.memory_space<vmem>>) dst(%dma_wait3A_360 : memref<10112x128xf32, #tpu.memory_space<vmem_shared>>)
      } else {
      }
      %add3A_307 = arith.constant 2 : i32
      %add3A_308 = arith.addi %add3A_287, %add3A_307 : i32
      %lt3A_309 = arith.cmpi slt, %add3A_308, %select_n3A : i32
      %convert_element_type3A_310 = arith.extui %lt3A_309 : i1 to i32
      %cond3A_311 = arith.constant 0 : i32
      %cond3A_312 = arith.cmpi ne, %convert_element_type3A_310, %cond3A_311 : i32
      scf.if %cond3A_312 {
        %dma_wait3A_354 = arith.constant 0 : i32
        %dma_wait3A_355 = arith.constant 0 : i32
        %dma_wait3A_356 = arith.constant 0 : i32
        %dma_wait3A_357 = tpu.memref_slice %arg3[%add3A, %dma_wait3A_354, %dma_wait3A_355, %dma_wait3A_356] : memref<32x174x8x112xi32, #tpu.memory_space<hbm>> -> memref<1x1x8x112xi32, #tpu.memory_space<hbm>>
        %dma_wait3A_358 = tpu.memref_squeeze %dma_wait3A_357 : memref<1x1x8x112xi32, #tpu.memory_space<hbm>> -> memref<8x112xi32, #tpu.memory_space<hbm>>
        %dma_wait3A_359 = arith.constant 0 : i32
        %dma_wait3A_360 = arith.constant 0 : i32
        %dma_wait3A_361 = tpu.memref_slice %arg3[%add3A, %dma_wait3A_354, %dma_wait3A_359, %dma_wait3A_360] : memref<32x174x8x112xi32, #tpu.memory_space<hbm>> -> memref<1x1x8x112xi32, #tpu.memory_space<hbm>>
        %dma_wait3A_362 = tpu.memref_squeeze %dma_wait3A_361 : memref<1x1x8x112xi32, #tpu.memory_space<hbm>> -> memref<8x112xi32, #tpu.memory_space<hbm>>
        tpu.wait_dma2 semaphore(%arg15 : memref<!tpu.dma_semaphore, #tpu.memory_space<semaphore_mem>>) src(%dma_wait3A_362 : memref<8x112xi32, #tpu.memory_space<hbm>>) dst(%arg5 : memref<8x112xi32, #tpu.memory_space<vmem>>)
        %dma_start3A_363 = arith.constant 0 : i32
        %dma_start3A_364 = arith.constant 0 : i32
        %dma_start3A_365 = tpu.memref_slice %arg5[%dma_start3A_363, %dma_start3A_364] : memref<8x112xi32, #tpu.memory_space<vmem>> -> memref<1x112xi32, #tpu.memory_space<vmem>>
        %dma_start3A_366 = tpu.memref_squeeze %dma_start3A_365 : memref<1x112xi32, #tpu.memory_space<vmem>> -> memref<112xi32, #tpu.memory_space<vmem>>
        %dma_start3A_367 = arith.constant 0 : i32
        %dma_start3A_368 = arith.constant 0 : i32
        %dma_start3A_369 = tpu.memref_slice %arg2[%dma_start3A_367, %dma_start3A_368] : memref<10240x128xf32, #tpu.memory_space<hbm>> -> memref<10240x128xf32, #tpu.memory_space<hbm>>
        tpu.enqueue_indirect_dma source(%dma_start3A_369 : memref<10240x128xf32, #tpu.memory_space<hbm>>) target(%arg11 : memref<112x128xf32, #tpu.memory_space<vmem>>) offsets(%dma_start3A_366 : memref<112xi32, #tpu.memory_space<vmem>>) semaphore(%arg21 : memref<!tpu.dma_semaphore, #tpu.memory_space<semaphore_mem>>)
      } else {
      }
      %add3A_313 = arith.constant 5 : i32
      %add3A_314 = arith.addi %add3A_287, %add3A_313 : i32
      %lt3A_315 = arith.cmpi slt, %add3A_314, %select_n3A : i32
      %convert_element_type3A_316 = arith.extui %lt3A_315 : i1 to i32
      %cond3A_317 = arith.constant 0 : i32
      %cond3A_318 = arith.cmpi ne, %convert_element_type3A_316, %cond3A_317 : i32
      scf.if %cond3A_318 {
        %add3A_354 = arith.constant 5 : i32
        %add3A_355 = arith.addi %add3A_287, %add3A_354 : i32
        %dma_start3A_356 = arith.constant 0 : i32
        %dma_start3A_357 = arith.constant 0 : i32
        %dma_start3A_358 = tpu.memref_slice %arg3[%add3A, %add3A_355, %dma_start3A_356, %dma_start3A_357] : memref<32x174x8x112xi32, #tpu.memory_space<hbm>> -> memref<1x1x8x112xi32, #tpu.memory_space<hbm>>
        %dma_start3A_359 = tpu.memref_squeeze %dma_start3A_358 : memref<1x1x8x112xi32, #tpu.memory_space<hbm>> -> memref<8x112xi32, #tpu.memory_space<hbm>>
        %dma_start3A_360 = arith.constant 0 : i32
        %dma_start3A_361 = arith.constant 0 : i32
        %dma_start3A_362 = tpu.memref_slice %arg3[%add3A, %add3A_355, %dma_start3A_360, %dma_start3A_361] : memref<32x174x8x112xi32, #tpu.memory_space<hbm>> -> memref<1x1x8x112xi32, #tpu.memory_space<hbm>>
        %dma_start3A_363 = tpu.memref_squeeze %dma_start3A_362 : memref<1x1x8x112xi32, #tpu.memory_space<hbm>> -> memref<8x112xi32, #tpu.memory_space<hbm>>
        tpu.enqueue_dma source(%dma_start3A_363 : memref<8x112xi32, #tpu.memory_space<hbm>>) target(%arg8 : memref<8x112xi32, #tpu.memory_space<vmem>>) target_semaphore(%arg18 : memref<!tpu.dma_semaphore, #tpu.memory_space<semaphore_mem>>)
      } else {
      }
      %mul3A_319 = arith.constant 6 : i32
      %mul3A_320 = arith.muli %while3A_147, %mul3A_319 : i32
      %add3A_321 = arith.constant 5 : i32
      %add3A_322 = arith.addi %mul3A_320, %add3A_321 : i32
      %dma_wait3A_323 = arith.constant 0 : i32
      %dma_wait3A_324 = arith.constant 0 : i32
      %dma_wait3A_325 = tpu.memref_slice %arg10[%dma_wait3A_323, %dma_wait3A_324] : memref<8x112xi32, #tpu.memory_space<vmem>> -> memref<1x112xi32, #tpu.memory_space<vmem>>
      %dma_wait3A_326 = tpu.memref_squeeze %dma_wait3A_325 : memref<1x112xi32, #tpu.memory_space<vmem>> -> memref<112xi32, #tpu.memory_space<vmem>>
      %dma_wait3A_327 = arith.constant 0 : i32
      %dma_wait3A_328 = arith.constant 0 : i32
      %dma_wait3A_329 = tpu.memref_slice %arg2[%dma_wait3A_327, %dma_wait3A_328] : memref<10240x128xf32, #tpu.memory_space<hbm>> -> memref<10240x128xf32, #tpu.memory_space<hbm>>
      tpu.wait_indirect_dma semaphore(%arg23 : memref<!tpu.dma_semaphore, #tpu.memory_space<semaphore_mem>>) src(%dma_wait3A_329 : memref<10240x128xf32, #tpu.memory_space<hbm>>) dst(%arg13 : memref<112x128xf32, #tpu.memory_space<vmem>>)
      %dma_start3A_330 = arith.constant 1 : i32
      %dma_start3A_331 = arith.constant 0 : i32
      %dma_start3A_332 = tpu.memref_slice %arg10[%dma_start3A_330, %dma_start3A_331] : memref<8x112xi32, #tpu.memory_space<vmem>> -> memref<1x112xi32, #tpu.memory_space<vmem>>
      %dma_start3A_333 = tpu.memref_squeeze %dma_start3A_332 : memref<1x112xi32, #tpu.memory_space<vmem>> -> memref<112xi32, #tpu.memory_space<vmem>>
      %dma_start3A_334 = arith.constant 0 : i32
      %dma_start3A_335 = arith.constant 0 : i32
      %dma_start3A_336 = tpu.memref_slice %arg14[%dma_start3A_334, %dma_start3A_335] : memref<10112x128xf32, #tpu.memory_space<vmem_shared>> -> memref<10112x128xf32, #tpu.memory_space<vmem_shared>>
      tpu.enqueue_indirect_dma source(%arg13 : memref<112x128xf32, #tpu.memory_space<vmem>>) target(%dma_start3A_336 : memref<10112x128xf32, #tpu.memory_space<vmem_shared>>) offsets(%dma_start3A_333 : memref<112xi32, #tpu.memory_space<vmem>>) semaphore(%arg26 : memref<!tpu.dma_semaphore, #tpu.memory_space<semaphore_mem>>) {add = true}
      %ge3A_337 = arith.constant 1 : i32
      %ge3A_338 = arith.cmpi sge, %add3A_322, %ge3A_337 : i32
      %convert_element_type3A_339 = arith.extui %ge3A_338 : i1 to i32
      %cond3A_340 = arith.constant 0 : i32
      %cond3A_341 = arith.cmpi ne, %convert_element_type3A_339, %cond3A_340 : i32
      scf.if %cond3A_341 {
        %dma_wait3A_354 = arith.constant 1 : i32
        %dma_wait3A_355 = arith.constant 0 : i32
        %dma_wait3A_356 = tpu.memref_slice %arg9[%dma_wait3A_354, %dma_wait3A_355] : memref<8x112xi32, #tpu.memory_space<vmem>> -> memref<1x112xi32, #tpu.memory_space<vmem>>
        %dma_wait3A_357 = tpu.memref_squeeze %dma_wait3A_356 : memref<1x112xi32, #tpu.memory_space<vmem>> -> memref<112xi32, #tpu.memory_space<vmem>>
        %dma_wait3A_358 = arith.constant 0 : i32
        %dma_wait3A_359 = arith.constant 0 : i32
        %dma_wait3A_360 = tpu.memref_slice %arg14[%dma_wait3A_358, %dma_wait3A_359] : memref<10112x128xf32, #tpu.memory_space<vmem_shared>> -> memref<10112x128xf32, #tpu.memory_space<vmem_shared>>
        tpu.wait_indirect_dma semaphore(%arg25 : memref<!tpu.dma_semaphore, #tpu.memory_space<semaphore_mem>>) src(%arg12 : memref<112x128xf32, #tpu.memory_space<vmem>>) dst(%dma_wait3A_360 : memref<10112x128xf32, #tpu.memory_space<vmem_shared>>)
      } else {
      }
      %add3A_342 = arith.constant 2 : i32
      %add3A_343 = arith.addi %add3A_322, %add3A_342 : i32
      %lt3A_344 = arith.cmpi slt, %add3A_343, %select_n3A : i32
      %convert_element_type3A_345 = arith.extui %lt3A_344 : i1 to i32
      %cond3A_346 = arith.constant 0 : i32
      %cond3A_347 = arith.cmpi ne, %convert_element_type3A_345, %cond3A_346 : i32
      scf.if %cond3A_347 {
        %dma_wait3A_354 = arith.constant 0 : i32
        %dma_wait3A_355 = arith.constant 0 : i32
        %dma_wait3A_356 = arith.constant 0 : i32
        %dma_wait3A_357 = tpu.memref_slice %arg3[%add3A, %dma_wait3A_354, %dma_wait3A_355, %dma_wait3A_356] : memref<32x174x8x112xi32, #tpu.memory_space<hbm>> -> memref<1x1x8x112xi32, #tpu.memory_space<hbm>>
        %dma_wait3A_358 = tpu.memref_squeeze %dma_wait3A_357 : memref<1x1x8x112xi32, #tpu.memory_space<hbm>> -> memref<8x112xi32, #tpu.memory_space<hbm>>
        %dma_wait3A_359 = arith.constant 0 : i32
        %dma_wait3A_360 = arith.constant 0 : i32
        %dma_wait3A_361 = tpu.memref_slice %arg3[%add3A, %dma_wait3A_354, %dma_wait3A_359, %dma_wait3A_360] : memref<32x174x8x112xi32, #tpu.memory_space<hbm>> -> memref<1x1x8x112xi32, #tpu.memory_space<hbm>>
        %dma_wait3A_362 = tpu.memref_squeeze %dma_wait3A_361 : memref<1x1x8x112xi32, #tpu.memory_space<hbm>> -> memref<8x112xi32, #tpu.memory_space<hbm>>
        tpu.wait_dma2 semaphore(%arg16 : memref<!tpu.dma_semaphore, #tpu.memory_space<semaphore_mem>>) src(%dma_wait3A_362 : memref<8x112xi32, #tpu.memory_space<hbm>>) dst(%arg6 : memref<8x112xi32, #tpu.memory_space<vmem>>)
        %dma_start3A_363 = arith.constant 0 : i32
        %dma_start3A_364 = arith.constant 0 : i32
        %dma_start3A_365 = tpu.memref_slice %arg6[%dma_start3A_363, %dma_start3A_364] : memref<8x112xi32, #tpu.memory_space<vmem>> -> memref<1x112xi32, #tpu.memory_space<vmem>>
        %dma_start3A_366 = tpu.memref_squeeze %dma_start3A_365 : memref<1x112xi32, #tpu.memory_space<vmem>> -> memref<112xi32, #tpu.memory_space<vmem>>
        %dma_start3A_367 = arith.constant 0 : i32
        %dma_start3A_368 = arith.constant 0 : i32
        %dma_start3A_369 = tpu.memref_slice %arg2[%dma_start3A_367, %dma_start3A_368] : memref<10240x128xf32, #tpu.memory_space<hbm>> -> memref<10240x128xf32, #tpu.memory_space<hbm>>
        tpu.enqueue_indirect_dma source(%dma_start3A_369 : memref<10240x128xf32, #tpu.memory_space<hbm>>) target(%arg12 : memref<112x128xf32, #tpu.memory_space<vmem>>) offsets(%dma_start3A_366 : memref<112xi32, #tpu.memory_space<vmem>>) semaphore(%arg22 : memref<!tpu.dma_semaphore, #tpu.memory_space<semaphore_mem>>)
      } else {
      }
      %add3A_348 = arith.constant 5 : i32
      %add3A_349 = arith.addi %add3A_322, %add3A_348 : i32
      %lt3A_350 = arith.cmpi slt, %add3A_349, %select_n3A : i32
      %convert_element_type3A_351 = arith.extui %lt3A_350 : i1 to i32
      %cond3A_352 = arith.constant 0 : i32
      %cond3A_353 = arith.cmpi ne, %convert_element_type3A_351, %cond3A_352 : i32
      scf.if %cond3A_353 {
        %add3A_354 = arith.constant 5 : i32
        %add3A_355 = arith.addi %add3A_322, %add3A_354 : i32
        %dma_start3A_356 = arith.constant 0 : i32
        %dma_start3A_357 = arith.constant 0 : i32
        %dma_start3A_358 = tpu.memref_slice %arg3[%add3A, %add3A_355, %dma_start3A_356, %dma_start3A_357] : memref<32x174x8x112xi32, #tpu.memory_space<hbm>> -> memref<1x1x8x112xi32, #tpu.memory_space<hbm>>
        %dma_start3A_359 = tpu.memref_squeeze %dma_start3A_358 : memref<1x1x8x112xi32, #tpu.memory_space<hbm>> -> memref<8x112xi32, #tpu.memory_space<hbm>>
        %dma_start3A_360 = arith.constant 0 : i32
        %dma_start3A_361 = arith.constant 0 : i32
        %dma_start3A_362 = tpu.memref_slice %arg3[%add3A, %add3A_355, %dma_start3A_360, %dma_start3A_361] : memref<32x174x8x112xi32, #tpu.memory_space<hbm>> -> memref<1x1x8x112xi32, #tpu.memory_space<hbm>>
        %dma_start3A_363 = tpu.memref_squeeze %dma_start3A_362 : memref<1x1x8x112xi32, #tpu.memory_space<hbm>> -> memref<8x112xi32, #tpu.memory_space<hbm>>
        tpu.enqueue_dma source(%dma_start3A_363 : memref<8x112xi32, #tpu.memory_space<hbm>>) target(%arg9 : memref<8x112xi32, #tpu.memory_space<vmem>>) target_semaphore(%arg19 : memref<!tpu.dma_semaphore, #tpu.memory_space<semaphore_mem>>)
      } else {
      }
    }
    %while3A_134 = arith.constant 1 : i32
    scf.for %while3A_147 = %while3A_132 to %while3A_128 step %while3A_134  : i32 {
      %mul3A_148 = arith.constant 6 : i32
      %mul3A_149 = arith.muli %while3A_147, %mul3A_148 : i32
      %add3A_150 = arith.constant 0 : i32
      %add3A_151 = arith.addi %mul3A_149, %add3A_150 : i32
      %dma_wait3A_152 = arith.constant 0 : i32
      %dma_wait3A_153 = arith.constant 0 : i32
      %dma_wait3A_154 = tpu.memref_slice %arg5[%dma_wait3A_152, %dma_wait3A_153] : memref<8x112xi32, #tpu.memory_space<vmem>> -> memref<1x112xi32, #tpu.memory_space<vmem>>
      %dma_wait3A_155 = tpu.memref_squeeze %dma_wait3A_154 : memref<1x112xi32, #tpu.memory_space<vmem>> -> memref<112xi32, #tpu.memory_space<vmem>>
      %dma_wait3A_156 = arith.constant 0 : i32
      %dma_wait3A_157 = arith.constant 0 : i32
      %dma_wait3A_158 = tpu.memref_slice %arg2[%dma_wait3A_156, %dma_wait3A_157] : memref<10240x128xf32, #tpu.memory_space<hbm>> -> memref<10240x128xf32, #tpu.memory_space<hbm>>
      tpu.wait_indirect_dma semaphore(%arg21 : memref<!tpu.dma_semaphore, #tpu.memory_space<semaphore_mem>>) src(%dma_wait3A_158 : memref<10240x128xf32, #tpu.memory_space<hbm>>) dst(%arg11 : memref<112x128xf32, #tpu.memory_space<vmem>>)
      %dma_start3A_159 = arith.constant 1 : i32
      %dma_start3A_160 = arith.constant 0 : i32
      %dma_start3A_161 = tpu.memref_slice %arg5[%dma_start3A_159, %dma_start3A_160] : memref<8x112xi32, #tpu.memory_space<vmem>> -> memref<1x112xi32, #tpu.memory_space<vmem>>
      %dma_start3A_162 = tpu.memref_squeeze %dma_start3A_161 : memref<1x112xi32, #tpu.memory_space<vmem>> -> memref<112xi32, #tpu.memory_space<vmem>>
      %dma_start3A_163 = arith.constant 0 : i32
      %dma_start3A_164 = arith.constant 0 : i32
      %dma_start3A_165 = tpu.memref_slice %arg14[%dma_start3A_163, %dma_start3A_164] : memref<10112x128xf32, #tpu.memory_space<vmem_shared>> -> memref<10112x128xf32, #tpu.memory_space<vmem_shared>>
      tpu.enqueue_indirect_dma source(%arg11 : memref<112x128xf32, #tpu.memory_space<vmem>>) target(%dma_start3A_165 : memref<10112x128xf32, #tpu.memory_space<vmem_shared>>) offsets(%dma_start3A_162 : memref<112xi32, #tpu.memory_space<vmem>>) semaphore(%arg24 : memref<!tpu.dma_semaphore, #tpu.memory_space<semaphore_mem>>) {add = true}
      %ge3A = arith.constant 1 : i32
      %ge3A_166 = arith.cmpi sge, %add3A_151, %ge3A : i32
      %convert_element_type3A = arith.extui %ge3A_166 : i1 to i32
      %cond3A = arith.constant 0 : i32
      %cond3A_167 = arith.cmpi ne, %convert_element_type3A, %cond3A : i32
      scf.if %cond3A_167 {
        %dma_wait3A_354 = arith.constant 1 : i32
        %dma_wait3A_355 = arith.constant 0 : i32
        %dma_wait3A_356 = tpu.memref_slice %arg10[%dma_wait3A_354, %dma_wait3A_355] : memref<8x112xi32, #tpu.memory_space<vmem>> -> memref<1x112xi32, #tpu.memory_space<vmem>>
        %dma_wait3A_357 = tpu.memref_squeeze %dma_wait3A_356 : memref<1x112xi32, #tpu.memory_space<vmem>> -> memref<112xi32, #tpu.memory_space<vmem>>
        %dma_wait3A_358 = arith.constant 0 : i32
        %dma_wait3A_359 = arith.constant 0 : i32
        %dma_wait3A_360 = tpu.memref_slice %arg14[%dma_wait3A_358, %dma_wait3A_359] : memref<10112x128xf32, #tpu.memory_space<vmem_shared>> -> memref<10112x128xf32, #tpu.memory_space<vmem_shared>>
        tpu.wait_indirect_dma semaphore(%arg26 : memref<!tpu.dma_semaphore, #tpu.memory_space<semaphore_mem>>) src(%arg13 : memref<112x128xf32, #tpu.memory_space<vmem>>) dst(%dma_wait3A_360 : memref<10112x128xf32, #tpu.memory_space<vmem_shared>>)
      } else {
      }
      %add3A_168 = arith.constant 2 : i32
      %add3A_169 = arith.addi %add3A_151, %add3A_168 : i32
      %lt3A = arith.cmpi slt, %add3A_169, %select_n3A : i32
      %convert_element_type3A_170 = arith.extui %lt3A : i1 to i32
      %cond3A_171 = arith.constant 0 : i32
      %cond3A_172 = arith.cmpi ne, %convert_element_type3A_170, %cond3A_171 : i32
      scf.if %cond3A_172 {
        %dma_wait3A_354 = arith.constant 0 : i32
        %dma_wait3A_355 = arith.constant 0 : i32
        %dma_wait3A_356 = arith.constant 0 : i32
        %dma_wait3A_357 = tpu.memref_slice %arg3[%add3A, %dma_wait3A_354, %dma_wait3A_355, %dma_wait3A_356] : memref<32x174x8x112xi32, #tpu.memory_space<hbm>> -> memref<1x1x8x112xi32, #tpu.memory_space<hbm>>
        %dma_wait3A_358 = tpu.memref_squeeze %dma_wait3A_357 : memref<1x1x8x112xi32, #tpu.memory_space<hbm>> -> memref<8x112xi32, #tpu.memory_space<hbm>>
        %dma_wait3A_359 = arith.constant 0 : i32
        %dma_wait3A_360 = arith.constant 0 : i32
        %dma_wait3A_361 = tpu.memref_slice %arg3[%add3A, %dma_wait3A_354, %dma_wait3A_359, %dma_wait3A_360] : memref<32x174x8x112xi32, #tpu.memory_space<hbm>> -> memref<1x1x8x112xi32, #tpu.memory_space<hbm>>
        %dma_wait3A_362 = tpu.memref_squeeze %dma_wait3A_361 : memref<1x1x8x112xi32, #tpu.memory_space<hbm>> -> memref<8x112xi32, #tpu.memory_space<hbm>>
        tpu.wait_dma2 semaphore(%arg17 : memref<!tpu.dma_semaphore, #tpu.memory_space<semaphore_mem>>) src(%dma_wait3A_362 : memref<8x112xi32, #tpu.memory_space<hbm>>) dst(%arg7 : memref<8x112xi32, #tpu.memory_space<vmem>>)
        %dma_start3A_363 = arith.constant 0 : i32
        %dma_start3A_364 = arith.constant 0 : i32
        %dma_start3A_365 = tpu.memref_slice %arg7[%dma_start3A_363, %dma_start3A_364] : memref<8x112xi32, #tpu.memory_space<vmem>> -> memref<1x112xi32, #tpu.memory_space<vmem>>
        %dma_start3A_366 = tpu.memref_squeeze %dma_start3A_365 : memref<1x112xi32, #tpu.memory_space<vmem>> -> memref<112xi32, #tpu.memory_space<vmem>>
        %dma_start3A_367 = arith.constant 0 : i32
        %dma_start3A_368 = arith.constant 0 : i32
        %dma_start3A_369 = tpu.memref_slice %arg2[%dma_start3A_367, %dma_start3A_368] : memref<10240x128xf32, #tpu.memory_space<hbm>> -> memref<10240x128xf32, #tpu.memory_space<hbm>>
        tpu.enqueue_indirect_dma source(%dma_start3A_369 : memref<10240x128xf32, #tpu.memory_space<hbm>>) target(%arg13 : memref<112x128xf32, #tpu.memory_space<vmem>>) offsets(%dma_start3A_366 : memref<112xi32, #tpu.memory_space<vmem>>) semaphore(%arg23 : memref<!tpu.dma_semaphore, #tpu.memory_space<semaphore_mem>>)
      } else {
      }
      %add3A_173 = arith.constant 5 : i32
      %add3A_174 = arith.addi %add3A_151, %add3A_173 : i32
      %lt3A_175 = arith.cmpi slt, %add3A_174, %select_n3A : i32
      %convert_element_type3A_176 = arith.extui %lt3A_175 : i1 to i32
      %cond3A_177 = arith.constant 0 : i32
      %cond3A_178 = arith.cmpi ne, %convert_element_type3A_176, %cond3A_177 : i32
      scf.if %cond3A_178 {
        %add3A_354 = arith.constant 5 : i32
        %add3A_355 = arith.addi %add3A_151, %add3A_354 : i32
        %dma_start3A_356 = arith.constant 0 : i32
        %dma_start3A_357 = arith.constant 0 : i32
        %dma_start3A_358 = tpu.memref_slice %arg3[%add3A, %add3A_355, %dma_start3A_356, %dma_start3A_357] : memref<32x174x8x112xi32, #tpu.memory_space<hbm>> -> memref<1x1x8x112xi32, #tpu.memory_space<hbm>>
        %dma_start3A_359 = tpu.memref_squeeze %dma_start3A_358 : memref<1x1x8x112xi32, #tpu.memory_space<hbm>> -> memref<8x112xi32, #tpu.memory_space<hbm>>
        %dma_start3A_360 = arith.constant 0 : i32
        %dma_start3A_361 = arith.constant 0 : i32
        %dma_start3A_362 = tpu.memref_slice %arg3[%add3A, %add3A_355, %dma_start3A_360, %dma_start3A_361] : memref<32x174x8x112xi32, #tpu.memory_space<hbm>> -> memref<1x1x8x112xi32, #tpu.memory_space<hbm>>
        %dma_start3A_363 = tpu.memref_squeeze %dma_start3A_362 : memref<1x1x8x112xi32, #tpu.memory_space<hbm>> -> memref<8x112xi32, #tpu.memory_space<hbm>>
        tpu.enqueue_dma source(%dma_start3A_363 : memref<8x112xi32, #tpu.memory_space<hbm>>) target(%arg10 : memref<8x112xi32, #tpu.memory_space<vmem>>) target_semaphore(%arg20 : memref<!tpu.dma_semaphore, #tpu.memory_space<semaphore_mem>>)
      } else {
      }
      %mul3A_179 = arith.constant 6 : i32
      %mul3A_180 = arith.muli %while3A_147, %mul3A_179 : i32
      %add3A_181 = arith.constant 1 : i32
      %add3A_182 = arith.addi %mul3A_180, %add3A_181 : i32
      %dma_wait3A_183 = arith.constant 0 : i32
      %dma_wait3A_184 = arith.constant 0 : i32
      %dma_wait3A_185 = tpu.memref_slice %arg6[%dma_wait3A_183, %dma_wait3A_184] : memref<8x112xi32, #tpu.memory_space<vmem>> -> memref<1x112xi32, #tpu.memory_space<vmem>>
      %dma_wait3A_186 = tpu.memref_squeeze %dma_wait3A_185 : memref<1x112xi32, #tpu.memory_space<vmem>> -> memref<112xi32, #tpu.memory_space<vmem>>
      %dma_wait3A_187 = arith.constant 0 : i32
      %dma_wait3A_188 = arith.constant 0 : i32
      %dma_wait3A_189 = tpu.memref_slice %arg2[%dma_wait3A_187, %dma_wait3A_188] : memref<10240x128xf32, #tpu.memory_space<hbm>> -> memref<10240x128xf32, #tpu.memory_space<hbm>>
      tpu.wait_indirect_dma semaphore(%arg22 : memref<!tpu.dma_semaphore, #tpu.memory_space<semaphore_mem>>) src(%dma_wait3A_189 : memref<10240x128xf32, #tpu.memory_space<hbm>>) dst(%arg12 : memref<112x128xf32, #tpu.memory_space<vmem>>)
      %dma_start3A_190 = arith.constant 1 : i32
      %dma_start3A_191 = arith.constant 0 : i32
      %dma_start3A_192 = tpu.memref_slice %arg6[%dma_start3A_190, %dma_start3A_191] : memref<8x112xi32, #tpu.memory_space<vmem>> -> memref<1x112xi32, #tpu.memory_space<vmem>>
      %dma_start3A_193 = tpu.memref_squeeze %dma_start3A_192 : memref<1x112xi32, #tpu.memory_space<vmem>> -> memref<112xi32, #tpu.memory_space<vmem>>
      %dma_start3A_194 = arith.constant 0 : i32
      %dma_start3A_195 = arith.constant 0 : i32
      %dma_start3A_196 = tpu.memref_slice %arg14[%dma_start3A_194, %dma_start3A_195] : memref<10112x128xf32, #tpu.memory_space<vmem_shared>> -> memref<10112x128xf32, #tpu.memory_space<vmem_shared>>
      tpu.enqueue_indirect_dma source(%arg12 : memref<112x128xf32, #tpu.memory_space<vmem>>) target(%dma_start3A_196 : memref<10112x128xf32, #tpu.memory_space<vmem_shared>>) offsets(%dma_start3A_193 : memref<112xi32, #tpu.memory_space<vmem>>) semaphore(%arg25 : memref<!tpu.dma_semaphore, #tpu.memory_space<semaphore_mem>>) {add = true}
      %ge3A_197 = arith.constant 1 : i32
      %ge3A_198 = arith.cmpi sge, %add3A_182, %ge3A_197 : i32
      %convert_element_type3A_199 = arith.extui %ge3A_198 : i1 to i32
      %cond3A_200 = arith.constant 0 : i32
      %cond3A_201 = arith.cmpi ne, %convert_element_type3A_199, %cond3A_200 : i32
      scf.if %cond3A_201 {
        %dma_wait3A_354 = arith.constant 1 : i32
        %dma_wait3A_355 = arith.constant 0 : i32
        %dma_wait3A_356 = tpu.memref_slice %arg5[%dma_wait3A_354, %dma_wait3A_355] : memref<8x112xi32, #tpu.memory_space<vmem>> -> memref<1x112xi32, #tpu.memory_space<vmem>>
        %dma_wait3A_357 = tpu.memref_squeeze %dma_wait3A_356 : memref<1x112xi32, #tpu.memory_space<vmem>> -> memref<112xi32, #tpu.memory_space<vmem>>
        %dma_wait3A_358 = arith.constant 0 : i32
        %dma_wait3A_359 = arith.constant 0 : i32
        %dma_wait3A_360 = tpu.memref_slice %arg14[%dma_wait3A_358, %dma_wait3A_359] : memref<10112x128xf32, #tpu.memory_space<vmem_shared>> -> memref<10112x128xf32, #tpu.memory_space<vmem_shared>>
        tpu.wait_indirect_dma semaphore(%arg24 : memref<!tpu.dma_semaphore, #tpu.memory_space<semaphore_mem>>) src(%arg11 : memref<112x128xf32, #tpu.memory_space<vmem>>) dst(%dma_wait3A_360 : memref<10112x128xf32, #tpu.memory_space<vmem_shared>>)
      } else {
      }
      %add3A_202 = arith.constant 2 : i32
      %add3A_203 = arith.addi %add3A_182, %add3A_202 : i32
      %lt3A_204 = arith.cmpi slt, %add3A_203, %select_n3A : i32
      %convert_element_type3A_205 = arith.extui %lt3A_204 : i1 to i32
      %cond3A_206 = arith.constant 0 : i32
      %cond3A_207 = arith.cmpi ne, %convert_element_type3A_205, %cond3A_206 : i32
      scf.if %cond3A_207 {
        %dma_wait3A_354 = arith.constant 0 : i32
        %dma_wait3A_355 = arith.constant 0 : i32
        %dma_wait3A_356 = arith.constant 0 : i32
        %dma_wait3A_357 = tpu.memref_slice %arg3[%add3A, %dma_wait3A_354, %dma_wait3A_355, %dma_wait3A_356] : memref<32x174x8x112xi32, #tpu.memory_space<hbm>> -> memref<1x1x8x112xi32, #tpu.memory_space<hbm>>
        %dma_wait3A_358 = tpu.memref_squeeze %dma_wait3A_357 : memref<1x1x8x112xi32, #tpu.memory_space<hbm>> -> memref<8x112xi32, #tpu.memory_space<hbm>>
        %dma_wait3A_359 = arith.constant 0 : i32
        %dma_wait3A_360 = arith.constant 0 : i32
        %dma_wait3A_361 = tpu.memref_slice %arg3[%add3A, %dma_wait3A_354, %dma_wait3A_359, %dma_wait3A_360] : memref<32x174x8x112xi32, #tpu.memory_space<hbm>> -> memref<1x1x8x112xi32, #tpu.memory_space<hbm>>
        %dma_wait3A_362 = tpu.memref_squeeze %dma_wait3A_361 : memref<1x1x8x112xi32, #tpu.memory_space<hbm>> -> memref<8x112xi32, #tpu.memory_space<hbm>>
        tpu.wait_dma2 semaphore(%arg18 : memref<!tpu.dma_semaphore, #tpu.memory_space<semaphore_mem>>) src(%dma_wait3A_362 : memref<8x112xi32, #tpu.memory_space<hbm>>) dst(%arg8 : memref<8x112xi32, #tpu.memory_space<vmem>>)
        %dma_start3A_363 = arith.constant 0 : i32
        %dma_start3A_364 = arith.constant 0 : i32
        %dma_start3A_365 = tpu.memref_slice %arg8[%dma_start3A_363, %dma_start3A_364] : memref<8x112xi32, #tpu.memory_space<vmem>> -> memref<1x112xi32, #tpu.memory_space<vmem>>
        %dma_start3A_366 = tpu.memref_squeeze %dma_start3A_365 : memref<1x112xi32, #tpu.memory_space<vmem>> -> memref<112xi32, #tpu.memory_space<vmem>>
        %dma_start3A_367 = arith.constant 0 : i32
        %dma_start3A_368 = arith.constant 0 : i32
        %dma_start3A_369 = tpu.memref_slice %arg2[%dma_start3A_367, %dma_start3A_368] : memref<10240x128xf32, #tpu.memory_space<hbm>> -> memref<10240x128xf32, #tpu.memory_space<hbm>>
        tpu.enqueue_indirect_dma source(%dma_start3A_369 : memref<10240x128xf32, #tpu.memory_space<hbm>>) target(%arg11 : memref<112x128xf32, #tpu.memory_space<vmem>>) offsets(%dma_start3A_366 : memref<112xi32, #tpu.memory_space<vmem>>) semaphore(%arg21 : memref<!tpu.dma_semaphore, #tpu.memory_space<semaphore_mem>>)
      } else {
      }
      %add3A_208 = arith.constant 5 : i32
      %add3A_209 = arith.addi %add3A_182, %add3A_208 : i32
      %lt3A_210 = arith.cmpi slt, %add3A_209, %select_n3A : i32
      %convert_element_type3A_211 = arith.extui %lt3A_210 : i1 to i32
      %cond3A_212 = arith.constant 0 : i32
      %cond3A_213 = arith.cmpi ne, %convert_element_type3A_211, %cond3A_212 : i32
      scf.if %cond3A_213 {
        %add3A_354 = arith.constant 5 : i32
        %add3A_355 = arith.addi %add3A_182, %add3A_354 : i32
        %dma_start3A_356 = arith.constant 0 : i32
        %dma_start3A_357 = arith.constant 0 : i32
        %dma_start3A_358 = tpu.memref_slice %arg3[%add3A, %add3A_355, %dma_start3A_356, %dma_start3A_357] : memref<32x174x8x112xi32, #tpu.memory_space<hbm>> -> memref<1x1x8x112xi32, #tpu.memory_space<hbm>>
        %dma_start3A_359 = tpu.memref_squeeze %dma_start3A_358 : memref<1x1x8x112xi32, #tpu.memory_space<hbm>> -> memref<8x112xi32, #tpu.memory_space<hbm>>
        %dma_start3A_360 = arith.constant 0 : i32
        %dma_start3A_361 = arith.constant 0 : i32
        %dma_start3A_362 = tpu.memref_slice %arg3[%add3A, %add3A_355, %dma_start3A_360, %dma_start3A_361] : memref<32x174x8x112xi32, #tpu.memory_space<hbm>> -> memref<1x1x8x112xi32, #tpu.memory_space<hbm>>
        %dma_start3A_363 = tpu.memref_squeeze %dma_start3A_362 : memref<1x1x8x112xi32, #tpu.memory_space<hbm>> -> memref<8x112xi32, #tpu.memory_space<hbm>>
        tpu.enqueue_dma source(%dma_start3A_363 : memref<8x112xi32, #tpu.memory_space<hbm>>) target(%arg5 : memref<8x112xi32, #tpu.memory_space<vmem>>) target_semaphore(%arg15 : memref<!tpu.dma_semaphore, #tpu.memory_space<semaphore_mem>>)
      } else {
      }
      %mul3A_214 = arith.constant 6 : i32
      %mul3A_215 = arith.muli %while3A_147, %mul3A_214 : i32
      %add3A_216 = arith.constant 2 : i32
      %add3A_217 = arith.addi %mul3A_215, %add3A_216 : i32
      %dma_wait3A_218 = arith.constant 0 : i32
      %dma_wait3A_219 = arith.constant 0 : i32
      %dma_wait3A_220 = tpu.memref_slice %arg7[%dma_wait3A_218, %dma_wait3A_219] : memref<8x112xi32, #tpu.memory_space<vmem>> -> memref<1x112xi32, #tpu.memory_space<vmem>>
      %dma_wait3A_221 = tpu.memref_squeeze %dma_wait3A_220 : memref<1x112xi32, #tpu.memory_space<vmem>> -> memref<112xi32, #tpu.memory_space<vmem>>
      %dma_wait3A_222 = arith.constant 0 : i32
      %dma_wait3A_223 = arith.constant 0 : i32
      %dma_wait3A_224 = tpu.memref_slice %arg2[%dma_wait3A_222, %dma_wait3A_223] : memref<10240x128xf32, #tpu.memory_space<hbm>> -> memref<10240x128xf32, #tpu.memory_space<hbm>>
      tpu.wait_indirect_dma semaphore(%arg23 : memref<!tpu.dma_semaphore, #tpu.memory_space<semaphore_mem>>) src(%dma_wait3A_224 : memref<10240x128xf32, #tpu.memory_space<hbm>>) dst(%arg13 : memref<112x128xf32, #tpu.memory_space<vmem>>)
      %dma_start3A_225 = arith.constant 1 : i32
      %dma_start3A_226 = arith.constant 0 : i32
      %dma_start3A_227 = tpu.memref_slice %arg7[%dma_start3A_225, %dma_start3A_226] : memref<8x112xi32, #tpu.memory_space<vmem>> -> memref<1x112xi32, #tpu.memory_space<vmem>>
      %dma_start3A_228 = tpu.memref_squeeze %dma_start3A_227 : memref<1x112xi32, #tpu.memory_space<vmem>> -> memref<112xi32, #tpu.memory_space<vmem>>
      %dma_start3A_229 = arith.constant 0 : i32
      %dma_start3A_230 = arith.constant 0 : i32
      %dma_start3A_231 = tpu.memref_slice %arg14[%dma_start3A_229, %dma_start3A_230] : memref<10112x128xf32, #tpu.memory_space<vmem_shared>> -> memref<10112x128xf32, #tpu.memory_space<vmem_shared>>
      tpu.enqueue_indirect_dma source(%arg13 : memref<112x128xf32, #tpu.memory_space<vmem>>) target(%dma_start3A_231 : memref<10112x128xf32, #tpu.memory_space<vmem_shared>>) offsets(%dma_start3A_228 : memref<112xi32, #tpu.memory_space<vmem>>) semaphore(%arg26 : memref<!tpu.dma_semaphore, #tpu.memory_space<semaphore_mem>>) {add = true}
      %ge3A_232 = arith.constant 1 : i32
      %ge3A_233 = arith.cmpi sge, %add3A_217, %ge3A_232 : i32
      %convert_element_type3A_234 = arith.extui %ge3A_233 : i1 to i32
      %cond3A_235 = arith.constant 0 : i32
      %cond3A_236 = arith.cmpi ne, %convert_element_type3A_234, %cond3A_235 : i32
      scf.if %cond3A_236 {
        %dma_wait3A_354 = arith.constant 1 : i32
        %dma_wait3A_355 = arith.constant 0 : i32
        %dma_wait3A_356 = tpu.memref_slice %arg6[%dma_wait3A_354, %dma_wait3A_355] : memref<8x112xi32, #tpu.memory_space<vmem>> -> memref<1x112xi32, #tpu.memory_space<vmem>>
        %dma_wait3A_357 = tpu.memref_squeeze %dma_wait3A_356 : memref<1x112xi32, #tpu.memory_space<vmem>> -> memref<112xi32, #tpu.memory_space<vmem>>
        %dma_wait3A_358 = arith.constant 0 : i32
        %dma_wait3A_359 = arith.constant 0 : i32
        %dma_wait3A_360 = tpu.memref_slice %arg14[%dma_wait3A_358, %dma_wait3A_359] : memref<10112x128xf32, #tpu.memory_space<vmem_shared>> -> memref<10112x128xf32, #tpu.memory_space<vmem_shared>>
        tpu.wait_indirect_dma semaphore(%arg25 : memref<!tpu.dma_semaphore, #tpu.memory_space<semaphore_mem>>) src(%arg12 : memref<112x128xf32, #tpu.memory_space<vmem>>) dst(%dma_wait3A_360 : memref<10112x128xf32, #tpu.memory_space<vmem_shared>>)
      } else {
      }
      %add3A_237 = arith.constant 2 : i32
      %add3A_238 = arith.addi %add3A_217, %add3A_237 : i32
      %lt3A_239 = arith.cmpi slt, %add3A_238, %select_n3A : i32
      %convert_element_type3A_240 = arith.extui %lt3A_239 : i1 to i32
      %cond3A_241 = arith.constant 0 : i32
      %cond3A_242 = arith.cmpi ne, %convert_element_type3A_240, %cond3A_241 : i32
      scf.if %cond3A_242 {
        %dma_wait3A_354 = arith.constant 0 : i32
        %dma_wait3A_355 = arith.constant 0 : i32
        %dma_wait3A_356 = arith.constant 0 : i32
        %dma_wait3A_357 = tpu.memref_slice %arg3[%add3A, %dma_wait3A_354, %dma_wait3A_355, %dma_wait3A_356] : memref<32x174x8x112xi32, #tpu.memory_space<hbm>> -> memref<1x1x8x112xi32, #tpu.memory_space<hbm>>
        %dma_wait3A_358 = tpu.memref_squeeze %dma_wait3A_357 : memref<1x1x8x112xi32, #tpu.memory_space<hbm>> -> memref<8x112xi32, #tpu.memory_space<hbm>>
        %dma_wait3A_359 = arith.constant 0 : i32
        %dma_wait3A_360 = arith.constant 0 : i32
        %dma_wait3A_361 = tpu.memref_slice %arg3[%add3A, %dma_wait3A_354, %dma_wait3A_359, %dma_wait3A_360] : memref<32x174x8x112xi32, #tpu.memory_space<hbm>> -> memref<1x1x8x112xi32, #tpu.memory_space<hbm>>
        %dma_wait3A_362 = tpu.memref_squeeze %dma_wait3A_361 : memref<1x1x8x112xi32, #tpu.memory_space<hbm>> -> memref<8x112xi32, #tpu.memory_space<hbm>>
        tpu.wait_dma2 semaphore(%arg19 : memref<!tpu.dma_semaphore, #tpu.memory_space<semaphore_mem>>) src(%dma_wait3A_362 : memref<8x112xi32, #tpu.memory_space<hbm>>) dst(%arg9 : memref<8x112xi32, #tpu.memory_space<vmem>>)
        %dma_start3A_363 = arith.constant 0 : i32
        %dma_start3A_364 = arith.constant 0 : i32
        %dma_start3A_365 = tpu.memref_slice %arg9[%dma_start3A_363, %dma_start3A_364] : memref<8x112xi32, #tpu.memory_space<vmem>> -> memref<1x112xi32, #tpu.memory_space<vmem>>
        %dma_start3A_366 = tpu.memref_squeeze %dma_start3A_365 : memref<1x112xi32, #tpu.memory_space<vmem>> -> memref<112xi32, #tpu.memory_space<vmem>>
        %dma_start3A_367 = arith.constant 0 : i32
        %dma_start3A_368 = arith.constant 0 : i32
        %dma_start3A_369 = tpu.memref_slice %arg2[%dma_start3A_367, %dma_start3A_368] : memref<10240x128xf32, #tpu.memory_space<hbm>> -> memref<10240x128xf32, #tpu.memory_space<hbm>>
        tpu.enqueue_indirect_dma source(%dma_start3A_369 : memref<10240x128xf32, #tpu.memory_space<hbm>>) target(%arg12 : memref<112x128xf32, #tpu.memory_space<vmem>>) offsets(%dma_start3A_366 : memref<112xi32, #tpu.memory_space<vmem>>) semaphore(%arg22 : memref<!tpu.dma_semaphore, #tpu.memory_space<semaphore_mem>>)
      } else {
      }
      %add3A_243 = arith.constant 5 : i32
      %add3A_244 = arith.addi %add3A_217, %add3A_243 : i32
      %lt3A_245 = arith.cmpi slt, %add3A_244, %select_n3A : i32
      %convert_element_type3A_246 = arith.extui %lt3A_245 : i1 to i32
      %cond3A_247 = arith.constant 0 : i32
      %cond3A_248 = arith.cmpi ne, %convert_element_type3A_246, %cond3A_247 : i32
      scf.if %cond3A_248 {
        %add3A_354 = arith.constant 5 : i32
        %add3A_355 = arith.addi %add3A_217, %add3A_354 : i32
        %dma_start3A_356 = arith.constant 0 : i32
        %dma_start3A_357 = arith.constant 0 : i32
        %dma_start3A_358 = tpu.memref_slice %arg3[%add3A, %add3A_355, %dma_start3A_356, %dma_start3A_357] : memref<32x174x8x112xi32, #tpu.memory_space<hbm>> -> memref<1x1x8x112xi32, #tpu.memory_space<hbm>>
        %dma_start3A_359 = tpu.memref_squeeze %dma_start3A_358 : memref<1x1x8x112xi32, #tpu.memory_space<hbm>> -> memref<8x112xi32, #tpu.memory_space<hbm>>
        %dma_start3A_360 = arith.constant 0 : i32
        %dma_start3A_361 = arith.constant 0 : i32
        %dma_start3A_362 = tpu.memref_slice %arg3[%add3A, %add3A_355, %dma_start3A_360, %dma_start3A_361] : memref<32x174x8x112xi32, #tpu.memory_space<hbm>> -> memref<1x1x8x112xi32, #tpu.memory_space<hbm>>
        %dma_start3A_363 = tpu.memref_squeeze %dma_start3A_362 : memref<1x1x8x112xi32, #tpu.memory_space<hbm>> -> memref<8x112xi32, #tpu.memory_space<hbm>>
        tpu.enqueue_dma source(%dma_start3A_363 : memref<8x112xi32, #tpu.memory_space<hbm>>) target(%arg6 : memref<8x112xi32, #tpu.memory_space<vmem>>) target_semaphore(%arg16 : memref<!tpu.dma_semaphore, #tpu.memory_space<semaphore_mem>>)
      } else {
      }
      %mul3A_249 = arith.constant 6 : i32
      %mul3A_250 = arith.muli %while3A_147, %mul3A_249 : i32
      %add3A_251 = arith.constant 3 : i32
      %add3A_252 = arith.addi %mul3A_250, %add3A_251 : i32
      %dma_wait3A_253 = arith.constant 0 : i32
      %dma_wait3A_254 = arith.constant 0 : i32
      %dma_wait3A_255 = tpu.memref_slice %arg8[%dma_wait3A_253, %dma_wait3A_254] : memref<8x112xi32, #tpu.memory_space<vmem>> -> memref<1x112xi32, #tpu.memory_space<vmem>>
      %dma_wait3A_256 = tpu.memref_squeeze %dma_wait3A_255 : memref<1x112xi32, #tpu.memory_space<vmem>> -> memref<112xi32, #tpu.memory_space<vmem>>
      %dma_wait3A_257 = arith.constant 0 : i32
      %dma_wait3A_258 = arith.constant 0 : i32
      %dma_wait3A_259 = tpu.memref_slice %arg2[%dma_wait3A_257, %dma_wait3A_258] : memref<10240x128xf32, #tpu.memory_space<hbm>> -> memref<10240x128xf32, #tpu.memory_space<hbm>>
      tpu.wait_indirect_dma semaphore(%arg21 : memref<!tpu.dma_semaphore, #tpu.memory_space<semaphore_mem>>) src(%dma_wait3A_259 : memref<10240x128xf32, #tpu.memory_space<hbm>>) dst(%arg11 : memref<112x128xf32, #tpu.memory_space<vmem>>)
      %dma_start3A_260 = arith.constant 1 : i32
      %dma_start3A_261 = arith.constant 0 : i32
      %dma_start3A_262 = tpu.memref_slice %arg8[%dma_start3A_260, %dma_start3A_261] : memref<8x112xi32, #tpu.memory_space<vmem>> -> memref<1x112xi32, #tpu.memory_space<vmem>>
      %dma_start3A_263 = tpu.memref_squeeze %dma_start3A_262 : memref<1x112xi32, #tpu.memory_space<vmem>> -> memref<112xi32, #tpu.memory_space<vmem>>
      %dma_start3A_264 = arith.constant 0 : i32
      %dma_start3A_265 = arith.constant 0 : i32
      %dma_start3A_266 = tpu.memref_slice %arg14[%dma_start3A_264, %dma_start3A_265] : memref<10112x128xf32, #tpu.memory_space<vmem_shared>> -> memref<10112x128xf32, #tpu.memory_space<vmem_shared>>
      tpu.enqueue_indirect_dma source(%arg11 : memref<112x128xf32, #tpu.memory_space<vmem>>) target(%dma_start3A_266 : memref<10112x128xf32, #tpu.memory_space<vmem_shared>>) offsets(%dma_start3A_263 : memref<112xi32, #tpu.memory_space<vmem>>) semaphore(%arg24 : memref<!tpu.dma_semaphore, #tpu.memory_space<semaphore_mem>>) {add = true}
      %ge3A_267 = arith.constant 1 : i32
      %ge3A_268 = arith.cmpi sge, %add3A_252, %ge3A_267 : i32
      %convert_element_type3A_269 = arith.extui %ge3A_268 : i1 to i32
      %cond3A_270 = arith.constant 0 : i32
      %cond3A_271 = arith.cmpi ne, %convert_element_type3A_269, %cond3A_270 : i32
      scf.if %cond3A_271 {
        %dma_wait3A_354 = arith.constant 1 : i32
        %dma_wait3A_355 = arith.constant 0 : i32
        %dma_wait3A_356 = tpu.memref_slice %arg7[%dma_wait3A_354, %dma_wait3A_355] : memref<8x112xi32, #tpu.memory_space<vmem>> -> memref<1x112xi32, #tpu.memory_space<vmem>>
        %dma_wait3A_357 = tpu.memref_squeeze %dma_wait3A_356 : memref<1x112xi32, #tpu.memory_space<vmem>> -> memref<112xi32, #tpu.memory_space<vmem>>
        %dma_wait3A_358 = arith.constant 0 : i32
        %dma_wait3A_359 = arith.constant 0 : i32
        %dma_wait3A_360 = tpu.memref_slice %arg14[%dma_wait3A_358, %dma_wait3A_359] : memref<10112x128xf32, #tpu.memory_space<vmem_shared>> -> memref<10112x128xf32, #tpu.memory_space<vmem_shared>>
        tpu.wait_indirect_dma semaphore(%arg26 : memref<!tpu.dma_semaphore, #tpu.memory_space<semaphore_mem>>) src(%arg13 : memref<112x128xf32, #tpu.memory_space<vmem>>) dst(%dma_wait3A_360 : memref<10112x128xf32, #tpu.memory_space<vmem_shared>>)
      } else {
      }
      %add3A_272 = arith.constant 2 : i32
      %add3A_273 = arith.addi %add3A_252, %add3A_272 : i32
      %lt3A_274 = arith.cmpi slt, %add3A_273, %select_n3A : i32
      %convert_element_type3A_275 = arith.extui %lt3A_274 : i1 to i32
      %cond3A_276 = arith.constant 0 : i32
      %cond3A_277 = arith.cmpi ne, %convert_element_type3A_275, %cond3A_276 : i32
      scf.if %cond3A_277 {
        %dma_wait3A_354 = arith.constant 0 : i32
        %dma_wait3A_355 = arith.constant 0 : i32
        %dma_wait3A_356 = arith.constant 0 : i32
        %dma_wait3A_357 = tpu.memref_slice %arg3[%add3A, %dma_wait3A_354, %dma_wait3A_355, %dma_wait3A_356] : memref<32x174x8x112xi32, #tpu.memory_space<hbm>> -> memref<1x1x8x112xi32, #tpu.memory_space<hbm>>
        %dma_wait3A_358 = tpu.memref_squeeze %dma_wait3A_357 : memref<1x1x8x112xi32, #tpu.memory_space<hbm>> -> memref<8x112xi32, #tpu.memory_space<hbm>>
        %dma_wait3A_359 = arith.constant 0 : i32
        %dma_wait3A_360 = arith.constant 0 : i32
        %dma_wait3A_361 = tpu.memref_slice %arg3[%add3A, %dma_wait3A_354, %dma_wait3A_359, %dma_wait3A_360] : memref<32x174x8x112xi32, #tpu.memory_space<hbm>> -> memref<1x1x8x112xi32, #tpu.memory_space<hbm>>
        %dma_wait3A_362 = tpu.memref_squeeze %dma_wait3A_361 : memref<1x1x8x112xi32, #tpu.memory_space<hbm>> -> memref<8x112xi32, #tpu.memory_space<hbm>>
        tpu.wait_dma2 semaphore(%arg20 : memref<!tpu.dma_semaphore, #tpu.memory_space<semaphore_mem>>) src(%dma_wait3A_362 : memref<8x112xi32, #tpu.memory_space<hbm>>) dst(%arg10 : memref<8x112xi32, #tpu.memory_space<vmem>>)
        %dma_start3A_363 = arith.constant 0 : i32
        %dma_start3A_364 = arith.constant 0 : i32
        %dma_start3A_365 = tpu.memref_slice %arg10[%dma_start3A_363, %dma_start3A_364] : memref<8x112xi32, #tpu.memory_space<vmem>> -> memref<1x112xi32, #tpu.memory_space<vmem>>
        %dma_start3A_366 = tpu.memref_squeeze %dma_start3A_365 : memref<1x112xi32, #tpu.memory_space<vmem>> -> memref<112xi32, #tpu.memory_space<vmem>>
        %dma_start3A_367 = arith.constant 0 : i32
        %dma_start3A_368 = arith.constant 0 : i32
        %dma_start3A_369 = tpu.memref_slice %arg2[%dma_start3A_367, %dma_start3A_368] : memref<10240x128xf32, #tpu.memory_space<hbm>> -> memref<10240x128xf32, #tpu.memory_space<hbm>>
        tpu.enqueue_indirect_dma source(%dma_start3A_369 : memref<10240x128xf32, #tpu.memory_space<hbm>>) target(%arg13 : memref<112x128xf32, #tpu.memory_space<vmem>>) offsets(%dma_start3A_366 : memref<112xi32, #tpu.memory_space<vmem>>) semaphore(%arg23 : memref<!tpu.dma_semaphore, #tpu.memory_space<semaphore_mem>>)
      } else {
      }
      %add3A_278 = arith.constant 5 : i32
      %add3A_279 = arith.addi %add3A_252, %add3A_278 : i32
      %lt3A_280 = arith.cmpi slt, %add3A_279, %select_n3A : i32
      %convert_element_type3A_281 = arith.extui %lt3A_280 : i1 to i32
      %cond3A_282 = arith.constant 0 : i32
      %cond3A_283 = arith.cmpi ne, %convert_element_type3A_281, %cond3A_282 : i32
      scf.if %cond3A_283 {
        %add3A_354 = arith.constant 5 : i32
        %add3A_355 = arith.addi %add3A_252, %add3A_354 : i32
        %dma_start3A_356 = arith.constant 0 : i32
        %dma_start3A_357 = arith.constant 0 : i32
        %dma_start3A_358 = tpu.memref_slice %arg3[%add3A, %add3A_355, %dma_start3A_356, %dma_start3A_357] : memref<32x174x8x112xi32, #tpu.memory_space<hbm>> -> memref<1x1x8x112xi32, #tpu.memory_space<hbm>>
        %dma_start3A_359 = tpu.memref_squeeze %dma_start3A_358 : memref<1x1x8x112xi32, #tpu.memory_space<hbm>> -> memref<8x112xi32, #tpu.memory_space<hbm>>
        %dma_start3A_360 = arith.constant 0 : i32
        %dma_start3A_361 = arith.constant 0 : i32
        %dma_start3A_362 = tpu.memref_slice %arg3[%add3A, %add3A_355, %dma_start3A_360, %dma_start3A_361] : memref<32x174x8x112xi32, #tpu.memory_space<hbm>> -> memref<1x1x8x112xi32, #tpu.memory_space<hbm>>
        %dma_start3A_363 = tpu.memref_squeeze %dma_start3A_362 : memref<1x1x8x112xi32, #tpu.memory_space<hbm>> -> memref<8x112xi32, #tpu.memory_space<hbm>>
        tpu.enqueue_dma source(%dma_start3A_363 : memref<8x112xi32, #tpu.memory_space<hbm>>) target(%arg7 : memref<8x112xi32, #tpu.memory_space<vmem>>) target_semaphore(%arg17 : memref<!tpu.dma_semaphore, #tpu.memory_space<semaphore_mem>>)
      } else {
      }
      %mul3A_284 = arith.constant 6 : i32
      %mul3A_285 = arith.muli %while3A_147, %mul3A_284 : i32
      %add3A_286 = arith.constant 4 : i32
      %add3A_287 = arith.addi %mul3A_285, %add3A_286 : i32
      %dma_wait3A_288 = arith.constant 0 : i32
      %dma_wait3A_289 = arith.constant 0 : i32
      %dma_wait3A_290 = tpu.memref_slice %arg9[%dma_wait3A_288, %dma_wait3A_289] : memref<8x112xi32, #tpu.memory_space<vmem>> -> memref<1x112xi32, #tpu.memory_space<vmem>>
      %dma_wait3A_291 = tpu.memref_squeeze %dma_wait3A_290 : memref<1x112xi32, #tpu.memory_space<vmem>> -> memref<112xi32, #tpu.memory_space<vmem>>
      %dma_wait3A_292 = arith.constant 0 : i32
      %dma_wait3A_293 = arith.constant 0 : i32
      %dma_wait3A_294 = tpu.memref_slice %arg2[%dma_wait3A_292, %dma_wait3A_293] : memref<10240x128xf32, #tpu.memory_space<hbm>> -> memref<10240x128xf32, #tpu.memory_space<hbm>>
      tpu.wait_indirect_dma semaphore(%arg22 : memref<!tpu.dma_semaphore, #tpu.memory_space<semaphore_mem>>) src(%dma_wait3A_294 : memref<10240x128xf32, #tpu.memory_space<hbm>>) dst(%arg12 : memref<112x128xf32, #tpu.memory_space<vmem>>)
      %dma_start3A_295 = arith.constant 1 : i32
      %dma_start3A_296 = arith.constant 0 : i32
      %dma_start3A_297 = tpu.memref_slice %arg9[%dma_start3A_295, %dma_start3A_296] : memref<8x112xi32, #tpu.memory_space<vmem>> -> memref<1x112xi32, #tpu.memory_space<vmem>>
      %dma_start3A_298 = tpu.memref_squeeze %dma_start3A_297 : memref<1x112xi32, #tpu.memory_space<vmem>> -> memref<112xi32, #tpu.memory_space<vmem>>
      %dma_start3A_299 = arith.constant 0 : i32
      %dma_start3A_300 = arith.constant 0 : i32
      %dma_start3A_301 = tpu.memref_slice %arg14[%dma_start3A_299, %dma_start3A_300] : memref<10112x128xf32, #tpu.memory_space<vmem_shared>> -> memref<10112x128xf32, #tpu.memory_space<vmem_shared>>
      tpu.enqueue_indirect_dma source(%arg12 : memref<112x128xf32, #tpu.memory_space<vmem>>) target(%dma_start3A_301 : memref<10112x128xf32, #tpu.memory_space<vmem_shared>>) offsets(%dma_start3A_298 : memref<112xi32, #tpu.memory_space<vmem>>) semaphore(%arg25 : memref<!tpu.dma_semaphore, #tpu.memory_space<semaphore_mem>>) {add = true}
      %ge3A_302 = arith.constant 1 : i32
      %ge3A_303 = arith.cmpi sge, %add3A_287, %ge3A_302 : i32
      %convert_element_type3A_304 = arith.extui %ge3A_303 : i1 to i32
      %cond3A_305 = arith.constant 0 : i32
      %cond3A_306 = arith.cmpi ne, %convert_element_type3A_304, %cond3A_305 : i32
      scf.if %cond3A_306 {
        %dma_wait3A_354 = arith.constant 1 : i32
        %dma_wait3A_355 = arith.constant 0 : i32
        %dma_wait3A_356 = tpu.memref_slice %arg8[%dma_wait3A_354, %dma_wait3A_355] : memref<8x112xi32, #tpu.memory_space<vmem>> -> memref<1x112xi32, #tpu.memory_space<vmem>>
        %dma_wait3A_357 = tpu.memref_squeeze %dma_wait3A_356 : memref<1x112xi32, #tpu.memory_space<vmem>> -> memref<112xi32, #tpu.memory_space<vmem>>
        %dma_wait3A_358 = arith.constant 0 : i32
        %dma_wait3A_359 = arith.constant 0 : i32
        %dma_wait3A_360 = tpu.memref_slice %arg14[%dma_wait3A_358, %dma_wait3A_359] : memref<10112x128xf32, #tpu.memory_space<vmem_shared>> -> memref<10112x128xf32, #tpu.memory_space<vmem_shared>>
        tpu.wait_indirect_dma semaphore(%arg24 : memref<!tpu.dma_semaphore, #tpu.memory_space<semaphore_mem>>) src(%arg11 : memref<112x128xf32, #tpu.memory_space<vmem>>) dst(%dma_wait3A_360 : memref<10112x128xf32, #tpu.memory_space<vmem_shared>>)
      } else {
      }
      %add3A_307 = arith.constant 2 : i32
      %add3A_308 = arith.addi %add3A_287, %add3A_307 : i32
      %lt3A_309 = arith.cmpi slt, %add3A_308, %select_n3A : i32
      %convert_element_type3A_310 = arith.extui %lt3A_309 : i1 to i32
      %cond3A_311 = arith.constant 0 : i32
      %cond3A_312 = arith.cmpi ne, %convert_element_type3A_310, %cond3A_311 : i32
      scf.if %cond3A_312 {
        %dma_wait3A_354 = arith.constant 0 : i32
        %dma_wait3A_355 = arith.constant 0 : i32
        %dma_wait3A_356 = arith.constant 0 : i32
        %dma_wait3A_357 = tpu.memref_slice %arg3[%add3A, %dma_wait3A_354, %dma_wait3A_355, %dma_wait3A_356] : memref<32x174x8x112xi32, #tpu.memory_space<hbm>> -> memref<1x1x8x112xi32, #tpu.memory_space<hbm>>
        %dma_wait3A_358 = tpu.memref_squeeze %dma_wait3A_357 : memref<1x1x8x112xi32, #tpu.memory_space<hbm>> -> memref<8x112xi32, #tpu.memory_space<hbm>>
        %dma_wait3A_359 = arith.constant 0 : i32
        %dma_wait3A_360 = arith.constant 0 : i32
        %dma_wait3A_361 = tpu.memref_slice %arg3[%add3A, %dma_wait3A_354, %dma_wait3A_359, %dma_wait3A_360] : memref<32x174x8x112xi32, #tpu.memory_space<hbm>> -> memref<1x1x8x112xi32, #tpu.memory_space<hbm>>
        %dma_wait3A_362 = tpu.memref_squeeze %dma_wait3A_361 : memref<1x1x8x112xi32, #tpu.memory_space<hbm>> -> memref<8x112xi32, #tpu.memory_space<hbm>>
        tpu.wait_dma2 semaphore(%arg15 : memref<!tpu.dma_semaphore, #tpu.memory_space<semaphore_mem>>) src(%dma_wait3A_362 : memref<8x112xi32, #tpu.memory_space<hbm>>) dst(%arg5 : memref<8x112xi32, #tpu.memory_space<vmem>>)
        %dma_start3A_363 = arith.constant 0 : i32
        %dma_start3A_364 = arith.constant 0 : i32
        %dma_start3A_365 = tpu.memref_slice %arg5[%dma_start3A_363, %dma_start3A_364] : memref<8x112xi32, #tpu.memory_space<vmem>> -> memref<1x112xi32, #tpu.memory_space<vmem>>
        %dma_start3A_366 = tpu.memref_squeeze %dma_start3A_365 : memref<1x112xi32, #tpu.memory_space<vmem>> -> memref<112xi32, #tpu.memory_space<vmem>>
        %dma_start3A_367 = arith.constant 0 : i32
        %dma_start3A_368 = arith.constant 0 : i32
        %dma_start3A_369 = tpu.memref_slice %arg2[%dma_start3A_367, %dma_start3A_368] : memref<10240x128xf32, #tpu.memory_space<hbm>> -> memref<10240x128xf32, #tpu.memory_space<hbm>>
        tpu.enqueue_indirect_dma source(%dma_start3A_369 : memref<10240x128xf32, #tpu.memory_space<hbm>>) target(%arg11 : memref<112x128xf32, #tpu.memory_space<vmem>>) offsets(%dma_start3A_366 : memref<112xi32, #tpu.memory_space<vmem>>) semaphore(%arg21 : memref<!tpu.dma_semaphore, #tpu.memory_space<semaphore_mem>>)
      } else {
      }
      %add3A_313 = arith.constant 5 : i32
      %add3A_314 = arith.addi %add3A_287, %add3A_313 : i32
      %lt3A_315 = arith.cmpi slt, %add3A_314, %select_n3A : i32
      %convert_element_type3A_316 = arith.extui %lt3A_315 : i1 to i32
      %cond3A_317 = arith.constant 0 : i32
      %cond3A_318 = arith.cmpi ne, %convert_element_type3A_316, %cond3A_317 : i32
      scf.if %cond3A_318 {
        %add3A_354 = arith.constant 5 : i32
        %add3A_355 = arith.addi %add3A_287, %add3A_354 : i32
        %dma_start3A_356 = arith.constant 0 : i32
        %dma_start3A_357 = arith.constant 0 : i32
        %dma_start3A_358 = tpu.memref_slice %arg3[%add3A, %add3A_355, %dma_start3A_356, %dma_start3A_357] : memref<32x174x8x112xi32, #tpu.memory_space<hbm>> -> memref<1x1x8x112xi32, #tpu.memory_space<hbm>>
        %dma_start3A_359 = tpu.memref_squeeze %dma_start3A_358 : memref<1x1x8x112xi32, #tpu.memory_space<hbm>> -> memref<8x112xi32, #tpu.memory_space<hbm>>
        %dma_start3A_360 = arith.constant 0 : i32
        %dma_start3A_361 = arith.constant 0 : i32
        %dma_start3A_362 = tpu.memref_slice %arg3[%add3A, %add3A_355, %dma_start3A_360, %dma_start3A_361] : memref<32x174x8x112xi32, #tpu.memory_space<hbm>> -> memref<1x1x8x112xi32, #tpu.memory_space<hbm>>
        %dma_start3A_363 = tpu.memref_squeeze %dma_start3A_362 : memref<1x1x8x112xi32, #tpu.memory_space<hbm>> -> memref<8x112xi32, #tpu.memory_space<hbm>>
        tpu.enqueue_dma source(%dma_start3A_363 : memref<8x112xi32, #tpu.memory_space<hbm>>) target(%arg8 : memref<8x112xi32, #tpu.memory_space<vmem>>) target_semaphore(%arg18 : memref<!tpu.dma_semaphore, #tpu.memory_space<semaphore_mem>>)
      } else {
      }
      %mul3A_319 = arith.constant 6 : i32
      %mul3A_320 = arith.muli %while3A_147, %mul3A_319 : i32
      %add3A_321 = arith.constant 5 : i32
      %add3A_322 = arith.addi %mul3A_320, %add3A_321 : i32
      %dma_wait3A_323 = arith.constant 0 : i32
      %dma_wait3A_324 = arith.constant 0 : i32
      %dma_wait3A_325 = tpu.memref_slice %arg10[%dma_wait3A_323, %dma_wait3A_324] : memref<8x112xi32, #tpu.memory_space<vmem>> -> memref<1x112xi32, #tpu.memory_space<vmem>>
      %dma_wait3A_326 = tpu.memref_squeeze %dma_wait3A_325 : memref<1x112xi32, #tpu.memory_space<vmem>> -> memref<112xi32, #tpu.memory_space<vmem>>
      %dma_wait3A_327 = arith.constant 0 : i32
      %dma_wait3A_328 = arith.constant 0 : i32
      %dma_wait3A_329 = tpu.memref_slice %arg2[%dma_wait3A_327, %dma_wait3A_328] : memref<10240x128xf32, #tpu.memory_space<hbm>> -> memref<10240x128xf32, #tpu.memory_space<hbm>>
      tpu.wait_indirect_dma semaphore(%arg23 : memref<!tpu.dma_semaphore, #tpu.memory_space<semaphore_mem>>) src(%dma_wait3A_329 : memref<10240x128xf32, #tpu.memory_space<hbm>>) dst(%arg13 : memref<112x128xf32, #tpu.memory_space<vmem>>)
      %dma_start3A_330 = arith.constant 1 : i32
      %dma_start3A_331 = arith.constant 0 : i32
      %dma_start3A_332 = tpu.memref_slice %arg10[%dma_start3A_330, %dma_start3A_331] : memref<8x112xi32, #tpu.memory_space<vmem>> -> memref<1x112xi32, #tpu.memory_space<vmem>>
      %dma_start3A_333 = tpu.memref_squeeze %dma_start3A_332 : memref<1x112xi32, #tpu.memory_space<vmem>> -> memref<112xi32, #tpu.memory_space<vmem>>
      %dma_start3A_334 = arith.constant 0 : i32
      %dma_start3A_335 = arith.constant 0 : i32
      %dma_start3A_336 = tpu.memref_slice %arg14[%dma_start3A_334, %dma_start3A_335] : memref<10112x128xf32, #tpu.memory_space<vmem_shared>> -> memref<10112x128xf32, #tpu.memory_space<vmem_shared>>
      tpu.enqueue_indirect_dma source(%arg13 : memref<112x128xf32, #tpu.memory_space<vmem>>) target(%dma_start3A_336 : memref<10112x128xf32, #tpu.memory_space<vmem_shared>>) offsets(%dma_start3A_333 : memref<112xi32, #tpu.memory_space<vmem>>) semaphore(%arg26 : memref<!tpu.dma_semaphore, #tpu.memory_space<semaphore_mem>>) {add = true}
      %ge3A_337 = arith.constant 1 : i32
      %ge3A_338 = arith.cmpi sge, %add3A_322, %ge3A_337 : i32
      %convert_element_type3A_339 = arith.extui %ge3A_338 : i1 to i32
      %cond3A_340 = arith.constant 0 : i32
      %cond3A_341 = arith.cmpi ne, %convert_element_type3A_339, %cond3A_340 : i32
      scf.if %cond3A_341 {
        %dma_wait3A_354 = arith.constant 1 : i32
        %dma_wait3A_355 = arith.constant 0 : i32
        %dma_wait3A_356 = tpu.memref_slice %arg9[%dma_wait3A_354, %dma_wait3A_355] : memref<8x112xi32, #tpu.memory_space<vmem>> -> memref<1x112xi32, #tpu.memory_space<vmem>>
        %dma_wait3A_357 = tpu.memref_squeeze %dma_wait3A_356 : memref<1x112xi32, #tpu.memory_space<vmem>> -> memref<112xi32, #tpu.memory_space<vmem>>
        %dma_wait3A_358 = arith.constant 0 : i32
        %dma_wait3A_359 = arith.constant 0 : i32
        %dma_wait3A_360 = tpu.memref_slice %arg14[%dma_wait3A_358, %dma_wait3A_359] : memref<10112x128xf32, #tpu.memory_space<vmem_shared>> -> memref<10112x128xf32, #tpu.memory_space<vmem_shared>>
        tpu.wait_indirect_dma semaphore(%arg25 : memref<!tpu.dma_semaphore, #tpu.memory_space<semaphore_mem>>) src(%arg12 : memref<112x128xf32, #tpu.memory_space<vmem>>) dst(%dma_wait3A_360 : memref<10112x128xf32, #tpu.memory_space<vmem_shared>>)
      } else {
      }
      %add3A_342 = arith.constant 2 : i32
      %add3A_343 = arith.addi %add3A_322, %add3A_342 : i32
      %lt3A_344 = arith.cmpi slt, %add3A_343, %select_n3A : i32
      %convert_element_type3A_345 = arith.extui %lt3A_344 : i1 to i32
      %cond3A_346 = arith.constant 0 : i32
      %cond3A_347 = arith.cmpi ne, %convert_element_type3A_345, %cond3A_346 : i32
      scf.if %cond3A_347 {
        %dma_wait3A_354 = arith.constant 0 : i32
        %dma_wait3A_355 = arith.constant 0 : i32
        %dma_wait3A_356 = arith.constant 0 : i32
        %dma_wait3A_357 = tpu.memref_slice %arg3[%add3A, %dma_wait3A_354, %dma_wait3A_355, %dma_wait3A_356] : memref<32x174x8x112xi32, #tpu.memory_space<hbm>> -> memref<1x1x8x112xi32, #tpu.memory_space<hbm>>
        %dma_wait3A_358 = tpu.memref_squeeze %dma_wait3A_357 : memref<1x1x8x112xi32, #tpu.memory_space<hbm>> -> memref<8x112xi32, #tpu.memory_space<hbm>>
        %dma_wait3A_359 = arith.constant 0 : i32
        %dma_wait3A_360 = arith.constant 0 : i32
        %dma_wait3A_361 = tpu.memref_slice %arg3[%add3A, %dma_wait3A_354, %dma_wait3A_359, %dma_wait3A_360] : memref<32x174x8x112xi32, #tpu.memory_space<hbm>> -> memref<1x1x8x112xi32, #tpu.memory_space<hbm>>
        %dma_wait3A_362 = tpu.memref_squeeze %dma_wait3A_361 : memref<1x1x8x112xi32, #tpu.memory_space<hbm>> -> memref<8x112xi32, #tpu.memory_space<hbm>>
        tpu.wait_dma2 semaphore(%arg16 : memref<!tpu.dma_semaphore, #tpu.memory_space<semaphore_mem>>) src(%dma_wait3A_362 : memref<8x112xi32, #tpu.memory_space<hbm>>) dst(%arg6 : memref<8x112xi32, #tpu.memory_space<vmem>>)
        %dma_start3A_363 = arith.constant 0 : i32
        %dma_start3A_364 = arith.constant 0 : i32
        %dma_start3A_365 = tpu.memref_slice %arg6[%dma_start3A_363, %dma_start3A_364] : memref<8x112xi32, #tpu.memory_space<vmem>> -> memref<1x112xi32, #tpu.memory_space<vmem>>
        %dma_start3A_366 = tpu.memref_squeeze %dma_start3A_365 : memref<1x112xi32, #tpu.memory_space<vmem>> -> memref<112xi32, #tpu.memory_space<vmem>>
        %dma_start3A_367 = arith.constant 0 : i32
        %dma_start3A_368 = arith.constant 0 : i32
        %dma_start3A_369 = tpu.memref_slice %arg2[%dma_start3A_367, %dma_start3A_368] : memref<10240x128xf32, #tpu.memory_space<hbm>> -> memref<10240x128xf32, #tpu.memory_space<hbm>>
        tpu.enqueue_indirect_dma source(%dma_start3A_369 : memref<10240x128xf32, #tpu.memory_space<hbm>>) target(%arg12 : memref<112x128xf32, #tpu.memory_space<vmem>>) offsets(%dma_start3A_366 : memref<112xi32, #tpu.memory_space<vmem>>) semaphore(%arg22 : memref<!tpu.dma_semaphore, #tpu.memory_space<semaphore_mem>>)
      } else {
      }
      %add3A_348 = arith.constant 5 : i32
      %add3A_349 = arith.addi %add3A_322, %add3A_348 : i32
      %lt3A_350 = arith.cmpi slt, %add3A_349, %select_n3A : i32
      %convert_element_type3A_351 = arith.extui %lt3A_350 : i1 to i32
      %cond3A_352 = arith.constant 0 : i32
      %cond3A_353 = arith.cmpi ne, %convert_element_type3A_351, %cond3A_352 : i32
      scf.if %cond3A_353 {
        %add3A_354 = arith.constant 5 : i32
        %add3A_355 = arith.addi %add3A_322, %add3A_354 : i32
        %dma_start3A_356 = arith.constant 0 : i32
        %dma_start3A_357 = arith.constant 0 : i32
        %dma_start3A_358 = tpu.memref_slice %arg3[%add3A, %add3A_355, %dma_start3A_356, %dma_start3A_357] : memref<32x174x8x112xi32, #tpu.memory_space<hbm>> -> memref<1x1x8x112xi32, #tpu.memory_space<hbm>>
        %dma_start3A_359 = tpu.memref_squeeze %dma_start3A_358 : memref<1x1x8x112xi32, #tpu.memory_space<hbm>> -> memref<8x112xi32, #tpu.memory_space<hbm>>
        %dma_start3A_360 = arith.constant 0 : i32
        %dma_start3A_361 = arith.constant 0 : i32
        %dma_start3A_362 = tpu.memref_slice %arg3[%add3A, %add3A_355, %dma_start3A_360, %dma_start3A_361] : memref<32x174x8x112xi32, #tpu.memory_space<hbm>> -> memref<1x1x8x112xi32, #tpu.memory_space<hbm>>
        %dma_start3A_363 = tpu.memref_squeeze %dma_start3A_362 : memref<1x1x8x112xi32, #tpu.memory_space<hbm>> -> memref<8x112xi32, #tpu.memory_space<hbm>>
        tpu.enqueue_dma source(%dma_start3A_363 : memref<8x112xi32, #tpu.memory_space<hbm>>) target(%arg9 : memref<8x112xi32, #tpu.memory_space<vmem>>) target_semaphore(%arg19 : memref<!tpu.dma_semaphore, #tpu.memory_space<semaphore_mem>>)
      } else {
      }
    }
    %dma_wait3A_135 = arith.constant 1 : i32
    %dma_wait3A_136 = arith.constant 0 : i32
    %dma_wait3A_137 = tpu.memref_slice %arg10[%dma_wait3A_135, %dma_wait3A_136] : memref<8x112xi32, #tpu.memory_space<vmem>> -> memref<1x112xi32, #tpu.memory_space<vmem>>
    %dma_wait3A_138 = tpu.memref_squeeze %dma_wait3A_137 : memref<1x112xi32, #tpu.memory_space<vmem>> -> memref<112xi32, #tpu.memory_space<vmem>>
    %dma_wait3A_139 = arith.constant 0 : i32
    %dma_wait3A_140 = arith.constant 0 : i32
    %dma_wait3A_141 = tpu.memref_slice %arg14[%dma_wait3A_139, %dma_wait3A_140] : memref<10112x128xf32, #tpu.memory_space<vmem_shared>> -> memref<10112x128xf32, #tpu.memory_space<vmem_shared>>
    tpu.wait_indirect_dma semaphore(%arg26 : memref<!tpu.dma_semaphore, #tpu.memory_space<semaphore_mem>>) src(%arg13 : memref<112x128xf32, #tpu.memory_space<vmem>>) dst(%dma_wait3A_141 : memref<10112x128xf32, #tpu.memory_space<vmem_shared>>)
    %barrier3A_142 = arith.constant 0 : index
    tpu.barrier barrier_id(%barrier3A_142)
    %mul3A_143 = arith.constant 632 : i32
    %mul3A_144 = arith.muli %arg1, %mul3A_143 : i32
    %mul3A_145 = arith.constant 632 : i32
    %mul3A_146 = arith.muli %arg1, %mul3A_145 : i32
    "tpu.region"() ({
      %run_scoped3A = tpu.sem_alloc : memref<!tpu.dma_semaphore, #tpu.memory_space<semaphore_mem>>
      %dma_start3A_147 = arith.constant 0 : i32
      %dma_start3A_148 = tpu.memref_slice %arg4[%arg0, %mul3A_146, %dma_start3A_147] : memref<2x10240x128xf32, #tpu.memory_space<hbm>> -> memref<1x632x128xf32, #tpu.memory_space<hbm>>
      %dma_start3A_149 = tpu.memref_squeeze %dma_start3A_148 : memref<1x632x128xf32, #tpu.memory_space<hbm>> -> memref<632x128xf32, #tpu.memory_space<hbm>>
      %dma_start3A_150 = arith.constant 0 : i32
      %dma_start3A_151 = tpu.memref_slice %arg14[%mul3A_144, %dma_start3A_150] : memref<10112x128xf32, #tpu.memory_space<vmem_shared>> -> memref<632x128xf32, #tpu.memory_space<vmem_shared>>
      tpu.enqueue_dma source(%dma_start3A_151 : memref<632x128xf32, #tpu.memory_space<vmem_shared>>) target(%dma_start3A_149 : memref<632x128xf32, #tpu.memory_space<hbm>>) target_semaphore(%run_scoped3A : memref<!tpu.dma_semaphore, #tpu.memory_space<semaphore_mem>>)
      %dma_wait3A_152 = arith.constant 0 : i32
      %dma_wait3A_153 = tpu.memref_slice %arg4[%arg0, %mul3A_146, %dma_wait3A_152] : memref<2x10240x128xf32, #tpu.memory_space<hbm>> -> memref<1x632x128xf32, #tpu.memory_space<hbm>>
      %dma_wait3A_154 = tpu.memref_squeeze %dma_wait3A_153 : memref<1x632x128xf32, #tpu.memory_space<hbm>> -> memref<632x128xf32, #tpu.memory_space<hbm>>
      %dma_wait3A_155 = arith.constant 0 : i32
      %dma_wait3A_156 = tpu.memref_slice %arg14[%mul3A_144, %dma_wait3A_155] : memref<10112x128xf32, #tpu.memory_space<vmem_shared>> -> memref<632x128xf32, #tpu.memory_space<vmem_shared>>
      tpu.wait_dma2 semaphore(%run_scoped3A : memref<!tpu.dma_semaphore, #tpu.memory_space<semaphore_mem>>) src(%dma_wait3A_156 : memref<632x128xf32, #tpu.memory_space<vmem_shared>>) dst(%dma_wait3A_154 : memref<632x128xf32, #tpu.memory_space<hbm>>)
      tpu.yield
    }) : () -> ()
    return
  }
}

module attributes {stable_mosaic.version = 14 : i64} {
  func.func @_mlp_body(%arg0: i32, %arg1: memref<256x128xf32, #tpu.memory_space<vmem>>, %arg2: memref<2x256x128xf32, #tpu.memory_space<vmem>>, %arg3: memref<128x128xf32, #tpu.memory_space<vmem>>, %arg4: memref<1x128xf32, #tpu.memory_space<vmem>>, %arg5: memref<128x128xf32, #tpu.memory_space<vmem>>, %arg6: memref<1x128xf32, #tpu.memory_space<vmem>>, %arg7: memref<256x128xf32, #tpu.memory_space<vmem>>) attributes {dimension_semantics = [#tpu.dimension_semantics<arbitrary>], iteration_bounds = array<i64: 40>, scalar_prefetch = 0 : i64, scratch_operands = 0 : i64, tpu.core_type = #tpu.core_type<tc>, window_params = [{transform_indices = @transform_0, window_bounds = array<i64: 256, 128>}, {transform_indices = @transform_1, window_bounds = array<i64: 2, 256, 128>}, {pipeline_mode = #tpu.pipeline_mode<synchronous>, transform_indices = @transform_2, window_bounds = array<i64: 128, 128>}, {pipeline_mode = #tpu.pipeline_mode<synchronous>, transform_indices = @transform_3, window_bounds = array<i64: 1, 128>}, {pipeline_mode = #tpu.pipeline_mode<synchronous>, transform_indices = @transform_4, window_bounds = array<i64: 128, 128>}, {pipeline_mode = #tpu.pipeline_mode<synchronous>, transform_indices = @transform_5, window_bounds = array<i64: 1, 128>}, {transform_indices = @transform_6, window_bounds = array<i64: 256, 128>}]} {
    %get3A = arith.constant 0 : index
    %get3A_0 = arith.constant 0 : index
    %get3A_1 = vector.load %arg1[%get3A, %get3A_0] : memref<256x128xf32, #tpu.memory_space<vmem>>, vector<256x128xf32>
    %get3A_2 = arith.constant 0 : index
    %get3A_3 = arith.constant 0 : index
    %get3A_4 = arith.constant 0 : index
    %get3A_5 = vector.load %arg2[%get3A_2, %get3A_3, %get3A_4] : memref<2x256x128xf32, #tpu.memory_space<vmem>>, vector<1x256x128xf32>
    %get3A_6 = vector.shape_cast %get3A_5 : vector<1x256x128xf32> to vector<256x128xf32>
    %add3A = arith.addf %get3A_1, %get3A_6 : vector<256x128xf32>
    %get3A_7 = arith.constant 1 : index
    %get3A_8 = arith.constant 0 : index
    %get3A_9 = arith.constant 0 : index
    %get3A_10 = vector.load %arg2[%get3A_7, %get3A_8, %get3A_9] : memref<2x256x128xf32, #tpu.memory_space<vmem>>, vector<1x256x128xf32>
    %get3A_11 = vector.shape_cast %get3A_10 : vector<1x256x128xf32> to vector<256x128xf32>
    %add3A_12 = arith.addf %add3A, %get3A_11 : vector<256x128xf32>
    %get3A_13 = arith.constant 0 : index
    %get3A_14 = arith.constant 0 : index
    %get3A_15 = vector.load %arg3[%get3A_13, %get3A_14] : memref<128x128xf32, #tpu.memory_space<vmem>>, vector<128x128xf32>
    %dot_general3A = arith.constant dense<0.000000e+00> : vector<256x128xf32>
    %dot_general3A_16 = tpu.matmul %add3A_12, %get3A_15, %dot_general3A {dimension_numbers = #tpu.dot_dimension_numbers<[1], [0], [0], [1], [0, 0, 1, 1], [], []>, transpose_lhs_hint = false} : vector<256x128xf32>, vector<128x128xf32>, vector<256x128xf32> -> vector<256x128xf32>
    %get3A_17 = arith.constant 0 : index
    %get3A_18 = arith.constant 0 : index
    %get3A_19 = vector.load %arg4[%get3A_17, %get3A_18] : memref<1x128xf32, #tpu.memory_space<vmem>>, vector<1x128xf32>
    %add3A_20 = vector.broadcast %get3A_19 : vector<1x128xf32> to vector<256x128xf32>
    %add3A_21 = arith.addf %dot_general3A_16, %add3A_20 : vector<256x128xf32>
    %max3A = arith.constant 0.000000e+00 : f32
    %max3A_22 = vector.broadcast %max3A : f32 to vector<256x128xf32>
    %max3A_23 = arith.maximumf %add3A_21, %max3A_22 : vector<256x128xf32>
    %get3A_24 = arith.constant 0 : index
    %get3A_25 = arith.constant 0 : index
    %get3A_26 = vector.load %arg5[%get3A_24, %get3A_25] : memref<128x128xf32, #tpu.memory_space<vmem>>, vector<128x128xf32>
    %dot_general3A_27 = arith.constant dense<0.000000e+00> : vector<256x128xf32>
    %dot_general3A_28 = tpu.matmul %max3A_23, %get3A_26, %dot_general3A_27 {dimension_numbers = #tpu.dot_dimension_numbers<[1], [0], [0], [1], [0, 0, 1, 1], [], []>, transpose_lhs_hint = false} : vector<256x128xf32>, vector<128x128xf32>, vector<256x128xf32> -> vector<256x128xf32>
    %get3A_29 = arith.constant 0 : index
    %get3A_30 = arith.constant 0 : index
    %get3A_31 = vector.load %arg6[%get3A_29, %get3A_30] : memref<1x128xf32, #tpu.memory_space<vmem>>, vector<1x128xf32>
    %add3A_32 = vector.broadcast %get3A_31 : vector<1x128xf32> to vector<256x128xf32>
    %add3A_33 = arith.addf %dot_general3A_28, %add3A_32 : vector<256x128xf32>
    %max3A_34 = arith.constant 0.000000e+00 : f32
    %max3A_35 = vector.broadcast %max3A_34 : f32 to vector<256x128xf32>
    %max3A_36 = arith.maximumf %add3A_33, %max3A_35 : vector<256x128xf32>
    %mul3A = arith.constant 256 : i32
    %mul3A_37 = arith.muli %arg0, %mul3A : i32
    %iota3A = tpu.iota {dimensions = array<i32: 0>} : vector<256x128xi32>
    %add3A_38 = vector.broadcast %mul3A_37 : i32 to vector<256x128xi32>
    %add3A_39 = arith.addi %add3A_38, %iota3A : vector<256x128xi32>
    %lt3A = arith.constant 10000 : i32
    %lt3A_40 = vector.broadcast %lt3A : i32 to vector<256x128xi32>
    %lt3A_41 = arith.cmpi slt, %add3A_39, %lt3A_40 : vector<256x128xi32>
    %jit3A = arith.constant 0.000000e+00 : f32
    %broadcast_in_dim3A = vector.broadcast %jit3A : f32 to vector<256x128xf32>
    %select_n3A = arith.select %lt3A_41, %max3A_36, %broadcast_in_dim3A : vector<256x128xi1>, vector<256x128xf32>
    %swap3A = arith.constant 0 : index
    %swap3A_42 = arith.constant 0 : index
    %swap3A_43 = vector.load %arg7[%swap3A, %swap3A_42] : memref<256x128xf32, #tpu.memory_space<vmem>>, vector<256x128xf32>
    tpu.vector_store %arg7[%swap3A, %swap3A_42], %select_n3A {strides = array<i32>} : memref<256x128xf32, #tpu.memory_space<vmem>>, vector<256x128xf32>,
    return
  }
  func.func @transform_0(%arg0: i32) -> (i32, i32) {
    %c0_i32 = arith.constant 0 : i32
    %c0_i32_0 = arith.constant 0 : i32
    return %arg0, %c0_i32 : i32, i32
  }
  func.func @transform_1(%arg0: i32) -> (i32, i32, i32) {
    %c0_i32 = arith.constant 0 : i32
    %c0_i32_0 = arith.constant 0 : i32
    %c0_i32_1 = arith.constant 0 : i32
    return %c0_i32, %arg0, %c0_i32_0 : i32, i32, i32
  }
  func.func @transform_2(%arg0: i32) -> (i32, i32) {
    %c0_i32 = arith.constant 0 : i32
    %c0_i32_0 = arith.constant 0 : i32
    %c0_i32_1 = arith.constant 0 : i32
    return %c0_i32, %c0_i32_0 : i32, i32
  }
  func.func @transform_3(%arg0: i32) -> (i32, i32) {
    %c0_i32 = arith.constant 0 : i32
    %c0_i32_0 = arith.constant 0 : i32
    %c0_i32_1 = arith.constant 0 : i32
    return %c0_i32, %c0_i32_0 : i32, i32
  }
  func.func @transform_4(%arg0: i32) -> (i32, i32) {
    %c0_i32 = arith.constant 0 : i32
    %c0_i32_0 = arith.constant 0 : i32
    %c0_i32_1 = arith.constant 0 : i32
    return %c0_i32, %c0_i32_0 : i32, i32
  }
  func.func @transform_5(%arg0: i32) -> (i32, i32) {
    %c0_i32 = arith.constant 0 : i32
    %c0_i32_0 = arith.constant 0 : i32
    %c0_i32_1 = arith.constant 0 : i32
    return %c0_i32, %c0_i32_0 : i32, i32
  }
  func.func @transform_6(%arg0: i32) -> (i32, i32) {
    %c0_i32 = arith.constant 0 : i32
    %c0_i32_0 = arith.constant 0 : i32
    return %arg0, %c0_i32 : i32, i32
  }
}

module attributes {stable_mosaic.version = 14 : i64} {
  func.func @_mlp_head_body(%arg0: i32, %arg1: memref<256x128xf32, #tpu.memory_space<vmem>>, %arg2: memref<2x256x128xf32, #tpu.memory_space<vmem>>, %arg3: memref<128x128xf32, #tpu.memory_space<vmem>>, %arg4: memref<1x128xf32, #tpu.memory_space<vmem>>, %arg5: memref<128x128xf32, #tpu.memory_space<vmem>>, %arg6: memref<1x128xf32, #tpu.memory_space<vmem>>, %arg7: memref<1x1x256xi32, #tpu.memory_space<vmem>>, %arg8: memref<128x256xf32, #tpu.memory_space<vmem>>, %arg9: memref<1x256xf32, #tpu.memory_space<vmem>>, %arg10: memref<1x256xf32, #tpu.memory_space<vmem>>, %arg11: memref<1x256xf32, #tpu.memory_space<vmem>>, %arg12: memref<1x256xf32, #tpu.memory_space<vmem>>, %arg13: memref<1x256xf32, #tpu.memory_space<vmem>>, %arg14: memref<256x128xf32, #tpu.memory_space<vmem>>, %arg15: memref<1x128xf32, #tpu.memory_space<vmem>>, %arg16: memref<128x128xf32, #tpu.memory_space<vmem>>, %arg17: memref<128x128xf32, #tpu.memory_space<vmem>>, %arg18: memref<128x128xf32, #tpu.memory_space<vmem>>) attributes {dimension_semantics = [#tpu.dimension_semantics<arbitrary>], iteration_bounds = array<i64: 40>, scalar_prefetch = 0 : i64, scratch_operands = 2 : i64, tpu.core_type = #tpu.core_type<tc>, window_params = [{transform_indices = @transform_0, window_bounds = array<i64: 256, 128>}, {transform_indices = @transform_1, window_bounds = array<i64: 2, 256, 128>}, {pipeline_mode = #tpu.pipeline_mode<synchronous>, transform_indices = @transform_2, window_bounds = array<i64: 128, 128>}, {pipeline_mode = #tpu.pipeline_mode<synchronous>, transform_indices = @transform_3, window_bounds = array<i64: 1, 128>}, {pipeline_mode = #tpu.pipeline_mode<synchronous>, transform_indices = @transform_4, window_bounds = array<i64: 128, 128>}, {pipeline_mode = #tpu.pipeline_mode<synchronous>, transform_indices = @transform_5, window_bounds = array<i64: 1, 128>}, {transform_indices = @transform_6, window_bounds = array<i64: 1, 1, 256>}, {pipeline_mode = #tpu.pipeline_mode<synchronous>, transform_indices = @transform_7, window_bounds = array<i64: 128, 256>}, {pipeline_mode = #tpu.pipeline_mode<synchronous>, transform_indices = @transform_8, window_bounds = array<i64: 1, 256>}, {pipeline_mode = #tpu.pipeline_mode<synchronous>, transform_indices = @transform_9, window_bounds = array<i64: 1, 256>}, {pipeline_mode = #tpu.pipeline_mode<synchronous>, transform_indices = @transform_10, window_bounds = array<i64: 1, 256>}, {pipeline_mode = #tpu.pipeline_mode<synchronous>, transform_indices = @transform_11, window_bounds = array<i64: 1, 256>}, {pipeline_mode = #tpu.pipeline_mode<synchronous>, transform_indices = @transform_12, window_bounds = array<i64: 1, 256>}, {pipeline_mode = #tpu.pipeline_mode<synchronous>, transform_indices = @transform_13, window_bounds = array<i64: 256, 128>}, {pipeline_mode = #tpu.pipeline_mode<synchronous>, transform_indices = @transform_14, window_bounds = array<i64: 1, 128>}, {pipeline_mode = #tpu.pipeline_mode<synchronous>, transform_indices = @transform_15, window_bounds = array<i64: 128, 128>}]} {
    %eq3A = arith.constant 0 : i32
    %eq3A_0 = arith.cmpi eq, %arg0, %eq3A : i32
    %convert_element_type3A = arith.extui %eq3A_0 : i1 to i32
    %cond3A = arith.constant 0 : i32
    %cond3A_1 = arith.cmpi ne, %convert_element_type3A, %cond3A : i32
    scf.if %cond3A_1 {
      %broadcast_in_dim3A_79 = arith.constant 0.000000e+00 : f32
      %broadcast_in_dim3A_80 = vector.broadcast %broadcast_in_dim3A_79 : f32 to vector<128x128xf32>
      %swap3A_81 = arith.constant 0 : index
      %swap3A_82 = arith.constant 0 : index
      %swap3A_83 = vector.load %arg17[%swap3A_81, %swap3A_82] : memref<128x128xf32, #tpu.memory_space<vmem>>, vector<128x128xf32>
      tpu.vector_store %arg17[%swap3A_81, %swap3A_82], %broadcast_in_dim3A_80 {strides = array<i32>} : memref<128x128xf32, #tpu.memory_space<vmem>>, vector<128x128xf32>,
      %broadcast_in_dim3A_84 = arith.constant 0.000000e+00 : f32
      %broadcast_in_dim3A_85 = vector.broadcast %broadcast_in_dim3A_84 : f32 to vector<128x128xf32>
      %swap3A_86 = arith.constant 0 : index
      %swap3A_87 = arith.constant 0 : index
      %swap3A_88 = vector.load %arg18[%swap3A_86, %swap3A_87] : memref<128x128xf32, #tpu.memory_space<vmem>>, vector<128x128xf32>
      tpu.vector_store %arg18[%swap3A_86, %swap3A_87], %broadcast_in_dim3A_85 {strides = array<i32>} : memref<128x128xf32, #tpu.memory_space<vmem>>, vector<128x128xf32>,
    } else {
    }
    %get3A = arith.constant 0 : index
    %get3A_2 = arith.constant 0 : index
    %get3A_3 = vector.load %arg1[%get3A, %get3A_2] : memref<256x128xf32, #tpu.memory_space<vmem>>, vector<256x128xf32>
    %get3A_4 = arith.constant 0 : index
    %get3A_5 = arith.constant 0 : index
    %get3A_6 = arith.constant 0 : index
    %get3A_7 = vector.load %arg2[%get3A_4, %get3A_5, %get3A_6] : memref<2x256x128xf32, #tpu.memory_space<vmem>>, vector<1x256x128xf32>
    %get3A_8 = vector.shape_cast %get3A_7 : vector<1x256x128xf32> to vector<256x128xf32>
    %add3A = arith.addf %get3A_3, %get3A_8 : vector<256x128xf32>
    %get3A_9 = arith.constant 1 : index
    %get3A_10 = arith.constant 0 : index
    %get3A_11 = arith.constant 0 : index
    %get3A_12 = vector.load %arg2[%get3A_9, %get3A_10, %get3A_11] : memref<2x256x128xf32, #tpu.memory_space<vmem>>, vector<1x256x128xf32>
    %get3A_13 = vector.shape_cast %get3A_12 : vector<1x256x128xf32> to vector<256x128xf32>
    %add3A_14 = arith.addf %add3A, %get3A_13 : vector<256x128xf32>
    %get3A_15 = arith.constant 0 : index
    %get3A_16 = arith.constant 0 : index
    %get3A_17 = vector.load %arg3[%get3A_15, %get3A_16] : memref<128x128xf32, #tpu.memory_space<vmem>>, vector<128x128xf32>
    %dot_general3A = arith.constant dense<0.000000e+00> : vector<256x128xf32>
    %dot_general3A_18 = tpu.matmul %add3A_14, %get3A_17, %dot_general3A {dimension_numbers = #tpu.dot_dimension_numbers<[1], [0], [0], [1], [0, 0, 1, 1], [], []>, transpose_lhs_hint = false} : vector<256x128xf32>, vector<128x128xf32>, vector<256x128xf32> -> vector<256x128xf32>
    %get3A_19 = arith.constant 0 : index
    %get3A_20 = arith.constant 0 : index
    %get3A_21 = vector.load %arg4[%get3A_19, %get3A_20] : memref<1x128xf32, #tpu.memory_space<vmem>>, vector<1x128xf32>
    %add3A_22 = vector.broadcast %get3A_21 : vector<1x128xf32> to vector<256x128xf32>
    %add3A_23 = arith.addf %dot_general3A_18, %add3A_22 : vector<256x128xf32>
    %max3A = arith.constant 0.000000e+00 : f32
    %max3A_24 = vector.broadcast %max3A : f32 to vector<256x128xf32>
    %max3A_25 = arith.maximumf %add3A_23, %max3A_24 : vector<256x128xf32>
    %get3A_26 = arith.constant 0 : index
    %get3A_27 = arith.constant 0 : index
    %get3A_28 = vector.load %arg5[%get3A_26, %get3A_27] : memref<128x128xf32, #tpu.memory_space<vmem>>, vector<128x128xf32>
    %dot_general3A_29 = arith.constant dense<0.000000e+00> : vector<256x128xf32>
    %dot_general3A_30 = tpu.matmul %max3A_25, %get3A_28, %dot_general3A_29 {dimension_numbers = #tpu.dot_dimension_numbers<[1], [0], [0], [1], [0, 0, 1, 1], [], []>, transpose_lhs_hint = false} : vector<256x128xf32>, vector<128x128xf32>, vector<256x128xf32> -> vector<256x128xf32>
    %get3A_31 = arith.constant 0 : index
    %get3A_32 = arith.constant 0 : index
    %get3A_33 = vector.load %arg6[%get3A_31, %get3A_32] : memref<1x128xf32, #tpu.memory_space<vmem>>, vector<1x128xf32>
    %add3A_34 = vector.broadcast %get3A_33 : vector<1x128xf32> to vector<256x128xf32>
    %add3A_35 = arith.addf %dot_general3A_30, %add3A_34 : vector<256x128xf32>
    %max3A_36 = arith.constant 0.000000e+00 : f32
    %max3A_37 = vector.broadcast %max3A_36 : f32 to vector<256x128xf32>
    %max3A_38 = arith.maximumf %add3A_35, %max3A_37 : vector<256x128xf32>
    %mul3A = arith.constant 256 : i32
    %mul3A_39 = arith.muli %arg0, %mul3A : i32
    %iota3A = tpu.iota {dimensions = array<i32: 0>} : vector<256x128xi32>
    %add3A_40 = vector.broadcast %mul3A_39 : i32 to vector<256x128xi32>
    %add3A_41 = arith.addi %add3A_40, %iota3A : vector<256x128xi32>
    %lt3A = arith.constant 10000 : i32
    %lt3A_42 = vector.broadcast %lt3A : i32 to vector<256x128xi32>
    %lt3A_43 = arith.cmpi slt, %add3A_41, %lt3A_42 : vector<256x128xi32>
    %jit3A = arith.constant 0.000000e+00 : f32
    %broadcast_in_dim3A = vector.broadcast %jit3A : f32 to vector<256x128xf32>
    %select_n3A = arith.select %lt3A_43, %max3A_38, %broadcast_in_dim3A : vector<256x128xi1>, vector<256x128xf32>
    %get3A_44 = arith.constant 0 : index
    %get3A_45 = arith.constant 0 : index
    %get3A_46 = arith.constant 0 : index
    %get3A_47 = vector.load %arg7[%get3A_44, %get3A_45, %get3A_46] : memref<1x1x256xi32, #tpu.memory_space<vmem>>, vector<1x1x256xi32>
    %get3A_48 = vector.shape_cast %get3A_47 : vector<1x1x256xi32> to vector<256xi32>
    %iota3A_49 = tpu.iota {dimensions = array<i32: 0>} : vector<128x256xi32>
    %broadcast_in_dim3A_50 = vector.shape_cast %get3A_48 : vector<256xi32> to vector<1x256xi32>
    %eq3A_51 = vector.broadcast %broadcast_in_dim3A_50 : vector<1x256xi32> to vector<128x256xi32>
    %eq3A_52 = arith.cmpi eq, %eq3A_51, %iota3A_49 : vector<128x256xi32>
    %convert_element_type3A_53 = arith.extui %eq3A_52 : vector<128x256xi1> to vector<128x256xi32>
    %convert_element_type3A_54 = arith.sitofp %convert_element_type3A_53 : vector<128x256xi32> to vector<128x256xf32>
    %get3A_55 = arith.constant 0 : index
    %get3A_56 = arith.constant 0 : index
    %get3A_57 = vector.load %arg17[%get3A_55, %get3A_56] : memref<128x128xf32, #tpu.memory_space<vmem>>, vector<128x128xf32>
    %dot_general3A_58 = arith.constant dense<0.000000e+00> : vector<128x128xf32>
    %dot_general3A_59 = tpu.matmul %convert_element_type3A_54, %select_n3A, %dot_general3A_58 {dimension_numbers = #tpu.dot_dimension_numbers<[1], [0], [0], [1], [0, 0, 1, 1], [], []>, transpose_lhs_hint = false} : vector<128x256xf32>, vector<256x128xf32>, vector<128x128xf32> -> vector<128x128xf32>
    %add3A_60 = arith.addf %get3A_57, %dot_general3A_59 : vector<128x128xf32>
    %swap3A = arith.constant 0 : index
    %swap3A_61 = arith.constant 0 : index
    %swap3A_62 = vector.load %arg17[%swap3A, %swap3A_61] : memref<128x128xf32, #tpu.memory_space<vmem>>, vector<128x128xf32>
    tpu.vector_store %arg17[%swap3A, %swap3A_61], %add3A_60 {strides = array<i32>} : memref<128x128xf32, #tpu.memory_space<vmem>>, vector<128x128xf32>,
    %get3A_63 = arith.constant 0 : index
    %get3A_64 = arith.constant 0 : index
    %get3A_65 = vector.load %arg18[%get3A_63, %get3A_64] : memref<128x128xf32, #tpu.memory_space<vmem>>, vector<128x128xf32>
    %reduce_sum3A = arith.constant dense<0.000000e+00> : vector<128xf32>
    %reduce_sum3A_66 = vector.multi_reduction <add>, %convert_element_type3A_54, %reduce_sum3A [1] : vector<128x256xf32> to vector<128xf32>
    %broadcast_in_dim3A_67 = vector.shape_cast %reduce_sum3A_66 : vector<128xf32> to vector<128x1xf32>
    %broadcast_in_dim3A_68 = vector.shape_cast %broadcast_in_dim3A_67 : vector<128x1xf32> to vector<128x1xf32>
    %broadcast_in_dim3A_69 = vector.broadcast %broadcast_in_dim3A_68 : vector<128x1xf32> to vector<128x128xf32>
    %add3A_70 = arith.addf %get3A_65, %broadcast_in_dim3A_69 : vector<128x128xf32>
    %swap3A_71 = arith.constant 0 : index
    %swap3A_72 = arith.constant 0 : index
    %swap3A_73 = vector.load %arg18[%swap3A_71, %swap3A_72] : memref<128x128xf32, #tpu.memory_space<vmem>>, vector<128x128xf32>
    tpu.vector_store %arg18[%swap3A_71, %swap3A_72], %add3A_70 {strides = array<i32>} : memref<128x128xf32, #tpu.memory_space<vmem>>, vector<128x128xf32>,
    %eq3A_74 = arith.constant 39 : i32
    %eq3A_75 = arith.cmpi eq, %arg0, %eq3A_74 : i32
    %convert_element_type3A_76 = arith.extui %eq3A_75 : i1 to i32
    %cond3A_77 = arith.constant 0 : i32
    %cond3A_78 = arith.cmpi ne, %convert_element_type3A_76, %cond3A_77 : i32
    scf.if %cond3A_78 {
      %get3A_79 = arith.constant 0 : index
      %get3A_80 = arith.constant 0 : index
      %get3A_81 = vector.load %arg17[%get3A_79, %get3A_80] : memref<128x128xf32, #tpu.memory_space<vmem>>, vector<128x128xf32>
      %get3A_82 = arith.constant 0 : index
      %get3A_83 = arith.constant 0 : index
      %get3A_84 = vector.load %arg18[%get3A_82, %get3A_83] : memref<128x128xf32, #tpu.memory_space<vmem>>, vector<128x128xf32>
      %max3A_85 = arith.constant 1.000000e+00 : f32
      %max3A_86 = vector.broadcast %max3A_85 : f32 to vector<128x128xf32>
      %max3A_87 = arith.maximumf %get3A_84, %max3A_86 : vector<128x128xf32>
      %div3A = arith.divf %get3A_81, %max3A_87 : vector<128x128xf32>
      %get3A_88 = arith.constant 0 : index
      %get3A_89 = arith.constant 0 : index
      %get3A_90 = vector.load %arg8[%get3A_88, %get3A_89] : memref<128x256xf32, #tpu.memory_space<vmem>>, vector<128x256xf32>
      %dot_general3A_91 = arith.constant dense<0.000000e+00> : vector<128x256xf32>
      %dot_general3A_92 = tpu.matmul %div3A, %get3A_90, %dot_general3A_91 {dimension_numbers = #tpu.dot_dimension_numbers<[1], [0], [0], [1], [0, 0, 1, 1], [], []>, transpose_lhs_hint = false} : vector<128x128xf32>, vector<128x256xf32>, vector<128x256xf32> -> vector<128x256xf32>
      %get3A_93 = arith.constant 0 : index
      %get3A_94 = arith.constant 0 : index
      %get3A_95 = vector.load %arg9[%get3A_93, %get3A_94] : memref<1x256xf32, #tpu.memory_space<vmem>>, vector<1x256xf32>
      %add3A_96 = vector.broadcast %get3A_95 : vector<1x256xf32> to vector<128x256xf32>
      %add3A_97 = arith.addf %dot_general3A_92, %add3A_96 : vector<128x256xf32>
      %get3A_98 = arith.constant 0 : index
      %get3A_99 = arith.constant 0 : index
      %get3A_100 = vector.load %arg12[%get3A_98, %get3A_99] : memref<1x256xf32, #tpu.memory_space<vmem>>, vector<1x256xf32>
      %sub3A = vector.broadcast %get3A_100 : vector<1x256xf32> to vector<128x256xf32>
      %sub3A_101 = arith.subf %add3A_97, %sub3A : vector<128x256xf32>
      %get3A_102 = arith.constant 0 : index
      %get3A_103 = arith.constant 0 : index
      %get3A_104 = vector.load %arg13[%get3A_102, %get3A_103] : memref<1x256xf32, #tpu.memory_space<vmem>>, vector<1x256xf32>
      %add3A_105 = arith.constant 9.99999974E-6 : f32
      %add3A_106 = vector.broadcast %add3A_105 : f32 to vector<1x256xf32>
      %add3A_107 = arith.addf %get3A_104, %add3A_106 : vector<1x256xf32>
      %rsqrt3A = math.rsqrt %add3A_107 : vector<1x256xf32>
      %mul3A_108 = vector.broadcast %rsqrt3A : vector<1x256xf32> to vector<128x256xf32>
      %mul3A_109 = arith.mulf %sub3A_101, %mul3A_108 : vector<128x256xf32>
      %get3A_110 = arith.constant 0 : index
      %get3A_111 = arith.constant 0 : index
      %get3A_112 = vector.load %arg10[%get3A_110, %get3A_111] : memref<1x256xf32, #tpu.memory_space<vmem>>, vector<1x256xf32>
      %mul3A_113 = vector.broadcast %get3A_112 : vector<1x256xf32> to vector<128x256xf32>
      %mul3A_114 = arith.mulf %mul3A_109, %mul3A_113 : vector<128x256xf32>
      %get3A_115 = arith.constant 0 : index
      %get3A_116 = arith.constant 0 : index
      %get3A_117 = vector.load %arg11[%get3A_115, %get3A_116] : memref<1x256xf32, #tpu.memory_space<vmem>>, vector<1x256xf32>
      %add3A_118 = vector.broadcast %get3A_117 : vector<1x256xf32> to vector<128x256xf32>
      %add3A_119 = arith.addf %mul3A_114, %add3A_118 : vector<128x256xf32>
      %max3A_120 = arith.constant 0.000000e+00 : f32
      %max3A_121 = vector.broadcast %max3A_120 : f32 to vector<128x256xf32>
      %max3A_122 = arith.maximumf %add3A_119, %max3A_121 : vector<128x256xf32>
      %get3A_123 = arith.constant 0 : index
      %get3A_124 = arith.constant 0 : index
      %get3A_125 = vector.load %arg14[%get3A_123, %get3A_124] : memref<256x128xf32, #tpu.memory_space<vmem>>, vector<256x128xf32>
      %dot_general3A_126 = arith.constant dense<0.000000e+00> : vector<128x128xf32>
      %dot_general3A_127 = tpu.matmul %max3A_122, %get3A_125, %dot_general3A_126 {dimension_numbers = #tpu.dot_dimension_numbers<[1], [0], [0], [1], [0, 0, 1, 1], [], []>, transpose_lhs_hint = false} : vector<128x256xf32>, vector<256x128xf32>, vector<128x128xf32> -> vector<128x128xf32>
      %get3A_128 = arith.constant 0 : index
      %get3A_129 = arith.constant 0 : index
      %get3A_130 = vector.load %arg15[%get3A_128, %get3A_129] : memref<1x128xf32, #tpu.memory_space<vmem>>, vector<1x128xf32>
      %add3A_131 = vector.broadcast %get3A_130 : vector<1x128xf32> to vector<128x128xf32>
      %add3A_132 = arith.addf %dot_general3A_127, %add3A_131 : vector<128x128xf32>
      %swap3A_133 = arith.constant 0 : index
      %swap3A_134 = arith.constant 0 : index
      %swap3A_135 = vector.load %arg16[%swap3A_133, %swap3A_134] : memref<128x128xf32, #tpu.memory_space<vmem>>, vector<128x128xf32>
      tpu.vector_store %arg16[%swap3A_133, %swap3A_134], %add3A_132 {strides = array<i32>} : memref<128x128xf32, #tpu.memory_space<vmem>>, vector<128x128xf32>,
    } else {
    }
    return
  }
  func.func @transform_0(%arg0: i32) -> (i32, i32) {
    %c0_i32 = arith.constant 0 : i32
    %c0_i32_0 = arith.constant 0 : i32
    return %arg0, %c0_i32 : i32, i32
  }
  func.func @transform_1(%arg0: i32) -> (i32, i32, i32) {
    %c0_i32 = arith.constant 0 : i32
    %c0_i32_0 = arith.constant 0 : i32
    %c0_i32_1 = arith.constant 0 : i32
    return %c0_i32, %arg0, %c0_i32_0 : i32, i32, i32
  }
  func.func @transform_2(%arg0: i32) -> (i32, i32) {
    %c0_i32 = arith.constant 0 : i32
    %c0_i32_0 = arith.constant 0 : i32
    %c0_i32_1 = arith.constant 0 : i32
    return %c0_i32, %c0_i32_0 : i32, i32
  }
  func.func @transform_3(%arg0: i32) -> (i32, i32) {
    %c0_i32 = arith.constant 0 : i32
    %c0_i32_0 = arith.constant 0 : i32
    %c0_i32_1 = arith.constant 0 : i32
    return %c0_i32, %c0_i32_0 : i32, i32
  }
  func.func @transform_4(%arg0: i32) -> (i32, i32) {
    %c0_i32 = arith.constant 0 : i32
    %c0_i32_0 = arith.constant 0 : i32
    %c0_i32_1 = arith.constant 0 : i32
    return %c0_i32, %c0_i32_0 : i32, i32
  }
  func.func @transform_5(%arg0: i32) -> (i32, i32) {
    %c0_i32 = arith.constant 0 : i32
    %c0_i32_0 = arith.constant 0 : i32
    %c0_i32_1 = arith.constant 0 : i32
    return %c0_i32, %c0_i32_0 : i32, i32
  }
  func.func @transform_6(%arg0: i32) -> (i32, i32, i32) {
    %c0_i32 = arith.constant 0 : i32
    %c0_i32_0 = arith.constant 0 : i32
    %c0_i32_1 = arith.constant 0 : i32
    return %arg0, %c0_i32, %c0_i32_0 : i32, i32, i32
  }
  func.func @transform_7(%arg0: i32) -> (i32, i32) {
    %c0_i32 = arith.constant 0 : i32
    %c0_i32_0 = arith.constant 0 : i32
    %c0_i32_1 = arith.constant 0 : i32
    return %c0_i32, %c0_i32_0 : i32, i32
  }
  func.func @transform_8(%arg0: i32) -> (i32, i32) {
    %c0_i32 = arith.constant 0 : i32
    %c0_i32_0 = arith.constant 0 : i32
    %c0_i32_1 = arith.constant 0 : i32
    return %c0_i32, %c0_i32_0 : i32, i32
  }
  func.func @transform_9(%arg0: i32) -> (i32, i32) {
    %c0_i32 = arith.constant 0 : i32
    %c0_i32_0 = arith.constant 0 : i32
    %c0_i32_1 = arith.constant 0 : i32
    return %c0_i32, %c0_i32_0 : i32, i32
  }
  func.func @transform_10(%arg0: i32) -> (i32, i32) {
    %c0_i32 = arith.constant 0 : i32
    %c0_i32_0 = arith.constant 0 : i32
    %c0_i32_1 = arith.constant 0 : i32
    return %c0_i32, %c0_i32_0 : i32, i32
  }
  func.func @transform_11(%arg0: i32) -> (i32, i32) {
    %c0_i32 = arith.constant 0 : i32
    %c0_i32_0 = arith.constant 0 : i32
    %c0_i32_1 = arith.constant 0 : i32
    return %c0_i32, %c0_i32_0 : i32, i32
  }
  func.func @transform_12(%arg0: i32) -> (i32, i32) {
    %c0_i32 = arith.constant 0 : i32
    %c0_i32_0 = arith.constant 0 : i32
    %c0_i32_1 = arith.constant 0 : i32
    return %c0_i32, %c0_i32_0 : i32, i32
  }
  func.func @transform_13(%arg0: i32) -> (i32, i32) {
    %c0_i32 = arith.constant 0 : i32
    %c0_i32_0 = arith.constant 0 : i32
    %c0_i32_1 = arith.constant 0 : i32
    return %c0_i32, %c0_i32_0 : i32, i32
  }
  func.func @transform_14(%arg0: i32) -> (i32, i32) {
    %c0_i32 = arith.constant 0 : i32
    %c0_i32_0 = arith.constant 0 : i32
    %c0_i32_1 = arith.constant 0 : i32
    return %c0_i32, %c0_i32_0 : i32, i32
  }
  func.func @transform_15(%arg0: i32) -> (i32, i32) {
    %c0_i32 = arith.constant 0 : i32
    %c0_i32_0 = arith.constant 0 : i32
    %c0_i32_1 = arith.constant 0 : i32
    return %c0_i32, %c0_i32_0 : i32, i32
  }
}

</mosaic_0001>

<sc_bundles>
// kernel: kernel.11.cloned.1.call-start
scs
__scs_entry_jumppad:
0x0: {  	(pc) =	sbr.rel $0x88, $3  }
0x1: {  	(tag) =	ssettag $0x0;
	lr =	simm.s32 $0x1  }
0x2: {  	[smem:$0x3F8A] =	sst lr;
	_ =	strace $0xD0000000  }
0x3: {  	_ = 	snop  }
0x4: {  	_ = 	snop  }
0x5: {  	_ = 	snop  }
0x6: {  	_ = 	snop  }
0x7: {  	_ = 	snop  }
__scs_overlays_trampoline_lowered:
0x8: {  	[smem:$0x3F99] =	sst s0  }
0x9: {  	[smem:$0x3F9A] =	sst s1  }
0xa: {  	[smem:$0x3F9B] =	sst s2  }
0xb: {  	[smem:$0x3F9C] =	sst s3  }
0xc: {  	[smem:$0x3F9D] =	sst s4  }
0xd: {  	[smem:$0x3F9E] =	sst s5  }
0xe: {  	[smem:$0x3F9F] =	sst s6  }
0xf: {  	[smem:$0x3FA0] =	sst s7  }
0x10: {  	[smem:$0x3FA1] =	sst s8  }
0x11: {  	[smem:$0x3FA2] =	sst s9;
	s0 =	simm.s32 @!p0 $0x0  }
0x12: {  	s1 =	sld [smem:$0x3F88];
	s0 =	simm.s32 @p0 $0x1  }
0x13: {  	[smem:$0x3FA3] =	sst s0;
	s0 =	simm.s32 @!p1 $0x0  }
0x14: {  	s2 =	sld [smem:$0x3F87];
	s0 =	simm.s32 @p1 $0x1  }
0x15: {  	[smem:$0x3FA4] =	sst s0;
	s0 =	simm.s32 @!p2 $0x0  }
0x16: {  	s3 =	sld [smem:$0x3FDB];
	s0 =	simm.s32 @p2 $0x1  }
0x17: {  	s4 =	simm.s32 $0x1BF5;
	[smem:$0x3FA6] =	sst s0  }
0x18: {  	s0 =	sld [smem:$0x3F89];
	_ =	swait.ge [sflag:s4], $0x0  }
0x19: {  	s7 =	sld [smem:$0x3F8A]  }
0x1a: {  	s8 =	sadd.s32 $0xFFFFE003, lr  }
0x1b: {  	s9 =	sadd.s32 $0xFFFFFEF7, lr;
	s5 =	simm.s32 $0xFFFFFFFF;
	p2 =	slt.u32 s8, $0xFFFFF086  }
0x1c: {  	p1 =	slt.u32 s9, $0xF7A;
	s5 =	simm.s32 @!p2 $0x0  }
0x1d: {  	s5 =	simm.s32 @p1 $0x1;
	p0 =	seq.s32 s7, s2  }
0x1e: {  	s7 =	smul.u32 @!p0 $0xF7A, s2;
	p2 =	seq.s32 @!p0 s5, $0x0  }
0x1f: {  	s9 =	smul.u32 $0xF7A, s1;
	s8 =	simm.s32 @!p0 $0x1BF5;
	p2 =	por !p2, p0  }
0x20: {  	[sflag:s8] =	ssyncset.s32 @!p0 $0xFFFFF086;
	s6 =	sadd.s32 @!p0 s3, s7;
	s7 =	simm.s32 @!p0 $0x108  }
0x21: {  	s3 =	sadd.s32 s3, s9;
	s6 =	sadd.s32 @!p0 $0x88, s6;
	s7 =	simm.s32 @p2 $0x1082  }
0x22: {  	[simem:s7], [sflag:s8] =	dma.local @!p0 [hbm:s6], $0xF7A  }
0x23: {  	s9 =	sor.u32 $0xD0000000, s2;
	s6 =	simm.s32 $0x108;
	_ =	swait.ge @!p0 [sflag:s8], $0x0  }
0x24: {  	s3 =	sadd.s32 $0x88, s3;
	s6 =	simm.s32 @!p1 $0x1082;
	[sflag:s4] =	ssyncset.s32 $0xFFFFF086  }
0x25: {  	[simem:s6], [sflag:s4] =	dma.local [hbm:s3], $0xF7A  }
0x26: {  	[smem:$0x3F8A] =	sst s1;
	(tag) =	ssettag s2;
	_ =	strace s9  }
0x27: {  	s1 =	sld [smem:$0x3F9A]  }
0x28: {  	s2 =	sld [smem:$0x3F9B]  }
0x29: {  	s4 =	sld [smem:$0x3F9D]  }
0x2a: {  	p0 =	seq.s32 s5, $0x0;
	s5 =	sld [smem:$0x3F9E]  }
0x2b: {  	s6 =	sld [smem:$0x3F9F]  }
0x2c: {  	s7 =	sld [smem:$0x3FA0]  }
0x2d: {  	s3 =	simm.s32 $0x108;
	s8 =	sld [smem:$0x3FA1]  }
0x2e: {  	s3 =	simm.s32 @!p0 $0x1082;
	s9 =	sld [smem:$0x3FA2]  }
0x2f: {  	lr =	sadd.s32 s0, s3;
	s0 =	sld [smem:$0x3F99]  }
0x30: {  	s3 =	sld [smem:$0x3F9C]  }
0x31: {  	[smem:$0x3FA5] =	sst s10  }
0x32: {  	s10 =	sld [smem:$0x3FA3];
	_ =	sdelay $0x3  }
0x33: {  	p0 =	seq.s32 s10, $0x1;
	s10 =	sld [smem:$0x3FA5];
	_ =	sdelay $0x3  }
0x34: {  	[smem:$0x3FA5] =	sst s10  }
0x35: {  	s10 =	sld [smem:$0x3FA4];
	_ =	sdelay $0x3  }
0x36: {  	p1 =	seq.s32 s10, $0x1;
	s10 =	sld [smem:$0x3FA5];
	_ =	sdelay $0x3  }
0x37: {  	[smem:$0x3FA5] =	sst s10  }
0x38: {  	s10 =	sld [smem:$0x3FA6]  }
0x39: {  	_ = 	snop;
	(pc) =	sbr.ind lr, $3  }
0x3a: {  	_ = 	snop  }
0x3b: {  	_ = 	snop  }
0x3c: {  	p2 =	seq.s32 s10, $0x1;
	s10 =	sld [smem:$0x3FA5]  }
0x3d: {  	_ =	shalt  }
0x3e: {  	_ =	shalt  }
0x3f: {  	_ =	shalt  }
0x40: {  	_ =	shalt  }
0x41: {  	_ =	shalt  }
0x42: {  	_ =	shalt  }
0x43: {  	_ =	shalt  }
0x44: {  	_ =	shalt  }
0x45: {  	_ =	shalt  }
0x46: {  	_ =	shalt  }
0x47: {  	_ =	shalt  }
0x48: {  	_ =	shalt  }
0x49: {  	_ =	shalt  }
0x4a: {  	_ =	shalt  }
0x4b: {  	_ =	shalt  }
0x4c: {  	_ =	shalt  }
0x4d: {  	_ =	shalt  }
0x4e: {  	_ =	shalt  }
0x4f: {  	_ =	shalt  }
0x50: {  	_ =	shalt  }
0x51: {  	_ =	shalt  }
0x52: {  	_ =	shalt  }
0x53: {  	_ =	shalt  }
0x54: {  	_ =	shalt  }
0x55: {  	_ =	shalt  }
0x56: {  	_ =	shalt  }
0x57: {  	_ =	shalt  }
0x58: {  	_ =	shalt  }
0x59: {  	_ =	shalt  }
0x5a: {  	_ =	shalt  }
0x5b: {  	_ =	shalt  }
0x5c: {  	_ =	shalt  }
0x5d: {  	_ =	shalt  }
0x5e: {  	_ =	shalt  }
0x5f: {  	_ =	shalt  }
0x60: {  	_ =	shalt  }
0x61: {  	_ =	shalt  }
0x62: {  	_ =	shalt  }
0x63: {  	_ =	shalt  }
0x64: {  	_ =	shalt  }
0x65: {  	_ =	shalt  }
0x66: {  	_ =	shalt  }
0x67: {  	_ =	shalt  }
0x68: {  	_ =	shalt  }
0x69: {  	_ =	shalt  }
0x6a: {  	_ =	shalt  }
0x6b: {  	_ =	shalt  }
0x6c: {  	_ =	shalt  }
0x6d: {  	_ =	shalt  }
0x6e: {  	_ =	shalt  }
0x6f: {  	_ =	shalt  }
0x70: {  	_ =	shalt  }
0x71: {  	_ =	shalt  }
0x72: {  	_ =	shalt  }
0x73: {  	_ =	shalt  }
0x74: {  	_ =	shalt  }
0x75: {  	_ =	shalt  }
0x76: {  	_ =	shalt  }
0x77: {  	_ =	shalt  }
0x78: {  	_ =	shalt  }
0x79: {  	_ =	shalt  }
0x7a: {  	_ =	shalt  }
0x7b: {  	_ =	shalt  }
0x7c: {  	_ =	shalt  }
0x7d: {  	_ =	shalt  }
0x7e: {  	_ =	shalt  }
0x7f: {  	_ =	shalt  }
0x80: {  	_ =	shalt  }
0x81: {  	_ =	shalt  }
0x82: {  	_ =	shalt  }
0x83: {  	_ =	shalt  }
0x84: {  	_ =	shalt  }
0x85: {  	_ =	shalt  }
0x86: {  	_ =	shalt  }
0x87: {  	_ =	shalt  }
.Lfunc_end0:
.L_simem_size_0:
called_computation.1_lowered:
.L_overlay_start_0:
0x88: {  	s2 =	sld [smem:$0x3FD9]  }
0x89: {  	s3 =	sld [smem:$0x3FFE];
	_ =	sdelay $0x1  }
0x8a: {  	s1 =	srdreg.scid  }
0x8b: {  	s0 =	sand.u32 $0x1, s1  }
0x8c: {  	s16 =	sshll.u32 s0, $0xA;
	s2 =	sadd.s32 s3, s2  }
0x8d: {  	s2 =	sadd.s32 s2, s16  }
0x8e: {  	[smem:$0x3FB1] =	sst s2  }
0x8f: {  	_ = 	snop  }
0x90: {  	(tm) =	ssettm $0x1  }
0x91: {  	s17 =	sld [smem:$0x3FFB];
	_ =	sdelay $0x3  }
0x92: {  	_ =	strace s17  }
0x93: {  	s2 =	sld [smem:$0x3FFC];
	_ =	sdelay $0x3  }
0x94: {  	_ =	strace s2  }
0x95: {  	s2 =	sld [smem:$0x3FFD];
	_ =	sdelay $0x3  }
0x96: {  	_ =	strace s2  }
0x97: {  	_ =	strace $0x8FFFFFFF  }
0x98: {  	s18 =	sld [smem:$0x3FDB];
	_ =	sdelay $0x1  }
0x99: {  	s19 =	simm.s32 $_scs_section_size  }
0x9a: {  	s4 =	simm.s32 $_size__tile_overlayer_lowered;
	s5 =	simm.s32 $_tile_overlayer_lowered  }
0x9b: {  	s22 =	simm.s32 $0x1BFF;
	s21 =	sshll.u32 s5, $0x1;
	s2 =	sadd.s32 s19, s18  }
0x9c: {  	s6 =	simm.s32 $0x0;
	s20 =	sshll.u32 s4, $0x1;
	s4 =	sadd.s32 s21, s2  }
0x9d: {  	[timem:s6], [sflag:s22] =	dma.local [hbm:s4], s20  }
0x9e: {  	_ =	swait.ge [sflag:s22], s20  }
0x9f: {  	s3 =	ssub.s32 $0x0, s20;
	[sflag:s22] =	ssyncset.done $0x0  }
0xa0: {  	[sflag:s22] =	ssyncadd.s32 s3;
	_ =	sdelay $0x1  }
0xa1: {  	s23 =	simm.s32 $0x1B8B  }
0xa2: {  	_ =	swait.ge [sflag:s23], $0x1  }
0xa3: {  	[sflag:s23] =	ssyncset.done $0x0  }
0xa4: {  	s25 =	simm.s32 $0x1B8E;
	s24 =	sld [smem:$0x3FFE];
	[sflag:s23] =	ssyncadd.s32 $0xFFFFFFFF  }
0xa5: {  	s26 =	simm.s32 $execute0_lowered;
	[smem:$0x3FD2] =	sst s25  }
0xa6: {  	s4 =	sshll.u32 s26, $0x1;
	_ =	strace $0x80000049;
	[dreg:$0x1] =	wrdreg $0xFFFFFFFF  }
0xa7: {  	s28 =	simm.s32 $_size_execute0_lowered;
	s2 =	sadd.s32 s2, s4;
	[dreg:$0x0] =	wrdreg $0x0  }
0xa8: {  	s4 =	sshll.u32 s28, $0x1;
	[dreg:$0x2] =	wrdreg s2  }
0xa9: {  	[dreg:$0x3] =	wrdreg s4  }
0xaa: {  	[dreg:$0x4] =	wrdreg $0xC0  }
0xab: {  	_ =	task [dreg:s6], $0x5FFFF  }
0xac: {  	[dreg:$0x1] =	wrdreg $0xFFFFFFFF  }
0xad: {  	[dreg:$0x0] =	wrdreg $0x60  }
0xae: {  	[dreg:$0x2] =	wrdreg s24  }
0xaf: {  	[dreg:$0x3] =	wrdreg $0xC0000  }
0xb0: {  	[dreg:$0x4] =	wrdreg $0x9  }
0xb1: {  	_ =	task.clear_ibuf [dreg:s6], $0x5FFFF;
	_ =	strace $0x90000049  }
0xb2: {  	s29 =	simm.s32 $0x9;
	_ =	strace $0x8000004B  }
0xb3: {  	_ =	swait.ge [sflag:s29], $0x1  }
0xb4: {  	[sflag:s29] =	ssyncadd.s32 $0xFFFFFFFF  }
0xb5: {  	_ =	strace $0x9000004B  }
0xb6: {  	_ =	sfence  }
0xb7: {  	s30 =	sld [smem:$0x0];
	_ =	sdelay $0x2  }
0xb8: {  	s31 =	sshll.u32 s1, $0xD;
	s1 =	sshrl.u32 s1, $0x2  }
0xb9: {  	s3 =	sand.u32 $0x4000, s31;
	s1 =	sadd.s32 s1, s30  }
0xba: {  	s0 =	sor.u32 s3, s0;
	s1 =	sshll.u32 s1, $0x11  }
0xbb: {  	s0 =	sor.u32 s1, s0  }
0xbc: {  	s0 =	sadd.s32 $0x8F2B, s0  }
0xbd: {  	[sflag:s0] =	ssyncadd.remote.s32 $0x1  }
0xbe: {  	_ =	sfence.sel $0xFFFF  }
0xbf: {  	[dreg:$0x0] =	wrdreg $0xFFFFFFFF;
	(pc) =	sbr.abs _section_cstart, $3  }
0xc0: {  	[dreg:$0x1] =	wrdreg $0xFFFFFFFF  }
0xc1: {  	_ =	task.clear_ibuf [dreg:s6], $0x2FFFF;
	_ =	strace $0x9FFFFFFF  }
0xc2: {  	(tm) =	ssettm $0x7FFFFFFF  }
0xc3: {  	_ =	shalt  }
tec
execute0_lowered:
.L_overlay_start_1:
0x0: {  	(tag) =	ssettag $0x1  }
0x1: {  	s0 =	rddreg [dreg:$0x0]  }
0x2: {  	s1 =	rddreg [dreg:$0x1]  }
0x3: {  	s2 =	srdreg.scid;
	s11 =	stileid.u32  }
0x4: {  	s3 =	simm.s32 $0x0;
	s31 =	simm.s32 $0x1800;
	s7 =	smul.u32 $0x13C00, s11  }
0x5: {  	s28 =	simm.s32 $0x70;
	s30 =	simm.s32 $0x5000;
	s10 =	smul.u32 $0x4F000, s11  }
0x6: {  	s2 =	sand.u32 $0x1, s2;
	[smem:$0x7FF] =	sst s3;
	s26 =	smul.u32 $0x2B800, s11  }
0x7: {  	s4 =	sadd.s32 $0x4000, s0;
	s5 =	sadd.s32 $0x2C000, s0;
	s6 =	smul.u32 $0x140000, s2  }
0x8: {  	_ =	strace $0x8000004A;
	s8 =	sshll.u32 s2, $0x4;
	s15 =	ssub.s32 $0x2, s2  }
0x9: {  	p0 =	seq.s32 s2, $0x0;
	s2 =	smul.u32 $0x2B8000, s2;
	s18 =	sshrl.u32 s10, $0x2  }
0xa: {  	s14 =	sor.u32 s11, s8;
	s12 =	sadd.s32 s18, s1;
	s18 =	simm.s32 $0x480  }
0xb: {  	s9 =	sshrl.u32 s15, $0x1;
	s20 =	sadd.s32 $0x7000, s12;
	[dreg:$0x8] =	wrdreg s18  }
0xc: {  	s6 =	sadd.s32 s7, s6;
	s22 =	sadd.s32 $0xA800, s12;
	[dreg:$0x13] =	wrdreg s20  }
0xd: {  	s7 =	smul.u32 $0x2B800, s14;
	s23 =	sadd.s32 $0xE000, s12;
	[dreg:$0x14] =	wrdreg s22  }
0xe: {  	s8 =	ssub.s32 s15, s9;
	s24 =	sadd.s32 $0x11800, s12;
	[dreg:$0x15] =	wrdreg s23  }
0xf: {  	s11 =	sadd.s32 s26, s2;
	s8 =	smax.u32 s8, $0x1;
	[dreg:$0x16] =	wrdreg s24  }
0x10: {  	s6 =	sshrl.u32 s6, $0x3;
	[dreg:$0x18] =	wrdreg s8;
	s20 =	simm.s32 $0xC80  }
0x11: {  	s14 =	sadd.s32 $0x2800, s11;
	s22 =	simm.s32 $0x1080;
	[dreg:$0xa] =	wrdreg s20  }
0x12: {  	s7 =	sshrl.u32 s7, $0x3;
	s23 =	simm.s32 $0x1480;
	[dreg:$0xb] =	wrdreg s22  }
0x13: {  	s0 =	sadd.s32 s6, s0;
	s16 =	sadd.s32 s5, s7;
	[dreg:$0xc] =	wrdreg s23  }
0x14: {  	s15 =	sshrl.u32 s14, $0x3;
	s0 =	sadd.s32 $0xDA000, s0;
	[dreg:$0xd] =	wrdreg s16  }
0x15: {  	s10 =	simm.s32 $0xA;
	s2 =	sadd.s32 s15, s5;
	[dreg:$0x17] =	wrdreg s0  }
0x16: {  	s6 =	simm.s32 $0xAE;
	s7 =	sadd.s32 $0x80, s16;
	[dreg:$0x19] =	wrdreg s2  }
0x17: {  	s24 =	sadd.s32 $0x1C00, s11;
	s17 =	sadd.s32 $0x100, s16;
	[dreg:$0xe] =	wrdreg s7  }
0x18: {  	s8 =	simm.s32 $0x7;
	s19 =	sadd.s32 $0x180, s16;
	[dreg:$0xf] =	wrdreg s17  }
0x19: {  	s6 =	simm.s32 @!p0 $0x6;
	s9 =	sadd.s32 $0x200, s16;
	[dreg:$0x10] =	wrdreg s19  }
0x1a: {  	s14 =	simm.s32 $0xB;
	s25 =	sadd.s32 $0xFFFFFFFE, s6;
	[dreg:$0x11] =	wrdreg s9  }
0x1b: {  	s26 =	sshrl.u32 s24, $0x3;
	s29 =	sadd.s32 $0xFFFFFFFD, s6;
	[dreg:$0x3] =	wrdreg s25  }
0x1c: {  	s15 =	simm.s32 $0xC;
	s13 =	sadd.s32 $0xFFFFFFFC, s6;
	[dreg:$0x4] =	wrdreg s29  }
0x1d: {  	s21 =	smul.u32 $0xAB, s6;
	s16 =	simm.s32 $0x80;
	[dreg:$0x5] =	wrdreg s13  }
0x1e: {  	s0 =	sadd.s32 $0x1800, s11;
	s7 =	sadd.s32 $0x3800, s12;
	[dreg:$0x7] =	wrdreg s16  }
0x1f: {  	s17 =	sadd.s32 $0x2400, s11;
	[dreg:$0x12] =	wrdreg s7;
	s7 =	sshrl.u32 s21, $0xA  }
0x20: {  	s19 =	simm.s32 $0x880;
	[dreg:$0x1d] =	wrdreg s0;
	s7 =	smul.u32 $0x6, s7  }
0x21: {  	s25 =	sadd.s32 $0x1400, s11;
	s0 =	simm.s32 $0xD;
	[dreg:$0x9] =	wrdreg s19  }
0x22: {  	s9 =	simm.s32 $0x8;
	[dreg:$0x6] =	wrdreg s7;
	s7 =	sshrl.u32 s17, $0x3  }
0x23: {  	s21 =	sadd.s32 $0x2000, s11;
	s2 =	sshrl.u32 s25, $0x3;
	s7 =	sadd.s32 s7, s5  }
0x24: {  	s29 =	sadd.s32 s2, s5;
	[dreg:$0x1a] =	wrdreg s7;
	s7 =	sshrl.u32 s21, $0x3  }
0x25: {  	s13 =	simm.s32 $0x8800;
	[dreg:$0x1e] =	wrdreg s29;
	s7 =	sadd.s32 s7, s5  }
0x26: {  	s16 =	simm.s32 $0x0;
	[dreg:$0x1b] =	wrdreg s7;
	s7 =	sadd.s32 s26, s5  }
0x27: {  	v0 =	vimm.f32 $0.0e+00;
	s11 =	simm.s32 $0x9;
	s17 =	simm.s32 $0x400;
	[dreg:$0x1c] =	wrdreg s7  }
.LBB2_1:
0x28: {  	s2 =	rddreg [dreg:$0xd]  }
0x29: {  	s22 =	rddreg [dreg:$0xe]  }
0x2a: {  	[tilespmem:s3], [sflag:$0x1] =	stream.linear.gather [hbm4b:s2+s3], $0x400, $0x38;
	[tilespmem:$0x1FC00] =	vst v63  }
0x2b: {  	s23 =	rddreg [dreg:$0xf]  }
0x2c: {  	[tilespmem:s17], [sflag:$0x2] =	stream.linear.gather [hbm4b:s22+s3], $0x400, $0x38;
	[tilespmem:$0x1FC00] =	vst v63  }
0x2d: {  	s7 =	simm.s32 $0x800;
	s24 =	rddreg [dreg:$0x10]  }
0x2e: {  	[tilespmem:s7], [sflag:$0x3] =	stream.linear.gather [hbm4b:s23+s3], $0x400, $0x38;
	[tilespmem:$0x1FC00] =	vst v63  }
0x2f: {  	s25 =	simm.s32 $0xC00;
	s26 =	rddreg [dreg:$0x11]  }
0x30: {  	[tilespmem:s25], [sflag:$0x4] =	stream.linear.gather [hbm4b:s24+s3], $0x400, $0x38;
	[tilespmem:$0x1FC00] =	vst v63  }
0x31: {  	s29 =	simm.s32 $0x1000;
	s19 =	simm.s32 $0x200;
	s7 =	simm.s32 $0x0  }
0x32: {  	[tilespmem:s29], [sflag:$0x5] =	stream.linear.gather [hbm4b:s26+s3], $0x400, $0x38;
	[tilespmem:$0x1FC00] =	vst v63  }
.LBB2_2:
0x33: {  	p0 =	sne.s32 s19, $0xDE00;
	[tilespmem:s7+$0x1870] =	vst v0  }
0x34: {  	[tilespmem:s7+$0x1800] =	vst v0  }
0x35: {  	[tilespmem:s7+$0x1810] =	vst v0  }
.Ltmp0:
0x36: {  	[tilespmem:s7+$0x1820] =	vst v0;
	(pc) =	sbr.rel @p0 .LBB2_2-.Ltmp0, $4  }
0x37: {  	[tilespmem:s7+$0x1830] =	vst v0  }
0x38: {  	[tilespmem:s7+$0x1840] =	vst v0  }
0x39: {  	[tilespmem:s7+$0x1850] =	vst v0  }
0x3a: {  	[tilespmem:s7+$0x1860] =	vst v0;
	s7 =	sshra.s32 s19, $0x2;
	s19 =	sadd.s32 $0x200, s19  }
0x3b: {  	[tilespmem:s7+$0x1870] =	vst v0  }
0x3c: {  	[tilespmem:s7+$0x1800] =	vst v0  }
0x3d: {  	[tilespmem:s7+$0x1810] =	vst v0  }
0x3e: {  	[tilespmem:s7+$0x1820] =	vst v0  }
0x3f: {  	[tilespmem:s7+$0x1830] =	vst v0  }
0x40: {  	[tilespmem:s7+$0x1840] =	vst v0  }
0x41: {  	[tilespmem:s7+$0x1850] =	vst v0  }
0x42: {  	[tilespmem:s7+$0x1860] =	vst v0  }
0x43: {  	[spmem:s12] =	stream.linear.scatter [tilespmem:s31], [sflag:$0xD], $0x3800, $0x38;
	[tilespmem:$0x1FC00] =	vst v63  }
0x44: {  	_ =	swait.ge [sflag:s0], $0x3800  }
0x45: {  	[sflag:s0] =	ssyncset.done $0x0  }
0x46: {  	s2 =	rddreg [dreg:$0x12];
	[sflag:s0] =	ssyncadd.s32 $0xFFFFC800  }
0x47: {  	[spmem:s2] =	stream.linear.scatter [tilespmem:s31], [sflag:$0xD], $0x3800, $0x38;
	[tilespmem:$0x1FC00] =	vst v63  }
0x48: {  	_ =	swait.ge [sflag:s0], $0x3800  }
0x49: {  	[sflag:s0] =	ssyncset.done $0x0  }
0x4a: {  	s22 =	rddreg [dreg:$0x13];
	[sflag:s0] =	ssyncadd.s32 $0xFFFFC800  }
0x4b: {  	[spmem:s22] =	stream.linear.scatter [tilespmem:s31], [sflag:$0xD], $0x3800, $0x38;
	[tilespmem:$0x1FC00] =	vst v63  }
0x4c: {  	_ =	swait.ge [sflag:s0], $0x3800  }
0x4d: {  	[sflag:s0] =	ssyncset.done $0x0  }
0x4e: {  	s23 =	rddreg [dreg:$0x14];
	[sflag:s0] =	ssyncadd.s32 $0xFFFFC800  }
0x4f: {  	[spmem:s23] =	stream.linear.scatter [tilespmem:s31], [sflag:$0xD], $0x3800, $0x38;
	[tilespmem:$0x1FC00] =	vst v63  }
0x50: {  	_ =	swait.ge [sflag:s0], $0x3800  }
0x51: {  	[sflag:s0] =	ssyncset.done $0x0  }
0x52: {  	s24 =	rddreg [dreg:$0x15];
	[sflag:s0] =	ssyncadd.s32 $0xFFFFC800  }
0x53: {  	[spmem:s24] =	stream.linear.scatter [tilespmem:s31], [sflag:$0xD], $0x3800, $0x38;
	[tilespmem:$0x1FC00] =	vst v63  }
0x54: {  	_ =	swait.ge [sflag:s0], $0x3800  }
0x55: {  	[sflag:s0] =	ssyncset.done $0x0  }
0x56: {  	s25 =	rddreg [dreg:$0x16];
	[sflag:s0] =	ssyncadd.s32 $0xFFFFC800  }
0x57: {  	[spmem:s25] =	stream.linear.scatter [tilespmem:s31], [sflag:$0xD], $0x2400, $0x38;
	[tilespmem:$0x1FC00] =	vst v63  }
0x58: {  	_ =	swait.ge [sflag:s0], $0x2400  }
0x59: {  	[sflag:s0] =	ssyncset.done $0x0  }
0x5a: {  	[sflag:s0] =	ssyncadd.s32 $0xFFFFDC00  }
0x5b: {  	s26 =	simm.s32 $0x1;
	[bflag:$0x0] =	sbarrier.arrive $0xFFFF  }
0x5c: {  	_ =	swait.ge [sflag:s26], $0x400  }
0x5d: {  	[sflag:s26] =	ssyncset.done $0x0  }
0x5e: {  	s29 =	simm.s32 $0x2;
	[sflag:s26] =	ssyncadd.s32 $0xFFFFFC00;
	s26 =	simm.s32 $0x0  }
0x5f: {  	[tilespmem:s31], [sflag:$0x7] =	stream.indirect.gather [hbm4b:s4+s28], $0x80, s26, s28, $0xb8;
	[tilespmem:$0x1FC00] =	vst v63  }
0x60: {  	_ =	swait.ge [sflag:s29], $0x400  }
0x61: {  	s25 =	rddreg [dreg:$0x1e]  }
0x62: {  	s24 =	rddreg [dreg:$0x1d]  }
0x63: {  	s23 =	rddreg [dreg:$0x1c]  }
0x64: {  	s22 =	rddreg [dreg:$0x1b]  }
0x65: {  	[sflag:s29] =	ssyncset.done $0x0;
	s21 =	rddreg [dreg:$0x1a]  }
0x66: {  	s7 =	rddreg [dreg:$0x19];
	[sflag:s29] =	ssyncadd.s32 $0xFFFFFC00  }
0x67: {  	[tilespmem:s30], [sflag:$0x8] =	stream.indirect.gather [hbm4b:s4+s28], $0x80, s17, s28, $0xb8;
	[tilespmem:$0x1FC00] =	vst v63  }
.LBB2_4:
0x68: {  	_ =	swait.ge [sflag:s8], $0x3800  }
0x69: {  	[sflag:s8] =	ssyncset.done $0x0  }
0x6a: {  	p0 =	seq.s32 s26, $0x0;
	s19 =	rddreg [dreg:$0x7];
	[sflag:s8] =	ssyncadd.s32 $0xFFFFC800  }
0x6b: {  	[spmem:s1] =	stream.indirect.scatter.add.f32 [tilespmem:s31], [sflag:$0xA], $0x80, s19, s28, $0xb8;
	[tilespmem:$0x1FC00] =	vst v63  }
0x6c: {  	s19 =	simm.s32 @!p0 $0xC  }
0x6d: {  	_ =	swait.ge @!p0 [sflag:s19], $0x3800  }
0x6e: {  	s20 =	rddreg [dreg:$0x3]  }
0x6f: {  	[sflag:s19] =	ssyncset.done @!p0 $0x0;
	p1 =	sge.u32 s26, s20  }
0x70: {  	[sflag:s19] =	ssyncadd.s32 @!p0 $0xFFFFC800;
	s19 =	simm.s32 @!p1 $0x3  }
0x71: {  	s2 =	sadd.s32 $0x5, s26;
	_ =	swait.ge @!p1 [sflag:s19], $0x400  }
0x72: {  	p0 =	sge.u32 s2, s6;
	s20 =	simm.s32 @!p1 $0x800;
	[sflag:s19] =	ssyncset.done @!p1 $0x0  }
0x73: {  	s18 =	simm.s32 @!p1 $0x8800;
	[sflag:s19] =	ssyncadd.s32 @!p1 $0xFFFFFC00;
	s19 =	simm.s32 @!p1 $0x70  }
0x74: {  	[tilespmem:s18], [sflag:$0x9] =	stream.indirect.gather @!p1 [hbm4b:s4+s19], $0x80, s20, s19, $0xb8;
	[tilespmem:$0x1FC00] =	vst v63  }
0x75: {  	s18 =	simm.s32 @!p0 $0x0;
	s19 =	simm.s32 @!p0 $0x1400  }
0x76: {  	[tilespmem:s19], [sflag:$0x6] =	stream.linear.gather @!p0 [hbm4b:s25+s18], $0x400, $0x38;
	[tilespmem:$0x1FC00] =	vst v63  }
0x77: {  	_ =	swait.ge [sflag:s9], $0x3800  }
0x78: {  	[sflag:s9] =	ssyncset.done $0x0  }
0x79: {  	s17 =	rddreg [dreg:$0x8];
	[sflag:s9] =	ssyncadd.s32 $0xFFFFC800  }
0x7a: {  	[spmem:s1] =	stream.indirect.scatter.add.f32 [tilespmem:s30], [sflag:$0xB], $0x80, s17, s28, $0xb8;
	[tilespmem:$0x1FC00] =	vst v63  }
0x7b: {  	_ =	swait.ge [sflag:s10], $0x3800  }
0x7c: {  	s20 =	rddreg [dreg:$0x4]  }
0x7d: {  	[sflag:s10] =	ssyncset.done $0x0;
	p1 =	sge.u32 s26, s20  }
0x7e: {  	[sflag:s10] =	ssyncadd.s32 $0xFFFFC800;
	s18 =	simm.s32 @!p1 $0x4  }
0x7f: {  	_ =	swait.ge @!p1 [sflag:s18], $0x400  }
0x80: {  	s20 =	simm.s32 @!p1 $0xC00;
	[sflag:s18] =	ssyncset.done @!p1 $0x0  }
0x81: {  	s17 =	simm.s32 @!p1 $0x1800;
	[sflag:s18] =	ssyncadd.s32 @!p1 $0xFFFFFC00;
	s18 =	simm.s32 @!p1 $0x70  }
0x82: {  	[tilespmem:s17], [sflag:$0x7] =	stream.indirect.gather @!p1 [hbm4b:s4+s18], $0x80, s20, s18, $0xb8;
	[tilespmem:$0x1FC00] =	vst v63  }
0x83: {  	s20 =	sadd.s32 $0x6, s26  }
0x84: {  	p1 =	sge.u32 s20, s6  }
0x85: {  	s17 =	sshrl.u32 @!p1 s24, $0x3  }
0x86: {  	s18 =	simm.s32 @!p1 $0x0;
	s17 =	sadd.s32 @!p1 s5, s17  }
0x87: {  	[tilespmem:s18], [sflag:$0x1] =	stream.linear.gather @!p1 [hbm4b:s17+s18], $0x400, $0x38;
	[tilespmem:$0x1FC00] =	vst v63  }
0x88: {  	_ =	swait.ge [sflag:s11], $0x3800  }
0x89: {  	[sflag:s11] =	ssyncset.done $0x0  }
0x8a: {  	s29 =	rddreg [dreg:$0x9];
	[sflag:s11] =	ssyncadd.s32 $0xFFFFC800  }
0x8b: {  	[spmem:s1] =	stream.indirect.scatter.add.f32 [tilespmem:s13], [sflag:$0xC], $0x80, s29, s28, $0xb8;
	[tilespmem:$0x1FC00] =	vst v63  }
0x8c: {  	_ =	swait.ge [sflag:s14], $0x3800  }
0x8d: {  	s2 =	rddreg [dreg:$0x5]  }
0x8e: {  	[sflag:s14] =	ssyncset.done $0x0;
	p2 =	sge.u32 s26, s2  }
0x8f: {  	[sflag:s14] =	ssyncadd.s32 $0xFFFFC800;
	s17 =	simm.s32 @!p2 $0x5  }
0x90: {  	_ =	swait.ge @!p2 [sflag:s17], $0x400  }
0x91: {  	s2 =	simm.s32 @!p2 $0x1000;
	[sflag:s17] =	ssyncset.done @!p2 $0x0  }
0x92: {  	s29 =	simm.s32 @!p2 $0x5000;
	[sflag:s17] =	ssyncadd.s32 @!p2 $0xFFFFFC00;
	s17 =	simm.s32 @!p2 $0x70  }
0x93: {  	[tilespmem:s29], [sflag:$0x8] =	stream.indirect.gather @!p2 [hbm4b:s4+s17], $0x80, s2, s17, $0xb8;
	[tilespmem:$0x1FC00] =	vst v63  }
0x94: {  	s17 =	sadd.s32 $0x7, s26  }
0x95: {  	p2 =	sge.u32 s17, s6  }
0x96: {  	s2 =	simm.s32 @!p2 $0x0;
	s17 =	simm.s32 @!p2 $0x400  }
0x97: {  	[tilespmem:s17], [sflag:$0x2] =	stream.linear.gather @!p2 [hbm4b:s23+s2], $0x400, $0x38;
	[tilespmem:$0x1FC00] =	vst v63  }
0x98: {  	_ =	swait.ge [sflag:s8], $0x3800  }
0x99: {  	[sflag:s8] =	ssyncset.done $0x0  }
0x9a: {  	s29 =	rddreg [dreg:$0xa];
	[sflag:s8] =	ssyncadd.s32 $0xFFFFC800  }
0x9b: {  	[spmem:s1] =	stream.indirect.scatter.add.f32 [tilespmem:s31], [sflag:$0xA], $0x80, s29, s28, $0xb8;
	[tilespmem:$0x1FC00] =	vst v63  }
0x9c: {  	_ =	swait.ge [sflag:s15], $0x3800  }
0x9d: {  	[sflag:s15] =	ssyncset.done $0x0  }
0x9e: {  	s2 =	simm.s32 @!p0 $0x6;
	[sflag:s15] =	ssyncadd.s32 $0xFFFFC800  }
0x9f: {  	_ =	swait.ge @!p0 [sflag:s2], $0x400  }
0xa0: {  	[sflag:s2] =	ssyncset.done @!p0 $0x0  }
0xa1: {  	s29 =	simm.s32 @!p0 $0x8800;
	[sflag:s2] =	ssyncadd.s32 @!p0 $0xFFFFFC00;
	s2 =	simm.s32 @!p0 $0x70  }
0xa2: {  	[tilespmem:s29], [sflag:$0x9] =	stream.indirect.gather @!p0 [hbm4b:s4+s2], $0x80, s19, s2, $0xb8;
	[tilespmem:$0x1FC00] =	vst v63  }
0xa3: {  	s19 =	sadd.s32 $0x8, s26  }
0xa4: {  	p0 =	sge.u32 s19, s6  }
0xa5: {  	s2 =	simm.s32 @!p0 $0x0;
	s19 =	simm.s32 @!p0 $0x800  }
0xa6: {  	[tilespmem:s19], [sflag:$0x3] =	stream.linear.gather @!p0 [hbm4b:s22+s2], $0x400, $0x38;
	[tilespmem:$0x1FC00] =	vst v63  }
0xa7: {  	_ =	swait.ge [sflag:s9], $0x3800  }
0xa8: {  	[sflag:s9] =	ssyncset.done $0x0  }
0xa9: {  	s29 =	rddreg [dreg:$0xb];
	[sflag:s9] =	ssyncadd.s32 $0xFFFFC800  }
0xaa: {  	[spmem:s1] =	stream.indirect.scatter.add.f32 [tilespmem:s30], [sflag:$0xB], $0x80, s29, s28, $0xb8;
	[tilespmem:$0x1FC00] =	vst v63  }
0xab: {  	_ =	swait.ge [sflag:s10], $0x3800  }
0xac: {  	[sflag:s10] =	ssyncset.done $0x0  }
0xad: {  	s2 =	simm.s32 @!p1 $0x1;
	[sflag:s10] =	ssyncadd.s32 $0xFFFFC800  }
0xae: {  	_ =	swait.ge @!p1 [sflag:s2], $0x400  }
0xaf: {  	[sflag:s2] =	ssyncset.done @!p1 $0x0  }
0xb0: {  	s19 =	simm.s32 @!p1 $0x1800;
	[sflag:s2] =	ssyncadd.s32 @!p1 $0xFFFFFC00;
	s2 =	simm.s32 @!p1 $0x70  }
0xb1: {  	[tilespmem:s19], [sflag:$0x7] =	stream.indirect.gather @!p1 [hbm4b:s4+s2], $0x80, s18, s2, $0xb8;
	[tilespmem:$0x1FC00] =	vst v63  }
0xb2: {  	s18 =	sadd.s32 $0x9, s26  }
0xb3: {  	p0 =	sge.u32 s18, s6  }
0xb4: {  	s2 =	simm.s32 @!p0 $0x0;
	s18 =	simm.s32 @!p0 $0xC00  }
0xb5: {  	[tilespmem:s18], [sflag:$0x4] =	stream.linear.gather @!p0 [hbm4b:s21+s2], $0x400, $0x38;
	[tilespmem:$0x1FC00] =	vst v63  }
0xb6: {  	_ =	swait.ge [sflag:s11], $0x3800  }
0xb7: {  	[sflag:s11] =	ssyncset.done $0x0  }
0xb8: {  	s19 =	rddreg [dreg:$0xc];
	[sflag:s11] =	ssyncadd.s32 $0xFFFFC800  }
0xb9: {  	[spmem:s1] =	stream.indirect.scatter.add.f32 [tilespmem:s13], [sflag:$0xC], $0x80, s19, s28, $0xb8;
	[tilespmem:$0x1FC00] =	vst v63  }
0xba: {  	_ =	swait.ge [sflag:s14], $0x3800  }
0xbb: {  	[sflag:s14] =	ssyncset.done $0x0  }
0xbc: {  	s2 =	simm.s32 @!p2 $0x2;
	[sflag:s14] =	ssyncadd.s32 $0xFFFFC800  }
0xbd: {  	_ =	swait.ge @!p2 [sflag:s2], $0x400  }
0xbe: {  	s26 =	sadd.s32 $0xA, s26;
	s18 =	simm.s32 @!p2 $0x5000;
	[sflag:s2] =	ssyncset.done @!p2 $0x0  }
0xbf: {  	p0 =	sge.u32 s26, s6;
	[sflag:s2] =	ssyncadd.s32 @!p2 $0xFFFFFC00;
	s2 =	simm.s32 @!p2 $0x70  }
0xc0: {  	[tilespmem:s18], [sflag:$0x8] =	stream.indirect.gather @!p2 [hbm4b:s4+s2], $0x80, s17, s2, $0xb8;
	[tilespmem:$0x1FC00] =	vst v63  }
0xc1: {  	s29 =	rddreg [dreg:$0x6];
	s17 =	simm.s32 @!p0 $0x0;
	s18 =	simm.s32 @!p0 $0x1000  }
0xc2: {  	[tilespmem:s18], [sflag:$0x5] =	stream.linear.gather @!p0 [hbm4b:s7+s17], $0x400, $0x38;
	[tilespmem:$0x1FC00] =	vst v63  }
0xc3: {  	p0 =	sne.s32 s29, s20  }
.Ltmp1:
0xc4: {  	_ = 	snop;
	(pc) =	sbr.rel @p0 .LBB2_4-.Ltmp1, $4  }
0xc5: {  	_ = 	snop  }
0xc6: {  	s25 =	sadd.s32 $0x300, s25  }
0xc7: {  	s24 =	sadd.s32 $0x1800, s24;
	s23 =	sadd.s32 $0x300, s23;
	s22 =	sadd.s32 $0x300, s22  }
0xc8: {  	s21 =	sadd.s32 $0x300, s21;
	s26 =	smov.u32 s20;
	s7 =	sadd.s32 $0x300, s7  }
0xc9: {  	_ =	swait.ge [sflag:s15], $0x3800  }
0xca: {  	[sflag:s15] =	ssyncset.done $0x0  }
0xcb: {  	s2 =	stileid.u32;
	[sflag:s15] =	ssyncadd.s32 $0xFFFFC800  }
0xcc: {  	s2 =	sshll.u32 s2, $0x6;
	[bflag:$0x0] =	sbarrier.arrive $0xFFFF  }
0xcd: {  	s7 =	sshrl.u32 s12, $0x3;
	s2 =	sor.u32 $0x1C0D, s2;
	s17 =	rddreg [dreg:$0x17]  }
0xce: {  	[hbm:s17], [sflag:s2] =	dma.local [spmem:s7], $0x2780  }
0xcf: {  	_ =	swait.ge [sflag:s0], $0x2780  }
0xd0: {  	s16 =	sadd.s32 $0x1, s16;
	s29 =	rddreg [dreg:$0x18]  }
0xd1: {  	p0 =	sne.s32 s16, s29  }
.Ltmp2:
0xd2: {  	_ = 	snop;
	(pc) =	sbr.rel @p0 .LBB2_1-.Ltmp2, $3  }
0xd3: {  	_ =	sdelay $0x1  }
0xd4: {  	[sflag:s0] =	ssyncset.done $0x0  }
0xd5: {  	s17 =	simm.s32 $0x400;
	[sflag:s0] =	ssyncadd.s32 $0xFFFFD880  }
0xd6: {  	_ =	sfence.sel $0x180000  }
0xd7: {  	[bflag:$0x0] =	sbarrier.arrive $0xFFFF  }
0xd8: {  	_ =	strace $0x9000004A  }
0xd9: {  	s0 =	stileid.u32;
	[bflag:$0x2] =	sbarrier.arrive $0xFFFF  }
0xda: {  	p0 =	sne.s32 s0, $0x0;
	s0 =	rddreg [dreg:$0x2]  }
0xdb: {  	s0 =	sadd.s32 @!p0 $0x100000, s0  }
0xdc: {  	[sflag:s0] =	ssyncadd.tile.s32 @!p0 $0x1;
	_ =	shalt  }
.Lfunc_end2:
_tile_overlayer_lowered:
.L_overlay_start_2:
0xdd: {  	(tag) =	ssettag $0x2  }
0xde: {  	s0 =	rddreg [dreg:$0x0];
	s2 =	stileid.u32  }
0xdf: {  	s1 =	rddreg [dreg:$0x1];
	p0 =	sne.s32 s2, $0x0  }
0xe0: {  	s3 =	rddreg [dreg:$0x2];
	[bflag:$0x3] =	sbarrier.arrive $0xFFFF;
	s2 =	simm.s32 @!p0 $0x1C0D  }
0xe1: {  	[timem:s3], [sflag:s2] =	dma.local @!p0 [hbm:s0], s1  }
0xe2: {  	s0 =	simm.s32 @!p0 $0xD  }
0xe3: {  	_ =	swait.ge @!p0 [sflag:s0], s1  }
0xe4: {  	s1 =	ssub.s32 @!p0 $0x0, s1;
	[sflag:s0] =	ssyncset.done @!p0 $0x0  }
0xe5: {  	[sflag:s0] =	ssyncadd.s32 @!p0 s1  }
0xe6: {  	[bflag:$0x3] =	sbarrier.arrive $0xFFFF  }
0xe7: {  	_ =	shalt  }

// kernel: kernel.14.cloned.1.call-start
scs
__scs_entry_jumppad:
0x0: {  	(pc) =	sbr.rel $0x88, $3  }
0x1: {  	(tag) =	ssettag $0x0;
	lr =	simm.s32 $0x1  }
0x2: {  	[smem:$0x3F8A] =	sst lr;
	_ =	strace $0xD0000000  }
0x3: {  	_ = 	snop  }
0x4: {  	_ = 	snop  }
0x5: {  	_ = 	snop  }
0x6: {  	_ = 	snop  }
0x7: {  	_ = 	snop  }
__scs_overlays_trampoline_lowered:
0x8: {  	[smem:$0x3F99] =	sst s0  }
0x9: {  	[smem:$0x3F9A] =	sst s1  }
0xa: {  	[smem:$0x3F9B] =	sst s2  }
0xb: {  	[smem:$0x3F9C] =	sst s3  }
0xc: {  	[smem:$0x3F9D] =	sst s4  }
0xd: {  	[smem:$0x3F9E] =	sst s5  }
0xe: {  	[smem:$0x3F9F] =	sst s6  }
0xf: {  	[smem:$0x3FA0] =	sst s7  }
0x10: {  	[smem:$0x3FA1] =	sst s8  }
0x11: {  	[smem:$0x3FA2] =	sst s9;
	s0 =	simm.s32 @!p0 $0x0  }
0x12: {  	s1 =	sld [smem:$0x3F88];
	s0 =	simm.s32 @p0 $0x1  }
0x13: {  	[smem:$0x3FA3] =	sst s0;
	s0 =	simm.s32 @!p1 $0x0  }
0x14: {  	s2 =	sld [smem:$0x3F87];
	s0 =	simm.s32 @p1 $0x1  }
0x15: {  	[smem:$0x3FA4] =	sst s0;
	s0 =	simm.s32 @!p2 $0x0  }
0x16: {  	s3 =	sld [smem:$0x3FDB];
	s0 =	simm.s32 @p2 $0x1  }
0x17: {  	s4 =	simm.s32 $0x1BF5;
	[smem:$0x3FA6] =	sst s0  }
0x18: {  	s0 =	sld [smem:$0x3F89];
	_ =	swait.ge [sflag:s4], $0x0  }
0x19: {  	s7 =	sld [smem:$0x3F8A]  }
0x1a: {  	s8 =	sadd.s32 $0xFFFFE003, lr  }
0x1b: {  	s9 =	sadd.s32 $0xFFFFFEF7, lr;
	s5 =	simm.s32 $0xFFFFFFFF;
	p2 =	slt.u32 s8, $0xFFFFF086  }
0x1c: {  	p1 =	slt.u32 s9, $0xF7A;
	s5 =	simm.s32 @!p2 $0x0  }
0x1d: {  	s5 =	simm.s32 @p1 $0x1;
	p0 =	seq.s32 s7, s2  }
0x1e: {  	s7 =	smul.u32 @!p0 $0xF7A, s2;
	p2 =	seq.s32 @!p0 s5, $0x0  }
0x1f: {  	s9 =	smul.u32 $0xF7A, s1;
	s8 =	simm.s32 @!p0 $0x1BF5;
	p2 =	por !p2, p0  }
0x20: {  	[sflag:s8] =	ssyncset.s32 @!p0 $0xFFFFF086;
	s6 =	sadd.s32 @!p0 s3, s7;
	s7 =	simm.s32 @!p0 $0x108  }
0x21: {  	s3 =	sadd.s32 s3, s9;
	s6 =	sadd.s32 @!p0 $0x88, s6;
	s7 =	simm.s32 @p2 $0x1082  }
0x22: {  	[simem:s7], [sflag:s8] =	dma.local @!p0 [hbm:s6], $0xF7A  }
0x23: {  	s9 =	sor.u32 $0xD0000000, s2;
	s6 =	simm.s32 $0x108;
	_ =	swait.ge @!p0 [sflag:s8], $0x0  }
0x24: {  	s3 =	sadd.s32 $0x88, s3;
	s6 =	simm.s32 @!p1 $0x1082;
	[sflag:s4] =	ssyncset.s32 $0xFFFFF086  }
0x25: {  	[simem:s6], [sflag:s4] =	dma.local [hbm:s3], $0xF7A  }
0x26: {  	[smem:$0x3F8A] =	sst s1;
	(tag) =	ssettag s2;
	_ =	strace s9  }
0x27: {  	s1 =	sld [smem:$0x3F9A]  }
0x28: {  	s2 =	sld [smem:$0x3F9B]  }
0x29: {  	s4 =	sld [smem:$0x3F9D]  }
0x2a: {  	p0 =	seq.s32 s5, $0x0;
	s5 =	sld [smem:$0x3F9E]  }
0x2b: {  	s6 =	sld [smem:$0x3F9F]  }
0x2c: {  	s7 =	sld [smem:$0x3FA0]  }
0x2d: {  	s3 =	simm.s32 $0x108;
	s8 =	sld [smem:$0x3FA1]  }
0x2e: {  	s3 =	simm.s32 @!p0 $0x1082;
	s9 =	sld [smem:$0x3FA2]  }
0x2f: {  	lr =	sadd.s32 s0, s3;
	s0 =	sld [smem:$0x3F99]  }
0x30: {  	s3 =	sld [smem:$0x3F9C]  }
0x31: {  	[smem:$0x3FA5] =	sst s10  }
0x32: {  	s10 =	sld [smem:$0x3FA3];
	_ =	sdelay $0x3  }
0x33: {  	p0 =	seq.s32 s10, $0x1;
	s10 =	sld [smem:$0x3FA5];
	_ =	sdelay $0x3  }
0x34: {  	[smem:$0x3FA5] =	sst s10  }
0x35: {  	s10 =	sld [smem:$0x3FA4];
	_ =	sdelay $0x3  }
0x36: {  	p1 =	seq.s32 s10, $0x1;
	s10 =	sld [smem:$0x3FA5];
	_ =	sdelay $0x3  }
0x37: {  	[smem:$0x3FA5] =	sst s10  }
0x38: {  	s10 =	sld [smem:$0x3FA6]  }
0x39: {  	_ = 	snop;
	(pc) =	sbr.ind lr, $3  }
0x3a: {  	_ = 	snop  }
0x3b: {  	_ = 	snop  }
0x3c: {  	p2 =	seq.s32 s10, $0x1;
	s10 =	sld [smem:$0x3FA5]  }
0x3d: {  	_ =	shalt  }
0x3e: {  	_ =	shalt  }
0x3f: {  	_ =	shalt  }
0x40: {  	_ =	shalt  }
0x41: {  	_ =	shalt  }
0x42: {  	_ =	shalt  }
0x43: {  	_ =	shalt  }
0x44: {  	_ =	shalt  }
0x45: {  	_ =	shalt  }
0x46: {  	_ =	shalt  }
0x47: {  	_ =	shalt  }
0x48: {  	_ =	shalt  }
0x49: {  	_ =	shalt  }
0x4a: {  	_ =	shalt  }
0x4b: {  	_ =	shalt  }
0x4c: {  	_ =	shalt  }
0x4d: {  	_ =	shalt  }
0x4e: {  	_ =	shalt  }
0x4f: {  	_ =	shalt  }
0x50: {  	_ =	shalt  }
0x51: {  	_ =	shalt  }
0x52: {  	_ =	shalt  }
0x53: {  	_ =	shalt  }
0x54: {  	_ =	shalt  }
0x55: {  	_ =	shalt  }
0x56: {  	_ =	shalt  }
0x57: {  	_ =	shalt  }
0x58: {  	_ =	shalt  }
0x59: {  	_ =	shalt  }
0x5a: {  	_ =	shalt  }
0x5b: {  	_ =	shalt  }
0x5c: {  	_ =	shalt  }
0x5d: {  	_ =	shalt  }
0x5e: {  	_ =	shalt  }
0x5f: {  	_ =	shalt  }
0x60: {  	_ =	shalt  }
0x61: {  	_ =	shalt  }
0x62: {  	_ =	shalt  }
0x63: {  	_ =	shalt  }
0x64: {  	_ =	shalt  }
0x65: {  	_ =	shalt  }
0x66: {  	_ =	shalt  }
0x67: {  	_ =	shalt  }
0x68: {  	_ =	shalt  }
0x69: {  	_ =	shalt  }
0x6a: {  	_ =	shalt  }
0x6b: {  	_ =	shalt  }
0x6c: {  	_ =	shalt  }
0x6d: {  	_ =	shalt  }
0x6e: {  	_ =	shalt  }
0x6f: {  	_ =	shalt  }
0x70: {  	_ =	shalt  }
0x71: {  	_ =	shalt  }
0x72: {  	_ =	shalt  }
0x73: {  	_ =	shalt  }
0x74: {  	_ =	shalt  }
0x75: {  	_ =	shalt  }
0x76: {  	_ =	shalt  }
0x77: {  	_ =	shalt  }
0x78: {  	_ =	shalt  }
0x79: {  	_ =	shalt  }
0x7a: {  	_ =	shalt  }
0x7b: {  	_ =	shalt  }
0x7c: {  	_ =	shalt  }
0x7d: {  	_ =	shalt  }
0x7e: {  	_ =	shalt  }
0x7f: {  	_ =	shalt  }
0x80: {  	_ =	shalt  }
0x81: {  	_ =	shalt  }
0x82: {  	_ =	shalt  }
0x83: {  	_ =	shalt  }
0x84: {  	_ =	shalt  }
0x85: {  	_ =	shalt  }
0x86: {  	_ =	shalt  }
0x87: {  	_ =	shalt  }
.Lfunc_end0:
.L_simem_size_0:
called_computation.2_lowered:
.L_overlay_start_0:
0x88: {  	s2 =	sld [smem:$0x3FD9]  }
0x89: {  	s3 =	sld [smem:$0x3FFE];
	_ =	sdelay $0x1  }
0x8a: {  	s1 =	srdreg.scid  }
0x8b: {  	s0 =	sand.u32 $0x1, s1  }
0x8c: {  	s16 =	sshll.u32 s0, $0xA;
	s2 =	sadd.s32 s3, s2  }
0x8d: {  	s2 =	sadd.s32 s2, s16  }
0x8e: {  	[smem:$0x3FB1] =	sst s2  }
0x8f: {  	_ = 	snop  }
0x90: {  	(tm) =	ssettm $0x1  }
0x91: {  	s17 =	sld [smem:$0x3FFB];
	_ =	sdelay $0x3  }
0x92: {  	_ =	strace s17  }
0x93: {  	s2 =	sld [smem:$0x3FFC];
	_ =	sdelay $0x3  }
0x94: {  	_ =	strace s2  }
0x95: {  	s2 =	sld [smem:$0x3FFD];
	_ =	sdelay $0x3  }
0x96: {  	_ =	strace s2  }
0x97: {  	_ =	strace $0x8FFFFFFF  }
0x98: {  	s18 =	sld [smem:$0x3FDB];
	_ =	sdelay $0x1  }
0x99: {  	s19 =	simm.s32 $_scs_section_size  }
0x9a: {  	s4 =	simm.s32 $_size__tile_overlayer_lowered;
	s5 =	simm.s32 $_tile_overlayer_lowered  }
0x9b: {  	s22 =	simm.s32 $0x1BFF;
	s21 =	sshll.u32 s5, $0x1;
	s2 =	sadd.s32 s19, s18  }
0x9c: {  	s6 =	simm.s32 $0x0;
	s20 =	sshll.u32 s4, $0x1;
	s4 =	sadd.s32 s21, s2  }
0x9d: {  	[timem:s6], [sflag:s22] =	dma.local [hbm:s4], s20  }
0x9e: {  	_ =	swait.ge [sflag:s22], s20  }
0x9f: {  	s3 =	ssub.s32 $0x0, s20;
	[sflag:s22] =	ssyncset.done $0x0  }
0xa0: {  	[sflag:s22] =	ssyncadd.s32 s3;
	_ =	sdelay $0x1  }
0xa1: {  	s23 =	simm.s32 $0x1B8B  }
0xa2: {  	_ =	swait.ge [sflag:s23], $0x1  }
0xa3: {  	[sflag:s23] =	ssyncset.done $0x0  }
0xa4: {  	s25 =	simm.s32 $0x1B8E;
	s24 =	sld [smem:$0x3FFE];
	[sflag:s23] =	ssyncadd.s32 $0xFFFFFFFF  }
0xa5: {  	s26 =	simm.s32 $execute0_lowered;
	[smem:$0x3FD2] =	sst s25  }
0xa6: {  	s4 =	sshll.u32 s26, $0x1;
	_ =	strace $0x8000004C;
	[dreg:$0x1] =	wrdreg $0xFFFFFFFF  }
0xa7: {  	s28 =	simm.s32 $_size_execute0_lowered;
	s2 =	sadd.s32 s2, s4;
	[dreg:$0x0] =	wrdreg $0x0  }
0xa8: {  	s4 =	sshll.u32 s28, $0x1;
	[dreg:$0x2] =	wrdreg s2  }
0xa9: {  	[dreg:$0x3] =	wrdreg s4  }
0xaa: {  	[dreg:$0x4] =	wrdreg $0xC0  }
0xab: {  	_ =	task [dreg:s6], $0x5FFFF  }
0xac: {  	[dreg:$0x1] =	wrdreg $0xFFFFFFFF  }
0xad: {  	[dreg:$0x0] =	wrdreg $0x60  }
0xae: {  	[dreg:$0x2] =	wrdreg s24  }
0xaf: {  	[dreg:$0x3] =	wrdreg $0xC0000  }
0xb0: {  	[dreg:$0x4] =	wrdreg $0x9  }
0xb1: {  	_ =	task.clear_ibuf [dreg:s6], $0x5FFFF;
	_ =	strace $0x9000004C  }
0xb2: {  	s29 =	simm.s32 $0x9;
	_ =	strace $0x8000004E  }
0xb3: {  	_ =	swait.ge [sflag:s29], $0x1  }
0xb4: {  	[sflag:s29] =	ssyncadd.s32 $0xFFFFFFFF  }
0xb5: {  	_ =	strace $0x9000004E  }
0xb6: {  	_ =	sfence  }
0xb7: {  	s30 =	sld [smem:$0x0];
	_ =	sdelay $0x2  }
0xb8: {  	s31 =	sshll.u32 s1, $0xD;
	s1 =	sshrl.u32 s1, $0x2  }
0xb9: {  	s3 =	sand.u32 $0x4000, s31;
	s1 =	sadd.s32 s1, s30  }
0xba: {  	s0 =	sor.u32 s3, s0;
	s1 =	sshll.u32 s1, $0x11  }
0xbb: {  	s0 =	sor.u32 s1, s0  }
0xbc: {  	s0 =	sadd.s32 $0x8F2B, s0  }
0xbd: {  	[sflag:s0] =	ssyncadd.remote.s32 $0x1  }
0xbe: {  	_ =	sfence.sel $0xFFFF  }
0xbf: {  	[dreg:$0x0] =	wrdreg $0xFFFFFFFF;
	(pc) =	sbr.abs _section_cstart, $3  }
0xc0: {  	[dreg:$0x1] =	wrdreg $0xFFFFFFFF  }
0xc1: {  	_ =	task.clear_ibuf [dreg:s6], $0x2FFFF;
	_ =	strace $0x9FFFFFFF  }
0xc2: {  	(tm) =	ssettm $0x7FFFFFFF  }
0xc3: {  	_ =	shalt  }
tec
execute0_lowered:
.L_overlay_start_1:
0x0: {  	(tag) =	ssettag $0x1  }
0x1: {  	s0 =	rddreg [dreg:$0x0]  }
0x2: {  	s1 =	rddreg [dreg:$0x1]  }
0x3: {  	s2 =	srdreg.scid;
	s11 =	stileid.u32  }
0x4: {  	s3 =	simm.s32 $0x0;
	s31 =	simm.s32 $0x1800;
	s7 =	smul.u32 $0x13C00, s11  }
0x5: {  	s28 =	simm.s32 $0x70;
	s30 =	simm.s32 $0x5000;
	s10 =	smul.u32 $0x4F000, s11  }
0x6: {  	s2 =	sand.u32 $0x1, s2;
	[smem:$0x7FF] =	sst s3;
	s26 =	smul.u32 $0x2B800, s11  }
0x7: {  	s4 =	sadd.s32 $0x4000, s0;
	s5 =	sadd.s32 $0x2C000, s0;
	s6 =	smul.u32 $0x140000, s2  }
0x8: {  	_ =	strace $0x8000004D;
	s8 =	sshll.u32 s2, $0x4;
	s15 =	ssub.s32 $0x2, s2  }
0x9: {  	p0 =	seq.s32 s2, $0x0;
	s2 =	smul.u32 $0x2B8000, s2;
	s18 =	sshrl.u32 s10, $0x2  }
0xa: {  	s14 =	sor.u32 s11, s8;
	s12 =	sadd.s32 s18, s1;
	s18 =	simm.s32 $0x480  }
0xb: {  	s9 =	sshrl.u32 s15, $0x1;
	s20 =	sadd.s32 $0x7000, s12;
	[dreg:$0x8] =	wrdreg s18  }
0xc: {  	s6 =	sadd.s32 s7, s6;
	s22 =	sadd.s32 $0xA800, s12;
	[dreg:$0x13] =	wrdreg s20  }
0xd: {  	s7 =	smul.u32 $0x2B800, s14;
	s23 =	sadd.s32 $0xE000, s12;
	[dreg:$0x14] =	wrdreg s22  }
0xe: {  	s8 =	ssub.s32 s15, s9;
	s24 =	sadd.s32 $0x11800, s12;
	[dreg:$0x15] =	wrdreg s23  }
0xf: {  	s11 =	sadd.s32 s26, s2;
	s8 =	smax.u32 s8, $0x1;
	[dreg:$0x16] =	wrdreg s24  }
0x10: {  	s6 =	sshrl.u32 s6, $0x3;
	[dreg:$0x18] =	wrdreg s8;
	s20 =	simm.s32 $0xC80  }
0x11: {  	s14 =	sadd.s32 $0x2800, s11;
	s22 =	simm.s32 $0x1080;
	[dreg:$0xa] =	wrdreg s20  }
0x12: {  	s7 =	sshrl.u32 s7, $0x3;
	s23 =	simm.s32 $0x1480;
	[dreg:$0xb] =	wrdreg s22  }
0x13: {  	s0 =	sadd.s32 s6, s0;
	s16 =	sadd.s32 s5, s7;
	[dreg:$0xc] =	wrdreg s23  }
0x14: {  	s15 =	sshrl.u32 s14, $0x3;
	s0 =	sadd.s32 $0xDA000, s0;
	[dreg:$0xd] =	wrdreg s16  }
0x15: {  	s10 =	simm.s32 $0xA;
	s2 =	sadd.s32 s15, s5;
	[dreg:$0x17] =	wrdreg s0  }
0x16: {  	s6 =	simm.s32 $0xAE;
	s7 =	sadd.s32 $0x80, s16;
	[dreg:$0x19] =	wrdreg s2  }
0x17: {  	s24 =	sadd.s32 $0x1C00, s11;
	s17 =	sadd.s32 $0x100, s16;
	[dreg:$0xe] =	wrdreg s7  }
0x18: {  	s8 =	simm.s32 $0x7;
	s19 =	sadd.s32 $0x180, s16;
	[dreg:$0xf] =	wrdreg s17  }
0x19: {  	s6 =	simm.s32 @!p0 $0x6;
	s9 =	sadd.s32 $0x200, s16;
	[dreg:$0x10] =	wrdreg s19  }
0x1a: {  	s14 =	simm.s32 $0xB;
	s25 =	sadd.s32 $0xFFFFFFFE, s6;
	[dreg:$0x11] =	wrdreg s9  }
0x1b: {  	s26 =	sshrl.u32 s24, $0x3;
	s29 =	sadd.s32 $0xFFFFFFFD, s6;
	[dreg:$0x3] =	wrdreg s25  }
0x1c: {  	s15 =	simm.s32 $0xC;
	s13 =	sadd.s32 $0xFFFFFFFC, s6;
	[dreg:$0x4] =	wrdreg s29  }
0x1d: {  	s21 =	smul.u32 $0xAB, s6;
	s16 =	simm.s32 $0x80;
	[dreg:$0x5] =	wrdreg s13  }
0x1e: {  	s0 =	sadd.s32 $0x1800, s11;
	s7 =	sadd.s32 $0x3800, s12;
	[dreg:$0x7] =	wrdreg s16  }
0x1f: {  	s17 =	sadd.s32 $0x2400, s11;
	[dreg:$0x12] =	wrdreg s7;
	s7 =	sshrl.u32 s21, $0xA  }
0x20: {  	s19 =	simm.s32 $0x880;
	[dreg:$0x1d] =	wrdreg s0;
	s7 =	smul.u32 $0x6, s7  }
0x21: {  	s25 =	sadd.s32 $0x1400, s11;
	s0 =	simm.s32 $0xD;
	[dreg:$0x9] =	wrdreg s19  }
0x22: {  	s9 =	simm.s32 $0x8;
	[dreg:$0x6] =	wrdreg s7;
	s7 =	sshrl.u32 s17, $0x3  }
0x23: {  	s21 =	sadd.s32 $0x2000, s11;
	s2 =	sshrl.u32 s25, $0x3;
	s7 =	sadd.s32 s7, s5  }
0x24: {  	s29 =	sadd.s32 s2, s5;
	[dreg:$0x1a] =	wrdreg s7;
	s7 =	sshrl.u32 s21, $0x3  }
0x25: {  	s13 =	simm.s32 $0x8800;
	[dreg:$0x1e] =	wrdreg s29;
	s7 =	sadd.s32 s7, s5  }
0x26: {  	s16 =	simm.s32 $0x0;
	[dreg:$0x1b] =	wrdreg s7;
	s7 =	sadd.s32 s26, s5  }
0x27: {  	v0 =	vimm.f32 $0.0e+00;
	s11 =	simm.s32 $0x9;
	s17 =	simm.s32 $0x400;
	[dreg:$0x1c] =	wrdreg s7  }
.LBB2_1:
0x28: {  	s2 =	rddreg [dreg:$0xd]  }
0x29: {  	s22 =	rddreg [dreg:$0xe]  }
0x2a: {  	[tilespmem:s3], [sflag:$0x1] =	stream.linear.gather [hbm4b:s2+s3], $0x400, $0x38;
	[tilespmem:$0x1FC00] =	vst v63  }
0x2b: {  	s23 =	rddreg [dreg:$0xf]  }
0x2c: {  	[tilespmem:s17], [sflag:$0x2] =	stream.linear.gather [hbm4b:s22+s3], $0x400, $0x38;
	[tilespmem:$0x1FC00] =	vst v63  }
0x2d: {  	s7 =	simm.s32 $0x800;
	s24 =	rddreg [dreg:$0x10]  }
0x2e: {  	[tilespmem:s7], [sflag:$0x3] =	stream.linear.gather [hbm4b:s23+s3], $0x400, $0x38;
	[tilespmem:$0x1FC00] =	vst v63  }
0x2f: {  	s25 =	simm.s32 $0xC00;
	s26 =	rddreg [dreg:$0x11]  }
0x30: {  	[tilespmem:s25], [sflag:$0x4] =	stream.linear.gather [hbm4b:s24+s3], $0x400, $0x38;
	[tilespmem:$0x1FC00] =	vst v63  }
0x31: {  	s29 =	simm.s32 $0x1000;
	s19 =	simm.s32 $0x200;
	s7 =	simm.s32 $0x0  }
0x32: {  	[tilespmem:s29], [sflag:$0x5] =	stream.linear.gather [hbm4b:s26+s3], $0x400, $0x38;
	[tilespmem:$0x1FC00] =	vst v63  }
.LBB2_2:
0x33: {  	p0 =	sne.s32 s19, $0xDE00;
	[tilespmem:s7+$0x1870] =	vst v0  }
0x34: {  	[tilespmem:s7+$0x1800] =	vst v0  }
0x35: {  	[tilespmem:s7+$0x1810] =	vst v0  }
.Ltmp0:
0x36: {  	[tilespmem:s7+$0x1820] =	vst v0;
	(pc) =	sbr.rel @p0 .LBB2_2-.Ltmp0, $4  }
0x37: {  	[tilespmem:s7+$0x1830] =	vst v0  }
0x38: {  	[tilespmem:s7+$0x1840] =	vst v0  }
0x39: {  	[tilespmem:s7+$0x1850] =	vst v0  }
0x3a: {  	[tilespmem:s7+$0x1860] =	vst v0;
	s7 =	sshra.s32 s19, $0x2;
	s19 =	sadd.s32 $0x200, s19  }
0x3b: {  	[tilespmem:s7+$0x1870] =	vst v0  }
0x3c: {  	[tilespmem:s7+$0x1800] =	vst v0  }
0x3d: {  	[tilespmem:s7+$0x1810] =	vst v0  }
0x3e: {  	[tilespmem:s7+$0x1820] =	vst v0  }
0x3f: {  	[tilespmem:s7+$0x1830] =	vst v0  }
0x40: {  	[tilespmem:s7+$0x1840] =	vst v0  }
0x41: {  	[tilespmem:s7+$0x1850] =	vst v0  }
0x42: {  	[tilespmem:s7+$0x1860] =	vst v0  }
0x43: {  	[spmem:s12] =	stream.linear.scatter [tilespmem:s31], [sflag:$0xD], $0x3800, $0x38;
	[tilespmem:$0x1FC00] =	vst v63  }
0x44: {  	_ =	swait.ge [sflag:s0], $0x3800  }
0x45: {  	[sflag:s0] =	ssyncset.done $0x0  }
0x46: {  	s2 =	rddreg [dreg:$0x12];
	[sflag:s0] =	ssyncadd.s32 $0xFFFFC800  }
0x47: {  	[spmem:s2] =	stream.linear.scatter [tilespmem:s31], [sflag:$0xD], $0x3800, $0x38;
	[tilespmem:$0x1FC00] =	vst v63  }
0x48: {  	_ =	swait.ge [sflag:s0], $0x3800  }
0x49: {  	[sflag:s0] =	ssyncset.done $0x0  }
0x4a: {  	s22 =	rddreg [dreg:$0x13];
	[sflag:s0] =	ssyncadd.s32 $0xFFFFC800  }
0x4b: {  	[spmem:s22] =	stream.linear.scatter [tilespmem:s31], [sflag:$0xD], $0x3800, $0x38;
	[tilespmem:$0x1FC00] =	vst v63  }
0x4c: {  	_ =	swait.ge [sflag:s0], $0x3800  }
0x4d: {  	[sflag:s0] =	ssyncset.done $0x0  }
0x4e: {  	s23 =	rddreg [dreg:$0x14];
	[sflag:s0] =	ssyncadd.s32 $0xFFFFC800  }
0x4f: {  	[spmem:s23] =	stream.linear.scatter [tilespmem:s31], [sflag:$0xD], $0x3800, $0x38;
	[tilespmem:$0x1FC00] =	vst v63  }
0x50: {  	_ =	swait.ge [sflag:s0], $0x3800  }
0x51: {  	[sflag:s0] =	ssyncset.done $0x0  }
0x52: {  	s24 =	rddreg [dreg:$0x15];
	[sflag:s0] =	ssyncadd.s32 $0xFFFFC800  }
0x53: {  	[spmem:s24] =	stream.linear.scatter [tilespmem:s31], [sflag:$0xD], $0x3800, $0x38;
	[tilespmem:$0x1FC00] =	vst v63  }
0x54: {  	_ =	swait.ge [sflag:s0], $0x3800  }
0x55: {  	[sflag:s0] =	ssyncset.done $0x0  }
0x56: {  	s25 =	rddreg [dreg:$0x16];
	[sflag:s0] =	ssyncadd.s32 $0xFFFFC800  }
0x57: {  	[spmem:s25] =	stream.linear.scatter [tilespmem:s31], [sflag:$0xD], $0x2400, $0x38;
	[tilespmem:$0x1FC00] =	vst v63  }
0x58: {  	_ =	swait.ge [sflag:s0], $0x2400  }
0x59: {  	[sflag:s0] =	ssyncset.done $0x0  }
0x5a: {  	[sflag:s0] =	ssyncadd.s32 $0xFFFFDC00  }
0x5b: {  	s26 =	simm.s32 $0x1;
	[bflag:$0x0] =	sbarrier.arrive $0xFFFF  }
0x5c: {  	_ =	swait.ge [sflag:s26], $0x400  }
0x5d: {  	[sflag:s26] =	ssyncset.done $0x0  }
0x5e: {  	s29 =	simm.s32 $0x2;
	[sflag:s26] =	ssyncadd.s32 $0xFFFFFC00;
	s26 =	simm.s32 $0x0  }
0x5f: {  	[tilespmem:s31], [sflag:$0x7] =	stream.indirect.gather [hbm4b:s4+s28], $0x80, s26, s28, $0xb8;
	[tilespmem:$0x1FC00] =	vst v63  }
0x60: {  	_ =	swait.ge [sflag:s29], $0x400  }
0x61: {  	s25 =	rddreg [dreg:$0x1e]  }
0x62: {  	s24 =	rddreg [dreg:$0x1d]  }
0x63: {  	s23 =	rddreg [dreg:$0x1c]  }
0x64: {  	s22 =	rddreg [dreg:$0x1b]  }
0x65: {  	[sflag:s29] =	ssyncset.done $0x0;
	s21 =	rddreg [dreg:$0x1a]  }
0x66: {  	s7 =	rddreg [dreg:$0x19];
	[sflag:s29] =	ssyncadd.s32 $0xFFFFFC00  }
0x67: {  	[tilespmem:s30], [sflag:$0x8] =	stream.indirect.gather [hbm4b:s4+s28], $0x80, s17, s28, $0xb8;
	[tilespmem:$0x1FC00] =	vst v63  }
.LBB2_4:
0x68: {  	_ =	swait.ge [sflag:s8], $0x3800  }
0x69: {  	[sflag:s8] =	ssyncset.done $0x0  }
0x6a: {  	p0 =	seq.s32 s26, $0x0;
	s19 =	rddreg [dreg:$0x7];
	[sflag:s8] =	ssyncadd.s32 $0xFFFFC800  }
0x6b: {  	[spmem:s1] =	stream.indirect.scatter.add.f32 [tilespmem:s31], [sflag:$0xA], $0x80, s19, s28, $0xb8;
	[tilespmem:$0x1FC00] =	vst v63  }
0x6c: {  	s19 =	simm.s32 @!p0 $0xC  }
0x6d: {  	_ =	swait.ge @!p0 [sflag:s19], $0x3800  }
0x6e: {  	s20 =	rddreg [dreg:$0x3]  }
0x6f: {  	[sflag:s19] =	ssyncset.done @!p0 $0x0;
	p1 =	sge.u32 s26, s20  }
0x70: {  	[sflag:s19] =	ssyncadd.s32 @!p0 $0xFFFFC800;
	s19 =	simm.s32 @!p1 $0x3  }
0x71: {  	s2 =	sadd.s32 $0x5, s26;
	_ =	swait.ge @!p1 [sflag:s19], $0x400  }
0x72: {  	p0 =	sge.u32 s2, s6;
	s20 =	simm.s32 @!p1 $0x800;
	[sflag:s19] =	ssyncset.done @!p1 $0x0  }
0x73: {  	s18 =	simm.s32 @!p1 $0x8800;
	[sflag:s19] =	ssyncadd.s32 @!p1 $0xFFFFFC00;
	s19 =	simm.s32 @!p1 $0x70  }
0x74: {  	[tilespmem:s18], [sflag:$0x9] =	stream.indirect.gather @!p1 [hbm4b:s4+s19], $0x80, s20, s19, $0xb8;
	[tilespmem:$0x1FC00] =	vst v63  }
0x75: {  	s18 =	simm.s32 @!p0 $0x0;
	s19 =	simm.s32 @!p0 $0x1400  }
0x76: {  	[tilespmem:s19], [sflag:$0x6] =	stream.linear.gather @!p0 [hbm4b:s25+s18], $0x400, $0x38;
	[tilespmem:$0x1FC00] =	vst v63  }
0x77: {  	_ =	swait.ge [sflag:s9], $0x3800  }
0x78: {  	[sflag:s9] =	ssyncset.done $0x0  }
0x79: {  	s17 =	rddreg [dreg:$0x8];
	[sflag:s9] =	ssyncadd.s32 $0xFFFFC800  }
0x7a: {  	[spmem:s1] =	stream.indirect.scatter.add.f32 [tilespmem:s30], [sflag:$0xB], $0x80, s17, s28, $0xb8;
	[tilespmem:$0x1FC00] =	vst v63  }
0x7b: {  	_ =	swait.ge [sflag:s10], $0x3800  }
0x7c: {  	s20 =	rddreg [dreg:$0x4]  }
0x7d: {  	[sflag:s10] =	ssyncset.done $0x0;
	p1 =	sge.u32 s26, s20  }
0x7e: {  	[sflag:s10] =	ssyncadd.s32 $0xFFFFC800;
	s18 =	simm.s32 @!p1 $0x4  }
0x7f: {  	_ =	swait.ge @!p1 [sflag:s18], $0x400  }
0x80: {  	s20 =	simm.s32 @!p1 $0xC00;
	[sflag:s18] =	ssyncset.done @!p1 $0x0  }
0x81: {  	s17 =	simm.s32 @!p1 $0x1800;
	[sflag:s18] =	ssyncadd.s32 @!p1 $0xFFFFFC00;
	s18 =	simm.s32 @!p1 $0x70  }
0x82: {  	[tilespmem:s17], [sflag:$0x7] =	stream.indirect.gather @!p1 [hbm4b:s4+s18], $0x80, s20, s18, $0xb8;
	[tilespmem:$0x1FC00] =	vst v63  }
0x83: {  	s20 =	sadd.s32 $0x6, s26  }
0x84: {  	p1 =	sge.u32 s20, s6  }
0x85: {  	s17 =	sshrl.u32 @!p1 s24, $0x3  }
0x86: {  	s18 =	simm.s32 @!p1 $0x0;
	s17 =	sadd.s32 @!p1 s5, s17  }
0x87: {  	[tilespmem:s18], [sflag:$0x1] =	stream.linear.gather @!p1 [hbm4b:s17+s18], $0x400, $0x38;
	[tilespmem:$0x1FC00] =	vst v63  }
0x88: {  	_ =	swait.ge [sflag:s11], $0x3800  }
0x89: {  	[sflag:s11] =	ssyncset.done $0x0  }
0x8a: {  	s29 =	rddreg [dreg:$0x9];
	[sflag:s11] =	ssyncadd.s32 $0xFFFFC800  }
0x8b: {  	[spmem:s1] =	stream.indirect.scatter.add.f32 [tilespmem:s13], [sflag:$0xC], $0x80, s29, s28, $0xb8;
	[tilespmem:$0x1FC00] =	vst v63  }
0x8c: {  	_ =	swait.ge [sflag:s14], $0x3800  }
0x8d: {  	s2 =	rddreg [dreg:$0x5]  }
0x8e: {  	[sflag:s14] =	ssyncset.done $0x0;
	p2 =	sge.u32 s26, s2  }
0x8f: {  	[sflag:s14] =	ssyncadd.s32 $0xFFFFC800;
	s17 =	simm.s32 @!p2 $0x5  }
0x90: {  	_ =	swait.ge @!p2 [sflag:s17], $0x400  }
0x91: {  	s2 =	simm.s32 @!p2 $0x1000;
	[sflag:s17] =	ssyncset.done @!p2 $0x0  }
0x92: {  	s29 =	simm.s32 @!p2 $0x5000;
	[sflag:s17] =	ssyncadd.s32 @!p2 $0xFFFFFC00;
	s17 =	simm.s32 @!p2 $0x70  }
0x93: {  	[tilespmem:s29], [sflag:$0x8] =	stream.indirect.gather @!p2 [hbm4b:s4+s17], $0x80, s2, s17, $0xb8;
	[tilespmem:$0x1FC00] =	vst v63  }
0x94: {  	s17 =	sadd.s32 $0x7, s26  }
0x95: {  	p2 =	sge.u32 s17, s6  }
0x96: {  	s2 =	simm.s32 @!p2 $0x0;
	s17 =	simm.s32 @!p2 $0x400  }
0x97: {  	[tilespmem:s17], [sflag:$0x2] =	stream.linear.gather @!p2 [hbm4b:s23+s2], $0x400, $0x38;
	[tilespmem:$0x1FC00] =	vst v63  }
0x98: {  	_ =	swait.ge [sflag:s8], $0x3800  }
0x99: {  	[sflag:s8] =	ssyncset.done $0x0  }
0x9a: {  	s29 =	rddreg [dreg:$0xa];
	[sflag:s8] =	ssyncadd.s32 $0xFFFFC800  }
0x9b: {  	[spmem:s1] =	stream.indirect.scatter.add.f32 [tilespmem:s31], [sflag:$0xA], $0x80, s29, s28, $0xb8;
	[tilespmem:$0x1FC00] =	vst v63  }
0x9c: {  	_ =	swait.ge [sflag:s15], $0x3800  }
0x9d: {  	[sflag:s15] =	ssyncset.done $0x0  }
0x9e: {  	s2 =	simm.s32 @!p0 $0x6;
	[sflag:s15] =	ssyncadd.s32 $0xFFFFC800  }
0x9f: {  	_ =	swait.ge @!p0 [sflag:s2], $0x400  }
0xa0: {  	[sflag:s2] =	ssyncset.done @!p0 $0x0  }
0xa1: {  	s29 =	simm.s32 @!p0 $0x8800;
	[sflag:s2] =	ssyncadd.s32 @!p0 $0xFFFFFC00;
	s2 =	simm.s32 @!p0 $0x70  }
0xa2: {  	[tilespmem:s29], [sflag:$0x9] =	stream.indirect.gather @!p0 [hbm4b:s4+s2], $0x80, s19, s2, $0xb8;
	[tilespmem:$0x1FC00] =	vst v63  }
0xa3: {  	s19 =	sadd.s32 $0x8, s26  }
0xa4: {  	p0 =	sge.u32 s19, s6  }
0xa5: {  	s2 =	simm.s32 @!p0 $0x0;
	s19 =	simm.s32 @!p0 $0x800  }
0xa6: {  	[tilespmem:s19], [sflag:$0x3] =	stream.linear.gather @!p0 [hbm4b:s22+s2], $0x400, $0x38;
	[tilespmem:$0x1FC00] =	vst v63  }
0xa7: {  	_ =	swait.ge [sflag:s9], $0x3800  }
0xa8: {  	[sflag:s9] =	ssyncset.done $0x0  }
0xa9: {  	s29 =	rddreg [dreg:$0xb];
	[sflag:s9] =	ssyncadd.s32 $0xFFFFC800  }
0xaa: {  	[spmem:s1] =	stream.indirect.scatter.add.f32 [tilespmem:s30], [sflag:$0xB], $0x80, s29, s28, $0xb8;
	[tilespmem:$0x1FC00] =	vst v63  }
0xab: {  	_ =	swait.ge [sflag:s10], $0x3800  }
0xac: {  	[sflag:s10] =	ssyncset.done $0x0  }
0xad: {  	s2 =	simm.s32 @!p1 $0x1;
	[sflag:s10] =	ssyncadd.s32 $0xFFFFC800  }
0xae: {  	_ =	swait.ge @!p1 [sflag:s2], $0x400  }
0xaf: {  	[sflag:s2] =	ssyncset.done @!p1 $0x0  }
0xb0: {  	s19 =	simm.s32 @!p1 $0x1800;
	[sflag:s2] =	ssyncadd.s32 @!p1 $0xFFFFFC00;
	s2 =	simm.s32 @!p1 $0x70  }
0xb1: {  	[tilespmem:s19], [sflag:$0x7] =	stream.indirect.gather @!p1 [hbm4b:s4+s2], $0x80, s18, s2, $0xb8;
	[tilespmem:$0x1FC00] =	vst v63  }
0xb2: {  	s18 =	sadd.s32 $0x9, s26  }
0xb3: {  	p0 =	sge.u32 s18, s6  }
0xb4: {  	s2 =	simm.s32 @!p0 $0x0;
	s18 =	simm.s32 @!p0 $0xC00  }
0xb5: {  	[tilespmem:s18], [sflag:$0x4] =	stream.linear.gather @!p0 [hbm4b:s21+s2], $0x400, $0x38;
	[tilespmem:$0x1FC00] =	vst v63  }
0xb6: {  	_ =	swait.ge [sflag:s11], $0x3800  }
0xb7: {  	[sflag:s11] =	ssyncset.done $0x0  }
0xb8: {  	s19 =	rddreg [dreg:$0xc];
	[sflag:s11] =	ssyncadd.s32 $0xFFFFC800  }
0xb9: {  	[spmem:s1] =	stream.indirect.scatter.add.f32 [tilespmem:s13], [sflag:$0xC], $0x80, s19, s28, $0xb8;
	[tilespmem:$0x1FC00] =	vst v63  }
0xba: {  	_ =	swait.ge [sflag:s14], $0x3800  }
0xbb: {  	[sflag:s14] =	ssyncset.done $0x0  }
0xbc: {  	s2 =	simm.s32 @!p2 $0x2;
	[sflag:s14] =	ssyncadd.s32 $0xFFFFC800  }
0xbd: {  	_ =	swait.ge @!p2 [sflag:s2], $0x400  }
0xbe: {  	s26 =	sadd.s32 $0xA, s26;
	s18 =	simm.s32 @!p2 $0x5000;
	[sflag:s2] =	ssyncset.done @!p2 $0x0  }
0xbf: {  	p0 =	sge.u32 s26, s6;
	[sflag:s2] =	ssyncadd.s32 @!p2 $0xFFFFFC00;
	s2 =	simm.s32 @!p2 $0x70  }
0xc0: {  	[tilespmem:s18], [sflag:$0x8] =	stream.indirect.gather @!p2 [hbm4b:s4+s2], $0x80, s17, s2, $0xb8;
	[tilespmem:$0x1FC00] =	vst v63  }
0xc1: {  	s29 =	rddreg [dreg:$0x6];
	s17 =	simm.s32 @!p0 $0x0;
	s18 =	simm.s32 @!p0 $0x1000  }
0xc2: {  	[tilespmem:s18], [sflag:$0x5] =	stream.linear.gather @!p0 [hbm4b:s7+s17], $0x400, $0x38;
	[tilespmem:$0x1FC00] =	vst v63  }
0xc3: {  	p0 =	sne.s32 s29, s20  }
.Ltmp1:
0xc4: {  	_ = 	snop;
	(pc) =	sbr.rel @p0 .LBB2_4-.Ltmp1, $4  }
0xc5: {  	_ = 	snop  }
0xc6: {  	s25 =	sadd.s32 $0x300, s25  }
0xc7: {  	s24 =	sadd.s32 $0x1800, s24;
	s23 =	sadd.s32 $0x300, s23;
	s22 =	sadd.s32 $0x300, s22  }
0xc8: {  	s21 =	sadd.s32 $0x300, s21;
	s26 =	smov.u32 s20;
	s7 =	sadd.s32 $0x300, s7  }
0xc9: {  	_ =	swait.ge [sflag:s15], $0x3800  }
0xca: {  	[sflag:s15] =	ssyncset.done $0x0  }
0xcb: {  	s2 =	stileid.u32;
	[sflag:s15] =	ssyncadd.s32 $0xFFFFC800  }
0xcc: {  	s2 =	sshll.u32 s2, $0x6;
	[bflag:$0x0] =	sbarrier.arrive $0xFFFF  }
0xcd: {  	s7 =	sshrl.u32 s12, $0x3;
	s2 =	sor.u32 $0x1C0D, s2;
	s17 =	rddreg [dreg:$0x17]  }
0xce: {  	[hbm:s17], [sflag:s2] =	dma.local [spmem:s7], $0x2780  }
0xcf: {  	_ =	swait.ge [sflag:s0], $0x2780  }
0xd0: {  	s16 =	sadd.s32 $0x1, s16;
	s29 =	rddreg [dreg:$0x18]  }
0xd1: {  	p0 =	sne.s32 s16, s29  }
.Ltmp2:
0xd2: {  	_ = 	snop;
	(pc) =	sbr.rel @p0 .LBB2_1-.Ltmp2, $3  }
0xd3: {  	_ =	sdelay $0x1  }
0xd4: {  	[sflag:s0] =	ssyncset.done $0x0  }
0xd5: {  	s17 =	simm.s32 $0x400;
	[sflag:s0] =	ssyncadd.s32 $0xFFFFD880  }
0xd6: {  	_ =	sfence.sel $0x180000  }
0xd7: {  	[bflag:$0x0] =	sbarrier.arrive $0xFFFF  }
0xd8: {  	_ =	strace $0x9000004D  }
0xd9: {  	s0 =	stileid.u32;
	[bflag:$0x2] =	sbarrier.arrive $0xFFFF  }
0xda: {  	p0 =	sne.s32 s0, $0x0;
	s0 =	rddreg [dreg:$0x2]  }
0xdb: {  	s0 =	sadd.s32 @!p0 $0x100000, s0  }
0xdc: {  	[sflag:s0] =	ssyncadd.tile.s32 @!p0 $0x1;
	_ =	shalt  }
.Lfunc_end2:
_tile_overlayer_lowered:
.L_overlay_start_2:
0xdd: {  	(tag) =	ssettag $0x2  }
0xde: {  	s0 =	rddreg [dreg:$0x0];
	s2 =	stileid.u32  }
0xdf: {  	s1 =	rddreg [dreg:$0x1];
	p0 =	sne.s32 s2, $0x0  }
0xe0: {  	s3 =	rddreg [dreg:$0x2];
	[bflag:$0x3] =	sbarrier.arrive $0xFFFF;
	s2 =	simm.s32 @!p0 $0x1C0D  }
0xe1: {  	[timem:s3], [sflag:s2] =	dma.local @!p0 [hbm:s0], s1  }
0xe2: {  	s0 =	simm.s32 @!p0 $0xD  }
0xe3: {  	_ =	swait.ge @!p0 [sflag:s0], s1  }
0xe4: {  	s1 =	ssub.s32 @!p0 $0x0, s1;
	[sflag:s0] =	ssyncset.done @!p0 $0x0  }
0xe5: {  	[sflag:s0] =	ssyncadd.s32 @!p0 s1  }
0xe6: {  	[bflag:$0x3] =	sbarrier.arrive $0xFFFF  }
0xe7: {  	_ =	shalt  }

// kernel: kernel.8.cloned.1.call-start
scs
__scs_entry_jumppad:
0x0: {  	(pc) =	sbr.rel $0x88, $3  }
0x1: {  	(tag) =	ssettag $0x0;
	lr =	simm.s32 $0x1  }
0x2: {  	[smem:$0x3F8A] =	sst lr;
	_ =	strace $0xD0000000  }
0x3: {  	_ = 	snop  }
0x4: {  	_ = 	snop  }
0x5: {  	_ = 	snop  }
0x6: {  	_ = 	snop  }
0x7: {  	_ = 	snop  }
__scs_overlays_trampoline_lowered:
0x8: {  	[smem:$0x3F99] =	sst s0  }
0x9: {  	[smem:$0x3F9A] =	sst s1  }
0xa: {  	[smem:$0x3F9B] =	sst s2  }
0xb: {  	[smem:$0x3F9C] =	sst s3  }
0xc: {  	[smem:$0x3F9D] =	sst s4  }
0xd: {  	[smem:$0x3F9E] =	sst s5  }
0xe: {  	[smem:$0x3F9F] =	sst s6  }
0xf: {  	[smem:$0x3FA0] =	sst s7  }
0x10: {  	[smem:$0x3FA1] =	sst s8  }
0x11: {  	[smem:$0x3FA2] =	sst s9;
	s0 =	simm.s32 @!p0 $0x0  }
0x12: {  	s1 =	sld [smem:$0x3F88];
	s0 =	simm.s32 @p0 $0x1  }
0x13: {  	[smem:$0x3FA3] =	sst s0;
	s0 =	simm.s32 @!p1 $0x0  }
0x14: {  	s2 =	sld [smem:$0x3F87];
	s0 =	simm.s32 @p1 $0x1  }
0x15: {  	[smem:$0x3FA4] =	sst s0;
	s0 =	simm.s32 @!p2 $0x0  }
0x16: {  	s3 =	sld [smem:$0x3FDB];
	s0 =	simm.s32 @p2 $0x1  }
0x17: {  	s4 =	simm.s32 $0x1BF5;
	[smem:$0x3FA6] =	sst s0  }
0x18: {  	s0 =	sld [smem:$0x3F89];
	_ =	swait.ge [sflag:s4], $0x0  }
0x19: {  	s7 =	sld [smem:$0x3F8A]  }
0x1a: {  	s8 =	sadd.s32 $0xFFFFE003, lr  }
0x1b: {  	s9 =	sadd.s32 $0xFFFFFEF7, lr;
	s5 =	simm.s32 $0xFFFFFFFF;
	p2 =	slt.u32 s8, $0xFFFFF086  }
0x1c: {  	p1 =	slt.u32 s9, $0xF7A;
	s5 =	simm.s32 @!p2 $0x0  }
0x1d: {  	s5 =	simm.s32 @p1 $0x1;
	p0 =	seq.s32 s7, s2  }
0x1e: {  	s7 =	smul.u32 @!p0 $0xF7A, s2;
	p2 =	seq.s32 @!p0 s5, $0x0  }
0x1f: {  	s9 =	smul.u32 $0xF7A, s1;
	s8 =	simm.s32 @!p0 $0x1BF5;
	p2 =	por !p2, p0  }
0x20: {  	[sflag:s8] =	ssyncset.s32 @!p0 $0xFFFFF086;
	s6 =	sadd.s32 @!p0 s3, s7;
	s7 =	simm.s32 @!p0 $0x108  }
0x21: {  	s3 =	sadd.s32 s3, s9;
	s6 =	sadd.s32 @!p0 $0x88, s6;
	s7 =	simm.s32 @p2 $0x1082  }
0x22: {  	[simem:s7], [sflag:s8] =	dma.local @!p0 [hbm:s6], $0xF7A  }
0x23: {  	s9 =	sor.u32 $0xD0000000, s2;
	s6 =	simm.s32 $0x108;
	_ =	swait.ge @!p0 [sflag:s8], $0x0  }
0x24: {  	s3 =	sadd.s32 $0x88, s3;
	s6 =	simm.s32 @!p1 $0x1082;
	[sflag:s4] =	ssyncset.s32 $0xFFFFF086  }
0x25: {  	[simem:s6], [sflag:s4] =	dma.local [hbm:s3], $0xF7A  }
0x26: {  	[smem:$0x3F8A] =	sst s1;
	(tag) =	ssettag s2;
	_ =	strace s9  }
0x27: {  	s1 =	sld [smem:$0x3F9A]  }
0x28: {  	s2 =	sld [smem:$0x3F9B]  }
0x29: {  	s4 =	sld [smem:$0x3F9D]  }
0x2a: {  	p0 =	seq.s32 s5, $0x0;
	s5 =	sld [smem:$0x3F9E]  }
0x2b: {  	s6 =	sld [smem:$0x3F9F]  }
0x2c: {  	s7 =	sld [smem:$0x3FA0]  }
0x2d: {  	s3 =	simm.s32 $0x108;
	s8 =	sld [smem:$0x3FA1]  }
0x2e: {  	s3 =	simm.s32 @!p0 $0x1082;
	s9 =	sld [smem:$0x3FA2]  }
0x2f: {  	lr =	sadd.s32 s0, s3;
	s0 =	sld [smem:$0x3F99]  }
0x30: {  	s3 =	sld [smem:$0x3F9C]  }
0x31: {  	[smem:$0x3FA5] =	sst s10  }
0x32: {  	s10 =	sld [smem:$0x3FA3];
	_ =	sdelay $0x3  }
0x33: {  	p0 =	seq.s32 s10, $0x1;
	s10 =	sld [smem:$0x3FA5];
	_ =	sdelay $0x3  }
0x34: {  	[smem:$0x3FA5] =	sst s10  }
0x35: {  	s10 =	sld [smem:$0x3FA4];
	_ =	sdelay $0x3  }
0x36: {  	p1 =	seq.s32 s10, $0x1;
	s10 =	sld [smem:$0x3FA5];
	_ =	sdelay $0x3  }
0x37: {  	[smem:$0x3FA5] =	sst s10  }
0x38: {  	s10 =	sld [smem:$0x3FA6]  }
0x39: {  	_ = 	snop;
	(pc) =	sbr.ind lr, $3  }
0x3a: {  	_ = 	snop  }
0x3b: {  	_ = 	snop  }
0x3c: {  	p2 =	seq.s32 s10, $0x1;
	s10 =	sld [smem:$0x3FA5]  }
0x3d: {  	_ =	shalt  }
0x3e: {  	_ =	shalt  }
0x3f: {  	_ =	shalt  }
0x40: {  	_ =	shalt  }
0x41: {  	_ =	shalt  }
0x42: {  	_ =	shalt  }
0x43: {  	_ =	shalt  }
0x44: {  	_ =	shalt  }
0x45: {  	_ =	shalt  }
0x46: {  	_ =	shalt  }
0x47: {  	_ =	shalt  }
0x48: {  	_ =	shalt  }
0x49: {  	_ =	shalt  }
0x4a: {  	_ =	shalt  }
0x4b: {  	_ =	shalt  }
0x4c: {  	_ =	shalt  }
0x4d: {  	_ =	shalt  }
0x4e: {  	_ =	shalt  }
0x4f: {  	_ =	shalt  }
0x50: {  	_ =	shalt  }
0x51: {  	_ =	shalt  }
0x52: {  	_ =	shalt  }
0x53: {  	_ =	shalt  }
0x54: {  	_ =	shalt  }
0x55: {  	_ =	shalt  }
0x56: {  	_ =	shalt  }
0x57: {  	_ =	shalt  }
0x58: {  	_ =	shalt  }
0x59: {  	_ =	shalt  }
0x5a: {  	_ =	shalt  }
0x5b: {  	_ =	shalt  }
0x5c: {  	_ =	shalt  }
0x5d: {  	_ =	shalt  }
0x5e: {  	_ =	shalt  }
0x5f: {  	_ =	shalt  }
0x60: {  	_ =	shalt  }
0x61: {  	_ =	shalt  }
0x62: {  	_ =	shalt  }
0x63: {  	_ =	shalt  }
0x64: {  	_ =	shalt  }
0x65: {  	_ =	shalt  }
0x66: {  	_ =	shalt  }
0x67: {  	_ =	shalt  }
0x68: {  	_ =	shalt  }
0x69: {  	_ =	shalt  }
0x6a: {  	_ =	shalt  }
0x6b: {  	_ =	shalt  }
0x6c: {  	_ =	shalt  }
0x6d: {  	_ =	shalt  }
0x6e: {  	_ =	shalt  }
0x6f: {  	_ =	shalt  }
0x70: {  	_ =	shalt  }
0x71: {  	_ =	shalt  }
0x72: {  	_ =	shalt  }
0x73: {  	_ =	shalt  }
0x74: {  	_ =	shalt  }
0x75: {  	_ =	shalt  }
0x76: {  	_ =	shalt  }
0x77: {  	_ =	shalt  }
0x78: {  	_ =	shalt  }
0x79: {  	_ =	shalt  }
0x7a: {  	_ =	shalt  }
0x7b: {  	_ =	shalt  }
0x7c: {  	_ =	shalt  }
0x7d: {  	_ =	shalt  }
0x7e: {  	_ =	shalt  }
0x7f: {  	_ =	shalt  }
0x80: {  	_ =	shalt  }
0x81: {  	_ =	shalt  }
0x82: {  	_ =	shalt  }
0x83: {  	_ =	shalt  }
0x84: {  	_ =	shalt  }
0x85: {  	_ =	shalt  }
0x86: {  	_ =	shalt  }
0x87: {  	_ =	shalt  }
.Lfunc_end0:
.L_simem_size_0:
called_computation_lowered:
.L_overlay_start_0:
0x88: {  	s2 =	sld [smem:$0x3FD9]  }
0x89: {  	s3 =	sld [smem:$0x3FFE];
	_ =	sdelay $0x1  }
0x8a: {  	s1 =	srdreg.scid  }
0x8b: {  	s0 =	sand.u32 $0x1, s1  }
0x8c: {  	s16 =	sshll.u32 s0, $0xA;
	s2 =	sadd.s32 s3, s2  }
0x8d: {  	s2 =	sadd.s32 s2, s16  }
0x8e: {  	[smem:$0x3FB1] =	sst s2  }
0x8f: {  	_ = 	snop  }
0x90: {  	(tm) =	ssettm $0x1  }
0x91: {  	s17 =	sld [smem:$0x3FFB];
	_ =	sdelay $0x3  }
0x92: {  	_ =	strace s17  }
0x93: {  	s2 =	sld [smem:$0x3FFC];
	_ =	sdelay $0x3  }
0x94: {  	_ =	strace s2  }
0x95: {  	s2 =	sld [smem:$0x3FFD];
	_ =	sdelay $0x3  }
0x96: {  	_ =	strace s2  }
0x97: {  	_ =	strace $0x8FFFFFFF  }
0x98: {  	s18 =	sld [smem:$0x3FDB];
	_ =	sdelay $0x1  }
0x99: {  	s19 =	simm.s32 $_scs_section_size  }
0x9a: {  	s4 =	simm.s32 $_size__tile_overlayer_lowered;
	s5 =	simm.s32 $_tile_overlayer_lowered  }
0x9b: {  	s22 =	simm.s32 $0x1BFF;
	s21 =	sshll.u32 s5, $0x1;
	s2 =	sadd.s32 s19, s18  }
0x9c: {  	s6 =	simm.s32 $0x0;
	s20 =	sshll.u32 s4, $0x1;
	s4 =	sadd.s32 s21, s2  }
0x9d: {  	[timem:s6], [sflag:s22] =	dma.local [hbm:s4], s20  }
0x9e: {  	_ =	swait.ge [sflag:s22], s20  }
0x9f: {  	s3 =	ssub.s32 $0x0, s20;
	[sflag:s22] =	ssyncset.done $0x0  }
0xa0: {  	[sflag:s22] =	ssyncadd.s32 s3;
	_ =	sdelay $0x1  }
0xa1: {  	s23 =	simm.s32 $0x1B8B  }
0xa2: {  	_ =	swait.ge [sflag:s23], $0x1  }
0xa3: {  	[sflag:s23] =	ssyncset.done $0x0  }
0xa4: {  	s25 =	simm.s32 $0x1B8E;
	s24 =	sld [smem:$0x3FFE];
	[sflag:s23] =	ssyncadd.s32 $0xFFFFFFFF  }
0xa5: {  	s26 =	simm.s32 $execute0_lowered;
	[smem:$0x3FD2] =	sst s25  }
0xa6: {  	s4 =	sshll.u32 s26, $0x1;
	_ =	strace $0x80000046;
	[dreg:$0x1] =	wrdreg $0xFFFFFFFF  }
0xa7: {  	s28 =	simm.s32 $_size_execute0_lowered;
	s2 =	sadd.s32 s2, s4;
	[dreg:$0x0] =	wrdreg $0x0  }
0xa8: {  	s4 =	sshll.u32 s28, $0x1;
	[dreg:$0x2] =	wrdreg s2  }
0xa9: {  	[dreg:$0x3] =	wrdreg s4  }
0xaa: {  	[dreg:$0x4] =	wrdreg $0xC0  }
0xab: {  	_ =	task [dreg:s6], $0x5FFFF  }
0xac: {  	[dreg:$0x1] =	wrdreg $0xFFFFFFFF  }
0xad: {  	[dreg:$0x0] =	wrdreg $0x60  }
0xae: {  	[dreg:$0x2] =	wrdreg s24  }
0xaf: {  	[dreg:$0x3] =	wrdreg $0xC0000  }
0xb0: {  	[dreg:$0x4] =	wrdreg $0x9  }
0xb1: {  	_ =	task.clear_ibuf [dreg:s6], $0x5FFFF;
	_ =	strace $0x90000046  }
0xb2: {  	s29 =	simm.s32 $0x9;
	_ =	strace $0x80000048  }
0xb3: {  	_ =	swait.ge [sflag:s29], $0x1  }
0xb4: {  	[sflag:s29] =	ssyncadd.s32 $0xFFFFFFFF  }
0xb5: {  	_ =	strace $0x90000048  }
0xb6: {  	_ =	sfence  }
0xb7: {  	s30 =	sld [smem:$0x0];
	_ =	sdelay $0x2  }
0xb8: {  	s31 =	sshll.u32 s1, $0xD;
	s1 =	sshrl.u32 s1, $0x2  }
0xb9: {  	s3 =	sand.u32 $0x4000, s31;
	s1 =	sadd.s32 s1, s30  }
0xba: {  	s0 =	sor.u32 s3, s0;
	s1 =	sshll.u32 s1, $0x11  }
0xbb: {  	s0 =	sor.u32 s1, s0  }
0xbc: {  	s0 =	sadd.s32 $0x8F2B, s0  }
0xbd: {  	[sflag:s0] =	ssyncadd.remote.s32 $0x1  }
0xbe: {  	_ =	sfence.sel $0xFFFF  }
0xbf: {  	[dreg:$0x0] =	wrdreg $0xFFFFFFFF;
	(pc) =	sbr.abs _section_cstart, $3  }
0xc0: {  	[dreg:$0x1] =	wrdreg $0xFFFFFFFF  }
0xc1: {  	_ =	task.clear_ibuf [dreg:s6], $0x2FFFF;
	_ =	strace $0x9FFFFFFF  }
0xc2: {  	(tm) =	ssettm $0x7FFFFFFF  }
0xc3: {  	_ =	shalt  }
tec
execute0_lowered:
.L_overlay_start_1:
0x0: {  	(tag) =	ssettag $0x1  }
0x1: {  	s0 =	rddreg [dreg:$0x0]  }
0x2: {  	s1 =	rddreg [dreg:$0x1]  }
0x3: {  	s2 =	srdreg.scid;
	s11 =	stileid.u32  }
0x4: {  	s3 =	simm.s32 $0x0;
	s31 =	simm.s32 $0x1800;
	s7 =	smul.u32 $0x13C00, s11  }
0x5: {  	s28 =	simm.s32 $0x70;
	s30 =	simm.s32 $0x5000;
	s10 =	smul.u32 $0x4F000, s11  }
0x6: {  	s2 =	sand.u32 $0x1, s2;
	[smem:$0x7FF] =	sst s3;
	s26 =	smul.u32 $0x2B800, s11  }
0x7: {  	s4 =	sadd.s32 $0x4000, s0;
	s5 =	sadd.s32 $0x2C000, s0;
	s6 =	smul.u32 $0x140000, s2  }
0x8: {  	_ =	strace $0x80000047;
	s8 =	sshll.u32 s2, $0x4;
	s15 =	ssub.s32 $0x2, s2  }
0x9: {  	p0 =	seq.s32 s2, $0x0;
	s2 =	smul.u32 $0x2B8000, s2;
	s18 =	sshrl.u32 s10, $0x2  }
0xa: {  	s14 =	sor.u32 s11, s8;
	s12 =	sadd.s32 s18, s1;
	s18 =	simm.s32 $0x480  }
0xb: {  	s9 =	sshrl.u32 s15, $0x1;
	s20 =	sadd.s32 $0x7000, s12;
	[dreg:$0x8] =	wrdreg s18  }
0xc: {  	s6 =	sadd.s32 s7, s6;
	s22 =	sadd.s32 $0xA800, s12;
	[dreg:$0x13] =	wrdreg s20  }
0xd: {  	s7 =	smul.u32 $0x2B800, s14;
	s23 =	sadd.s32 $0xE000, s12;
	[dreg:$0x14] =	wrdreg s22  }
0xe: {  	s8 =	ssub.s32 s15, s9;
	s24 =	sadd.s32 $0x11800, s12;
	[dreg:$0x15] =	wrdreg s23  }
0xf: {  	s11 =	sadd.s32 s26, s2;
	s8 =	smax.u32 s8, $0x1;
	[dreg:$0x16] =	wrdreg s24  }
0x10: {  	s6 =	sshrl.u32 s6, $0x3;
	[dreg:$0x18] =	wrdreg s8;
	s20 =	simm.s32 $0xC80  }
0x11: {  	s14 =	sadd.s32 $0x2800, s11;
	s22 =	simm.s32 $0x1080;
	[dreg:$0xa] =	wrdreg s20  }
0x12: {  	s7 =	sshrl.u32 s7, $0x3;
	s23 =	simm.s32 $0x1480;
	[dreg:$0xb] =	wrdreg s22  }
0x13: {  	s0 =	sadd.s32 s6, s0;
	s16 =	sadd.s32 s5, s7;
	[dreg:$0xc] =	wrdreg s23  }
0x14: {  	s15 =	sshrl.u32 s14, $0x3;
	s0 =	sadd.s32 $0xDA000, s0;
	[dreg:$0xd] =	wrdreg s16  }
0x15: {  	s10 =	simm.s32 $0xA;
	s2 =	sadd.s32 s15, s5;
	[dreg:$0x17] =	wrdreg s0  }
0x16: {  	s6 =	simm.s32 $0xAE;
	s7 =	sadd.s32 $0x80, s16;
	[dreg:$0x19] =	wrdreg s2  }
0x17: {  	s24 =	sadd.s32 $0x1C00, s11;
	s17 =	sadd.s32 $0x100, s16;
	[dreg:$0xe] =	wrdreg s7  }
0x18: {  	s8 =	simm.s32 $0x7;
	s19 =	sadd.s32 $0x180, s16;
	[dreg:$0xf] =	wrdreg s17  }
0x19: {  	s6 =	simm.s32 @!p0 $0x6;
	s9 =	sadd.s32 $0x200, s16;
	[dreg:$0x10] =	wrdreg s19  }
0x1a: {  	s14 =	simm.s32 $0xB;
	s25 =	sadd.s32 $0xFFFFFFFE, s6;
	[dreg:$0x11] =	wrdreg s9  }
0x1b: {  	s26 =	sshrl.u32 s24, $0x3;
	s29 =	sadd.s32 $0xFFFFFFFD, s6;
	[dreg:$0x3] =	wrdreg s25  }
0x1c: {  	s15 =	simm.s32 $0xC;
	s13 =	sadd.s32 $0xFFFFFFFC, s6;
	[dreg:$0x4] =	wrdreg s29  }
0x1d: {  	s21 =	smul.u32 $0xAB, s6;
	s16 =	simm.s32 $0x80;
	[dreg:$0x5] =	wrdreg s13  }
0x1e: {  	s0 =	sadd.s32 $0x1800, s11;
	s7 =	sadd.s32 $0x3800, s12;
	[dreg:$0x7] =	wrdreg s16  }
0x1f: {  	s17 =	sadd.s32 $0x2400, s11;
	[dreg:$0x12] =	wrdreg s7;
	s7 =	sshrl.u32 s21, $0xA  }
0x20: {  	s19 =	simm.s32 $0x880;
	[dreg:$0x1d] =	wrdreg s0;
	s7 =	smul.u32 $0x6, s7  }
0x21: {  	s25 =	sadd.s32 $0x1400, s11;
	s0 =	simm.s32 $0xD;
	[dreg:$0x9] =	wrdreg s19  }
0x22: {  	s9 =	simm.s32 $0x8;
	[dreg:$0x6] =	wrdreg s7;
	s7 =	sshrl.u32 s17, $0x3  }
0x23: {  	s21 =	sadd.s32 $0x2000, s11;
	s2 =	sshrl.u32 s25, $0x3;
	s7 =	sadd.s32 s7, s5  }
0x24: {  	s29 =	sadd.s32 s2, s5;
	[dreg:$0x1a] =	wrdreg s7;
	s7 =	sshrl.u32 s21, $0x3  }
0x25: {  	s13 =	simm.s32 $0x8800;
	[dreg:$0x1e] =	wrdreg s29;
	s7 =	sadd.s32 s7, s5  }
0x26: {  	s16 =	simm.s32 $0x0;
	[dreg:$0x1b] =	wrdreg s7;
	s7 =	sadd.s32 s26, s5  }
0x27: {  	v0 =	vimm.f32 $0.0e+00;
	s11 =	simm.s32 $0x9;
	s17 =	simm.s32 $0x400;
	[dreg:$0x1c] =	wrdreg s7  }
.LBB2_1:
0x28: {  	s2 =	rddreg [dreg:$0xd]  }
0x29: {  	s22 =	rddreg [dreg:$0xe]  }
0x2a: {  	[tilespmem:s3], [sflag:$0x1] =	stream.linear.gather [hbm4b:s2+s3], $0x400, $0x38;
	[tilespmem:$0x1FC00] =	vst v63  }
0x2b: {  	s23 =	rddreg [dreg:$0xf]  }
0x2c: {  	[tilespmem:s17], [sflag:$0x2] =	stream.linear.gather [hbm4b:s22+s3], $0x400, $0x38;
	[tilespmem:$0x1FC00] =	vst v63  }
0x2d: {  	s7 =	simm.s32 $0x800;
	s24 =	rddreg [dreg:$0x10]  }
0x2e: {  	[tilespmem:s7], [sflag:$0x3] =	stream.linear.gather [hbm4b:s23+s3], $0x400, $0x38;
	[tilespmem:$0x1FC00] =	vst v63  }
0x2f: {  	s25 =	simm.s32 $0xC00;
	s26 =	rddreg [dreg:$0x11]  }
0x30: {  	[tilespmem:s25], [sflag:$0x4] =	stream.linear.gather [hbm4b:s24+s3], $0x400, $0x38;
	[tilespmem:$0x1FC00] =	vst v63  }
0x31: {  	s29 =	simm.s32 $0x1000;
	s19 =	simm.s32 $0x200;
	s7 =	simm.s32 $0x0  }
0x32: {  	[tilespmem:s29], [sflag:$0x5] =	stream.linear.gather [hbm4b:s26+s3], $0x400, $0x38;
	[tilespmem:$0x1FC00] =	vst v63  }
.LBB2_2:
0x33: {  	p0 =	sne.s32 s19, $0xDE00;
	[tilespmem:s7+$0x1870] =	vst v0  }
0x34: {  	[tilespmem:s7+$0x1800] =	vst v0  }
0x35: {  	[tilespmem:s7+$0x1810] =	vst v0  }
.Ltmp0:
0x36: {  	[tilespmem:s7+$0x1820] =	vst v0;
	(pc) =	sbr.rel @p0 .LBB2_2-.Ltmp0, $4  }
0x37: {  	[tilespmem:s7+$0x1830] =	vst v0  }
0x38: {  	[tilespmem:s7+$0x1840] =	vst v0  }
0x39: {  	[tilespmem:s7+$0x1850] =	vst v0  }
0x3a: {  	[tilespmem:s7+$0x1860] =	vst v0;
	s7 =	sshra.s32 s19, $0x2;
	s19 =	sadd.s32 $0x200, s19  }
0x3b: {  	[tilespmem:s7+$0x1870] =	vst v0  }
0x3c: {  	[tilespmem:s7+$0x1800] =	vst v0  }
0x3d: {  	[tilespmem:s7+$0x1810] =	vst v0  }
0x3e: {  	[tilespmem:s7+$0x1820] =	vst v0  }
0x3f: {  	[tilespmem:s7+$0x1830] =	vst v0  }
0x40: {  	[tilespmem:s7+$0x1840] =	vst v0  }
0x41: {  	[tilespmem:s7+$0x1850] =	vst v0  }
0x42: {  	[tilespmem:s7+$0x1860] =	vst v0  }
0x43: {  	[spmem:s12] =	stream.linear.scatter [tilespmem:s31], [sflag:$0xD], $0x3800, $0x38;
	[tilespmem:$0x1FC00] =	vst v63  }
0x44: {  	_ =	swait.ge [sflag:s0], $0x3800  }
0x45: {  	[sflag:s0] =	ssyncset.done $0x0  }
0x46: {  	s2 =	rddreg [dreg:$0x12];
	[sflag:s0] =	ssyncadd.s32 $0xFFFFC800  }
0x47: {  	[spmem:s2] =	stream.linear.scatter [tilespmem:s31], [sflag:$0xD], $0x3800, $0x38;
	[tilespmem:$0x1FC00] =	vst v63  }
0x48: {  	_ =	swait.ge [sflag:s0], $0x3800  }
0x49: {  	[sflag:s0] =	ssyncset.done $0x0  }
0x4a: {  	s22 =	rddreg [dreg:$0x13];
	[sflag:s0] =	ssyncadd.s32 $0xFFFFC800  }
0x4b: {  	[spmem:s22] =	stream.linear.scatter [tilespmem:s31], [sflag:$0xD], $0x3800, $0x38;
	[tilespmem:$0x1FC00] =	vst v63  }
0x4c: {  	_ =	swait.ge [sflag:s0], $0x3800  }
0x4d: {  	[sflag:s0] =	ssyncset.done $0x0  }
0x4e: {  	s23 =	rddreg [dreg:$0x14];
	[sflag:s0] =	ssyncadd.s32 $0xFFFFC800  }
0x4f: {  	[spmem:s23] =	stream.linear.scatter [tilespmem:s31], [sflag:$0xD], $0x3800, $0x38;
	[tilespmem:$0x1FC00] =	vst v63  }
0x50: {  	_ =	swait.ge [sflag:s0], $0x3800  }
0x51: {  	[sflag:s0] =	ssyncset.done $0x0  }
0x52: {  	s24 =	rddreg [dreg:$0x15];
	[sflag:s0] =	ssyncadd.s32 $0xFFFFC800  }
0x53: {  	[spmem:s24] =	stream.linear.scatter [tilespmem:s31], [sflag:$0xD], $0x3800, $0x38;
	[tilespmem:$0x1FC00] =	vst v63  }
0x54: {  	_ =	swait.ge [sflag:s0], $0x3800  }
0x55: {  	[sflag:s0] =	ssyncset.done $0x0  }
0x56: {  	s25 =	rddreg [dreg:$0x16];
	[sflag:s0] =	ssyncadd.s32 $0xFFFFC800  }
0x57: {  	[spmem:s25] =	stream.linear.scatter [tilespmem:s31], [sflag:$0xD], $0x2400, $0x38;
	[tilespmem:$0x1FC00] =	vst v63  }
0x58: {  	_ =	swait.ge [sflag:s0], $0x2400  }
0x59: {  	[sflag:s0] =	ssyncset.done $0x0  }
0x5a: {  	[sflag:s0] =	ssyncadd.s32 $0xFFFFDC00  }
0x5b: {  	s26 =	simm.s32 $0x1;
	[bflag:$0x0] =	sbarrier.arrive $0xFFFF  }
0x5c: {  	_ =	swait.ge [sflag:s26], $0x400  }
0x5d: {  	[sflag:s26] =	ssyncset.done $0x0  }
0x5e: {  	s29 =	simm.s32 $0x2;
	[sflag:s26] =	ssyncadd.s32 $0xFFFFFC00;
	s26 =	simm.s32 $0x0  }
0x5f: {  	[tilespmem:s31], [sflag:$0x7] =	stream.indirect.gather [hbm4b:s4+s28], $0x80, s26, s28, $0xb8;
	[tilespmem:$0x1FC00] =	vst v63  }
0x60: {  	_ =	swait.ge [sflag:s29], $0x400  }
0x61: {  	s25 =	rddreg [dreg:$0x1e]  }
0x62: {  	s24 =	rddreg [dreg:$0x1d]  }
0x63: {  	s23 =	rddreg [dreg:$0x1c]  }
0x64: {  	s22 =	rddreg [dreg:$0x1b]  }
0x65: {  	[sflag:s29] =	ssyncset.done $0x0;
	s21 =	rddreg [dreg:$0x1a]  }
0x66: {  	s7 =	rddreg [dreg:$0x19];
	[sflag:s29] =	ssyncadd.s32 $0xFFFFFC00  }
0x67: {  	[tilespmem:s30], [sflag:$0x8] =	stream.indirect.gather [hbm4b:s4+s28], $0x80, s17, s28, $0xb8;
	[tilespmem:$0x1FC00] =	vst v63  }
.LBB2_4:
0x68: {  	_ =	swait.ge [sflag:s8], $0x3800  }
0x69: {  	[sflag:s8] =	ssyncset.done $0x0  }
0x6a: {  	p0 =	seq.s32 s26, $0x0;
	s19 =	rddreg [dreg:$0x7];
	[sflag:s8] =	ssyncadd.s32 $0xFFFFC800  }
0x6b: {  	[spmem:s1] =	stream.indirect.scatter.add.f32 [tilespmem:s31], [sflag:$0xA], $0x80, s19, s28, $0xb8;
	[tilespmem:$0x1FC00] =	vst v63  }
0x6c: {  	s19 =	simm.s32 @!p0 $0xC  }
0x6d: {  	_ =	swait.ge @!p0 [sflag:s19], $0x3800  }
0x6e: {  	s20 =	rddreg [dreg:$0x3]  }
0x6f: {  	[sflag:s19] =	ssyncset.done @!p0 $0x0;
	p1 =	sge.u32 s26, s20  }
0x70: {  	[sflag:s19] =	ssyncadd.s32 @!p0 $0xFFFFC800;
	s19 =	simm.s32 @!p1 $0x3  }
0x71: {  	s2 =	sadd.s32 $0x5, s26;
	_ =	swait.ge @!p1 [sflag:s19], $0x400  }
0x72: {  	p0 =	sge.u32 s2, s6;
	s20 =	simm.s32 @!p1 $0x800;
	[sflag:s19] =	ssyncset.done @!p1 $0x0  }
0x73: {  	s18 =	simm.s32 @!p1 $0x8800;
	[sflag:s19] =	ssyncadd.s32 @!p1 $0xFFFFFC00;
	s19 =	simm.s32 @!p1 $0x70  }
0x74: {  	[tilespmem:s18], [sflag:$0x9] =	stream.indirect.gather @!p1 [hbm4b:s4+s19], $0x80, s20, s19, $0xb8;
	[tilespmem:$0x1FC00] =	vst v63  }
0x75: {  	s18 =	simm.s32 @!p0 $0x0;
	s19 =	simm.s32 @!p0 $0x1400  }
0x76: {  	[tilespmem:s19], [sflag:$0x6] =	stream.linear.gather @!p0 [hbm4b:s25+s18], $0x400, $0x38;
	[tilespmem:$0x1FC00] =	vst v63  }
0x77: {  	_ =	swait.ge [sflag:s9], $0x3800  }
0x78: {  	[sflag:s9] =	ssyncset.done $0x0  }
0x79: {  	s17 =	rddreg [dreg:$0x8];
	[sflag:s9] =	ssyncadd.s32 $0xFFFFC800  }
0x7a: {  	[spmem:s1] =	stream.indirect.scatter.add.f32 [tilespmem:s30], [sflag:$0xB], $0x80, s17, s28, $0xb8;
	[tilespmem:$0x1FC00] =	vst v63  }
0x7b: {  	_ =	swait.ge [sflag:s10], $0x3800  }
0x7c: {  	s20 =	rddreg [dreg:$0x4]  }
0x7d: {  	[sflag:s10] =	ssyncset.done $0x0;
	p1 =	sge.u32 s26, s20  }
0x7e: {  	[sflag:s10] =	ssyncadd.s32 $0xFFFFC800;
	s18 =	simm.s32 @!p1 $0x4  }
0x7f: {  	_ =	swait.ge @!p1 [sflag:s18], $0x400  }
0x80: {  	s20 =	simm.s32 @!p1 $0xC00;
	[sflag:s18] =	ssyncset.done @!p1 $0x0  }
0x81: {  	s17 =	simm.s32 @!p1 $0x1800;
	[sflag:s18] =	ssyncadd.s32 @!p1 $0xFFFFFC00;
	s18 =	simm.s32 @!p1 $0x70  }
0x82: {  	[tilespmem:s17], [sflag:$0x7] =	stream.indirect.gather @!p1 [hbm4b:s4+s18], $0x80, s20, s18, $0xb8;
	[tilespmem:$0x1FC00] =	vst v63  }
0x83: {  	s20 =	sadd.s32 $0x6, s26  }
0x84: {  	p1 =	sge.u32 s20, s6  }
0x85: {  	s17 =	sshrl.u32 @!p1 s24, $0x3  }
0x86: {  	s18 =	simm.s32 @!p1 $0x0;
	s17 =	sadd.s32 @!p1 s5, s17  }
0x87: {  	[tilespmem:s18], [sflag:$0x1] =	stream.linear.gather @!p1 [hbm4b:s17+s18], $0x400, $0x38;
	[tilespmem:$0x1FC00] =	vst v63  }
0x88: {  	_ =	swait.ge [sflag:s11], $0x3800  }
0x89: {  	[sflag:s11] =	ssyncset.done $0x0  }
0x8a: {  	s29 =	rddreg [dreg:$0x9];
	[sflag:s11] =	ssyncadd.s32 $0xFFFFC800  }
0x8b: {  	[spmem:s1] =	stream.indirect.scatter.add.f32 [tilespmem:s13], [sflag:$0xC], $0x80, s29, s28, $0xb8;
	[tilespmem:$0x1FC00] =	vst v63  }
0x8c: {  	_ =	swait.ge [sflag:s14], $0x3800  }
0x8d: {  	s2 =	rddreg [dreg:$0x5]  }
0x8e: {  	[sflag:s14] =	ssyncset.done $0x0;
	p2 =	sge.u32 s26, s2  }
0x8f: {  	[sflag:s14] =	ssyncadd.s32 $0xFFFFC800;
	s17 =	simm.s32 @!p2 $0x5  }
0x90: {  	_ =	swait.ge @!p2 [sflag:s17], $0x400  }
0x91: {  	s2 =	simm.s32 @!p2 $0x1000;
	[sflag:s17] =	ssyncset.done @!p2 $0x0  }
0x92: {  	s29 =	simm.s32 @!p2 $0x5000;
	[sflag:s17] =	ssyncadd.s32 @!p2 $0xFFFFFC00;
	s17 =	simm.s32 @!p2 $0x70  }
0x93: {  	[tilespmem:s29], [sflag:$0x8] =	stream.indirect.gather @!p2 [hbm4b:s4+s17], $0x80, s2, s17, $0xb8;
	[tilespmem:$0x1FC00] =	vst v63  }
0x94: {  	s17 =	sadd.s32 $0x7, s26  }
0x95: {  	p2 =	sge.u32 s17, s6  }
0x96: {  	s2 =	simm.s32 @!p2 $0x0;
	s17 =	simm.s32 @!p2 $0x400  }
0x97: {  	[tilespmem:s17], [sflag:$0x2] =	stream.linear.gather @!p2 [hbm4b:s23+s2], $0x400, $0x38;
	[tilespmem:$0x1FC00] =	vst v63  }
0x98: {  	_ =	swait.ge [sflag:s8], $0x3800  }
0x99: {  	[sflag:s8] =	ssyncset.done $0x0  }
0x9a: {  	s29 =	rddreg [dreg:$0xa];
	[sflag:s8] =	ssyncadd.s32 $0xFFFFC800  }
0x9b: {  	[spmem:s1] =	stream.indirect.scatter.add.f32 [tilespmem:s31], [sflag:$0xA], $0x80, s29, s28, $0xb8;
	[tilespmem:$0x1FC00] =	vst v63  }
0x9c: {  	_ =	swait.ge [sflag:s15], $0x3800  }
0x9d: {  	[sflag:s15] =	ssyncset.done $0x0  }
0x9e: {  	s2 =	simm.s32 @!p0 $0x6;
	[sflag:s15] =	ssyncadd.s32 $0xFFFFC800  }
0x9f: {  	_ =	swait.ge @!p0 [sflag:s2], $0x400  }
0xa0: {  	[sflag:s2] =	ssyncset.done @!p0 $0x0  }
0xa1: {  	s29 =	simm.s32 @!p0 $0x8800;
	[sflag:s2] =	ssyncadd.s32 @!p0 $0xFFFFFC00;
	s2 =	simm.s32 @!p0 $0x70  }
0xa2: {  	[tilespmem:s29], [sflag:$0x9] =	stream.indirect.gather @!p0 [hbm4b:s4+s2], $0x80, s19, s2, $0xb8;
	[tilespmem:$0x1FC00] =	vst v63  }
0xa3: {  	s19 =	sadd.s32 $0x8, s26  }
0xa4: {  	p0 =	sge.u32 s19, s6  }
0xa5: {  	s2 =	simm.s32 @!p0 $0x0;
	s19 =	simm.s32 @!p0 $0x800  }
0xa6: {  	[tilespmem:s19], [sflag:$0x3] =	stream.linear.gather @!p0 [hbm4b:s22+s2], $0x400, $0x38;
	[tilespmem:$0x1FC00] =	vst v63  }
0xa7: {  	_ =	swait.ge [sflag:s9], $0x3800  }
0xa8: {  	[sflag:s9] =	ssyncset.done $0x0  }
0xa9: {  	s29 =	rddreg [dreg:$0xb];
	[sflag:s9] =	ssyncadd.s32 $0xFFFFC800  }
0xaa: {  	[spmem:s1] =	stream.indirect.scatter.add.f32 [tilespmem:s30], [sflag:$0xB], $0x80, s29, s28, $0xb8;
	[tilespmem:$0x1FC00] =	vst v63  }
0xab: {  	_ =	swait.ge [sflag:s10], $0x3800  }
0xac: {  	[sflag:s10] =	ssyncset.done $0x0  }
0xad: {  	s2 =	simm.s32 @!p1 $0x1;
	[sflag:s10] =	ssyncadd.s32 $0xFFFFC800  }
0xae: {  	_ =	swait.ge @!p1 [sflag:s2], $0x400  }
0xaf: {  	[sflag:s2] =	ssyncset.done @!p1 $0x0  }
0xb0: {  	s19 =	simm.s32 @!p1 $0x1800;
	[sflag:s2] =	ssyncadd.s32 @!p1 $0xFFFFFC00;
	s2 =	simm.s32 @!p1 $0x70  }
0xb1: {  	[tilespmem:s19], [sflag:$0x7] =	stream.indirect.gather @!p1 [hbm4b:s4+s2], $0x80, s18, s2, $0xb8;
	[tilespmem:$0x1FC00] =	vst v63  }
0xb2: {  	s18 =	sadd.s32 $0x9, s26  }
0xb3: {  	p0 =	sge.u32 s18, s6  }
0xb4: {  	s2 =	simm.s32 @!p0 $0x0;
	s18 =	simm.s32 @!p0 $0xC00  }
0xb5: {  	[tilespmem:s18], [sflag:$0x4] =	stream.linear.gather @!p0 [hbm4b:s21+s2], $0x400, $0x38;
	[tilespmem:$0x1FC00] =	vst v63  }
0xb6: {  	_ =	swait.ge [sflag:s11], $0x3800  }
0xb7: {  	[sflag:s11] =	ssyncset.done $0x0  }
0xb8: {  	s19 =	rddreg [dreg:$0xc];
	[sflag:s11] =	ssyncadd.s32 $0xFFFFC800  }
0xb9: {  	[spmem:s1] =	stream.indirect.scatter.add.f32 [tilespmem:s13], [sflag:$0xC], $0x80, s19, s28, $0xb8;
	[tilespmem:$0x1FC00] =	vst v63  }
0xba: {  	_ =	swait.ge [sflag:s14], $0x3800  }
0xbb: {  	[sflag:s14] =	ssyncset.done $0x0  }
0xbc: {  	s2 =	simm.s32 @!p2 $0x2;
	[sflag:s14] =	ssyncadd.s32 $0xFFFFC800  }
0xbd: {  	_ =	swait.ge @!p2 [sflag:s2], $0x400  }
0xbe: {  	s26 =	sadd.s32 $0xA, s26;
	s18 =	simm.s32 @!p2 $0x5000;
	[sflag:s2] =	ssyncset.done @!p2 $0x0  }
0xbf: {  	p0 =	sge.u32 s26, s6;
	[sflag:s2] =	ssyncadd.s32 @!p2 $0xFFFFFC00;
	s2 =	simm.s32 @!p2 $0x70  }
0xc0: {  	[tilespmem:s18], [sflag:$0x8] =	stream.indirect.gather @!p2 [hbm4b:s4+s2], $0x80, s17, s2, $0xb8;
	[tilespmem:$0x1FC00] =	vst v63  }
0xc1: {  	s29 =	rddreg [dreg:$0x6];
	s17 =	simm.s32 @!p0 $0x0;
	s18 =	simm.s32 @!p0 $0x1000  }
0xc2: {  	[tilespmem:s18], [sflag:$0x5] =	stream.linear.gather @!p0 [hbm4b:s7+s17], $0x400, $0x38;
	[tilespmem:$0x1FC00] =	vst v63  }
0xc3: {  	p0 =	sne.s32 s29, s20  }
.Ltmp1:
0xc4: {  	_ = 	snop;
	(pc) =	sbr.rel @p0 .LBB2_4-.Ltmp1, $4  }
0xc5: {  	_ = 	snop  }
0xc6: {  	s25 =	sadd.s32 $0x300, s25  }
0xc7: {  	s24 =	sadd.s32 $0x1800, s24;
	s23 =	sadd.s32 $0x300, s23;
	s22 =	sadd.s32 $0x300, s22  }
0xc8: {  	s21 =	sadd.s32 $0x300, s21;
	s26 =	smov.u32 s20;
	s7 =	sadd.s32 $0x300, s7  }
0xc9: {  	_ =	swait.ge [sflag:s15], $0x3800  }
0xca: {  	[sflag:s15] =	ssyncset.done $0x0  }
0xcb: {  	s2 =	stileid.u32;
	[sflag:s15] =	ssyncadd.s32 $0xFFFFC800  }
0xcc: {  	s2 =	sshll.u32 s2, $0x6;
	[bflag:$0x0] =	sbarrier.arrive $0xFFFF  }
0xcd: {  	s7 =	sshrl.u32 s12, $0x3;
	s2 =	sor.u32 $0x1C0D, s2;
	s17 =	rddreg [dreg:$0x17]  }
0xce: {  	[hbm:s17], [sflag:s2] =	dma.local [spmem:s7], $0x2780  }
0xcf: {  	_ =	swait.ge [sflag:s0], $0x2780  }
0xd0: {  	s16 =	sadd.s32 $0x1, s16;
	s29 =	rddreg [dreg:$0x18]  }
0xd1: {  	p0 =	sne.s32 s16, s29  }
.Ltmp2:
0xd2: {  	_ = 	snop;
	(pc) =	sbr.rel @p0 .LBB2_1-.Ltmp2, $3  }
0xd3: {  	_ =	sdelay $0x1  }
0xd4: {  	[sflag:s0] =	ssyncset.done $0x0  }
0xd5: {  	s17 =	simm.s32 $0x400;
	[sflag:s0] =	ssyncadd.s32 $0xFFFFD880  }
0xd6: {  	_ =	sfence.sel $0x180000  }
0xd7: {  	[bflag:$0x0] =	sbarrier.arrive $0xFFFF  }
0xd8: {  	_ =	strace $0x90000047  }
0xd9: {  	s0 =	stileid.u32;
	[bflag:$0x2] =	sbarrier.arrive $0xFFFF  }
0xda: {  	p0 =	sne.s32 s0, $0x0;
	s0 =	rddreg [dreg:$0x2]  }
0xdb: {  	s0 =	sadd.s32 @!p0 $0x100000, s0  }
0xdc: {  	[sflag:s0] =	ssyncadd.tile.s32 @!p0 $0x1;
	_ =	shalt  }
.Lfunc_end2:
_tile_overlayer_lowered:
.L_overlay_start_2:
0xdd: {  	(tag) =	ssettag $0x2  }
0xde: {  	s0 =	rddreg [dreg:$0x0];
	s2 =	stileid.u32  }
0xdf: {  	s1 =	rddreg [dreg:$0x1];
	p0 =	sne.s32 s2, $0x0  }
0xe0: {  	s3 =	rddreg [dreg:$0x2];
	[bflag:$0x3] =	sbarrier.arrive $0xFFFF;
	s2 =	simm.s32 @!p0 $0x1C0D  }
0xe1: {  	[timem:s3], [sflag:s2] =	dma.local @!p0 [hbm:s0], s1  }
0xe2: {  	s0 =	simm.s32 @!p0 $0xD  }
0xe3: {  	_ =	swait.ge @!p0 [sflag:s0], s1  }
0xe4: {  	s1 =	ssub.s32 @!p0 $0x0, s1;
	[sflag:s0] =	ssyncset.done @!p0 $0x0  }
0xe5: {  	[sflag:s0] =	ssyncadd.s32 @!p0 s1  }
0xe6: {  	[bflag:$0x3] =	sbarrier.arrive $0xFFFF  }
0xe7: {  	_ =	shalt  }

</sc_bundles>
